<compile_context>
chip_gen: v7x
topology: tpu7x:2x2x1
jax: 0.10.2.dev20260603
libtpu: 0.0.44.dev20260713+nightly
codegen_flags: <defaults>
</compile_context>

<pallas_src>
import functools

import jax
import jax.numpy as jnp
from jax import lax
from jax.experimental import pallas as pl
from jax.experimental.pallas import tpu as pltpu
from jax.experimental.pallas import tpu_sc as plsc

_N = 10000
_E = 320000
_D_IN = 128
_D_HID = 256
_D_OUT = 128

_NSUB = 16
_EPT = _E // _NSUB
_CHUNK = 80
_NCHUNK = _EPT // _CHUNK
_CP = 80
_NRC = _N // _CP
_ITER = (_NRC + _NSUB - 1) // _NSUB
_CNTW = 8


def _sc_agg(half_d, with_cnt):
  mesh = plsc.VectorSubcoreMesh(core_axis_name="c", subcore_axis_name="s")
  out_type = [
      jax.ShapeDtypeStruct((_N, half_d), jnp.float32),
      jax.ShapeDtypeStruct((_N, half_d), jnp.float32),
  ]
  scratch = [
      pltpu.VMEM((_NCHUNK, _CHUNK), jnp.int32),
      pltpu.VMEM((_NCHUNK, _CHUNK), jnp.int32),
      pltpu.VMEM((_CHUNK, half_d), jnp.float32),
      pltpu.VMEM((_CHUNK, half_d), jnp.float32),
      pltpu.VMEM((_CHUNK, half_d), jnp.float32),
      pltpu.VMEM((_CHUNK, half_d), jnp.float32),
      pltpu.VMEM((_CP, half_d), jnp.float32),
      pltpu.SemaphoreType.DMA((4,)),
      pltpu.SemaphoreType.DMA((4,)),
      pltpu.SemaphoreType.DMA,
      pltpu.VMEM_SHARED((_N, half_d), jnp.float32),
  ]
  if with_cnt:
    out_type.append(jax.ShapeDtypeStruct((_N, _CNTW), jnp.float32))
    scratch += [
        pltpu.VMEM((_CHUNK, _CNTW), jnp.float32),
        pltpu.VMEM((_CP, _CNTW), jnp.float32),
        pltpu.VMEM_SHARED((_N, _CNTW), jnp.float32),
    ]

  @functools.partial(
      pl.kernel, mesh=mesh, out_type=out_type, scratch_types=scratch,
      compiler_params=pltpu.CompilerParams(use_tc_tiling_on_sc=False))
  def agg(*refs):
    if with_cnt:
      (x0_hbm, x1_hbm, src_hbm, dst_hbm, z_hbm, zc_hbm, ones_hbm,
       s0_hbm, s1_hbm, cnt_hbm,
       srcv, dstv, rb0, rb1, rb2, rb3, tmp, gsem, ssem, csem,
       acc_sh, onesv, ctmp, cnt_sh) = refs
    else:
      (x0_hbm, x1_hbm, src_hbm, dst_hbm, z_hbm,
       s0_hbm, s1_hbm,
       srcv, dstv, rb0, rb1, rb2, rb3, tmp, gsem, ssem, csem,
       acc_sh) = refs
    bufs = (rb0, rb1, rb2, rb3)
    cid = lax.axis_index("c")
    sid = lax.axis_index("s")

    pltpu.sync_copy(src_hbm.at[sid], srcv)
    pltpu.sync_copy(dst_hbm.at[sid], dstv)

    pltpu.sync_copy(z_hbm, tmp)

    def _zero(i, _):
      k = i * _NSUB + sid

      @pl.when(k < _NRC)
      def _():
        pltpu.sync_copy(tmp, acc_sh.at[pl.ds(k * _CP, _CP)])
      return 0

    lax.fori_loop(0, _ITER, _zero, 0)

    if with_cnt:
      @pl.when(cid == 0)
      def _():
        pltpu.sync_copy(zc_hbm, ctmp)

        def _zc(i, _):
          k = i * _NSUB + sid

          @pl.when(k < _NRC)
          def _():
            pltpu.sync_copy(ctmp, cnt_sh.at[pl.ds(k * _CP, _CP)])
          return 0

        lax.fori_loop(0, _ITER, _zc, 0)
        pltpu.sync_copy(ones_hbm, onesv)

    plsc.subcore_barrier()

    def _run(xref, count):
      def _gstart(k, j):
        pltpu.async_copy(xref.at[srcv.at[k]], bufs[j], gsem.at[j])

      def _gwait(k, j):
        pltpu.make_async_copy(xref.at[srcv.at[k]], bufs[j],
                              gsem.at[j]).wait()

      def _sstart(k, j):
        pltpu.async_copy(bufs[j], acc_sh.at[dstv.at[k]], ssem.at[j],
                         add=True)

      def _swait(k, j):
        pltpu.make_async_copy(bufs[j], acc_sh.at[dstv.at[k]],
                              ssem.at[j]).wait()

      def _cstart(k):
        pltpu.async_copy(onesv, cnt_sh.at[dstv.at[k]], csem, add=True)

      def _cwait(k):
        pltpu.make_async_copy(onesv, cnt_sh.at[dstv.at[k]], csem).wait()

      def _step(k, j, prefetch):
        _gwait(k, j)
        _sstart(k, j)
        if count:
          _cstart(k)

          @pl.when(k >= 2)
          def _():
            _cwait(k - 2)
        if prefetch:
          j2 = (j + 2) % 4

          @pl.when(k >= 2)
          def _():
            _swait(k - 2, j2)

          _gstart(k + 2, j2)

      _gstart(0, 0)
      _gstart(1, 1)

      nquad = (_NCHUNK - 2) // 4

      def _quad(q, _):
        for j in range(4):
          _step(4 * q + j, j, True)
        return 0

      lax.fori_loop(0, nquad, _quad, 0)
      for k in range(4 * nquad, _NCHUNK):
        _step(k, k % 4, k + 2 < _NCHUNK)
      for k in range(_NCHUNK - 4, _NCHUNK):
        _swait(k, k % 4)
      if count:
        _cwait(_NCHUNK - 2)
        _cwait(_NCHUNK - 1)

    @pl.when(cid == 0)
    def _():
      _run(x0_hbm, with_cnt)

    @pl.when(cid == 1)
    def _():
      _run(x1_hbm, False)

    plsc.subcore_barrier()

    def _out(i, _):
      k = i * _NSUB + sid

      @pl.when(k < _NRC)
      def _():
        r0 = k * _CP
        pltpu.sync_copy(acc_sh.at[pl.ds(r0, _CP)], tmp)

        @pl.when(cid == 0)
        def _():
          pltpu.sync_copy(tmp, s0_hbm.at[pl.ds(r0, _CP)])

        @pl.when(cid == 1)
        def _():
          pltpu.sync_copy(tmp, s1_hbm.at[pl.ds(r0, _CP)])

        if with_cnt:
          @pl.when(cid == 0)
          def _():
            pltpu.sync_copy(cnt_sh.at[pl.ds(r0, _CP)], ctmp)
            pltpu.sync_copy(ctmp, cnt_hbm.at[pl.ds(r0, _CP)])
      return 0

    lax.fori_loop(0, _ITER, _out, 0)

  return agg


_RB = 400


def _mm1_body(s0, s1, cnt, x, wl, b, wr, w2l, h, p0, p1):
  c = jnp.maximum(cnt[:, :1], 1.0)
  mean = jnp.concatenate([s0[:, :], s1[:, :]], axis=1) / c
  t = (jnp.dot(mean, wl[:, :], preferred_element_type=jnp.float32)
       + jnp.dot(x[:, :], wr[:, :], preferred_element_type=jnp.float32)
       + b[:, :])
  t = jnp.maximum(t, 0.0)
  h[:, :] = t
  p = jnp.dot(t, w2l[:, :], preferred_element_type=jnp.float32)
  p0[:, :] = p[:, : _D_OUT // 2]
  p1[:, :] = p[:, _D_OUT // 2:]


def _mm2_body(t0, t1, cnt, h, wr, b, out):
  c = jnp.maximum(cnt[:, :1], 1.0)
  out[:, :] = (jnp.concatenate([t0[:, :], t1[:, :]], axis=1) / c
               + jnp.dot(h[:, :], wr[:, :],
                         preferred_element_type=jnp.float32)
               + b[:, :])


def _row_spec(w):
  return pl.BlockSpec((_RB, w), lambda i: (i, 0))


def _full_spec(shape):
  return pl.BlockSpec(shape, lambda i: tuple(0 for _ in shape))


def kernel(x, edge_index, W1_l, b1_l, W1_r, W2_l, b2_l, W2_r):
  src = edge_index[0].reshape(_NSUB, _NCHUNK, _CHUNK)
  dst = edge_index[1].reshape(_NSUB, _NCHUNK, _CHUNK)
  x0 = x[:, : _D_IN // 2]
  x1 = x[:, _D_IN // 2:]
  z64 = jnp.zeros((_CP, _D_IN // 2), jnp.float32)
  zc = jnp.zeros((_CP, _CNTW), jnp.float32)
  ones = jnp.ones((_CHUNK, _CNTW), jnp.float32)

  s0, s1, cnt = _sc_agg(_D_IN // 2, True)(x0, x1, src, dst, z64, zc, ones)

  h, p0, p1 = pl.pallas_call(
      _mm1_body,
      grid=(_N // _RB,),
      in_specs=[
          _row_spec(_D_IN // 2), _row_spec(_D_IN // 2), _row_spec(_CNTW),
          _row_spec(_D_IN),
          _full_spec((_D_IN, _D_HID)), _full_spec((1, _D_HID)),
          _full_spec((_D_IN, _D_HID)), _full_spec((_D_HID, _D_OUT)),
      ],
      out_specs=[_row_spec(_D_HID),
                 _row_spec(_D_OUT // 2), _row_spec(_D_OUT // 2)],
      out_shape=[
          jax.ShapeDtypeStruct((_N, _D_HID), jnp.float32),
          jax.ShapeDtypeStruct((_N, _D_OUT // 2), jnp.float32),
          jax.ShapeDtypeStruct((_N, _D_OUT // 2), jnp.float32),
      ],
  )(s0, s1, cnt, x, W1_l, b1_l.reshape(1, -1), W1_r, W2_l)

  t0, t1 = _sc_agg(_D_OUT // 2, False)(p0, p1, src, dst, z64)

  out = pl.pallas_call(
      _mm2_body,
      grid=(_N // _RB,),
      in_specs=[
          _row_spec(_D_OUT // 2), _row_spec(_D_OUT // 2), _row_spec(_CNTW),
          _row_spec(_D_HID),
          _full_spec((_D_HID, _D_OUT)), _full_spec((1, _D_OUT)),
      ],
      out_specs=_row_spec(_D_OUT),
      out_shape=jax.ShapeDtypeStruct((_N, _D_OUT), jnp.float32),
  )(t0, t1, cnt, h, W2_r, b2_l.reshape(1, -1))

  return out

# --- scband reference (transcript-rebuilt; emitter-appended) ---
"""Pipeline reference for scband-graph-sagemodel-36756330119417 (READ-ONLY COPY).

The authoritative reference and input builder live on the scoring server;
editing this copy changes nothing except your own understanding.
"""

import jax, jax.numpy as jnp
import numpy as np

N = 10000
E = 320000
D_IN = 128
D_HID = 256
D_OUT = 128


def setup_inputs(seed: int = 0) -> dict:
    key = jax.random.key(seed)
    ks = jax.random.split(key, 9)
    x = jax.random.normal(ks[0], (N, D_IN), dtype=jnp.float32)
    edge_index = jax.random.randint(ks[1], (2, E), 0, N, dtype=jnp.int32)
    # SAGEConv layer 1 params: lin_l (aggregated neighbors, with bias), lin_r (root, no bias)
    W1_l = jax.random.normal(ks[2], (D_IN, D_HID), dtype=jnp.float32) * (1.0 / np.sqrt(D_IN))
    b1_l = jnp.zeros((D_HID,), dtype=jnp.float32)
    W1_r = jax.random.normal(ks[3], (D_IN, D_HID), dtype=jnp.float32) * (1.0 / np.sqrt(D_IN))
    # SAGEConv layer 2 params
    W2_l = jax.random.normal(ks[4], (D_HID, D_OUT), dtype=jnp.float32) * (1.0 / np.sqrt(D_HID))
    b2_l = jnp.zeros((D_OUT,), dtype=jnp.float32)
    W2_r = jax.random.normal(ks[5], (D_HID, D_OUT), dtype=jnp.float32) * (1.0 / np.sqrt(D_HID))
    return {"x": x, "edge_index": edge_index, "W1_l": W1_l, "b1_l": b1_l, "W1_r": W1_r,
            "W2_l": W2_l, "b2_l": b2_l, "W2_r": W2_r}


def _sage_conv(x, edge_index, W_l, b_l, W_r):
    # PyG SAGEConv with mean aggregation:
    # out = lin_l(mean_{j in N(i)} x_j) + lin_r(x_i)
    src = edge_index[0]
    dst = edge_index[1]
    msg = jnp.take(x, src, axis=0)                      # gather source features per edge
    summed = jax.ops.segment_sum(msg, dst, num_segments=N)
    cnt = jax.ops.segment_sum(jnp.ones((edge_index.shape[1],), dtype=x.dtype), dst, num_segments=N)
    mean = summed / jnp.clip(cnt, 1.0, None)[:, None]
    return mean @ W_l + b_l + x @ W_r


def reference(x, edge_index, W1_l, b1_l, W1_r, W2_l, b2_l, W2_r):
    h = _sage_conv(x, edge_index, W1_l, b1_l, W1_r)
    h = jax.nn.relu(h)
    out = _sage_conv(h, edge_index, W2_l, b2_l, W2_r)
    return out

if __name__ == "__main__":
    import jax
    _d = setup_inputs()
    print(jax.jit(kernel)(*tuple(_d.values())))

</pallas_src>

<mosaic_0001>
#map = affine_map<(d0, d1) -> (0, 0)>
#map1 = affine_map<(d0, d1) -> (0, 0, 0)>
module attributes {stable_mosaic.version = 14 : i64} {
  func.func @agg(%arg0: i32, %arg1: i32, %arg2: memref<10000x64xf32, #tpu.memory_space<hbm>>, %arg3: memref<10000x64xf32, #tpu.memory_space<hbm>>, %arg4: memref<16x250x80xi32, #tpu.memory_space<hbm>>, %arg5: memref<16x250x80xi32, #tpu.memory_space<hbm>>, %arg6: memref<80x64xf32, #tpu.memory_space<hbm>>, %arg7: memref<80x8xf32, #tpu.memory_space<hbm>>, %arg8: memref<80x8xf32, #tpu.memory_space<hbm>>, %arg9: memref<10000x64xf32, #tpu.memory_space<hbm>>, %arg10: memref<10000x64xf32, #tpu.memory_space<hbm>>, %arg11: memref<10000x8xf32, #tpu.memory_space<hbm>>, %arg12: memref<250x80xi32, #tpu.memory_space<vmem>>, %arg13: memref<250x80xi32, #tpu.memory_space<vmem>>, %arg14: memref<80x64xf32, #tpu.memory_space<vmem>>, %arg15: memref<80x64xf32, #tpu.memory_space<vmem>>, %arg16: memref<80x64xf32, #tpu.memory_space<vmem>>, %arg17: memref<80x64xf32, #tpu.memory_space<vmem>>, %arg18: memref<80x64xf32, #tpu.memory_space<vmem>>, %arg19: memref<4x!tpu.dma_semaphore, #tpu.memory_space<semaphore_mem>>, %arg20: memref<4x!tpu.dma_semaphore, #tpu.memory_space<semaphore_mem>>, %arg21: memref<!tpu.dma_semaphore, #tpu.memory_space<semaphore_mem>>, %arg22: memref<10000x64xf32, #tpu.memory_space<vmem_shared>>, %arg23: memref<80x8xf32, #tpu.memory_space<vmem>>, %arg24: memref<80x8xf32, #tpu.memory_space<vmem>>, %arg25: memref<10000x8xf32, #tpu.memory_space<vmem_shared>>) attributes {dimension_semantics = [#tpu.dimension_semantics<core_parallel>, #tpu.dimension_semantics<subcore_parallel>], iteration_bounds = array<i64: 2, 16>, scalar_prefetch = 0 : i64, scratch_operands = 14 : i64, tpu.core_type = #tpu.core_type<sc_vector_subcore>, window_params = [{transform_indices = #map}, {transform_indices = #map}, {transform_indices = #map1}, {transform_indices = #map1}, {transform_indices = #map}, {transform_indices = #map}, {transform_indices = #map}, {transform_indices = #map}, {transform_indices = #map}, {transform_indices = #map}]} {
    "tpu.region"() ({
      %run_scoped3A = tpu.sem_alloc : memref<!tpu.dma_semaphore, #tpu.memory_space<semaphore_mem>>
      %dma_start3A = arith.constant 0 : i32
      %dma_start3A_26 = arith.constant 0 : i32
      %dma_start3A_27 = tpu.memref_slice %arg4[%arg1, %dma_start3A, %dma_start3A_26] : memref<16x250x80xi32, #tpu.memory_space<hbm>> -> memref<1x250x80xi32, #tpu.memory_space<hbm>>
      %dma_start3A_28 = tpu.memref_squeeze %dma_start3A_27 : memref<1x250x80xi32, #tpu.memory_space<hbm>> -> memref<250x80xi32, #tpu.memory_space<hbm>>
      %dma_start3A_29 = arith.constant 0 : i32
      %dma_start3A_30 = arith.constant 0 : i32
      %dma_start3A_31 = tpu.memref_slice %arg4[%arg1, %dma_start3A_29, %dma_start3A_30] : memref<16x250x80xi32, #tpu.memory_space<hbm>> -> memref<1x250x80xi32, #tpu.memory_space<hbm>>
      %dma_start3A_32 = tpu.memref_squeeze %dma_start3A_31 : memref<1x250x80xi32, #tpu.memory_space<hbm>> -> memref<250x80xi32, #tpu.memory_space<hbm>>
      tpu.enqueue_dma source(%dma_start3A_32 : memref<250x80xi32, #tpu.memory_space<hbm>>) target(%arg12 : memref<250x80xi32, #tpu.memory_space<vmem>>) target_semaphore(%run_scoped3A : memref<!tpu.dma_semaphore, #tpu.memory_space<semaphore_mem>>)
      %dma_wait3A = arith.constant 0 : i32
      %dma_wait3A_33 = arith.constant 0 : i32
      %dma_wait3A_34 = tpu.memref_slice %arg4[%arg1, %dma_wait3A, %dma_wait3A_33] : memref<16x250x80xi32, #tpu.memory_space<hbm>> -> memref<1x250x80xi32, #tpu.memory_space<hbm>>
      %dma_wait3A_35 = tpu.memref_squeeze %dma_wait3A_34 : memref<1x250x80xi32, #tpu.memory_space<hbm>> -> memref<250x80xi32, #tpu.memory_space<hbm>>
      %dma_wait3A_36 = arith.constant 0 : i32
      %dma_wait3A_37 = arith.constant 0 : i32
      %dma_wait3A_38 = tpu.memref_slice %arg4[%arg1, %dma_wait3A_36, %dma_wait3A_37] : memref<16x250x80xi32, #tpu.memory_space<hbm>> -> memref<1x250x80xi32, #tpu.memory_space<hbm>>
      %dma_wait3A_39 = tpu.memref_squeeze %dma_wait3A_38 : memref<1x250x80xi32, #tpu.memory_space<hbm>> -> memref<250x80xi32, #tpu.memory_space<hbm>>
      tpu.wait_dma2 semaphore(%run_scoped3A : memref<!tpu.dma_semaphore, #tpu.memory_space<semaphore_mem>>) src(%dma_wait3A_39 : memref<250x80xi32, #tpu.memory_space<hbm>>) dst(%arg12 : memref<250x80xi32, #tpu.memory_space<vmem>>)
      tpu.yield
    }) : () -> ()
    "tpu.region"() ({
      %run_scoped3A = tpu.sem_alloc : memref<!tpu.dma_semaphore, #tpu.memory_space<semaphore_mem>>
      %dma_start3A = arith.constant 0 : i32
      %dma_start3A_26 = arith.constant 0 : i32
      %dma_start3A_27 = tpu.memref_slice %arg5[%arg1, %dma_start3A, %dma_start3A_26] : memref<16x250x80xi32, #tpu.memory_space<hbm>> -> memref<1x250x80xi32, #tpu.memory_space<hbm>>
      %dma_start3A_28 = tpu.memref_squeeze %dma_start3A_27 : memref<1x250x80xi32, #tpu.memory_space<hbm>> -> memref<250x80xi32, #tpu.memory_space<hbm>>
      %dma_start3A_29 = arith.constant 0 : i32
      %dma_start3A_30 = arith.constant 0 : i32
      %dma_start3A_31 = tpu.memref_slice %arg5[%arg1, %dma_start3A_29, %dma_start3A_30] : memref<16x250x80xi32, #tpu.memory_space<hbm>> -> memref<1x250x80xi32, #tpu.memory_space<hbm>>
      %dma_start3A_32 = tpu.memref_squeeze %dma_start3A_31 : memref<1x250x80xi32, #tpu.memory_space<hbm>> -> memref<250x80xi32, #tpu.memory_space<hbm>>
      tpu.enqueue_dma source(%dma_start3A_32 : memref<250x80xi32, #tpu.memory_space<hbm>>) target(%arg13 : memref<250x80xi32, #tpu.memory_space<vmem>>) target_semaphore(%run_scoped3A : memref<!tpu.dma_semaphore, #tpu.memory_space<semaphore_mem>>)
      %dma_wait3A = arith.constant 0 : i32
      %dma_wait3A_33 = arith.constant 0 : i32
      %dma_wait3A_34 = tpu.memref_slice %arg5[%arg1, %dma_wait3A, %dma_wait3A_33] : memref<16x250x80xi32, #tpu.memory_space<hbm>> -> memref<1x250x80xi32, #tpu.memory_space<hbm>>
      %dma_wait3A_35 = tpu.memref_squeeze %dma_wait3A_34 : memref<1x250x80xi32, #tpu.memory_space<hbm>> -> memref<250x80xi32, #tpu.memory_space<hbm>>
      %dma_wait3A_36 = arith.constant 0 : i32
      %dma_wait3A_37 = arith.constant 0 : i32
      %dma_wait3A_38 = tpu.memref_slice %arg5[%arg1, %dma_wait3A_36, %dma_wait3A_37] : memref<16x250x80xi32, #tpu.memory_space<hbm>> -> memref<1x250x80xi32, #tpu.memory_space<hbm>>
      %dma_wait3A_39 = tpu.memref_squeeze %dma_wait3A_38 : memref<1x250x80xi32, #tpu.memory_space<hbm>> -> memref<250x80xi32, #tpu.memory_space<hbm>>
      tpu.wait_dma2 semaphore(%run_scoped3A : memref<!tpu.dma_semaphore, #tpu.memory_space<semaphore_mem>>) src(%dma_wait3A_39 : memref<250x80xi32, #tpu.memory_space<hbm>>) dst(%arg13 : memref<250x80xi32, #tpu.memory_space<vmem>>)
      tpu.yield
    }) : () -> ()
    "tpu.region"() ({
      %run_scoped3A = tpu.sem_alloc : memref<!tpu.dma_semaphore, #tpu.memory_space<semaphore_mem>>
      tpu.enqueue_dma source(%arg6 : memref<80x64xf32, #tpu.memory_space<hbm>>) target(%arg18 : memref<80x64xf32, #tpu.memory_space<vmem>>) target_semaphore(%run_scoped3A : memref<!tpu.dma_semaphore, #tpu.memory_space<semaphore_mem>>)
      tpu.wait_dma2 semaphore(%run_scoped3A : memref<!tpu.dma_semaphore, #tpu.memory_space<semaphore_mem>>) src(%arg6 : memref<80x64xf32, #tpu.memory_space<hbm>>) dst(%arg18 : memref<80x64xf32, #tpu.memory_space<vmem>>)
      tpu.yield
    }) : () -> ()
    %scan3A = arith.constant 0 : i32
    %scan3A_0 = arith.constant 0 : i32
    %scan3A_1 = arith.constant 8 : i32
    %scan3A_2 = arith.addi %scan3A_0, %scan3A_1 : i32
    %scan3A_3 = arith.constant 1 : i32
    %scan3A_4 = scf.for %scan3A_26 = %scan3A_0 to %scan3A_2 step %scan3A_3 iter_args(%scan3A_27 = %scan3A) -> (i32)  : i32 {
      %mul3A = arith.constant 16 : i32
      %mul3A_28 = arith.muli %scan3A_26, %mul3A : i32
      %add3A = arith.addi %mul3A_28, %arg1 : i32
      %lt3A = arith.constant 125 : i32
      %lt3A_29 = arith.cmpi slt, %add3A, %lt3A : i32
      %convert_element_type3A_30 = arith.extui %lt3A_29 : i1 to i32
      %cond3A_31 = arith.constant 0 : i32
      %cond3A_32 = arith.cmpi ne, %convert_element_type3A_30, %cond3A_31 : i32
      scf.if %cond3A_32 {
        %mul3A_34 = arith.constant 80 : i32
        %mul3A_35 = arith.muli %add3A, %mul3A_34 : i32
        "tpu.region"() ({
          %run_scoped3A = tpu.sem_alloc : memref<!tpu.dma_semaphore, #tpu.memory_space<semaphore_mem>>
          %dma_start3A = arith.constant 0 : i32
          %dma_start3A_36 = tpu.memref_slice %arg22[%mul3A_35, %dma_start3A] : memref<10000x64xf32, #tpu.memory_space<vmem_shared>> -> memref<80x64xf32, #tpu.memory_space<vmem_shared>>
          %dma_start3A_37 = arith.constant 0 : i32
          %dma_start3A_38 = tpu.memref_slice %arg22[%mul3A_35, %dma_start3A_37] : memref<10000x64xf32, #tpu.memory_space<vmem_shared>> -> memref<80x64xf32, #tpu.memory_space<vmem_shared>>
          tpu.enqueue_dma source(%arg18 : memref<80x64xf32, #tpu.memory_space<vmem>>) target(%dma_start3A_38 : memref<80x64xf32, #tpu.memory_space<vmem_shared>>) target_semaphore(%run_scoped3A : memref<!tpu.dma_semaphore, #tpu.memory_space<semaphore_mem>>)
          %dma_wait3A = arith.constant 0 : i32
          %dma_wait3A_39 = tpu.memref_slice %arg22[%mul3A_35, %dma_wait3A] : memref<10000x64xf32, #tpu.memory_space<vmem_shared>> -> memref<80x64xf32, #tpu.memory_space<vmem_shared>>
          %dma_wait3A_40 = arith.constant 0 : i32
          %dma_wait3A_41 = tpu.memref_slice %arg22[%mul3A_35, %dma_wait3A_40] : memref<10000x64xf32, #tpu.memory_space<vmem_shared>> -> memref<80x64xf32, #tpu.memory_space<vmem_shared>>
          tpu.wait_dma2 semaphore(%run_scoped3A : memref<!tpu.dma_semaphore, #tpu.memory_space<semaphore_mem>>) src(%arg18 : memref<80x64xf32, #tpu.memory_space<vmem>>) dst(%dma_wait3A_41 : memref<80x64xf32, #tpu.memory_space<vmem_shared>>)
          tpu.yield
        }) : () -> ()
      } else {
      }
      %scan3A_33 = arith.constant 0 : i32
      scf.yield %scan3A_33 : i32
    }
    %scan3A_5 = arith.constant 8 : i32
    %eq3A = arith.constant 0 : i32
    %eq3A_6 = arith.cmpi eq, %arg0, %eq3A : i32
    %convert_element_type3A = arith.extui %eq3A_6 : i1 to i32
    %cond3A = arith.constant 0 : i32
    %cond3A_7 = arith.cmpi ne, %convert_element_type3A, %cond3A : i32
    scf.if %cond3A_7 {
      "tpu.region"() ({
        %run_scoped3A = tpu.sem_alloc : memref<!tpu.dma_semaphore, #tpu.memory_space<semaphore_mem>>
        tpu.enqueue_dma source(%arg7 : memref<80x8xf32, #tpu.memory_space<hbm>>) target(%arg24 : memref<80x8xf32, #tpu.memory_space<vmem>>) target_semaphore(%run_scoped3A : memref<!tpu.dma_semaphore, #tpu.memory_space<semaphore_mem>>)
        tpu.wait_dma2 semaphore(%run_scoped3A : memref<!tpu.dma_semaphore, #tpu.memory_space<semaphore_mem>>) src(%arg7 : memref<80x8xf32, #tpu.memory_space<hbm>>) dst(%arg24 : memref<80x8xf32, #tpu.memory_space<vmem>>)
        tpu.yield
      }) : () -> ()
      %scan3A_26 = arith.constant 0 : i32
      %scan3A_27 = arith.constant 0 : i32
      %scan3A_28 = arith.constant 8 : i32
      %scan3A_29 = arith.addi %scan3A_27, %scan3A_28 : i32
      %scan3A_30 = arith.constant 1 : i32
      %scan3A_31 = scf.for %scan3A_33 = %scan3A_27 to %scan3A_29 step %scan3A_30 iter_args(%scan3A_34 = %scan3A_26) -> (i32)  : i32 {
        %mul3A = arith.constant 16 : i32
        %mul3A_35 = arith.muli %scan3A_33, %mul3A : i32
        %add3A = arith.addi %mul3A_35, %arg1 : i32
        %lt3A = arith.constant 125 : i32
        %lt3A_36 = arith.cmpi slt, %add3A, %lt3A : i32
        %convert_element_type3A_37 = arith.extui %lt3A_36 : i1 to i32
        %cond3A_38 = arith.constant 0 : i32
        %cond3A_39 = arith.cmpi ne, %convert_element_type3A_37, %cond3A_38 : i32
        scf.if %cond3A_39 {
          %mul3A_41 = arith.constant 80 : i32
          %mul3A_42 = arith.muli %add3A, %mul3A_41 : i32
          "tpu.region"() ({
            %run_scoped3A = tpu.sem_alloc : memref<!tpu.dma_semaphore, #tpu.memory_space<semaphore_mem>>
            %dma_start3A = arith.constant 0 : i32
            %dma_start3A_43 = tpu.memref_slice %arg25[%mul3A_42, %dma_start3A] : memref<10000x8xf32, #tpu.memory_space<vmem_shared>> -> memref<80x8xf32, #tpu.memory_space<vmem_shared>>
            %dma_start3A_44 = arith.constant 0 : i32
            %dma_start3A_45 = tpu.memref_slice %arg25[%mul3A_42, %dma_start3A_44] : memref<10000x8xf32, #tpu.memory_space<vmem_shared>> -> memref<80x8xf32, #tpu.memory_space<vmem_shared>>
            tpu.enqueue_dma source(%arg24 : memref<80x8xf32, #tpu.memory_space<vmem>>) target(%dma_start3A_45 : memref<80x8xf32, #tpu.memory_space<vmem_shared>>) target_semaphore(%run_scoped3A : memref<!tpu.dma_semaphore, #tpu.memory_space<semaphore_mem>>)
            %dma_wait3A = arith.constant 0 : i32
            %dma_wait3A_46 = tpu.memref_slice %arg25[%mul3A_42, %dma_wait3A] : memref<10000x8xf32, #tpu.memory_space<vmem_shared>> -> memref<80x8xf32, #tpu.memory_space<vmem_shared>>
            %dma_wait3A_47 = arith.constant 0 : i32
            %dma_wait3A_48 = tpu.memref_slice %arg25[%mul3A_42, %dma_wait3A_47] : memref<10000x8xf32, #tpu.memory_space<vmem_shared>> -> memref<80x8xf32, #tpu.memory_space<vmem_shared>>
            tpu.wait_dma2 semaphore(%run_scoped3A : memref<!tpu.dma_semaphore, #tpu.memory_space<semaphore_mem>>) src(%arg24 : memref<80x8xf32, #tpu.memory_space<vmem>>) dst(%dma_wait3A_48 : memref<80x8xf32, #tpu.memory_space<vmem_shared>>)
            tpu.yield
          }) : () -> ()
        } else {
        }
        %scan3A_40 = arith.constant 0 : i32
        scf.yield %scan3A_40 : i32
      }
      %scan3A_32 = arith.constant 8 : i32
      "tpu.region"() ({
        %run_scoped3A = tpu.sem_alloc : memref<!tpu.dma_semaphore, #tpu.memory_space<semaphore_mem>>
        tpu.enqueue_dma source(%arg8 : memref<80x8xf32, #tpu.memory_space<hbm>>) target(%arg23 : memref<80x8xf32, #tpu.memory_space<vmem>>) target_semaphore(%run_scoped3A : memref<!tpu.dma_semaphore, #tpu.memory_space<semaphore_mem>>)
        tpu.wait_dma2 semaphore(%run_scoped3A : memref<!tpu.dma_semaphore, #tpu.memory_space<semaphore_mem>>) src(%arg8 : memref<80x8xf32, #tpu.memory_space<hbm>>) dst(%arg23 : memref<80x8xf32, #tpu.memory_space<vmem>>)
        tpu.yield
      }) : () -> ()
    } else {
    }
    %barrier3A = arith.constant 0 : index
    tpu.barrier barrier_id(%barrier3A)
    %eq3A_8 = arith.constant 0 : i32
    %eq3A_9 = arith.cmpi eq, %arg0, %eq3A_8 : i32
    %convert_element_type3A_10 = arith.extui %eq3A_9 : i1 to i32
    %cond3A_11 = arith.constant 0 : i32
    %cond3A_12 = arith.cmpi ne, %convert_element_type3A_10, %cond3A_11 : i32
    scf.if %cond3A_12 {
      %dma_start3A = arith.constant 0 : i32
      %dma_start3A_26 = arith.constant 0 : i32
      %dma_start3A_27 = arith.constant 0 : i32
      %dma_start3A_28 = tpu.memref_slice %arg12[%dma_start3A, %dma_start3A_27] : memref<250x80xi32, #tpu.memory_space<vmem>> -> memref<1x80xi32, #tpu.memory_space<vmem>>
      %dma_start3A_29 = tpu.memref_squeeze %dma_start3A_28 : memref<1x80xi32, #tpu.memory_space<vmem>> -> memref<80xi32, #tpu.memory_space<vmem>>
      %dma_start3A_30 = arith.constant 0 : i32
      %dma_start3A_31 = arith.constant 0 : i32
      %dma_start3A_32 = tpu.memref_slice %arg2[%dma_start3A_30, %dma_start3A_31] : memref<10000x64xf32, #tpu.memory_space<hbm>> -> memref<10000x64xf32, #tpu.memory_space<hbm>>
      %dma_start3A_33 = tpu.memref_slice %arg19[%dma_start3A_26] : memref<4x!tpu.dma_semaphore, #tpu.memory_space<semaphore_mem>> -> memref<1x!tpu.dma_semaphore, #tpu.memory_space<semaphore_mem>>
      %dma_start3A_34 = tpu.memref_squeeze %dma_start3A_33 : memref<1x!tpu.dma_semaphore, #tpu.memory_space<semaphore_mem>> -> memref<!tpu.dma_semaphore, #tpu.memory_space<semaphore_mem>>
      tpu.enqueue_indirect_dma source(%dma_start3A_32 : memref<10000x64xf32, #tpu.memory_space<hbm>>) target(%arg14 : memref<80x64xf32, #tpu.memory_space<vmem>>) offsets(%dma_start3A_29 : memref<80xi32, #tpu.memory_space<vmem>>) semaphore(%dma_start3A_34 : memref<!tpu.dma_semaphore, #tpu.memory_space<semaphore_mem>>)
      %dma_start3A_35 = arith.constant 1 : i32
      %dma_start3A_36 = arith.constant 1 : i32
      %dma_start3A_37 = arith.constant 0 : i32
      %dma_start3A_38 = tpu.memref_slice %arg12[%dma_start3A_35, %dma_start3A_37] : memref<250x80xi32, #tpu.memory_space<vmem>> -> memref<1x80xi32, #tpu.memory_space<vmem>>
      %dma_start3A_39 = tpu.memref_squeeze %dma_start3A_38 : memref<1x80xi32, #tpu.memory_space<vmem>> -> memref<80xi32, #tpu.memory_space<vmem>>
      %dma_start3A_40 = arith.constant 0 : i32
      %dma_start3A_41 = arith.constant 0 : i32
      %dma_start3A_42 = tpu.memref_slice %arg2[%dma_start3A_40, %dma_start3A_41] : memref<10000x64xf32, #tpu.memory_space<hbm>> -> memref<10000x64xf32, #tpu.memory_space<hbm>>
      %dma_start3A_43 = tpu.memref_slice %arg19[%dma_start3A_36] : memref<4x!tpu.dma_semaphore, #tpu.memory_space<semaphore_mem>> -> memref<1x!tpu.dma_semaphore, #tpu.memory_space<semaphore_mem>>
      %dma_start3A_44 = tpu.memref_squeeze %dma_start3A_43 : memref<1x!tpu.dma_semaphore, #tpu.memory_space<semaphore_mem>> -> memref<!tpu.dma_semaphore, #tpu.memory_space<semaphore_mem>>
      tpu.enqueue_indirect_dma source(%dma_start3A_42 : memref<10000x64xf32, #tpu.memory_space<hbm>>) target(%arg15 : memref<80x64xf32, #tpu.memory_space<vmem>>) offsets(%dma_start3A_39 : memref<80xi32, #tpu.memory_space<vmem>>) semaphore(%dma_start3A_44 : memref<!tpu.dma_semaphore, #tpu.memory_space<semaphore_mem>>)
      %scan3A_45 = arith.constant 0 : i32
      %scan3A_46 = arith.constant 0 : i32
      %scan3A_47 = arith.constant 62 : i32
      %scan3A_48 = arith.addi %scan3A_46, %scan3A_47 : i32
      %scan3A_49 = arith.constant 1 : i32
      %scan3A_50 = scf.for %scan3A_173 = %scan3A_46 to %scan3A_48 step %scan3A_49 iter_args(%scan3A_174 = %scan3A_45) -> (i32)  : i32 {
        %mul3A = arith.constant 4 : i32
        %mul3A_175 = arith.muli %mul3A, %scan3A_173 : i32
        %add3A = arith.constant 0 : i32
        %add3A_176 = arith.addi %mul3A_175, %add3A : i32
        %dma_wait3A_177 = arith.constant 0 : i32
        %dma_wait3A_178 = arith.constant 0 : i32
        %dma_wait3A_179 = tpu.memref_slice %arg12[%add3A_176, %dma_wait3A_178] : memref<250x80xi32, #tpu.memory_space<vmem>> -> memref<1x80xi32, #tpu.memory_space<vmem>>
        %dma_wait3A_180 = tpu.memref_squeeze %dma_wait3A_179 : memref<1x80xi32, #tpu.memory_space<vmem>> -> memref<80xi32, #tpu.memory_space<vmem>>
        %dma_wait3A_181 = arith.constant 0 : i32
        %dma_wait3A_182 = arith.constant 0 : i32
        %dma_wait3A_183 = tpu.memref_slice %arg2[%dma_wait3A_181, %dma_wait3A_182] : memref<10000x64xf32, #tpu.memory_space<hbm>> -> memref<10000x64xf32, #tpu.memory_space<hbm>>
        %dma_wait3A_184 = tpu.memref_slice %arg19[%dma_wait3A_177] : memref<4x!tpu.dma_semaphore, #tpu.memory_space<semaphore_mem>> -> memref<1x!tpu.dma_semaphore, #tpu.memory_space<semaphore_mem>>
        %dma_wait3A_185 = tpu.memref_squeeze %dma_wait3A_184 : memref<1x!tpu.dma_semaphore, #tpu.memory_space<semaphore_mem>> -> memref<!tpu.dma_semaphore, #tpu.memory_space<semaphore_mem>>
        tpu.wait_indirect_dma semaphore(%dma_wait3A_185 : memref<!tpu.dma_semaphore, #tpu.memory_space<semaphore_mem>>) src(%dma_wait3A_183 : memref<10000x64xf32, #tpu.memory_space<hbm>>) dst(%arg14 : memref<80x64xf32, #tpu.memory_space<vmem>>)
        %dma_start3A_186 = arith.constant 0 : i32
        %dma_start3A_187 = arith.constant 0 : i32
        %dma_start3A_188 = tpu.memref_slice %arg13[%add3A_176, %dma_start3A_187] : memref<250x80xi32, #tpu.memory_space<vmem>> -> memref<1x80xi32, #tpu.memory_space<vmem>>
        %dma_start3A_189 = tpu.memref_squeeze %dma_start3A_188 : memref<1x80xi32, #tpu.memory_space<vmem>> -> memref<80xi32, #tpu.memory_space<vmem>>
        %dma_start3A_190 = arith.constant 0 : i32
        %dma_start3A_191 = arith.constant 0 : i32
        %dma_start3A_192 = tpu.memref_slice %arg22[%dma_start3A_190, %dma_start3A_191] : memref<10000x64xf32, #tpu.memory_space<vmem_shared>> -> memref<10000x64xf32, #tpu.memory_space<vmem_shared>>
        %dma_start3A_193 = tpu.memref_slice %arg20[%dma_start3A_186] : memref<4x!tpu.dma_semaphore, #tpu.memory_space<semaphore_mem>> -> memref<1x!tpu.dma_semaphore, #tpu.memory_space<semaphore_mem>>
        %dma_start3A_194 = tpu.memref_squeeze %dma_start3A_193 : memref<1x!tpu.dma_semaphore, #tpu.memory_space<semaphore_mem>> -> memref<!tpu.dma_semaphore, #tpu.memory_space<semaphore_mem>>
        tpu.enqueue_indirect_dma source(%arg14 : memref<80x64xf32, #tpu.memory_space<vmem>>) target(%dma_start3A_192 : memref<10000x64xf32, #tpu.memory_space<vmem_shared>>) offsets(%dma_start3A_189 : memref<80xi32, #tpu.memory_space<vmem>>) semaphore(%dma_start3A_194 : memref<!tpu.dma_semaphore, #tpu.memory_space<semaphore_mem>>) {add = true}
        %dma_start3A_195 = arith.constant 0 : i32
        %dma_start3A_196 = tpu.memref_slice %arg13[%add3A_176, %dma_start3A_195] : memref<250x80xi32, #tpu.memory_space<vmem>> -> memref<1x80xi32, #tpu.memory_space<vmem>>
        %dma_start3A_197 = tpu.memref_squeeze %dma_start3A_196 : memref<1x80xi32, #tpu.memory_space<vmem>> -> memref<80xi32, #tpu.memory_space<vmem>>
        %dma_start3A_198 = arith.constant 0 : i32
        %dma_start3A_199 = arith.constant 0 : i32
        %dma_start3A_200 = tpu.memref_slice %arg25[%dma_start3A_198, %dma_start3A_199] : memref<10000x8xf32, #tpu.memory_space<vmem_shared>> -> memref<10000x8xf32, #tpu.memory_space<vmem_shared>>
        tpu.enqueue_indirect_dma source(%arg23 : memref<80x8xf32, #tpu.memory_space<vmem>>) target(%dma_start3A_200 : memref<10000x8xf32, #tpu.memory_space<vmem_shared>>) offsets(%dma_start3A_197 : memref<80xi32, #tpu.memory_space<vmem>>) semaphore(%arg21 : memref<!tpu.dma_semaphore, #tpu.memory_space<semaphore_mem>>) {add = true}
        %ge3A = arith.constant 2 : i32
        %ge3A_201 = arith.cmpi sge, %add3A_176, %ge3A : i32
        %convert_element_type3A_202 = arith.extui %ge3A_201 : i1 to i32
        %cond3A_203 = arith.constant 0 : i32
        %cond3A_204 = arith.cmpi ne, %convert_element_type3A_202, %cond3A_203 : i32
        scf.if %cond3A_204 {
          %sub3A = arith.constant 2 : i32
          %sub3A_369 = arith.subi %add3A_176, %sub3A : i32
          %dma_wait3A_370 = arith.constant 0 : i32
          %dma_wait3A_371 = tpu.memref_slice %arg13[%sub3A_369, %dma_wait3A_370] : memref<250x80xi32, #tpu.memory_space<vmem>> -> memref<1x80xi32, #tpu.memory_space<vmem>>
          %dma_wait3A_372 = tpu.memref_squeeze %dma_wait3A_371 : memref<1x80xi32, #tpu.memory_space<vmem>> -> memref<80xi32, #tpu.memory_space<vmem>>
          %dma_wait3A_373 = arith.constant 0 : i32
          %dma_wait3A_374 = arith.constant 0 : i32
          %dma_wait3A_375 = tpu.memref_slice %arg25[%dma_wait3A_373, %dma_wait3A_374] : memref<10000x8xf32, #tpu.memory_space<vmem_shared>> -> memref<10000x8xf32, #tpu.memory_space<vmem_shared>>
          tpu.wait_indirect_dma semaphore(%arg21 : memref<!tpu.dma_semaphore, #tpu.memory_space<semaphore_mem>>) src(%arg23 : memref<80x8xf32, #tpu.memory_space<vmem>>) dst(%dma_wait3A_375 : memref<10000x8xf32, #tpu.memory_space<vmem_shared>>)
        } else {
        }
        %ge3A_205 = arith.constant 2 : i32
        %ge3A_206 = arith.cmpi sge, %add3A_176, %ge3A_205 : i32
        %convert_element_type3A_207 = arith.extui %ge3A_206 : i1 to i32
        %cond3A_208 = arith.constant 0 : i32
        %cond3A_209 = arith.cmpi ne, %convert_element_type3A_207, %cond3A_208 : i32
        scf.if %cond3A_209 {
          %sub3A = arith.constant 2 : i32
          %sub3A_369 = arith.subi %add3A_176, %sub3A : i32
          %dma_wait3A_370 = arith.constant 2 : i32
          %dma_wait3A_371 = arith.constant 0 : i32
          %dma_wait3A_372 = tpu.memref_slice %arg13[%sub3A_369, %dma_wait3A_371] : memref<250x80xi32, #tpu.memory_space<vmem>> -> memref<1x80xi32, #tpu.memory_space<vmem>>
          %dma_wait3A_373 = tpu.memref_squeeze %dma_wait3A_372 : memref<1x80xi32, #tpu.memory_space<vmem>> -> memref<80xi32, #tpu.memory_space<vmem>>
          %dma_wait3A_374 = arith.constant 0 : i32
          %dma_wait3A_375 = arith.constant 0 : i32
          %dma_wait3A_376 = tpu.memref_slice %arg22[%dma_wait3A_374, %dma_wait3A_375] : memref<10000x64xf32, #tpu.memory_space<vmem_shared>> -> memref<10000x64xf32, #tpu.memory_space<vmem_shared>>
          %dma_wait3A_377 = tpu.memref_slice %arg20[%dma_wait3A_370] : memref<4x!tpu.dma_semaphore, #tpu.memory_space<semaphore_mem>> -> memref<1x!tpu.dma_semaphore, #tpu.memory_space<semaphore_mem>>
          %dma_wait3A_378 = tpu.memref_squeeze %dma_wait3A_377 : memref<1x!tpu.dma_semaphore, #tpu.memory_space<semaphore_mem>> -> memref<!tpu.dma_semaphore, #tpu.memory_space<semaphore_mem>>
          tpu.wait_indirect_dma semaphore(%dma_wait3A_378 : memref<!tpu.dma_semaphore, #tpu.memory_space<semaphore_mem>>) src(%arg16 : memref<80x64xf32, #tpu.memory_space<vmem>>) dst(%dma_wait3A_376 : memref<10000x64xf32, #tpu.memory_space<vmem_shared>>)
        } else {
        }
        %add3A_210 = arith.constant 2 : i32
        %add3A_211 = arith.addi %add3A_176, %add3A_210 : i32
        %dma_start3A_212 = arith.constant 2 : i32
        %dma_start3A_213 = arith.constant 0 : i32
        %dma_start3A_214 = tpu.memref_slice %arg12[%add3A_211, %dma_start3A_213] : memref<250x80xi32, #tpu.memory_space<vmem>> -> memref<1x80xi32, #tpu.memory_space<vmem>>
        %dma_start3A_215 = tpu.memref_squeeze %dma_start3A_214 : memref<1x80xi32, #tpu.memory_space<vmem>> -> memref<80xi32, #tpu.memory_space<vmem>>
        %dma_start3A_216 = arith.constant 0 : i32
        %dma_start3A_217 = arith.constant 0 : i32
        %dma_start3A_218 = tpu.memref_slice %arg2[%dma_start3A_216, %dma_start3A_217] : memref<10000x64xf32, #tpu.memory_space<hbm>> -> memref<10000x64xf32, #tpu.memory_space<hbm>>
        %dma_start3A_219 = tpu.memref_slice %arg19[%dma_start3A_212] : memref<4x!tpu.dma_semaphore, #tpu.memory_space<semaphore_mem>> -> memref<1x!tpu.dma_semaphore, #tpu.memory_space<semaphore_mem>>
        %dma_start3A_220 = tpu.memref_squeeze %dma_start3A_219 : memref<1x!tpu.dma_semaphore, #tpu.memory_space<semaphore_mem>> -> memref<!tpu.dma_semaphore, #tpu.memory_space<semaphore_mem>>
        tpu.enqueue_indirect_dma source(%dma_start3A_218 : memref<10000x64xf32, #tpu.memory_space<hbm>>) target(%arg16 : memref<80x64xf32, #tpu.memory_space<vmem>>) offsets(%dma_start3A_215 : memref<80xi32, #tpu.memory_space<vmem>>) semaphore(%dma_start3A_220 : memref<!tpu.dma_semaphore, #tpu.memory_space<semaphore_mem>>)
        %mul3A_221 = arith.constant 4 : i32
        %mul3A_222 = arith.muli %mul3A_221, %scan3A_173 : i32
        %add3A_223 = arith.constant 1 : i32
        %add3A_224 = arith.addi %mul3A_222, %add3A_223 : i32
        %dma_wait3A_225 = arith.constant 1 : i32
        %dma_wait3A_226 = arith.constant 0 : i32
        %dma_wait3A_227 = tpu.memref_slice %arg12[%add3A_224, %dma_wait3A_226] : memref<250x80xi32, #tpu.memory_space<vmem>> -> memref<1x80xi32, #tpu.memory_space<vmem>>
        %dma_wait3A_228 = tpu.memref_squeeze %dma_wait3A_227 : memref<1x80xi32, #tpu.memory_space<vmem>> -> memref<80xi32, #tpu.memory_space<vmem>>
        %dma_wait3A_229 = arith.constant 0 : i32
        %dma_wait3A_230 = arith.constant 0 : i32
        %dma_wait3A_231 = tpu.memref_slice %arg2[%dma_wait3A_229, %dma_wait3A_230] : memref<10000x64xf32, #tpu.memory_space<hbm>> -> memref<10000x64xf32, #tpu.memory_space<hbm>>
        %dma_wait3A_232 = tpu.memref_slice %arg19[%dma_wait3A_225] : memref<4x!tpu.dma_semaphore, #tpu.memory_space<semaphore_mem>> -> memref<1x!tpu.dma_semaphore, #tpu.memory_space<semaphore_mem>>
        %dma_wait3A_233 = tpu.memref_squeeze %dma_wait3A_232 : memref<1x!tpu.dma_semaphore, #tpu.memory_space<semaphore_mem>> -> memref<!tpu.dma_semaphore, #tpu.memory_space<semaphore_mem>>
        tpu.wait_indirect_dma semaphore(%dma_wait3A_233 : memref<!tpu.dma_semaphore, #tpu.memory_space<semaphore_mem>>) src(%dma_wait3A_231 : memref<10000x64xf32, #tpu.memory_space<hbm>>) dst(%arg15 : memref<80x64xf32, #tpu.memory_space<vmem>>)
        %dma_start3A_234 = arith.constant 1 : i32
        %dma_start3A_235 = arith.constant 0 : i32
        %dma_start3A_236 = tpu.memref_slice %arg13[%add3A_224, %dma_start3A_235] : memref<250x80xi32, #tpu.memory_space<vmem>> -> memref<1x80xi32, #tpu.memory_space<vmem>>
        %dma_start3A_237 = tpu.memref_squeeze %dma_start3A_236 : memref<1x80xi32, #tpu.memory_space<vmem>> -> memref<80xi32, #tpu.memory_space<vmem>>
        %dma_start3A_238 = arith.constant 0 : i32
        %dma_start3A_239 = arith.constant 0 : i32
        %dma_start3A_240 = tpu.memref_slice %arg22[%dma_start3A_238, %dma_start3A_239] : memref<10000x64xf32, #tpu.memory_space<vmem_shared>> -> memref<10000x64xf32, #tpu.memory_space<vmem_shared>>
        %dma_start3A_241 = tpu.memref_slice %arg20[%dma_start3A_234] : memref<4x!tpu.dma_semaphore, #tpu.memory_space<semaphore_mem>> -> memref<1x!tpu.dma_semaphore, #tpu.memory_space<semaphore_mem>>
        %dma_start3A_242 = tpu.memref_squeeze %dma_start3A_241 : memref<1x!tpu.dma_semaphore, #tpu.memory_space<semaphore_mem>> -> memref<!tpu.dma_semaphore, #tpu.memory_space<semaphore_mem>>
        tpu.enqueue_indirect_dma source(%arg15 : memref<80x64xf32, #tpu.memory_space<vmem>>) target(%dma_start3A_240 : memref<10000x64xf32, #tpu.memory_space<vmem_shared>>) offsets(%dma_start3A_237 : memref<80xi32, #tpu.memory_space<vmem>>) semaphore(%dma_start3A_242 : memref<!tpu.dma_semaphore, #tpu.memory_space<semaphore_mem>>) {add = true}
        %dma_start3A_243 = arith.constant 0 : i32
        %dma_start3A_244 = tpu.memref_slice %arg13[%add3A_224, %dma_start3A_243] : memref<250x80xi32, #tpu.memory_space<vmem>> -> memref<1x80xi32, #tpu.memory_space<vmem>>
        %dma_start3A_245 = tpu.memref_squeeze %dma_start3A_244 : memref<1x80xi32, #tpu.memory_space<vmem>> -> memref<80xi32, #tpu.memory_space<vmem>>
        %dma_start3A_246 = arith.constant 0 : i32
        %dma_start3A_247 = arith.constant 0 : i32
        %dma_start3A_248 = tpu.memref_slice %arg25[%dma_start3A_246, %dma_start3A_247] : memref<10000x8xf32, #tpu.memory_space<vmem_shared>> -> memref<10000x8xf32, #tpu.memory_space<vmem_shared>>
        tpu.enqueue_indirect_dma source(%arg23 : memref<80x8xf32, #tpu.memory_space<vmem>>) target(%dma_start3A_248 : memref<10000x8xf32, #tpu.memory_space<vmem_shared>>) offsets(%dma_start3A_245 : memref<80xi32, #tpu.memory_space<vmem>>) semaphore(%arg21 : memref<!tpu.dma_semaphore, #tpu.memory_space<semaphore_mem>>) {add = true}
        %ge3A_249 = arith.constant 2 : i32
        %ge3A_250 = arith.cmpi sge, %add3A_224, %ge3A_249 : i32
        %convert_element_type3A_251 = arith.extui %ge3A_250 : i1 to i32
        %cond3A_252 = arith.constant 0 : i32
        %cond3A_253 = arith.cmpi ne, %convert_element_type3A_251, %cond3A_252 : i32
        scf.if %cond3A_253 {
          %sub3A = arith.constant 2 : i32
          %sub3A_369 = arith.subi %add3A_224, %sub3A : i32
          %dma_wait3A_370 = arith.constant 0 : i32
          %dma_wait3A_371 = tpu.memref_slice %arg13[%sub3A_369, %dma_wait3A_370] : memref<250x80xi32, #tpu.memory_space<vmem>> -> memref<1x80xi32, #tpu.memory_space<vmem>>
          %dma_wait3A_372 = tpu.memref_squeeze %dma_wait3A_371 : memref<1x80xi32, #tpu.memory_space<vmem>> -> memref<80xi32, #tpu.memory_space<vmem>>
          %dma_wait3A_373 = arith.constant 0 : i32
          %dma_wait3A_374 = arith.constant 0 : i32
          %dma_wait3A_375 = tpu.memref_slice %arg25[%dma_wait3A_373, %dma_wait3A_374] : memref<10000x8xf32, #tpu.memory_space<vmem_shared>> -> memref<10000x8xf32, #tpu.memory_space<vmem_shared>>
          tpu.wait_indirect_dma semaphore(%arg21 : memref<!tpu.dma_semaphore, #tpu.memory_space<semaphore_mem>>) src(%arg23 : memref<80x8xf32, #tpu.memory_space<vmem>>) dst(%dma_wait3A_375 : memref<10000x8xf32, #tpu.memory_space<vmem_shared>>)
        } else {
        }
        %ge3A_254 = arith.constant 2 : i32
        %ge3A_255 = arith.cmpi sge, %add3A_224, %ge3A_254 : i32
        %convert_element_type3A_256 = arith.extui %ge3A_255 : i1 to i32
        %cond3A_257 = arith.constant 0 : i32
        %cond3A_258 = arith.cmpi ne, %convert_element_type3A_256, %cond3A_257 : i32
        scf.if %cond3A_258 {
          %sub3A = arith.constant 2 : i32
          %sub3A_369 = arith.subi %add3A_224, %sub3A : i32
          %dma_wait3A_370 = arith.constant 3 : i32
          %dma_wait3A_371 = arith.constant 0 : i32
          %dma_wait3A_372 = tpu.memref_slice %arg13[%sub3A_369, %dma_wait3A_371] : memref<250x80xi32, #tpu.memory_space<vmem>> -> memref<1x80xi32, #tpu.memory_space<vmem>>
          %dma_wait3A_373 = tpu.memref_squeeze %dma_wait3A_372 : memref<1x80xi32, #tpu.memory_space<vmem>> -> memref<80xi32, #tpu.memory_space<vmem>>
          %dma_wait3A_374 = arith.constant 0 : i32
          %dma_wait3A_375 = arith.constant 0 : i32
          %dma_wait3A_376 = tpu.memref_slice %arg22[%dma_wait3A_374, %dma_wait3A_375] : memref<10000x64xf32, #tpu.memory_space<vmem_shared>> -> memref<10000x64xf32, #tpu.memory_space<vmem_shared>>
          %dma_wait3A_377 = tpu.memref_slice %arg20[%dma_wait3A_370] : memref<4x!tpu.dma_semaphore, #tpu.memory_space<semaphore_mem>> -> memref<1x!tpu.dma_semaphore, #tpu.memory_space<semaphore_mem>>
          %dma_wait3A_378 = tpu.memref_squeeze %dma_wait3A_377 : memref<1x!tpu.dma_semaphore, #tpu.memory_space<semaphore_mem>> -> memref<!tpu.dma_semaphore, #tpu.memory_space<semaphore_mem>>
          tpu.wait_indirect_dma semaphore(%dma_wait3A_378 : memref<!tpu.dma_semaphore, #tpu.memory_space<semaphore_mem>>) src(%arg17 : memref<80x64xf32, #tpu.memory_space<vmem>>) dst(%dma_wait3A_376 : memref<10000x64xf32, #tpu.memory_space<vmem_shared>>)
        } else {
        }
        %add3A_259 = arith.constant 2 : i32
        %add3A_260 = arith.addi %add3A_224, %add3A_259 : i32
        %dma_start3A_261 = arith.constant 3 : i32
        %dma_start3A_262 = arith.constant 0 : i32
        %dma_start3A_263 = tpu.memref_slice %arg12[%add3A_260, %dma_start3A_262] : memref<250x80xi32, #tpu.memory_space<vmem>> -> memref<1x80xi32, #tpu.memory_space<vmem>>
        %dma_start3A_264 = tpu.memref_squeeze %dma_start3A_263 : memref<1x80xi32, #tpu.memory_space<vmem>> -> memref<80xi32, #tpu.memory_space<vmem>>
        %dma_start3A_265 = arith.constant 0 : i32
        %dma_start3A_266 = arith.constant 0 : i32
        %dma_start3A_267 = tpu.memref_slice %arg2[%dma_start3A_265, %dma_start3A_266] : memref<10000x64xf32, #tpu.memory_space<hbm>> -> memref<10000x64xf32, #tpu.memory_space<hbm>>
        %dma_start3A_268 = tpu.memref_slice %arg19[%dma_start3A_261] : memref<4x!tpu.dma_semaphore, #tpu.memory_space<semaphore_mem>> -> memref<1x!tpu.dma_semaphore, #tpu.memory_space<semaphore_mem>>
        %dma_start3A_269 = tpu.memref_squeeze %dma_start3A_268 : memref<1x!tpu.dma_semaphore, #tpu.memory_space<semaphore_mem>> -> memref<!tpu.dma_semaphore, #tpu.memory_space<semaphore_mem>>
        tpu.enqueue_indirect_dma source(%dma_start3A_267 : memref<10000x64xf32, #tpu.memory_space<hbm>>) target(%arg17 : memref<80x64xf32, #tpu.memory_space<vmem>>) offsets(%dma_start3A_264 : memref<80xi32, #tpu.memory_space<vmem>>) semaphore(%dma_start3A_269 : memref<!tpu.dma_semaphore, #tpu.memory_space<semaphore_mem>>)
        %mul3A_270 = arith.constant 4 : i32
        %mul3A_271 = arith.muli %mul3A_270, %scan3A_173 : i32
        %add3A_272 = arith.constant 2 : i32
        %add3A_273 = arith.addi %mul3A_271, %add3A_272 : i32
        %dma_wait3A_274 = arith.constant 2 : i32
        %dma_wait3A_275 = arith.constant 0 : i32
        %dma_wait3A_276 = tpu.memref_slice %arg12[%add3A_273, %dma_wait3A_275] : memref<250x80xi32, #tpu.memory_space<vmem>> -> memref<1x80xi32, #tpu.memory_space<vmem>>
        %dma_wait3A_277 = tpu.memref_squeeze %dma_wait3A_276 : memref<1x80xi32, #tpu.memory_space<vmem>> -> memref<80xi32, #tpu.memory_space<vmem>>
        %dma_wait3A_278 = arith.constant 0 : i32
        %dma_wait3A_279 = arith.constant 0 : i32
        %dma_wait3A_280 = tpu.memref_slice %arg2[%dma_wait3A_278, %dma_wait3A_279] : memref<10000x64xf32, #tpu.memory_space<hbm>> -> memref<10000x64xf32, #tpu.memory_space<hbm>>
        %dma_wait3A_281 = tpu.memref_slice %arg19[%dma_wait3A_274] : memref<4x!tpu.dma_semaphore, #tpu.memory_space<semaphore_mem>> -> memref<1x!tpu.dma_semaphore, #tpu.memory_space<semaphore_mem>>
        %dma_wait3A_282 = tpu.memref_squeeze %dma_wait3A_281 : memref<1x!tpu.dma_semaphore, #tpu.memory_space<semaphore_mem>> -> memref<!tpu.dma_semaphore, #tpu.memory_space<semaphore_mem>>
        tpu.wait_indirect_dma semaphore(%dma_wait3A_282 : memref<!tpu.dma_semaphore, #tpu.memory_space<semaphore_mem>>) src(%dma_wait3A_280 : memref<10000x64xf32, #tpu.memory_space<hbm>>) dst(%arg16 : memref<80x64xf32, #tpu.memory_space<vmem>>)
        %dma_start3A_283 = arith.constant 2 : i32
        %dma_start3A_284 = arith.constant 0 : i32
        %dma_start3A_285 = tpu.memref_slice %arg13[%add3A_273, %dma_start3A_284] : memref<250x80xi32, #tpu.memory_space<vmem>> -> memref<1x80xi32, #tpu.memory_space<vmem>>
        %dma_start3A_286 = tpu.memref_squeeze %dma_start3A_285 : memref<1x80xi32, #tpu.memory_space<vmem>> -> memref<80xi32, #tpu.memory_space<vmem>>
        %dma_start3A_287 = arith.constant 0 : i32
        %dma_start3A_288 = arith.constant 0 : i32
        %dma_start3A_289 = tpu.memref_slice %arg22[%dma_start3A_287, %dma_start3A_288] : memref<10000x64xf32, #tpu.memory_space<vmem_shared>> -> memref<10000x64xf32, #tpu.memory_space<vmem_shared>>
        %dma_start3A_290 = tpu.memref_slice %arg20[%dma_start3A_283] : memref<4x!tpu.dma_semaphore, #tpu.memory_space<semaphore_mem>> -> memref<1x!tpu.dma_semaphore, #tpu.memory_space<semaphore_mem>>
        %dma_start3A_291 = tpu.memref_squeeze %dma_start3A_290 : memref<1x!tpu.dma_semaphore, #tpu.memory_space<semaphore_mem>> -> memref<!tpu.dma_semaphore, #tpu.memory_space<semaphore_mem>>
        tpu.enqueue_indirect_dma source(%arg16 : memref<80x64xf32, #tpu.memory_space<vmem>>) target(%dma_start3A_289 : memref<10000x64xf32, #tpu.memory_space<vmem_shared>>) offsets(%dma_start3A_286 : memref<80xi32, #tpu.memory_space<vmem>>) semaphore(%dma_start3A_291 : memref<!tpu.dma_semaphore, #tpu.memory_space<semaphore_mem>>) {add = true}
        %dma_start3A_292 = arith.constant 0 : i32
        %dma_start3A_293 = tpu.memref_slice %arg13[%add3A_273, %dma_start3A_292] : memref<250x80xi32, #tpu.memory_space<vmem>> -> memref<1x80xi32, #tpu.memory_space<vmem>>
        %dma_start3A_294 = tpu.memref_squeeze %dma_start3A_293 : memref<1x80xi32, #tpu.memory_space<vmem>> -> memref<80xi32, #tpu.memory_space<vmem>>
        %dma_start3A_295 = arith.constant 0 : i32
        %dma_start3A_296 = arith.constant 0 : i32
        %dma_start3A_297 = tpu.memref_slice %arg25[%dma_start3A_295, %dma_start3A_296] : memref<10000x8xf32, #tpu.memory_space<vmem_shared>> -> memref<10000x8xf32, #tpu.memory_space<vmem_shared>>
        tpu.enqueue_indirect_dma source(%arg23 : memref<80x8xf32, #tpu.memory_space<vmem>>) target(%dma_start3A_297 : memref<10000x8xf32, #tpu.memory_space<vmem_shared>>) offsets(%dma_start3A_294 : memref<80xi32, #tpu.memory_space<vmem>>) semaphore(%arg21 : memref<!tpu.dma_semaphore, #tpu.memory_space<semaphore_mem>>) {add = true}
        %ge3A_298 = arith.constant 2 : i32
        %ge3A_299 = arith.cmpi sge, %add3A_273, %ge3A_298 : i32
        %convert_element_type3A_300 = arith.extui %ge3A_299 : i1 to i32
        %cond3A_301 = arith.constant 0 : i32
        %cond3A_302 = arith.cmpi ne, %convert_element_type3A_300, %cond3A_301 : i32
        scf.if %cond3A_302 {
          %sub3A = arith.constant 2 : i32
          %sub3A_369 = arith.subi %add3A_273, %sub3A : i32
          %dma_wait3A_370 = arith.constant 0 : i32
          %dma_wait3A_371 = tpu.memref_slice %arg13[%sub3A_369, %dma_wait3A_370] : memref<250x80xi32, #tpu.memory_space<vmem>> -> memref<1x80xi32, #tpu.memory_space<vmem>>
          %dma_wait3A_372 = tpu.memref_squeeze %dma_wait3A_371 : memref<1x80xi32, #tpu.memory_space<vmem>> -> memref<80xi32, #tpu.memory_space<vmem>>
          %dma_wait3A_373 = arith.constant 0 : i32
          %dma_wait3A_374 = arith.constant 0 : i32
          %dma_wait3A_375 = tpu.memref_slice %arg25[%dma_wait3A_373, %dma_wait3A_374] : memref<10000x8xf32, #tpu.memory_space<vmem_shared>> -> memref<10000x8xf32, #tpu.memory_space<vmem_shared>>
          tpu.wait_indirect_dma semaphore(%arg21 : memref<!tpu.dma_semaphore, #tpu.memory_space<semaphore_mem>>) src(%arg23 : memref<80x8xf32, #tpu.memory_space<vmem>>) dst(%dma_wait3A_375 : memref<10000x8xf32, #tpu.memory_space<vmem_shared>>)
        } else {
        }
        %ge3A_303 = arith.constant 2 : i32
        %ge3A_304 = arith.cmpi sge, %add3A_273, %ge3A_303 : i32
        %convert_element_type3A_305 = arith.extui %ge3A_304 : i1 to i32
        %cond3A_306 = arith.constant 0 : i32
        %cond3A_307 = arith.cmpi ne, %convert_element_type3A_305, %cond3A_306 : i32
        scf.if %cond3A_307 {
          %sub3A = arith.constant 2 : i32
          %sub3A_369 = arith.subi %add3A_273, %sub3A : i32
          %dma_wait3A_370 = arith.constant 0 : i32
          %dma_wait3A_371 = arith.constant 0 : i32
          %dma_wait3A_372 = tpu.memref_slice %arg13[%sub3A_369, %dma_wait3A_371] : memref<250x80xi32, #tpu.memory_space<vmem>> -> memref<1x80xi32, #tpu.memory_space<vmem>>
          %dma_wait3A_373 = tpu.memref_squeeze %dma_wait3A_372 : memref<1x80xi32, #tpu.memory_space<vmem>> -> memref<80xi32, #tpu.memory_space<vmem>>
          %dma_wait3A_374 = arith.constant 0 : i32
          %dma_wait3A_375 = arith.constant 0 : i32
          %dma_wait3A_376 = tpu.memref_slice %arg22[%dma_wait3A_374, %dma_wait3A_375] : memref<10000x64xf32, #tpu.memory_space<vmem_shared>> -> memref<10000x64xf32, #tpu.memory_space<vmem_shared>>
          %dma_wait3A_377 = tpu.memref_slice %arg20[%dma_wait3A_370] : memref<4x!tpu.dma_semaphore, #tpu.memory_space<semaphore_mem>> -> memref<1x!tpu.dma_semaphore, #tpu.memory_space<semaphore_mem>>
          %dma_wait3A_378 = tpu.memref_squeeze %dma_wait3A_377 : memref<1x!tpu.dma_semaphore, #tpu.memory_space<semaphore_mem>> -> memref<!tpu.dma_semaphore, #tpu.memory_space<semaphore_mem>>
          tpu.wait_indirect_dma semaphore(%dma_wait3A_378 : memref<!tpu.dma_semaphore, #tpu.memory_space<semaphore_mem>>) src(%arg14 : memref<80x64xf32, #tpu.memory_space<vmem>>) dst(%dma_wait3A_376 : memref<10000x64xf32, #tpu.memory_space<vmem_shared>>)
        } else {
        }
        %add3A_308 = arith.constant 2 : i32
        %add3A_309 = arith.addi %add3A_273, %add3A_308 : i32
        %dma_start3A_310 = arith.constant 0 : i32
        %dma_start3A_311 = arith.constant 0 : i32
        %dma_start3A_312 = tpu.memref_slice %arg12[%add3A_309, %dma_start3A_311] : memref<250x80xi32, #tpu.memory_space<vmem>> -> memref<1x80xi32, #tpu.memory_space<vmem>>
        %dma_start3A_313 = tpu.memref_squeeze %dma_start3A_312 : memref<1x80xi32, #tpu.memory_space<vmem>> -> memref<80xi32, #tpu.memory_space<vmem>>
        %dma_start3A_314 = arith.constant 0 : i32
        %dma_start3A_315 = arith.constant 0 : i32
        %dma_start3A_316 = tpu.memref_slice %arg2[%dma_start3A_314, %dma_start3A_315] : memref<10000x64xf32, #tpu.memory_space<hbm>> -> memref<10000x64xf32, #tpu.memory_space<hbm>>
        %dma_start3A_317 = tpu.memref_slice %arg19[%dma_start3A_310] : memref<4x!tpu.dma_semaphore, #tpu.memory_space<semaphore_mem>> -> memref<1x!tpu.dma_semaphore, #tpu.memory_space<semaphore_mem>>
        %dma_start3A_318 = tpu.memref_squeeze %dma_start3A_317 : memref<1x!tpu.dma_semaphore, #tpu.memory_space<semaphore_mem>> -> memref<!tpu.dma_semaphore, #tpu.memory_space<semaphore_mem>>
        tpu.enqueue_indirect_dma source(%dma_start3A_316 : memref<10000x64xf32, #tpu.memory_space<hbm>>) target(%arg14 : memref<80x64xf32, #tpu.memory_space<vmem>>) offsets(%dma_start3A_313 : memref<80xi32, #tpu.memory_space<vmem>>) semaphore(%dma_start3A_318 : memref<!tpu.dma_semaphore, #tpu.memory_space<semaphore_mem>>)
        %mul3A_319 = arith.constant 4 : i32
        %mul3A_320 = arith.muli %mul3A_319, %scan3A_173 : i32
        %add3A_321 = arith.constant 3 : i32
        %add3A_322 = arith.addi %mul3A_320, %add3A_321 : i32
        %dma_wait3A_323 = arith.constant 3 : i32
        %dma_wait3A_324 = arith.constant 0 : i32
        %dma_wait3A_325 = tpu.memref_slice %arg12[%add3A_322, %dma_wait3A_324] : memref<250x80xi32, #tpu.memory_space<vmem>> -> memref<1x80xi32, #tpu.memory_space<vmem>>
        %dma_wait3A_326 = tpu.memref_squeeze %dma_wait3A_325 : memref<1x80xi32, #tpu.memory_space<vmem>> -> memref<80xi32, #tpu.memory_space<vmem>>
        %dma_wait3A_327 = arith.constant 0 : i32
        %dma_wait3A_328 = arith.constant 0 : i32
        %dma_wait3A_329 = tpu.memref_slice %arg2[%dma_wait3A_327, %dma_wait3A_328] : memref<10000x64xf32, #tpu.memory_space<hbm>> -> memref<10000x64xf32, #tpu.memory_space<hbm>>
        %dma_wait3A_330 = tpu.memref_slice %arg19[%dma_wait3A_323] : memref<4x!tpu.dma_semaphore, #tpu.memory_space<semaphore_mem>> -> memref<1x!tpu.dma_semaphore, #tpu.memory_space<semaphore_mem>>
        %dma_wait3A_331 = tpu.memref_squeeze %dma_wait3A_330 : memref<1x!tpu.dma_semaphore, #tpu.memory_space<semaphore_mem>> -> memref<!tpu.dma_semaphore, #tpu.memory_space<semaphore_mem>>
        tpu.wait_indirect_dma semaphore(%dma_wait3A_331 : memref<!tpu.dma_semaphore, #tpu.memory_space<semaphore_mem>>) src(%dma_wait3A_329 : memref<10000x64xf32, #tpu.memory_space<hbm>>) dst(%arg17 : memref<80x64xf32, #tpu.memory_space<vmem>>)
        %dma_start3A_332 = arith.constant 3 : i32
        %dma_start3A_333 = arith.constant 0 : i32
        %dma_start3A_334 = tpu.memref_slice %arg13[%add3A_322, %dma_start3A_333] : memref<250x80xi32, #tpu.memory_space<vmem>> -> memref<1x80xi32, #tpu.memory_space<vmem>>
        %dma_start3A_335 = tpu.memref_squeeze %dma_start3A_334 : memref<1x80xi32, #tpu.memory_space<vmem>> -> memref<80xi32, #tpu.memory_space<vmem>>
        %dma_start3A_336 = arith.constant 0 : i32
        %dma_start3A_337 = arith.constant 0 : i32
        %dma_start3A_338 = tpu.memref_slice %arg22[%dma_start3A_336, %dma_start3A_337] : memref<10000x64xf32, #tpu.memory_space<vmem_shared>> -> memref<10000x64xf32, #tpu.memory_space<vmem_shared>>
        %dma_start3A_339 = tpu.memref_slice %arg20[%dma_start3A_332] : memref<4x!tpu.dma_semaphore, #tpu.memory_space<semaphore_mem>> -> memref<1x!tpu.dma_semaphore, #tpu.memory_space<semaphore_mem>>
        %dma_start3A_340 = tpu.memref_squeeze %dma_start3A_339 : memref<1x!tpu.dma_semaphore, #tpu.memory_space<semaphore_mem>> -> memref<!tpu.dma_semaphore, #tpu.memory_space<semaphore_mem>>
        tpu.enqueue_indirect_dma source(%arg17 : memref<80x64xf32, #tpu.memory_space<vmem>>) target(%dma_start3A_338 : memref<10000x64xf32, #tpu.memory_space<vmem_shared>>) offsets(%dma_start3A_335 : memref<80xi32, #tpu.memory_space<vmem>>) semaphore(%dma_start3A_340 : memref<!tpu.dma_semaphore, #tpu.memory_space<semaphore_mem>>) {add = true}
        %dma_start3A_341 = arith.constant 0 : i32
        %dma_start3A_342 = tpu.memref_slice %arg13[%add3A_322, %dma_start3A_341] : memref<250x80xi32, #tpu.memory_space<vmem>> -> memref<1x80xi32, #tpu.memory_space<vmem>>
        %dma_start3A_343 = tpu.memref_squeeze %dma_start3A_342 : memref<1x80xi32, #tpu.memory_space<vmem>> -> memref<80xi32, #tpu.memory_space<vmem>>
        %dma_start3A_344 = arith.constant 0 : i32
        %dma_start3A_345 = arith.constant 0 : i32
        %dma_start3A_346 = tpu.memref_slice %arg25[%dma_start3A_344, %dma_start3A_345] : memref<10000x8xf32, #tpu.memory_space<vmem_shared>> -> memref<10000x8xf32, #tpu.memory_space<vmem_shared>>
        tpu.enqueue_indirect_dma source(%arg23 : memref<80x8xf32, #tpu.memory_space<vmem>>) target(%dma_start3A_346 : memref<10000x8xf32, #tpu.memory_space<vmem_shared>>) offsets(%dma_start3A_343 : memref<80xi32, #tpu.memory_space<vmem>>) semaphore(%arg21 : memref<!tpu.dma_semaphore, #tpu.memory_space<semaphore_mem>>) {add = true}
        %ge3A_347 = arith.constant 2 : i32
        %ge3A_348 = arith.cmpi sge, %add3A_322, %ge3A_347 : i32
        %convert_element_type3A_349 = arith.extui %ge3A_348 : i1 to i32
        %cond3A_350 = arith.constant 0 : i32
        %cond3A_351 = arith.cmpi ne, %convert_element_type3A_349, %cond3A_350 : i32
        scf.if %cond3A_351 {
          %sub3A = arith.constant 2 : i32
          %sub3A_369 = arith.subi %add3A_322, %sub3A : i32
          %dma_wait3A_370 = arith.constant 0 : i32
          %dma_wait3A_371 = tpu.memref_slice %arg13[%sub3A_369, %dma_wait3A_370] : memref<250x80xi32, #tpu.memory_space<vmem>> -> memref<1x80xi32, #tpu.memory_space<vmem>>
          %dma_wait3A_372 = tpu.memref_squeeze %dma_wait3A_371 : memref<1x80xi32, #tpu.memory_space<vmem>> -> memref<80xi32, #tpu.memory_space<vmem>>
          %dma_wait3A_373 = arith.constant 0 : i32
          %dma_wait3A_374 = arith.constant 0 : i32
          %dma_wait3A_375 = tpu.memref_slice %arg25[%dma_wait3A_373, %dma_wait3A_374] : memref<10000x8xf32, #tpu.memory_space<vmem_shared>> -> memref<10000x8xf32, #tpu.memory_space<vmem_shared>>
          tpu.wait_indirect_dma semaphore(%arg21 : memref<!tpu.dma_semaphore, #tpu.memory_space<semaphore_mem>>) src(%arg23 : memref<80x8xf32, #tpu.memory_space<vmem>>) dst(%dma_wait3A_375 : memref<10000x8xf32, #tpu.memory_space<vmem_shared>>)
        } else {
        }
        %ge3A_352 = arith.constant 2 : i32
        %ge3A_353 = arith.cmpi sge, %add3A_322, %ge3A_352 : i32
        %convert_element_type3A_354 = arith.extui %ge3A_353 : i1 to i32
        %cond3A_355 = arith.constant 0 : i32
        %cond3A_356 = arith.cmpi ne, %convert_element_type3A_354, %cond3A_355 : i32
        scf.if %cond3A_356 {
          %sub3A = arith.constant 2 : i32
          %sub3A_369 = arith.subi %add3A_322, %sub3A : i32
          %dma_wait3A_370 = arith.constant 1 : i32
          %dma_wait3A_371 = arith.constant 0 : i32
          %dma_wait3A_372 = tpu.memref_slice %arg13[%sub3A_369, %dma_wait3A_371] : memref<250x80xi32, #tpu.memory_space<vmem>> -> memref<1x80xi32, #tpu.memory_space<vmem>>
          %dma_wait3A_373 = tpu.memref_squeeze %dma_wait3A_372 : memref<1x80xi32, #tpu.memory_space<vmem>> -> memref<80xi32, #tpu.memory_space<vmem>>
          %dma_wait3A_374 = arith.constant 0 : i32
          %dma_wait3A_375 = arith.constant 0 : i32
          %dma_wait3A_376 = tpu.memref_slice %arg22[%dma_wait3A_374, %dma_wait3A_375] : memref<10000x64xf32, #tpu.memory_space<vmem_shared>> -> memref<10000x64xf32, #tpu.memory_space<vmem_shared>>
          %dma_wait3A_377 = tpu.memref_slice %arg20[%dma_wait3A_370] : memref<4x!tpu.dma_semaphore, #tpu.memory_space<semaphore_mem>> -> memref<1x!tpu.dma_semaphore, #tpu.memory_space<semaphore_mem>>
          %dma_wait3A_378 = tpu.memref_squeeze %dma_wait3A_377 : memref<1x!tpu.dma_semaphore, #tpu.memory_space<semaphore_mem>> -> memref<!tpu.dma_semaphore, #tpu.memory_space<semaphore_mem>>
          tpu.wait_indirect_dma semaphore(%dma_wait3A_378 : memref<!tpu.dma_semaphore, #tpu.memory_space<semaphore_mem>>) src(%arg15 : memref<80x64xf32, #tpu.memory_space<vmem>>) dst(%dma_wait3A_376 : memref<10000x64xf32, #tpu.memory_space<vmem_shared>>)
        } else {
        }
        %add3A_357 = arith.constant 2 : i32
        %add3A_358 = arith.addi %add3A_322, %add3A_357 : i32
        %dma_start3A_359 = arith.constant 1 : i32
        %dma_start3A_360 = arith.constant 0 : i32
        %dma_start3A_361 = tpu.memref_slice %arg12[%add3A_358, %dma_start3A_360] : memref<250x80xi32, #tpu.memory_space<vmem>> -> memref<1x80xi32, #tpu.memory_space<vmem>>
        %dma_start3A_362 = tpu.memref_squeeze %dma_start3A_361 : memref<1x80xi32, #tpu.memory_space<vmem>> -> memref<80xi32, #tpu.memory_space<vmem>>
        %dma_start3A_363 = arith.constant 0 : i32
        %dma_start3A_364 = arith.constant 0 : i32
        %dma_start3A_365 = tpu.memref_slice %arg2[%dma_start3A_363, %dma_start3A_364] : memref<10000x64xf32, #tpu.memory_space<hbm>> -> memref<10000x64xf32, #tpu.memory_space<hbm>>
        %dma_start3A_366 = tpu.memref_slice %arg19[%dma_start3A_359] : memref<4x!tpu.dma_semaphore, #tpu.memory_space<semaphore_mem>> -> memref<1x!tpu.dma_semaphore, #tpu.memory_space<semaphore_mem>>
        %dma_start3A_367 = tpu.memref_squeeze %dma_start3A_366 : memref<1x!tpu.dma_semaphore, #tpu.memory_space<semaphore_mem>> -> memref<!tpu.dma_semaphore, #tpu.memory_space<semaphore_mem>>
        tpu.enqueue_indirect_dma source(%dma_start3A_365 : memref<10000x64xf32, #tpu.memory_space<hbm>>) target(%arg15 : memref<80x64xf32, #tpu.memory_space<vmem>>) offsets(%dma_start3A_362 : memref<80xi32, #tpu.memory_space<vmem>>) semaphore(%dma_start3A_367 : memref<!tpu.dma_semaphore, #tpu.memory_space<semaphore_mem>>)
        %scan3A_368 = arith.constant 0 : i32
        scf.yield %scan3A_368 : i32
      }
      %scan3A_51 = arith.constant 62 : i32
      %dma_wait3A = arith.constant 248 : i32
      %dma_wait3A_52 = arith.constant 0 : i32
      %dma_wait3A_53 = arith.constant 0 : i32
      %dma_wait3A_54 = tpu.memref_slice %arg12[%dma_wait3A, %dma_wait3A_53] : memref<250x80xi32, #tpu.memory_space<vmem>> -> memref<1x80xi32, #tpu.memory_space<vmem>>
      %dma_wait3A_55 = tpu.memref_squeeze %dma_wait3A_54 : memref<1x80xi32, #tpu.memory_space<vmem>> -> memref<80xi32, #tpu.memory_space<vmem>>
      %dma_wait3A_56 = arith.constant 0 : i32
      %dma_wait3A_57 = arith.constant 0 : i32
      %dma_wait3A_58 = tpu.memref_slice %arg2[%dma_wait3A_56, %dma_wait3A_57] : memref<10000x64xf32, #tpu.memory_space<hbm>> -> memref<10000x64xf32, #tpu.memory_space<hbm>>
      %dma_wait3A_59 = tpu.memref_slice %arg19[%dma_wait3A_52] : memref<4x!tpu.dma_semaphore, #tpu.memory_space<semaphore_mem>> -> memref<1x!tpu.dma_semaphore, #tpu.memory_space<semaphore_mem>>
      %dma_wait3A_60 = tpu.memref_squeeze %dma_wait3A_59 : memref<1x!tpu.dma_semaphore, #tpu.memory_space<semaphore_mem>> -> memref<!tpu.dma_semaphore, #tpu.memory_space<semaphore_mem>>
      tpu.wait_indirect_dma semaphore(%dma_wait3A_60 : memref<!tpu.dma_semaphore, #tpu.memory_space<semaphore_mem>>) src(%dma_wait3A_58 : memref<10000x64xf32, #tpu.memory_space<hbm>>) dst(%arg14 : memref<80x64xf32, #tpu.memory_space<vmem>>)
      %dma_start3A_61 = arith.constant 248 : i32
      %dma_start3A_62 = arith.constant 0 : i32
      %dma_start3A_63 = arith.constant 0 : i32
      %dma_start3A_64 = tpu.memref_slice %arg13[%dma_start3A_61, %dma_start3A_63] : memref<250x80xi32, #tpu.memory_space<vmem>> -> memref<1x80xi32, #tpu.memory_space<vmem>>
      %dma_start3A_65 = tpu.memref_squeeze %dma_start3A_64 : memref<1x80xi32, #tpu.memory_space<vmem>> -> memref<80xi32, #tpu.memory_space<vmem>>
      %dma_start3A_66 = arith.constant 0 : i32
      %dma_start3A_67 = arith.constant 0 : i32
      %dma_start3A_68 = tpu.memref_slice %arg22[%dma_start3A_66, %dma_start3A_67] : memref<10000x64xf32, #tpu.memory_space<vmem_shared>> -> memref<10000x64xf32, #tpu.memory_space<vmem_shared>>
      %dma_start3A_69 = tpu.memref_slice %arg20[%dma_start3A_62] : memref<4x!tpu.dma_semaphore, #tpu.memory_space<semaphore_mem>> -> memref<1x!tpu.dma_semaphore, #tpu.memory_space<semaphore_mem>>
      %dma_start3A_70 = tpu.memref_squeeze %dma_start3A_69 : memref<1x!tpu.dma_semaphore, #tpu.memory_space<semaphore_mem>> -> memref<!tpu.dma_semaphore, #tpu.memory_space<semaphore_mem>>
      tpu.enqueue_indirect_dma source(%arg14 : memref<80x64xf32, #tpu.memory_space<vmem>>) target(%dma_start3A_68 : memref<10000x64xf32, #tpu.memory_space<vmem_shared>>) offsets(%dma_start3A_65 : memref<80xi32, #tpu.memory_space<vmem>>) semaphore(%dma_start3A_70 : memref<!tpu.dma_semaphore, #tpu.memory_space<semaphore_mem>>) {add = true}
      %dma_start3A_71 = arith.constant 248 : i32
      %dma_start3A_72 = arith.constant 0 : i32
      %dma_start3A_73 = tpu.memref_slice %arg13[%dma_start3A_71, %dma_start3A_72] : memref<250x80xi32, #tpu.memory_space<vmem>> -> memref<1x80xi32, #tpu.memory_space<vmem>>
      %dma_start3A_74 = tpu.memref_squeeze %dma_start3A_73 : memref<1x80xi32, #tpu.memory_space<vmem>> -> memref<80xi32, #tpu.memory_space<vmem>>
      %dma_start3A_75 = arith.constant 0 : i32
      %dma_start3A_76 = arith.constant 0 : i32
      %dma_start3A_77 = tpu.memref_slice %arg25[%dma_start3A_75, %dma_start3A_76] : memref<10000x8xf32, #tpu.memory_space<vmem_shared>> -> memref<10000x8xf32, #tpu.memory_space<vmem_shared>>
      tpu.enqueue_indirect_dma source(%arg23 : memref<80x8xf32, #tpu.memory_space<vmem>>) target(%dma_start3A_77 : memref<10000x8xf32, #tpu.memory_space<vmem_shared>>) offsets(%dma_start3A_74 : memref<80xi32, #tpu.memory_space<vmem>>) semaphore(%arg21 : memref<!tpu.dma_semaphore, #tpu.memory_space<semaphore_mem>>) {add = true}
      %dma_wait3A_78 = arith.constant 246 : i32
      %dma_wait3A_79 = arith.constant 0 : i32
      %dma_wait3A_80 = tpu.memref_slice %arg13[%dma_wait3A_78, %dma_wait3A_79] : memref<250x80xi32, #tpu.memory_space<vmem>> -> memref<1x80xi32, #tpu.memory_space<vmem>>
      %dma_wait3A_81 = tpu.memref_squeeze %dma_wait3A_80 : memref<1x80xi32, #tpu.memory_space<vmem>> -> memref<80xi32, #tpu.memory_space<vmem>>
      %dma_wait3A_82 = arith.constant 0 : i32
      %dma_wait3A_83 = arith.constant 0 : i32
      %dma_wait3A_84 = tpu.memref_slice %arg25[%dma_wait3A_82, %dma_wait3A_83] : memref<10000x8xf32, #tpu.memory_space<vmem_shared>> -> memref<10000x8xf32, #tpu.memory_space<vmem_shared>>
      tpu.wait_indirect_dma semaphore(%arg21 : memref<!tpu.dma_semaphore, #tpu.memory_space<semaphore_mem>>) src(%arg23 : memref<80x8xf32, #tpu.memory_space<vmem>>) dst(%dma_wait3A_84 : memref<10000x8xf32, #tpu.memory_space<vmem_shared>>)
      %dma_wait3A_85 = arith.constant 249 : i32
      %dma_wait3A_86 = arith.constant 1 : i32
      %dma_wait3A_87 = arith.constant 0 : i32
      %dma_wait3A_88 = tpu.memref_slice %arg12[%dma_wait3A_85, %dma_wait3A_87] : memref<250x80xi32, #tpu.memory_space<vmem>> -> memref<1x80xi32, #tpu.memory_space<vmem>>
      %dma_wait3A_89 = tpu.memref_squeeze %dma_wait3A_88 : memref<1x80xi32, #tpu.memory_space<vmem>> -> memref<80xi32, #tpu.memory_space<vmem>>
      %dma_wait3A_90 = arith.constant 0 : i32
      %dma_wait3A_91 = arith.constant 0 : i32
      %dma_wait3A_92 = tpu.memref_slice %arg2[%dma_wait3A_90, %dma_wait3A_91] : memref<10000x64xf32, #tpu.memory_space<hbm>> -> memref<10000x64xf32, #tpu.memory_space<hbm>>
      %dma_wait3A_93 = tpu.memref_slice %arg19[%dma_wait3A_86] : memref<4x!tpu.dma_semaphore, #tpu.memory_space<semaphore_mem>> -> memref<1x!tpu.dma_semaphore, #tpu.memory_space<semaphore_mem>>
      %dma_wait3A_94 = tpu.memref_squeeze %dma_wait3A_93 : memref<1x!tpu.dma_semaphore, #tpu.memory_space<semaphore_mem>> -> memref<!tpu.dma_semaphore, #tpu.memory_space<semaphore_mem>>
      tpu.wait_indirect_dma semaphore(%dma_wait3A_94 : memref<!tpu.dma_semaphore, #tpu.memory_space<semaphore_mem>>) src(%dma_wait3A_92 : memref<10000x64xf32, #tpu.memory_space<hbm>>) dst(%arg15 : memref<80x64xf32, #tpu.memory_space<vmem>>)
      %dma_start3A_95 = arith.constant 249 : i32
      %dma_start3A_96 = arith.constant 1 : i32
      %dma_start3A_97 = arith.constant 0 : i32
      %dma_start3A_98 = tpu.memref_slice %arg13[%dma_start3A_95, %dma_start3A_97] : memref<250x80xi32, #tpu.memory_space<vmem>> -> memref<1x80xi32, #tpu.memory_space<vmem>>
      %dma_start3A_99 = tpu.memref_squeeze %dma_start3A_98 : memref<1x80xi32, #tpu.memory_space<vmem>> -> memref<80xi32, #tpu.memory_space<vmem>>
      %dma_start3A_100 = arith.constant 0 : i32
      %dma_start3A_101 = arith.constant 0 : i32
      %dma_start3A_102 = tpu.memref_slice %arg22[%dma_start3A_100, %dma_start3A_101] : memref<10000x64xf32, #tpu.memory_space<vmem_shared>> -> memref<10000x64xf32, #tpu.memory_space<vmem_shared>>
      %dma_start3A_103 = tpu.memref_slice %arg20[%dma_start3A_96] : memref<4x!tpu.dma_semaphore, #tpu.memory_space<semaphore_mem>> -> memref<1x!tpu.dma_semaphore, #tpu.memory_space<semaphore_mem>>
      %dma_start3A_104 = tpu.memref_squeeze %dma_start3A_103 : memref<1x!tpu.dma_semaphore, #tpu.memory_space<semaphore_mem>> -> memref<!tpu.dma_semaphore, #tpu.memory_space<semaphore_mem>>
      tpu.enqueue_indirect_dma source(%arg15 : memref<80x64xf32, #tpu.memory_space<vmem>>) target(%dma_start3A_102 : memref<10000x64xf32, #tpu.memory_space<vmem_shared>>) offsets(%dma_start3A_99 : memref<80xi32, #tpu.memory_space<vmem>>) semaphore(%dma_start3A_104 : memref<!tpu.dma_semaphore, #tpu.memory_space<semaphore_mem>>) {add = true}
      %dma_start3A_105 = arith.constant 249 : i32
      %dma_start3A_106 = arith.constant 0 : i32
      %dma_start3A_107 = tpu.memref_slice %arg13[%dma_start3A_105, %dma_start3A_106] : memref<250x80xi32, #tpu.memory_space<vmem>> -> memref<1x80xi32, #tpu.memory_space<vmem>>
      %dma_start3A_108 = tpu.memref_squeeze %dma_start3A_107 : memref<1x80xi32, #tpu.memory_space<vmem>> -> memref<80xi32, #tpu.memory_space<vmem>>
      %dma_start3A_109 = arith.constant 0 : i32
      %dma_start3A_110 = arith.constant 0 : i32
      %dma_start3A_111 = tpu.memref_slice %arg25[%dma_start3A_109, %dma_start3A_110] : memref<10000x8xf32, #tpu.memory_space<vmem_shared>> -> memref<10000x8xf32, #tpu.memory_space<vmem_shared>>
      tpu.enqueue_indirect_dma source(%arg23 : memref<80x8xf32, #tpu.memory_space<vmem>>) target(%dma_start3A_111 : memref<10000x8xf32, #tpu.memory_space<vmem_shared>>) offsets(%dma_start3A_108 : memref<80xi32, #tpu.memory_space<vmem>>) semaphore(%arg21 : memref<!tpu.dma_semaphore, #tpu.memory_space<semaphore_mem>>) {add = true}
      %dma_wait3A_112 = arith.constant 247 : i32
      %dma_wait3A_113 = arith.constant 0 : i32
      %dma_wait3A_114 = tpu.memref_slice %arg13[%dma_wait3A_112, %dma_wait3A_113] : memref<250x80xi32, #tpu.memory_space<vmem>> -> memref<1x80xi32, #tpu.memory_space<vmem>>
      %dma_wait3A_115 = tpu.memref_squeeze %dma_wait3A_114 : memref<1x80xi32, #tpu.memory_space<vmem>> -> memref<80xi32, #tpu.memory_space<vmem>>
      %dma_wait3A_116 = arith.constant 0 : i32
      %dma_wait3A_117 = arith.constant 0 : i32
      %dma_wait3A_118 = tpu.memref_slice %arg25[%dma_wait3A_116, %dma_wait3A_117] : memref<10000x8xf32, #tpu.memory_space<vmem_shared>> -> memref<10000x8xf32, #tpu.memory_space<vmem_shared>>
      tpu.wait_indirect_dma semaphore(%arg21 : memref<!tpu.dma_semaphore, #tpu.memory_space<semaphore_mem>>) src(%arg23 : memref<80x8xf32, #tpu.memory_space<vmem>>) dst(%dma_wait3A_118 : memref<10000x8xf32, #tpu.memory_space<vmem_shared>>)
      %dma_wait3A_119 = arith.constant 246 : i32
      %dma_wait3A_120 = arith.constant 2 : i32
      %dma_wait3A_121 = arith.constant 0 : i32
      %dma_wait3A_122 = tpu.memref_slice %arg13[%dma_wait3A_119, %dma_wait3A_121] : memref<250x80xi32, #tpu.memory_space<vmem>> -> memref<1x80xi32, #tpu.memory_space<vmem>>
      %dma_wait3A_123 = tpu.memref_squeeze %dma_wait3A_122 : memref<1x80xi32, #tpu.memory_space<vmem>> -> memref<80xi32, #tpu.memory_space<vmem>>
      %dma_wait3A_124 = arith.constant 0 : i32
      %dma_wait3A_125 = arith.constant 0 : i32
      %dma_wait3A_126 = tpu.memref_slice %arg22[%dma_wait3A_124, %dma_wait3A_125] : memref<10000x64xf32, #tpu.memory_space<vmem_shared>> -> memref<10000x64xf32, #tpu.memory_space<vmem_shared>>
      %dma_wait3A_127 = tpu.memref_slice %arg20[%dma_wait3A_120] : memref<4x!tpu.dma_semaphore, #tpu.memory_space<semaphore_mem>> -> memref<1x!tpu.dma_semaphore, #tpu.memory_space<semaphore_mem>>
      %dma_wait3A_128 = tpu.memref_squeeze %dma_wait3A_127 : memref<1x!tpu.dma_semaphore, #tpu.memory_space<semaphore_mem>> -> memref<!tpu.dma_semaphore, #tpu.memory_space<semaphore_mem>>
      tpu.wait_indirect_dma semaphore(%dma_wait3A_128 : memref<!tpu.dma_semaphore, #tpu.memory_space<semaphore_mem>>) src(%arg16 : memref<80x64xf32, #tpu.memory_space<vmem>>) dst(%dma_wait3A_126 : memref<10000x64xf32, #tpu.memory_space<vmem_shared>>)
      %dma_wait3A_129 = arith.constant 247 : i32
      %dma_wait3A_130 = arith.constant 3 : i32
      %dma_wait3A_131 = arith.constant 0 : i32
      %dma_wait3A_132 = tpu.memref_slice %arg13[%dma_wait3A_129, %dma_wait3A_131] : memref<250x80xi32, #tpu.memory_space<vmem>> -> memref<1x80xi32, #tpu.memory_space<vmem>>
      %dma_wait3A_133 = tpu.memref_squeeze %dma_wait3A_132 : memref<1x80xi32, #tpu.memory_space<vmem>> -> memref<80xi32, #tpu.memory_space<vmem>>
      %dma_wait3A_134 = arith.constant 0 : i32
      %dma_wait3A_135 = arith.constant 0 : i32
      %dma_wait3A_136 = tpu.memref_slice %arg22[%dma_wait3A_134, %dma_wait3A_135] : memref<10000x64xf32, #tpu.memory_space<vmem_shared>> -> memref<10000x64xf32, #tpu.memory_space<vmem_shared>>
      %dma_wait3A_137 = tpu.memref_slice %arg20[%dma_wait3A_130] : memref<4x!tpu.dma_semaphore, #tpu.memory_space<semaphore_mem>> -> memref<1x!tpu.dma_semaphore, #tpu.memory_space<semaphore_mem>>
      %dma_wait3A_138 = tpu.memref_squeeze %dma_wait3A_137 : memref<1x!tpu.dma_semaphore, #tpu.memory_space<semaphore_mem>> -> memref<!tpu.dma_semaphore, #tpu.memory_space<semaphore_mem>>
      tpu.wait_indirect_dma semaphore(%dma_wait3A_138 : memref<!tpu.dma_semaphore, #tpu.memory_space<semaphore_mem>>) src(%arg17 : memref<80x64xf32, #tpu.memory_space<vmem>>) dst(%dma_wait3A_136 : memref<10000x64xf32, #tpu.memory_space<vmem_shared>>)
      %dma_wait3A_139 = arith.constant 248 : i32
      %dma_wait3A_140 = arith.constant 0 : i32
      %dma_wait3A_141 = arith.constant 0 : i32
      %dma_wait3A_142 = tpu.memref_slice %arg13[%dma_wait3A_139, %dma_wait3A_141] : memref<250x80xi32, #tpu.memory_space<vmem>> -> memref<1x80xi32, #tpu.memory_space<vmem>>
      %dma_wait3A_143 = tpu.memref_squeeze %dma_wait3A_142 : memref<1x80xi32, #tpu.memory_space<vmem>> -> memref<80xi32, #tpu.memory_space<vmem>>
      %dma_wait3A_144 = arith.constant 0 : i32
      %dma_wait3A_145 = arith.constant 0 : i32
      %dma_wait3A_146 = tpu.memref_slice %arg22[%dma_wait3A_144, %dma_wait3A_145] : memref<10000x64xf32, #tpu.memory_space<vmem_shared>> -> memref<10000x64xf32, #tpu.memory_space<vmem_shared>>
      %dma_wait3A_147 = tpu.memref_slice %arg20[%dma_wait3A_140] : memref<4x!tpu.dma_semaphore, #tpu.memory_space<semaphore_mem>> -> memref<1x!tpu.dma_semaphore, #tpu.memory_space<semaphore_mem>>
      %dma_wait3A_148 = tpu.memref_squeeze %dma_wait3A_147 : memref<1x!tpu.dma_semaphore, #tpu.memory_space<semaphore_mem>> -> memref<!tpu.dma_semaphore, #tpu.memory_space<semaphore_mem>>
      tpu.wait_indirect_dma semaphore(%dma_wait3A_148 : memref<!tpu.dma_semaphore, #tpu.memory_space<semaphore_mem>>) src(%arg14 : memref<80x64xf32, #tpu.memory_space<vmem>>) dst(%dma_wait3A_146 : memref<10000x64xf32, #tpu.memory_space<vmem_shared>>)
      %dma_wait3A_149 = arith.constant 249 : i32
      %dma_wait3A_150 = arith.constant 1 : i32
      %dma_wait3A_151 = arith.constant 0 : i32
      %dma_wait3A_152 = tpu.memref_slice %arg13[%dma_wait3A_149, %dma_wait3A_151] : memref<250x80xi32, #tpu.memory_space<vmem>> -> memref<1x80xi32, #tpu.memory_space<vmem>>
      %dma_wait3A_153 = tpu.memref_squeeze %dma_wait3A_152 : memref<1x80xi32, #tpu.memory_space<vmem>> -> memref<80xi32, #tpu.memory_space<vmem>>
      %dma_wait3A_154 = arith.constant 0 : i32
      %dma_wait3A_155 = arith.constant 0 : i32
      %dma_wait3A_156 = tpu.memref_slice %arg22[%dma_wait3A_154, %dma_wait3A_155] : memref<10000x64xf32, #tpu.memory_space<vmem_shared>> -> memref<10000x64xf32, #tpu.memory_space<vmem_shared>>
      %dma_wait3A_157 = tpu.memref_slice %arg20[%dma_wait3A_150] : memref<4x!tpu.dma_semaphore, #tpu.memory_space<semaphore_mem>> -> memref<1x!tpu.dma_semaphore, #tpu.memory_space<semaphore_mem>>
      %dma_wait3A_158 = tpu.memref_squeeze %dma_wait3A_157 : memref<1x!tpu.dma_semaphore, #tpu.memory_space<semaphore_mem>> -> memref<!tpu.dma_semaphore, #tpu.memory_space<semaphore_mem>>
      tpu.wait_indirect_dma semaphore(%dma_wait3A_158 : memref<!tpu.dma_semaphore, #tpu.memory_space<semaphore_mem>>) src(%arg15 : memref<80x64xf32, #tpu.memory_space<vmem>>) dst(%dma_wait3A_156 : memref<10000x64xf32, #tpu.memory_space<vmem_shared>>)
      %dma_wait3A_159 = arith.constant 248 : i32
      %dma_wait3A_160 = arith.constant 0 : i32
      %dma_wait3A_161 = tpu.memref_slice %arg13[%dma_wait3A_159, %dma_wait3A_160] : memref<250x80xi32, #tpu.memory_space<vmem>> -> memref<1x80xi32, #tpu.memory_space<vmem>>
      %dma_wait3A_162 = tpu.memref_squeeze %dma_wait3A_161 : memref<1x80xi32, #tpu.memory_space<vmem>> -> memref<80xi32, #tpu.memory_space<vmem>>
      %dma_wait3A_163 = arith.constant 0 : i32
      %dma_wait3A_164 = arith.constant 0 : i32
      %dma_wait3A_165 = tpu.memref_slice %arg25[%dma_wait3A_163, %dma_wait3A_164] : memref<10000x8xf32, #tpu.memory_space<vmem_shared>> -> memref<10000x8xf32, #tpu.memory_space<vmem_shared>>
      tpu.wait_indirect_dma semaphore(%arg21 : memref<!tpu.dma_semaphore, #tpu.memory_space<semaphore_mem>>) src(%arg23 : memref<80x8xf32, #tpu.memory_space<vmem>>) dst(%dma_wait3A_165 : memref<10000x8xf32, #tpu.memory_space<vmem_shared>>)
      %dma_wait3A_166 = arith.constant 249 : i32
      %dma_wait3A_167 = arith.constant 0 : i32
      %dma_wait3A_168 = tpu.memref_slice %arg13[%dma_wait3A_166, %dma_wait3A_167] : memref<250x80xi32, #tpu.memory_space<vmem>> -> memref<1x80xi32, #tpu.memory_space<vmem>>
      %dma_wait3A_169 = tpu.memref_squeeze %dma_wait3A_168 : memref<1x80xi32, #tpu.memory_space<vmem>> -> memref<80xi32, #tpu.memory_space<vmem>>
      %dma_wait3A_170 = arith.constant 0 : i32
      %dma_wait3A_171 = arith.constant 0 : i32
      %dma_wait3A_172 = tpu.memref_slice %arg25[%dma_wait3A_170, %dma_wait3A_171] : memref<10000x8xf32, #tpu.memory_space<vmem_shared>> -> memref<10000x8xf32, #tpu.memory_space<vmem_shared>>
      tpu.wait_indirect_dma semaphore(%arg21 : memref<!tpu.dma_semaphore, #tpu.memory_space<semaphore_mem>>) src(%arg23 : memref<80x8xf32, #tpu.memory_space<vmem>>) dst(%dma_wait3A_172 : memref<10000x8xf32, #tpu.memory_space<vmem_shared>>)
    } else {
    }
    %eq3A_13 = arith.constant 1 : i32
    %eq3A_14 = arith.cmpi eq, %arg0, %eq3A_13 : i32
    %convert_element_type3A_15 = arith.extui %eq3A_14 : i1 to i32
    %cond3A_16 = arith.constant 0 : i32
    %cond3A_17 = arith.cmpi ne, %convert_element_type3A_15, %cond3A_16 : i32
    scf.if %cond3A_17 {
      %dma_start3A = arith.constant 0 : i32
      %dma_start3A_26 = arith.constant 0 : i32
      %dma_start3A_27 = arith.constant 0 : i32
      %dma_start3A_28 = tpu.memref_slice %arg12[%dma_start3A, %dma_start3A_27] : memref<250x80xi32, #tpu.memory_space<vmem>> -> memref<1x80xi32, #tpu.memory_space<vmem>>
      %dma_start3A_29 = tpu.memref_squeeze %dma_start3A_28 : memref<1x80xi32, #tpu.memory_space<vmem>> -> memref<80xi32, #tpu.memory_space<vmem>>
      %dma_start3A_30 = arith.constant 0 : i32
      %dma_start3A_31 = arith.constant 0 : i32
      %dma_start3A_32 = tpu.memref_slice %arg3[%dma_start3A_30, %dma_start3A_31] : memref<10000x64xf32, #tpu.memory_space<hbm>> -> memref<10000x64xf32, #tpu.memory_space<hbm>>
      %dma_start3A_33 = tpu.memref_slice %arg19[%dma_start3A_26] : memref<4x!tpu.dma_semaphore, #tpu.memory_space<semaphore_mem>> -> memref<1x!tpu.dma_semaphore, #tpu.memory_space<semaphore_mem>>
      %dma_start3A_34 = tpu.memref_squeeze %dma_start3A_33 : memref<1x!tpu.dma_semaphore, #tpu.memory_space<semaphore_mem>> -> memref<!tpu.dma_semaphore, #tpu.memory_space<semaphore_mem>>
      tpu.enqueue_indirect_dma source(%dma_start3A_32 : memref<10000x64xf32, #tpu.memory_space<hbm>>) target(%arg14 : memref<80x64xf32, #tpu.memory_space<vmem>>) offsets(%dma_start3A_29 : memref<80xi32, #tpu.memory_space<vmem>>) semaphore(%dma_start3A_34 : memref<!tpu.dma_semaphore, #tpu.memory_space<semaphore_mem>>)
      %dma_start3A_35 = arith.constant 1 : i32
      %dma_start3A_36 = arith.constant 1 : i32
      %dma_start3A_37 = arith.constant 0 : i32
      %dma_start3A_38 = tpu.memref_slice %arg12[%dma_start3A_35, %dma_start3A_37] : memref<250x80xi32, #tpu.memory_space<vmem>> -> memref<1x80xi32, #tpu.memory_space<vmem>>
      %dma_start3A_39 = tpu.memref_squeeze %dma_start3A_38 : memref<1x80xi32, #tpu.memory_space<vmem>> -> memref<80xi32, #tpu.memory_space<vmem>>
      %dma_start3A_40 = arith.constant 0 : i32
      %dma_start3A_41 = arith.constant 0 : i32
      %dma_start3A_42 = tpu.memref_slice %arg3[%dma_start3A_40, %dma_start3A_41] : memref<10000x64xf32, #tpu.memory_space<hbm>> -> memref<10000x64xf32, #tpu.memory_space<hbm>>
      %dma_start3A_43 = tpu.memref_slice %arg19[%dma_start3A_36] : memref<4x!tpu.dma_semaphore, #tpu.memory_space<semaphore_mem>> -> memref<1x!tpu.dma_semaphore, #tpu.memory_space<semaphore_mem>>
      %dma_start3A_44 = tpu.memref_squeeze %dma_start3A_43 : memref<1x!tpu.dma_semaphore, #tpu.memory_space<semaphore_mem>> -> memref<!tpu.dma_semaphore, #tpu.memory_space<semaphore_mem>>
      tpu.enqueue_indirect_dma source(%dma_start3A_42 : memref<10000x64xf32, #tpu.memory_space<hbm>>) target(%arg15 : memref<80x64xf32, #tpu.memory_space<vmem>>) offsets(%dma_start3A_39 : memref<80xi32, #tpu.memory_space<vmem>>) semaphore(%dma_start3A_44 : memref<!tpu.dma_semaphore, #tpu.memory_space<semaphore_mem>>)
      %scan3A_45 = arith.constant 0 : i32
      %scan3A_46 = arith.constant 0 : i32
      %scan3A_47 = arith.constant 62 : i32
      %scan3A_48 = arith.addi %scan3A_46, %scan3A_47 : i32
      %scan3A_49 = arith.constant 1 : i32
      %scan3A_50 = scf.for %scan3A_131 = %scan3A_46 to %scan3A_48 step %scan3A_49 iter_args(%scan3A_132 = %scan3A_45) -> (i32)  : i32 {
        %mul3A = arith.constant 4 : i32
        %mul3A_133 = arith.muli %mul3A, %scan3A_131 : i32
        %add3A = arith.constant 0 : i32
        %add3A_134 = arith.addi %mul3A_133, %add3A : i32
        %dma_wait3A_135 = arith.constant 0 : i32
        %dma_wait3A_136 = arith.constant 0 : i32
        %dma_wait3A_137 = tpu.memref_slice %arg12[%add3A_134, %dma_wait3A_136] : memref<250x80xi32, #tpu.memory_space<vmem>> -> memref<1x80xi32, #tpu.memory_space<vmem>>
        %dma_wait3A_138 = tpu.memref_squeeze %dma_wait3A_137 : memref<1x80xi32, #tpu.memory_space<vmem>> -> memref<80xi32, #tpu.memory_space<vmem>>
        %dma_wait3A_139 = arith.constant 0 : i32
        %dma_wait3A_140 = arith.constant 0 : i32
        %dma_wait3A_141 = tpu.memref_slice %arg3[%dma_wait3A_139, %dma_wait3A_140] : memref<10000x64xf32, #tpu.memory_space<hbm>> -> memref<10000x64xf32, #tpu.memory_space<hbm>>
        %dma_wait3A_142 = tpu.memref_slice %arg19[%dma_wait3A_135] : memref<4x!tpu.dma_semaphore, #tpu.memory_space<semaphore_mem>> -> memref<1x!tpu.dma_semaphore, #tpu.memory_space<semaphore_mem>>
        %dma_wait3A_143 = tpu.memref_squeeze %dma_wait3A_142 : memref<1x!tpu.dma_semaphore, #tpu.memory_space<semaphore_mem>> -> memref<!tpu.dma_semaphore, #tpu.memory_space<semaphore_mem>>
        tpu.wait_indirect_dma semaphore(%dma_wait3A_143 : memref<!tpu.dma_semaphore, #tpu.memory_space<semaphore_mem>>) src(%dma_wait3A_141 : memref<10000x64xf32, #tpu.memory_space<hbm>>) dst(%arg14 : memref<80x64xf32, #tpu.memory_space<vmem>>)
        %dma_start3A_144 = arith.constant 0 : i32
        %dma_start3A_145 = arith.constant 0 : i32
        %dma_start3A_146 = tpu.memref_slice %arg13[%add3A_134, %dma_start3A_145] : memref<250x80xi32, #tpu.memory_space<vmem>> -> memref<1x80xi32, #tpu.memory_space<vmem>>
        %dma_start3A_147 = tpu.memref_squeeze %dma_start3A_146 : memref<1x80xi32, #tpu.memory_space<vmem>> -> memref<80xi32, #tpu.memory_space<vmem>>
        %dma_start3A_148 = arith.constant 0 : i32
        %dma_start3A_149 = arith.constant 0 : i32
        %dma_start3A_150 = tpu.memref_slice %arg22[%dma_start3A_148, %dma_start3A_149] : memref<10000x64xf32, #tpu.memory_space<vmem_shared>> -> memref<10000x64xf32, #tpu.memory_space<vmem_shared>>
        %dma_start3A_151 = tpu.memref_slice %arg20[%dma_start3A_144] : memref<4x!tpu.dma_semaphore, #tpu.memory_space<semaphore_mem>> -> memref<1x!tpu.dma_semaphore, #tpu.memory_space<semaphore_mem>>
        %dma_start3A_152 = tpu.memref_squeeze %dma_start3A_151 : memref<1x!tpu.dma_semaphore, #tpu.memory_space<semaphore_mem>> -> memref<!tpu.dma_semaphore, #tpu.memory_space<semaphore_mem>>
        tpu.enqueue_indirect_dma source(%arg14 : memref<80x64xf32, #tpu.memory_space<vmem>>) target(%dma_start3A_150 : memref<10000x64xf32, #tpu.memory_space<vmem_shared>>) offsets(%dma_start3A_147 : memref<80xi32, #tpu.memory_space<vmem>>) semaphore(%dma_start3A_152 : memref<!tpu.dma_semaphore, #tpu.memory_space<semaphore_mem>>) {add = true}
        %ge3A = arith.constant 2 : i32
        %ge3A_153 = arith.cmpi sge, %add3A_134, %ge3A : i32
        %convert_element_type3A_154 = arith.extui %ge3A_153 : i1 to i32
        %cond3A_155 = arith.constant 0 : i32
        %cond3A_156 = arith.cmpi ne, %convert_element_type3A_154, %cond3A_155 : i32
        scf.if %cond3A_156 {
          %sub3A = arith.constant 2 : i32
          %sub3A_283 = arith.subi %add3A_134, %sub3A : i32
          %dma_wait3A_284 = arith.constant 2 : i32
          %dma_wait3A_285 = arith.constant 0 : i32
          %dma_wait3A_286 = tpu.memref_slice %arg13[%sub3A_283, %dma_wait3A_285] : memref<250x80xi32, #tpu.memory_space<vmem>> -> memref<1x80xi32, #tpu.memory_space<vmem>>
          %dma_wait3A_287 = tpu.memref_squeeze %dma_wait3A_286 : memref<1x80xi32, #tpu.memory_space<vmem>> -> memref<80xi32, #tpu.memory_space<vmem>>
          %dma_wait3A_288 = arith.constant 0 : i32
          %dma_wait3A_289 = arith.constant 0 : i32
          %dma_wait3A_290 = tpu.memref_slice %arg22[%dma_wait3A_288, %dma_wait3A_289] : memref<10000x64xf32, #tpu.memory_space<vmem_shared>> -> memref<10000x64xf32, #tpu.memory_space<vmem_shared>>
          %dma_wait3A_291 = tpu.memref_slice %arg20[%dma_wait3A_284] : memref<4x!tpu.dma_semaphore, #tpu.memory_space<semaphore_mem>> -> memref<1x!tpu.dma_semaphore, #tpu.memory_space<semaphore_mem>>
          %dma_wait3A_292 = tpu.memref_squeeze %dma_wait3A_291 : memref<1x!tpu.dma_semaphore, #tpu.memory_space<semaphore_mem>> -> memref<!tpu.dma_semaphore, #tpu.memory_space<semaphore_mem>>
          tpu.wait_indirect_dma semaphore(%dma_wait3A_292 : memref<!tpu.dma_semaphore, #tpu.memory_space<semaphore_mem>>) src(%arg16 : memref<80x64xf32, #tpu.memory_space<vmem>>) dst(%dma_wait3A_290 : memref<10000x64xf32, #tpu.memory_space<vmem_shared>>)
        } else {
        }
        %add3A_157 = arith.constant 2 : i32
        %add3A_158 = arith.addi %add3A_134, %add3A_157 : i32
        %dma_start3A_159 = arith.constant 2 : i32
        %dma_start3A_160 = arith.constant 0 : i32
        %dma_start3A_161 = tpu.memref_slice %arg12[%add3A_158, %dma_start3A_160] : memref<250x80xi32, #tpu.memory_space<vmem>> -> memref<1x80xi32, #tpu.memory_space<vmem>>
        %dma_start3A_162 = tpu.memref_squeeze %dma_start3A_161 : memref<1x80xi32, #tpu.memory_space<vmem>> -> memref<80xi32, #tpu.memory_space<vmem>>
        %dma_start3A_163 = arith.constant 0 : i32
        %dma_start3A_164 = arith.constant 0 : i32
        %dma_start3A_165 = tpu.memref_slice %arg3[%dma_start3A_163, %dma_start3A_164] : memref<10000x64xf32, #tpu.memory_space<hbm>> -> memref<10000x64xf32, #tpu.memory_space<hbm>>
        %dma_start3A_166 = tpu.memref_slice %arg19[%dma_start3A_159] : memref<4x!tpu.dma_semaphore, #tpu.memory_space<semaphore_mem>> -> memref<1x!tpu.dma_semaphore, #tpu.memory_space<semaphore_mem>>
        %dma_start3A_167 = tpu.memref_squeeze %dma_start3A_166 : memref<1x!tpu.dma_semaphore, #tpu.memory_space<semaphore_mem>> -> memref<!tpu.dma_semaphore, #tpu.memory_space<semaphore_mem>>
        tpu.enqueue_indirect_dma source(%dma_start3A_165 : memref<10000x64xf32, #tpu.memory_space<hbm>>) target(%arg16 : memref<80x64xf32, #tpu.memory_space<vmem>>) offsets(%dma_start3A_162 : memref<80xi32, #tpu.memory_space<vmem>>) semaphore(%dma_start3A_167 : memref<!tpu.dma_semaphore, #tpu.memory_space<semaphore_mem>>)
        %mul3A_168 = arith.constant 4 : i32
        %mul3A_169 = arith.muli %mul3A_168, %scan3A_131 : i32
        %add3A_170 = arith.constant 1 : i32
        %add3A_171 = arith.addi %mul3A_169, %add3A_170 : i32
        %dma_wait3A_172 = arith.constant 1 : i32
        %dma_wait3A_173 = arith.constant 0 : i32
        %dma_wait3A_174 = tpu.memref_slice %arg12[%add3A_171, %dma_wait3A_173] : memref<250x80xi32, #tpu.memory_space<vmem>> -> memref<1x80xi32, #tpu.memory_space<vmem>>
        %dma_wait3A_175 = tpu.memref_squeeze %dma_wait3A_174 : memref<1x80xi32, #tpu.memory_space<vmem>> -> memref<80xi32, #tpu.memory_space<vmem>>
        %dma_wait3A_176 = arith.constant 0 : i32
        %dma_wait3A_177 = arith.constant 0 : i32
        %dma_wait3A_178 = tpu.memref_slice %arg3[%dma_wait3A_176, %dma_wait3A_177] : memref<10000x64xf32, #tpu.memory_space<hbm>> -> memref<10000x64xf32, #tpu.memory_space<hbm>>
        %dma_wait3A_179 = tpu.memref_slice %arg19[%dma_wait3A_172] : memref<4x!tpu.dma_semaphore, #tpu.memory_space<semaphore_mem>> -> memref<1x!tpu.dma_semaphore, #tpu.memory_space<semaphore_mem>>
        %dma_wait3A_180 = tpu.memref_squeeze %dma_wait3A_179 : memref<1x!tpu.dma_semaphore, #tpu.memory_space<semaphore_mem>> -> memref<!tpu.dma_semaphore, #tpu.memory_space<semaphore_mem>>
        tpu.wait_indirect_dma semaphore(%dma_wait3A_180 : memref<!tpu.dma_semaphore, #tpu.memory_space<semaphore_mem>>) src(%dma_wait3A_178 : memref<10000x64xf32, #tpu.memory_space<hbm>>) dst(%arg15 : memref<80x64xf32, #tpu.memory_space<vmem>>)
        %dma_start3A_181 = arith.constant 1 : i32
        %dma_start3A_182 = arith.constant 0 : i32
        %dma_start3A_183 = tpu.memref_slice %arg13[%add3A_171, %dma_start3A_182] : memref<250x80xi32, #tpu.memory_space<vmem>> -> memref<1x80xi32, #tpu.memory_space<vmem>>
        %dma_start3A_184 = tpu.memref_squeeze %dma_start3A_183 : memref<1x80xi32, #tpu.memory_space<vmem>> -> memref<80xi32, #tpu.memory_space<vmem>>
        %dma_start3A_185 = arith.constant 0 : i32
        %dma_start3A_186 = arith.constant 0 : i32
        %dma_start3A_187 = tpu.memref_slice %arg22[%dma_start3A_185, %dma_start3A_186] : memref<10000x64xf32, #tpu.memory_space<vmem_shared>> -> memref<10000x64xf32, #tpu.memory_space<vmem_shared>>
        %dma_start3A_188 = tpu.memref_slice %arg20[%dma_start3A_181] : memref<4x!tpu.dma_semaphore, #tpu.memory_space<semaphore_mem>> -> memref<1x!tpu.dma_semaphore, #tpu.memory_space<semaphore_mem>>
        %dma_start3A_189 = tpu.memref_squeeze %dma_start3A_188 : memref<1x!tpu.dma_semaphore, #tpu.memory_space<semaphore_mem>> -> memref<!tpu.dma_semaphore, #tpu.memory_space<semaphore_mem>>
        tpu.enqueue_indirect_dma source(%arg15 : memref<80x64xf32, #tpu.memory_space<vmem>>) target(%dma_start3A_187 : memref<10000x64xf32, #tpu.memory_space<vmem_shared>>) offsets(%dma_start3A_184 : memref<80xi32, #tpu.memory_space<vmem>>) semaphore(%dma_start3A_189 : memref<!tpu.dma_semaphore, #tpu.memory_space<semaphore_mem>>) {add = true}
        %ge3A_190 = arith.constant 2 : i32
        %ge3A_191 = arith.cmpi sge, %add3A_171, %ge3A_190 : i32
        %convert_element_type3A_192 = arith.extui %ge3A_191 : i1 to i32
        %cond3A_193 = arith.constant 0 : i32
        %cond3A_194 = arith.cmpi ne, %convert_element_type3A_192, %cond3A_193 : i32
        scf.if %cond3A_194 {
          %sub3A = arith.constant 2 : i32
          %sub3A_283 = arith.subi %add3A_171, %sub3A : i32
          %dma_wait3A_284 = arith.constant 3 : i32
          %dma_wait3A_285 = arith.constant 0 : i32
          %dma_wait3A_286 = tpu.memref_slice %arg13[%sub3A_283, %dma_wait3A_285] : memref<250x80xi32, #tpu.memory_space<vmem>> -> memref<1x80xi32, #tpu.memory_space<vmem>>
          %dma_wait3A_287 = tpu.memref_squeeze %dma_wait3A_286 : memref<1x80xi32, #tpu.memory_space<vmem>> -> memref<80xi32, #tpu.memory_space<vmem>>
          %dma_wait3A_288 = arith.constant 0 : i32
          %dma_wait3A_289 = arith.constant 0 : i32
          %dma_wait3A_290 = tpu.memref_slice %arg22[%dma_wait3A_288, %dma_wait3A_289] : memref<10000x64xf32, #tpu.memory_space<vmem_shared>> -> memref<10000x64xf32, #tpu.memory_space<vmem_shared>>
          %dma_wait3A_291 = tpu.memref_slice %arg20[%dma_wait3A_284] : memref<4x!tpu.dma_semaphore, #tpu.memory_space<semaphore_mem>> -> memref<1x!tpu.dma_semaphore, #tpu.memory_space<semaphore_mem>>
          %dma_wait3A_292 = tpu.memref_squeeze %dma_wait3A_291 : memref<1x!tpu.dma_semaphore, #tpu.memory_space<semaphore_mem>> -> memref<!tpu.dma_semaphore, #tpu.memory_space<semaphore_mem>>
          tpu.wait_indirect_dma semaphore(%dma_wait3A_292 : memref<!tpu.dma_semaphore, #tpu.memory_space<semaphore_mem>>) src(%arg17 : memref<80x64xf32, #tpu.memory_space<vmem>>) dst(%dma_wait3A_290 : memref<10000x64xf32, #tpu.memory_space<vmem_shared>>)
        } else {
        }
        %add3A_195 = arith.constant 2 : i32
        %add3A_196 = arith.addi %add3A_171, %add3A_195 : i32
        %dma_start3A_197 = arith.constant 3 : i32
        %dma_start3A_198 = arith.constant 0 : i32
        %dma_start3A_199 = tpu.memref_slice %arg12[%add3A_196, %dma_start3A_198] : memref<250x80xi32, #tpu.memory_space<vmem>> -> memref<1x80xi32, #tpu.memory_space<vmem>>
        %dma_start3A_200 = tpu.memref_squeeze %dma_start3A_199 : memref<1x80xi32, #tpu.memory_space<vmem>> -> memref<80xi32, #tpu.memory_space<vmem>>
        %dma_start3A_201 = arith.constant 0 : i32
        %dma_start3A_202 = arith.constant 0 : i32
        %dma_start3A_203 = tpu.memref_slice %arg3[%dma_start3A_201, %dma_start3A_202] : memref<10000x64xf32, #tpu.memory_space<hbm>> -> memref<10000x64xf32, #tpu.memory_space<hbm>>
        %dma_start3A_204 = tpu.memref_slice %arg19[%dma_start3A_197] : memref<4x!tpu.dma_semaphore, #tpu.memory_space<semaphore_mem>> -> memref<1x!tpu.dma_semaphore, #tpu.memory_space<semaphore_mem>>
        %dma_start3A_205 = tpu.memref_squeeze %dma_start3A_204 : memref<1x!tpu.dma_semaphore, #tpu.memory_space<semaphore_mem>> -> memref<!tpu.dma_semaphore, #tpu.memory_space<semaphore_mem>>
        tpu.enqueue_indirect_dma source(%dma_start3A_203 : memref<10000x64xf32, #tpu.memory_space<hbm>>) target(%arg17 : memref<80x64xf32, #tpu.memory_space<vmem>>) offsets(%dma_start3A_200 : memref<80xi32, #tpu.memory_space<vmem>>) semaphore(%dma_start3A_205 : memref<!tpu.dma_semaphore, #tpu.memory_space<semaphore_mem>>)
        %mul3A_206 = arith.constant 4 : i32
        %mul3A_207 = arith.muli %mul3A_206, %scan3A_131 : i32
        %add3A_208 = arith.constant 2 : i32
        %add3A_209 = arith.addi %mul3A_207, %add3A_208 : i32
        %dma_wait3A_210 = arith.constant 2 : i32
        %dma_wait3A_211 = arith.constant 0 : i32
        %dma_wait3A_212 = tpu.memref_slice %arg12[%add3A_209, %dma_wait3A_211] : memref<250x80xi32, #tpu.memory_space<vmem>> -> memref<1x80xi32, #tpu.memory_space<vmem>>
        %dma_wait3A_213 = tpu.memref_squeeze %dma_wait3A_212 : memref<1x80xi32, #tpu.memory_space<vmem>> -> memref<80xi32, #tpu.memory_space<vmem>>
        %dma_wait3A_214 = arith.constant 0 : i32
        %dma_wait3A_215 = arith.constant 0 : i32
        %dma_wait3A_216 = tpu.memref_slice %arg3[%dma_wait3A_214, %dma_wait3A_215] : memref<10000x64xf32, #tpu.memory_space<hbm>> -> memref<10000x64xf32, #tpu.memory_space<hbm>>
        %dma_wait3A_217 = tpu.memref_slice %arg19[%dma_wait3A_210] : memref<4x!tpu.dma_semaphore, #tpu.memory_space<semaphore_mem>> -> memref<1x!tpu.dma_semaphore, #tpu.memory_space<semaphore_mem>>
        %dma_wait3A_218 = tpu.memref_squeeze %dma_wait3A_217 : memref<1x!tpu.dma_semaphore, #tpu.memory_space<semaphore_mem>> -> memref<!tpu.dma_semaphore, #tpu.memory_space<semaphore_mem>>
        tpu.wait_indirect_dma semaphore(%dma_wait3A_218 : memref<!tpu.dma_semaphore, #tpu.memory_space<semaphore_mem>>) src(%dma_wait3A_216 : memref<10000x64xf32, #tpu.memory_space<hbm>>) dst(%arg16 : memref<80x64xf32, #tpu.memory_space<vmem>>)
        %dma_start3A_219 = arith.constant 2 : i32
        %dma_start3A_220 = arith.constant 0 : i32
        %dma_start3A_221 = tpu.memref_slice %arg13[%add3A_209, %dma_start3A_220] : memref<250x80xi32, #tpu.memory_space<vmem>> -> memref<1x80xi32, #tpu.memory_space<vmem>>
        %dma_start3A_222 = tpu.memref_squeeze %dma_start3A_221 : memref<1x80xi32, #tpu.memory_space<vmem>> -> memref<80xi32, #tpu.memory_space<vmem>>
        %dma_start3A_223 = arith.constant 0 : i32
        %dma_start3A_224 = arith.constant 0 : i32
        %dma_start3A_225 = tpu.memref_slice %arg22[%dma_start3A_223, %dma_start3A_224] : memref<10000x64xf32, #tpu.memory_space<vmem_shared>> -> memref<10000x64xf32, #tpu.memory_space<vmem_shared>>
        %dma_start3A_226 = tpu.memref_slice %arg20[%dma_start3A_219] : memref<4x!tpu.dma_semaphore, #tpu.memory_space<semaphore_mem>> -> memref<1x!tpu.dma_semaphore, #tpu.memory_space<semaphore_mem>>
        %dma_start3A_227 = tpu.memref_squeeze %dma_start3A_226 : memref<1x!tpu.dma_semaphore, #tpu.memory_space<semaphore_mem>> -> memref<!tpu.dma_semaphore, #tpu.memory_space<semaphore_mem>>
        tpu.enqueue_indirect_dma source(%arg16 : memref<80x64xf32, #tpu.memory_space<vmem>>) target(%dma_start3A_225 : memref<10000x64xf32, #tpu.memory_space<vmem_shared>>) offsets(%dma_start3A_222 : memref<80xi32, #tpu.memory_space<vmem>>) semaphore(%dma_start3A_227 : memref<!tpu.dma_semaphore, #tpu.memory_space<semaphore_mem>>) {add = true}
        %ge3A_228 = arith.constant 2 : i32
        %ge3A_229 = arith.cmpi sge, %add3A_209, %ge3A_228 : i32
        %convert_element_type3A_230 = arith.extui %ge3A_229 : i1 to i32
        %cond3A_231 = arith.constant 0 : i32
        %cond3A_232 = arith.cmpi ne, %convert_element_type3A_230, %cond3A_231 : i32
        scf.if %cond3A_232 {
          %sub3A = arith.constant 2 : i32
          %sub3A_283 = arith.subi %add3A_209, %sub3A : i32
          %dma_wait3A_284 = arith.constant 0 : i32
          %dma_wait3A_285 = arith.constant 0 : i32
          %dma_wait3A_286 = tpu.memref_slice %arg13[%sub3A_283, %dma_wait3A_285] : memref<250x80xi32, #tpu.memory_space<vmem>> -> memref<1x80xi32, #tpu.memory_space<vmem>>
          %dma_wait3A_287 = tpu.memref_squeeze %dma_wait3A_286 : memref<1x80xi32, #tpu.memory_space<vmem>> -> memref<80xi32, #tpu.memory_space<vmem>>
          %dma_wait3A_288 = arith.constant 0 : i32
          %dma_wait3A_289 = arith.constant 0 : i32
          %dma_wait3A_290 = tpu.memref_slice %arg22[%dma_wait3A_288, %dma_wait3A_289] : memref<10000x64xf32, #tpu.memory_space<vmem_shared>> -> memref<10000x64xf32, #tpu.memory_space<vmem_shared>>
          %dma_wait3A_291 = tpu.memref_slice %arg20[%dma_wait3A_284] : memref<4x!tpu.dma_semaphore, #tpu.memory_space<semaphore_mem>> -> memref<1x!tpu.dma_semaphore, #tpu.memory_space<semaphore_mem>>
          %dma_wait3A_292 = tpu.memref_squeeze %dma_wait3A_291 : memref<1x!tpu.dma_semaphore, #tpu.memory_space<semaphore_mem>> -> memref<!tpu.dma_semaphore, #tpu.memory_space<semaphore_mem>>
          tpu.wait_indirect_dma semaphore(%dma_wait3A_292 : memref<!tpu.dma_semaphore, #tpu.memory_space<semaphore_mem>>) src(%arg14 : memref<80x64xf32, #tpu.memory_space<vmem>>) dst(%dma_wait3A_290 : memref<10000x64xf32, #tpu.memory_space<vmem_shared>>)
        } else {
        }
        %add3A_233 = arith.constant 2 : i32
        %add3A_234 = arith.addi %add3A_209, %add3A_233 : i32
        %dma_start3A_235 = arith.constant 0 : i32
        %dma_start3A_236 = arith.constant 0 : i32
        %dma_start3A_237 = tpu.memref_slice %arg12[%add3A_234, %dma_start3A_236] : memref<250x80xi32, #tpu.memory_space<vmem>> -> memref<1x80xi32, #tpu.memory_space<vmem>>
        %dma_start3A_238 = tpu.memref_squeeze %dma_start3A_237 : memref<1x80xi32, #tpu.memory_space<vmem>> -> memref<80xi32, #tpu.memory_space<vmem>>
        %dma_start3A_239 = arith.constant 0 : i32
        %dma_start3A_240 = arith.constant 0 : i32
        %dma_start3A_241 = tpu.memref_slice %arg3[%dma_start3A_239, %dma_start3A_240] : memref<10000x64xf32, #tpu.memory_space<hbm>> -> memref<10000x64xf32, #tpu.memory_space<hbm>>
        %dma_start3A_242 = tpu.memref_slice %arg19[%dma_start3A_235] : memref<4x!tpu.dma_semaphore, #tpu.memory_space<semaphore_mem>> -> memref<1x!tpu.dma_semaphore, #tpu.memory_space<semaphore_mem>>
        %dma_start3A_243 = tpu.memref_squeeze %dma_start3A_242 : memref<1x!tpu.dma_semaphore, #tpu.memory_space<semaphore_mem>> -> memref<!tpu.dma_semaphore, #tpu.memory_space<semaphore_mem>>
        tpu.enqueue_indirect_dma source(%dma_start3A_241 : memref<10000x64xf32, #tpu.memory_space<hbm>>) target(%arg14 : memref<80x64xf32, #tpu.memory_space<vmem>>) offsets(%dma_start3A_238 : memref<80xi32, #tpu.memory_space<vmem>>) semaphore(%dma_start3A_243 : memref<!tpu.dma_semaphore, #tpu.memory_space<semaphore_mem>>)
        %mul3A_244 = arith.constant 4 : i32
        %mul3A_245 = arith.muli %mul3A_244, %scan3A_131 : i32
        %add3A_246 = arith.constant 3 : i32
        %add3A_247 = arith.addi %mul3A_245, %add3A_246 : i32
        %dma_wait3A_248 = arith.constant 3 : i32
        %dma_wait3A_249 = arith.constant 0 : i32
        %dma_wait3A_250 = tpu.memref_slice %arg12[%add3A_247, %dma_wait3A_249] : memref<250x80xi32, #tpu.memory_space<vmem>> -> memref<1x80xi32, #tpu.memory_space<vmem>>
        %dma_wait3A_251 = tpu.memref_squeeze %dma_wait3A_250 : memref<1x80xi32, #tpu.memory_space<vmem>> -> memref<80xi32, #tpu.memory_space<vmem>>
        %dma_wait3A_252 = arith.constant 0 : i32
        %dma_wait3A_253 = arith.constant 0 : i32
        %dma_wait3A_254 = tpu.memref_slice %arg3[%dma_wait3A_252, %dma_wait3A_253] : memref<10000x64xf32, #tpu.memory_space<hbm>> -> memref<10000x64xf32, #tpu.memory_space<hbm>>
        %dma_wait3A_255 = tpu.memref_slice %arg19[%dma_wait3A_248] : memref<4x!tpu.dma_semaphore, #tpu.memory_space<semaphore_mem>> -> memref<1x!tpu.dma_semaphore, #tpu.memory_space<semaphore_mem>>
        %dma_wait3A_256 = tpu.memref_squeeze %dma_wait3A_255 : memref<1x!tpu.dma_semaphore, #tpu.memory_space<semaphore_mem>> -> memref<!tpu.dma_semaphore, #tpu.memory_space<semaphore_mem>>
        tpu.wait_indirect_dma semaphore(%dma_wait3A_256 : memref<!tpu.dma_semaphore, #tpu.memory_space<semaphore_mem>>) src(%dma_wait3A_254 : memref<10000x64xf32, #tpu.memory_space<hbm>>) dst(%arg17 : memref<80x64xf32, #tpu.memory_space<vmem>>)
        %dma_start3A_257 = arith.constant 3 : i32
        %dma_start3A_258 = arith.constant 0 : i32
        %dma_start3A_259 = tpu.memref_slice %arg13[%add3A_247, %dma_start3A_258] : memref<250x80xi32, #tpu.memory_space<vmem>> -> memref<1x80xi32, #tpu.memory_space<vmem>>
        %dma_start3A_260 = tpu.memref_squeeze %dma_start3A_259 : memref<1x80xi32, #tpu.memory_space<vmem>> -> memref<80xi32, #tpu.memory_space<vmem>>
        %dma_start3A_261 = arith.constant 0 : i32
        %dma_start3A_262 = arith.constant 0 : i32
        %dma_start3A_263 = tpu.memref_slice %arg22[%dma_start3A_261, %dma_start3A_262] : memref<10000x64xf32, #tpu.memory_space<vmem_shared>> -> memref<10000x64xf32, #tpu.memory_space<vmem_shared>>
        %dma_start3A_264 = tpu.memref_slice %arg20[%dma_start3A_257] : memref<4x!tpu.dma_semaphore, #tpu.memory_space<semaphore_mem>> -> memref<1x!tpu.dma_semaphore, #tpu.memory_space<semaphore_mem>>
        %dma_start3A_265 = tpu.memref_squeeze %dma_start3A_264 : memref<1x!tpu.dma_semaphore, #tpu.memory_space<semaphore_mem>> -> memref<!tpu.dma_semaphore, #tpu.memory_space<semaphore_mem>>
        tpu.enqueue_indirect_dma source(%arg17 : memref<80x64xf32, #tpu.memory_space<vmem>>) target(%dma_start3A_263 : memref<10000x64xf32, #tpu.memory_space<vmem_shared>>) offsets(%dma_start3A_260 : memref<80xi32, #tpu.memory_space<vmem>>) semaphore(%dma_start3A_265 : memref<!tpu.dma_semaphore, #tpu.memory_space<semaphore_mem>>) {add = true}
        %ge3A_266 = arith.constant 2 : i32
        %ge3A_267 = arith.cmpi sge, %add3A_247, %ge3A_266 : i32
        %convert_element_type3A_268 = arith.extui %ge3A_267 : i1 to i32
        %cond3A_269 = arith.constant 0 : i32
        %cond3A_270 = arith.cmpi ne, %convert_element_type3A_268, %cond3A_269 : i32
        scf.if %cond3A_270 {
          %sub3A = arith.constant 2 : i32
          %sub3A_283 = arith.subi %add3A_247, %sub3A : i32
          %dma_wait3A_284 = arith.constant 1 : i32
          %dma_wait3A_285 = arith.constant 0 : i32
          %dma_wait3A_286 = tpu.memref_slice %arg13[%sub3A_283, %dma_wait3A_285] : memref<250x80xi32, #tpu.memory_space<vmem>> -> memref<1x80xi32, #tpu.memory_space<vmem>>
          %dma_wait3A_287 = tpu.memref_squeeze %dma_wait3A_286 : memref<1x80xi32, #tpu.memory_space<vmem>> -> memref<80xi32, #tpu.memory_space<vmem>>
          %dma_wait3A_288 = arith.constant 0 : i32
          %dma_wait3A_289 = arith.constant 0 : i32
          %dma_wait3A_290 = tpu.memref_slice %arg22[%dma_wait3A_288, %dma_wait3A_289] : memref<10000x64xf32, #tpu.memory_space<vmem_shared>> -> memref<10000x64xf32, #tpu.memory_space<vmem_shared>>
          %dma_wait3A_291 = tpu.memref_slice %arg20[%dma_wait3A_284] : memref<4x!tpu.dma_semaphore, #tpu.memory_space<semaphore_mem>> -> memref<1x!tpu.dma_semaphore, #tpu.memory_space<semaphore_mem>>
          %dma_wait3A_292 = tpu.memref_squeeze %dma_wait3A_291 : memref<1x!tpu.dma_semaphore, #tpu.memory_space<semaphore_mem>> -> memref<!tpu.dma_semaphore, #tpu.memory_space<semaphore_mem>>
          tpu.wait_indirect_dma semaphore(%dma_wait3A_292 : memref<!tpu.dma_semaphore, #tpu.memory_space<semaphore_mem>>) src(%arg15 : memref<80x64xf32, #tpu.memory_space<vmem>>) dst(%dma_wait3A_290 : memref<10000x64xf32, #tpu.memory_space<vmem_shared>>)
        } else {
        }
        %add3A_271 = arith.constant 2 : i32
        %add3A_272 = arith.addi %add3A_247, %add3A_271 : i32
        %dma_start3A_273 = arith.constant 1 : i32
        %dma_start3A_274 = arith.constant 0 : i32
        %dma_start3A_275 = tpu.memref_slice %arg12[%add3A_272, %dma_start3A_274] : memref<250x80xi32, #tpu.memory_space<vmem>> -> memref<1x80xi32, #tpu.memory_space<vmem>>
        %dma_start3A_276 = tpu.memref_squeeze %dma_start3A_275 : memref<1x80xi32, #tpu.memory_space<vmem>> -> memref<80xi32, #tpu.memory_space<vmem>>
        %dma_start3A_277 = arith.constant 0 : i32
        %dma_start3A_278 = arith.constant 0 : i32
        %dma_start3A_279 = tpu.memref_slice %arg3[%dma_start3A_277, %dma_start3A_278] : memref<10000x64xf32, #tpu.memory_space<hbm>> -> memref<10000x64xf32, #tpu.memory_space<hbm>>
        %dma_start3A_280 = tpu.memref_slice %arg19[%dma_start3A_273] : memref<4x!tpu.dma_semaphore, #tpu.memory_space<semaphore_mem>> -> memref<1x!tpu.dma_semaphore, #tpu.memory_space<semaphore_mem>>
        %dma_start3A_281 = tpu.memref_squeeze %dma_start3A_280 : memref<1x!tpu.dma_semaphore, #tpu.memory_space<semaphore_mem>> -> memref<!tpu.dma_semaphore, #tpu.memory_space<semaphore_mem>>
        tpu.enqueue_indirect_dma source(%dma_start3A_279 : memref<10000x64xf32, #tpu.memory_space<hbm>>) target(%arg15 : memref<80x64xf32, #tpu.memory_space<vmem>>) offsets(%dma_start3A_276 : memref<80xi32, #tpu.memory_space<vmem>>) semaphore(%dma_start3A_281 : memref<!tpu.dma_semaphore, #tpu.memory_space<semaphore_mem>>)
        %scan3A_282 = arith.constant 0 : i32
        scf.yield %scan3A_282 : i32
      }
      %scan3A_51 = arith.constant 62 : i32
      %dma_wait3A = arith.constant 248 : i32
      %dma_wait3A_52 = arith.constant 0 : i32
      %dma_wait3A_53 = arith.constant 0 : i32
      %dma_wait3A_54 = tpu.memref_slice %arg12[%dma_wait3A, %dma_wait3A_53] : memref<250x80xi32, #tpu.memory_space<vmem>> -> memref<1x80xi32, #tpu.memory_space<vmem>>
      %dma_wait3A_55 = tpu.memref_squeeze %dma_wait3A_54 : memref<1x80xi32, #tpu.memory_space<vmem>> -> memref<80xi32, #tpu.memory_space<vmem>>
      %dma_wait3A_56 = arith.constant 0 : i32
      %dma_wait3A_57 = arith.constant 0 : i32
      %dma_wait3A_58 = tpu.memref_slice %arg3[%dma_wait3A_56, %dma_wait3A_57] : memref<10000x64xf32, #tpu.memory_space<hbm>> -> memref<10000x64xf32, #tpu.memory_space<hbm>>
      %dma_wait3A_59 = tpu.memref_slice %arg19[%dma_wait3A_52] : memref<4x!tpu.dma_semaphore, #tpu.memory_space<semaphore_mem>> -> memref<1x!tpu.dma_semaphore, #tpu.memory_space<semaphore_mem>>
      %dma_wait3A_60 = tpu.memref_squeeze %dma_wait3A_59 : memref<1x!tpu.dma_semaphore, #tpu.memory_space<semaphore_mem>> -> memref<!tpu.dma_semaphore, #tpu.memory_space<semaphore_mem>>
      tpu.wait_indirect_dma semaphore(%dma_wait3A_60 : memref<!tpu.dma_semaphore, #tpu.memory_space<semaphore_mem>>) src(%dma_wait3A_58 : memref<10000x64xf32, #tpu.memory_space<hbm>>) dst(%arg14 : memref<80x64xf32, #tpu.memory_space<vmem>>)
      %dma_start3A_61 = arith.constant 248 : i32
      %dma_start3A_62 = arith.constant 0 : i32
      %dma_start3A_63 = arith.constant 0 : i32
      %dma_start3A_64 = tpu.memref_slice %arg13[%dma_start3A_61, %dma_start3A_63] : memref<250x80xi32, #tpu.memory_space<vmem>> -> memref<1x80xi32, #tpu.memory_space<vmem>>
      %dma_start3A_65 = tpu.memref_squeeze %dma_start3A_64 : memref<1x80xi32, #tpu.memory_space<vmem>> -> memref<80xi32, #tpu.memory_space<vmem>>
      %dma_start3A_66 = arith.constant 0 : i32
      %dma_start3A_67 = arith.constant 0 : i32
      %dma_start3A_68 = tpu.memref_slice %arg22[%dma_start3A_66, %dma_start3A_67] : memref<10000x64xf32, #tpu.memory_space<vmem_shared>> -> memref<10000x64xf32, #tpu.memory_space<vmem_shared>>
      %dma_start3A_69 = tpu.memref_slice %arg20[%dma_start3A_62] : memref<4x!tpu.dma_semaphore, #tpu.memory_space<semaphore_mem>> -> memref<1x!tpu.dma_semaphore, #tpu.memory_space<semaphore_mem>>
      %dma_start3A_70 = tpu.memref_squeeze %dma_start3A_69 : memref<1x!tpu.dma_semaphore, #tpu.memory_space<semaphore_mem>> -> memref<!tpu.dma_semaphore, #tpu.memory_space<semaphore_mem>>
      tpu.enqueue_indirect_dma source(%arg14 : memref<80x64xf32, #tpu.memory_space<vmem>>) target(%dma_start3A_68 : memref<10000x64xf32, #tpu.memory_space<vmem_shared>>) offsets(%dma_start3A_65 : memref<80xi32, #tpu.memory_space<vmem>>) semaphore(%dma_start3A_70 : memref<!tpu.dma_semaphore, #tpu.memory_space<semaphore_mem>>) {add = true}
      %dma_wait3A_71 = arith.constant 249 : i32
      %dma_wait3A_72 = arith.constant 1 : i32
      %dma_wait3A_73 = arith.constant 0 : i32
      %dma_wait3A_74 = tpu.memref_slice %arg12[%dma_wait3A_71, %dma_wait3A_73] : memref<250x80xi32, #tpu.memory_space<vmem>> -> memref<1x80xi32, #tpu.memory_space<vmem>>
      %dma_wait3A_75 = tpu.memref_squeeze %dma_wait3A_74 : memref<1x80xi32, #tpu.memory_space<vmem>> -> memref<80xi32, #tpu.memory_space<vmem>>
      %dma_wait3A_76 = arith.constant 0 : i32
      %dma_wait3A_77 = arith.constant 0 : i32
      %dma_wait3A_78 = tpu.memref_slice %arg3[%dma_wait3A_76, %dma_wait3A_77] : memref<10000x64xf32, #tpu.memory_space<hbm>> -> memref<10000x64xf32, #tpu.memory_space<hbm>>
      %dma_wait3A_79 = tpu.memref_slice %arg19[%dma_wait3A_72] : memref<4x!tpu.dma_semaphore, #tpu.memory_space<semaphore_mem>> -> memref<1x!tpu.dma_semaphore, #tpu.memory_space<semaphore_mem>>
      %dma_wait3A_80 = tpu.memref_squeeze %dma_wait3A_79 : memref<1x!tpu.dma_semaphore, #tpu.memory_space<semaphore_mem>> -> memref<!tpu.dma_semaphore, #tpu.memory_space<semaphore_mem>>
      tpu.wait_indirect_dma semaphore(%dma_wait3A_80 : memref<!tpu.dma_semaphore, #tpu.memory_space<semaphore_mem>>) src(%dma_wait3A_78 : memref<10000x64xf32, #tpu.memory_space<hbm>>) dst(%arg15 : memref<80x64xf32, #tpu.memory_space<vmem>>)
      %dma_start3A_81 = arith.constant 249 : i32
      %dma_start3A_82 = arith.constant 1 : i32
      %dma_start3A_83 = arith.constant 0 : i32
      %dma_start3A_84 = tpu.memref_slice %arg13[%dma_start3A_81, %dma_start3A_83] : memref<250x80xi32, #tpu.memory_space<vmem>> -> memref<1x80xi32, #tpu.memory_space<vmem>>
      %dma_start3A_85 = tpu.memref_squeeze %dma_start3A_84 : memref<1x80xi32, #tpu.memory_space<vmem>> -> memref<80xi32, #tpu.memory_space<vmem>>
      %dma_start3A_86 = arith.constant 0 : i32
      %dma_start3A_87 = arith.constant 0 : i32
      %dma_start3A_88 = tpu.memref_slice %arg22[%dma_start3A_86, %dma_start3A_87] : memref<10000x64xf32, #tpu.memory_space<vmem_shared>> -> memref<10000x64xf32, #tpu.memory_space<vmem_shared>>
      %dma_start3A_89 = tpu.memref_slice %arg20[%dma_start3A_82] : memref<4x!tpu.dma_semaphore, #tpu.memory_space<semaphore_mem>> -> memref<1x!tpu.dma_semaphore, #tpu.memory_space<semaphore_mem>>
      %dma_start3A_90 = tpu.memref_squeeze %dma_start3A_89 : memref<1x!tpu.dma_semaphore, #tpu.memory_space<semaphore_mem>> -> memref<!tpu.dma_semaphore, #tpu.memory_space<semaphore_mem>>
      tpu.enqueue_indirect_dma source(%arg15 : memref<80x64xf32, #tpu.memory_space<vmem>>) target(%dma_start3A_88 : memref<10000x64xf32, #tpu.memory_space<vmem_shared>>) offsets(%dma_start3A_85 : memref<80xi32, #tpu.memory_space<vmem>>) semaphore(%dma_start3A_90 : memref<!tpu.dma_semaphore, #tpu.memory_space<semaphore_mem>>) {add = true}
      %dma_wait3A_91 = arith.constant 246 : i32
      %dma_wait3A_92 = arith.constant 2 : i32
      %dma_wait3A_93 = arith.constant 0 : i32
      %dma_wait3A_94 = tpu.memref_slice %arg13[%dma_wait3A_91, %dma_wait3A_93] : memref<250x80xi32, #tpu.memory_space<vmem>> -> memref<1x80xi32, #tpu.memory_space<vmem>>
      %dma_wait3A_95 = tpu.memref_squeeze %dma_wait3A_94 : memref<1x80xi32, #tpu.memory_space<vmem>> -> memref<80xi32, #tpu.memory_space<vmem>>
      %dma_wait3A_96 = arith.constant 0 : i32
      %dma_wait3A_97 = arith.constant 0 : i32
      %dma_wait3A_98 = tpu.memref_slice %arg22[%dma_wait3A_96, %dma_wait3A_97] : memref<10000x64xf32, #tpu.memory_space<vmem_shared>> -> memref<10000x64xf32, #tpu.memory_space<vmem_shared>>
      %dma_wait3A_99 = tpu.memref_slice %arg20[%dma_wait3A_92] : memref<4x!tpu.dma_semaphore, #tpu.memory_space<semaphore_mem>> -> memref<1x!tpu.dma_semaphore, #tpu.memory_space<semaphore_mem>>
      %dma_wait3A_100 = tpu.memref_squeeze %dma_wait3A_99 : memref<1x!tpu.dma_semaphore, #tpu.memory_space<semaphore_mem>> -> memref<!tpu.dma_semaphore, #tpu.memory_space<semaphore_mem>>
      tpu.wait_indirect_dma semaphore(%dma_wait3A_100 : memref<!tpu.dma_semaphore, #tpu.memory_space<semaphore_mem>>) src(%arg16 : memref<80x64xf32, #tpu.memory_space<vmem>>) dst(%dma_wait3A_98 : memref<10000x64xf32, #tpu.memory_space<vmem_shared>>)
      %dma_wait3A_101 = arith.constant 247 : i32
      %dma_wait3A_102 = arith.constant 3 : i32
      %dma_wait3A_103 = arith.constant 0 : i32
      %dma_wait3A_104 = tpu.memref_slice %arg13[%dma_wait3A_101, %dma_wait3A_103] : memref<250x80xi32, #tpu.memory_space<vmem>> -> memref<1x80xi32, #tpu.memory_space<vmem>>
      %dma_wait3A_105 = tpu.memref_squeeze %dma_wait3A_104 : memref<1x80xi32, #tpu.memory_space<vmem>> -> memref<80xi32, #tpu.memory_space<vmem>>
      %dma_wait3A_106 = arith.constant 0 : i32
      %dma_wait3A_107 = arith.constant 0 : i32
      %dma_wait3A_108 = tpu.memref_slice %arg22[%dma_wait3A_106, %dma_wait3A_107] : memref<10000x64xf32, #tpu.memory_space<vmem_shared>> -> memref<10000x64xf32, #tpu.memory_space<vmem_shared>>
      %dma_wait3A_109 = tpu.memref_slice %arg20[%dma_wait3A_102] : memref<4x!tpu.dma_semaphore, #tpu.memory_space<semaphore_mem>> -> memref<1x!tpu.dma_semaphore, #tpu.memory_space<semaphore_mem>>
      %dma_wait3A_110 = tpu.memref_squeeze %dma_wait3A_109 : memref<1x!tpu.dma_semaphore, #tpu.memory_space<semaphore_mem>> -> memref<!tpu.dma_semaphore, #tpu.memory_space<semaphore_mem>>
      tpu.wait_indirect_dma semaphore(%dma_wait3A_110 : memref<!tpu.dma_semaphore, #tpu.memory_space<semaphore_mem>>) src(%arg17 : memref<80x64xf32, #tpu.memory_space<vmem>>) dst(%dma_wait3A_108 : memref<10000x64xf32, #tpu.memory_space<vmem_shared>>)
      %dma_wait3A_111 = arith.constant 248 : i32
      %dma_wait3A_112 = arith.constant 0 : i32
      %dma_wait3A_113 = arith.constant 0 : i32
      %dma_wait3A_114 = tpu.memref_slice %arg13[%dma_wait3A_111, %dma_wait3A_113] : memref<250x80xi32, #tpu.memory_space<vmem>> -> memref<1x80xi32, #tpu.memory_space<vmem>>
      %dma_wait3A_115 = tpu.memref_squeeze %dma_wait3A_114 : memref<1x80xi32, #tpu.memory_space<vmem>> -> memref<80xi32, #tpu.memory_space<vmem>>
      %dma_wait3A_116 = arith.constant 0 : i32
      %dma_wait3A_117 = arith.constant 0 : i32
      %dma_wait3A_118 = tpu.memref_slice %arg22[%dma_wait3A_116, %dma_wait3A_117] : memref<10000x64xf32, #tpu.memory_space<vmem_shared>> -> memref<10000x64xf32, #tpu.memory_space<vmem_shared>>
      %dma_wait3A_119 = tpu.memref_slice %arg20[%dma_wait3A_112] : memref<4x!tpu.dma_semaphore, #tpu.memory_space<semaphore_mem>> -> memref<1x!tpu.dma_semaphore, #tpu.memory_space<semaphore_mem>>
      %dma_wait3A_120 = tpu.memref_squeeze %dma_wait3A_119 : memref<1x!tpu.dma_semaphore, #tpu.memory_space<semaphore_mem>> -> memref<!tpu.dma_semaphore, #tpu.memory_space<semaphore_mem>>
      tpu.wait_indirect_dma semaphore(%dma_wait3A_120 : memref<!tpu.dma_semaphore, #tpu.memory_space<semaphore_mem>>) src(%arg14 : memref<80x64xf32, #tpu.memory_space<vmem>>) dst(%dma_wait3A_118 : memref<10000x64xf32, #tpu.memory_space<vmem_shared>>)
      %dma_wait3A_121 = arith.constant 249 : i32
      %dma_wait3A_122 = arith.constant 1 : i32
      %dma_wait3A_123 = arith.constant 0 : i32
      %dma_wait3A_124 = tpu.memref_slice %arg13[%dma_wait3A_121, %dma_wait3A_123] : memref<250x80xi32, #tpu.memory_space<vmem>> -> memref<1x80xi32, #tpu.memory_space<vmem>>
      %dma_wait3A_125 = tpu.memref_squeeze %dma_wait3A_124 : memref<1x80xi32, #tpu.memory_space<vmem>> -> memref<80xi32, #tpu.memory_space<vmem>>
      %dma_wait3A_126 = arith.constant 0 : i32
      %dma_wait3A_127 = arith.constant 0 : i32
      %dma_wait3A_128 = tpu.memref_slice %arg22[%dma_wait3A_126, %dma_wait3A_127] : memref<10000x64xf32, #tpu.memory_space<vmem_shared>> -> memref<10000x64xf32, #tpu.memory_space<vmem_shared>>
      %dma_wait3A_129 = tpu.memref_slice %arg20[%dma_wait3A_122] : memref<4x!tpu.dma_semaphore, #tpu.memory_space<semaphore_mem>> -> memref<1x!tpu.dma_semaphore, #tpu.memory_space<semaphore_mem>>
      %dma_wait3A_130 = tpu.memref_squeeze %dma_wait3A_129 : memref<1x!tpu.dma_semaphore, #tpu.memory_space<semaphore_mem>> -> memref<!tpu.dma_semaphore, #tpu.memory_space<semaphore_mem>>
      tpu.wait_indirect_dma semaphore(%dma_wait3A_130 : memref<!tpu.dma_semaphore, #tpu.memory_space<semaphore_mem>>) src(%arg15 : memref<80x64xf32, #tpu.memory_space<vmem>>) dst(%dma_wait3A_128 : memref<10000x64xf32, #tpu.memory_space<vmem_shared>>)
    } else {
    }
    %barrier3A_18 = arith.constant 0 : index
    tpu.barrier barrier_id(%barrier3A_18)
    %scan3A_19 = arith.constant 0 : i32
    %scan3A_20 = arith.constant 0 : i32
    %scan3A_21 = arith.constant 8 : i32
    %scan3A_22 = arith.addi %scan3A_20, %scan3A_21 : i32
    %scan3A_23 = arith.constant 1 : i32
    %scan3A_24 = scf.for %scan3A_26 = %scan3A_20 to %scan3A_22 step %scan3A_23 iter_args(%scan3A_27 = %scan3A_19) -> (i32)  : i32 {
      %mul3A = arith.constant 16 : i32
      %mul3A_28 = arith.muli %scan3A_26, %mul3A : i32
      %add3A = arith.addi %mul3A_28, %arg1 : i32
      %lt3A = arith.constant 125 : i32
      %lt3A_29 = arith.cmpi slt, %add3A, %lt3A : i32
      %convert_element_type3A_30 = arith.extui %lt3A_29 : i1 to i32
      %cond3A_31 = arith.constant 0 : i32
      %cond3A_32 = arith.cmpi ne, %convert_element_type3A_30, %cond3A_31 : i32
      scf.if %cond3A_32 {
        %mul3A_34 = arith.constant 80 : i32
        %mul3A_35 = arith.muli %add3A, %mul3A_34 : i32
        "tpu.region"() ({
          %run_scoped3A = tpu.sem_alloc : memref<!tpu.dma_semaphore, #tpu.memory_space<semaphore_mem>>
          %dma_start3A = arith.constant 0 : i32
          %dma_start3A_51 = tpu.memref_slice %arg22[%mul3A_35, %dma_start3A] : memref<10000x64xf32, #tpu.memory_space<vmem_shared>> -> memref<80x64xf32, #tpu.memory_space<vmem_shared>>
          %dma_start3A_52 = arith.constant 0 : i32
          %dma_start3A_53 = tpu.memref_slice %arg22[%mul3A_35, %dma_start3A_52] : memref<10000x64xf32, #tpu.memory_space<vmem_shared>> -> memref<80x64xf32, #tpu.memory_space<vmem_shared>>
          tpu.enqueue_dma source(%dma_start3A_53 : memref<80x64xf32, #tpu.memory_space<vmem_shared>>) target(%arg18 : memref<80x64xf32, #tpu.memory_space<vmem>>) target_semaphore(%run_scoped3A : memref<!tpu.dma_semaphore, #tpu.memory_space<semaphore_mem>>)
          %dma_wait3A = arith.constant 0 : i32
          %dma_wait3A_54 = tpu.memref_slice %arg22[%mul3A_35, %dma_wait3A] : memref<10000x64xf32, #tpu.memory_space<vmem_shared>> -> memref<80x64xf32, #tpu.memory_space<vmem_shared>>
          %dma_wait3A_55 = arith.constant 0 : i32
          %dma_wait3A_56 = tpu.memref_slice %arg22[%mul3A_35, %dma_wait3A_55] : memref<10000x64xf32, #tpu.memory_space<vmem_shared>> -> memref<80x64xf32, #tpu.memory_space<vmem_shared>>
          tpu.wait_dma2 semaphore(%run_scoped3A : memref<!tpu.dma_semaphore, #tpu.memory_space<semaphore_mem>>) src(%dma_wait3A_56 : memref<80x64xf32, #tpu.memory_space<vmem_shared>>) dst(%arg18 : memref<80x64xf32, #tpu.memory_space<vmem>>)
          tpu.yield
        }) : () -> ()
        %eq3A_36 = arith.constant 0 : i32
        %eq3A_37 = arith.cmpi eq, %arg0, %eq3A_36 : i32
        %convert_element_type3A_38 = arith.extui %eq3A_37 : i1 to i32
        %cond3A_39 = arith.constant 0 : i32
        %cond3A_40 = arith.cmpi ne, %convert_element_type3A_38, %cond3A_39 : i32
        scf.if %cond3A_40 {
          "tpu.region"() ({
            %run_scoped3A = tpu.sem_alloc : memref<!tpu.dma_semaphore, #tpu.memory_space<semaphore_mem>>
            %dma_start3A = arith.constant 0 : i32
            %dma_start3A_51 = tpu.memref_slice %arg9[%mul3A_35, %dma_start3A] : memref<10000x64xf32, #tpu.memory_space<hbm>> -> memref<80x64xf32, #tpu.memory_space<hbm>>
            %dma_start3A_52 = arith.constant 0 : i32
            %dma_start3A_53 = tpu.memref_slice %arg9[%mul3A_35, %dma_start3A_52] : memref<10000x64xf32, #tpu.memory_space<hbm>> -> memref<80x64xf32, #tpu.memory_space<hbm>>
            tpu.enqueue_dma source(%arg18 : memref<80x64xf32, #tpu.memory_space<vmem>>) target(%dma_start3A_53 : memref<80x64xf32, #tpu.memory_space<hbm>>) target_semaphore(%run_scoped3A : memref<!tpu.dma_semaphore, #tpu.memory_space<semaphore_mem>>)
            %dma_wait3A = arith.constant 0 : i32
            %dma_wait3A_54 = tpu.memref_slice %arg9[%mul3A_35, %dma_wait3A] : memref<10000x64xf32, #tpu.memory_space<hbm>> -> memref<80x64xf32, #tpu.memory_space<hbm>>
            %dma_wait3A_55 = arith.constant 0 : i32
            %dma_wait3A_56 = tpu.memref_slice %arg9[%mul3A_35, %dma_wait3A_55] : memref<10000x64xf32, #tpu.memory_space<hbm>> -> memref<80x64xf32, #tpu.memory_space<hbm>>
            tpu.wait_dma2 semaphore(%run_scoped3A : memref<!tpu.dma_semaphore, #tpu.memory_space<semaphore_mem>>) src(%arg18 : memref<80x64xf32, #tpu.memory_space<vmem>>) dst(%dma_wait3A_56 : memref<80x64xf32, #tpu.memory_space<hbm>>)
            tpu.yield
          }) : () -> ()
        } else {
        }
        %eq3A_41 = arith.constant 1 : i32
        %eq3A_42 = arith.cmpi eq, %arg0, %eq3A_41 : i32
        %convert_element_type3A_43 = arith.extui %eq3A_42 : i1 to i32
        %cond3A_44 = arith.constant 0 : i32
        %cond3A_45 = arith.cmpi ne, %convert_element_type3A_43, %cond3A_44 : i32
        scf.if %cond3A_45 {
          "tpu.region"() ({
            %run_scoped3A = tpu.sem_alloc : memref<!tpu.dma_semaphore, #tpu.memory_space<semaphore_mem>>
            %dma_start3A = arith.constant 0 : i32
            %dma_start3A_51 = tpu.memref_slice %arg10[%mul3A_35, %dma_start3A] : memref<10000x64xf32, #tpu.memory_space<hbm>> -> memref<80x64xf32, #tpu.memory_space<hbm>>
            %dma_start3A_52 = arith.constant 0 : i32
            %dma_start3A_53 = tpu.memref_slice %arg10[%mul3A_35, %dma_start3A_52] : memref<10000x64xf32, #tpu.memory_space<hbm>> -> memref<80x64xf32, #tpu.memory_space<hbm>>
            tpu.enqueue_dma source(%arg18 : memref<80x64xf32, #tpu.memory_space<vmem>>) target(%dma_start3A_53 : memref<80x64xf32, #tpu.memory_space<hbm>>) target_semaphore(%run_scoped3A : memref<!tpu.dma_semaphore, #tpu.memory_space<semaphore_mem>>)
            %dma_wait3A = arith.constant 0 : i32
            %dma_wait3A_54 = tpu.memref_slice %arg10[%mul3A_35, %dma_wait3A] : memref<10000x64xf32, #tpu.memory_space<hbm>> -> memref<80x64xf32, #tpu.memory_space<hbm>>
            %dma_wait3A_55 = arith.constant 0 : i32
            %dma_wait3A_56 = tpu.memref_slice %arg10[%mul3A_35, %dma_wait3A_55] : memref<10000x64xf32, #tpu.memory_space<hbm>> -> memref<80x64xf32, #tpu.memory_space<hbm>>
            tpu.wait_dma2 semaphore(%run_scoped3A : memref<!tpu.dma_semaphore, #tpu.memory_space<semaphore_mem>>) src(%arg18 : memref<80x64xf32, #tpu.memory_space<vmem>>) dst(%dma_wait3A_56 : memref<80x64xf32, #tpu.memory_space<hbm>>)
            tpu.yield
          }) : () -> ()
        } else {
        }
        %eq3A_46 = arith.constant 0 : i32
        %eq3A_47 = arith.cmpi eq, %arg0, %eq3A_46 : i32
        %convert_element_type3A_48 = arith.extui %eq3A_47 : i1 to i32
        %cond3A_49 = arith.constant 0 : i32
        %cond3A_50 = arith.cmpi ne, %convert_element_type3A_48, %cond3A_49 : i32
        scf.if %cond3A_50 {
          "tpu.region"() ({
            %run_scoped3A = tpu.sem_alloc : memref<!tpu.dma_semaphore, #tpu.memory_space<semaphore_mem>>
            %dma_start3A = arith.constant 0 : i32
            %dma_start3A_51 = tpu.memref_slice %arg25[%mul3A_35, %dma_start3A] : memref<10000x8xf32, #tpu.memory_space<vmem_shared>> -> memref<80x8xf32, #tpu.memory_space<vmem_shared>>
            %dma_start3A_52 = arith.constant 0 : i32
            %dma_start3A_53 = tpu.memref_slice %arg25[%mul3A_35, %dma_start3A_52] : memref<10000x8xf32, #tpu.memory_space<vmem_shared>> -> memref<80x8xf32, #tpu.memory_space<vmem_shared>>
            tpu.enqueue_dma source(%dma_start3A_53 : memref<80x8xf32, #tpu.memory_space<vmem_shared>>) target(%arg24 : memref<80x8xf32, #tpu.memory_space<vmem>>) target_semaphore(%run_scoped3A : memref<!tpu.dma_semaphore, #tpu.memory_space<semaphore_mem>>)
            %dma_wait3A = arith.constant 0 : i32
            %dma_wait3A_54 = tpu.memref_slice %arg25[%mul3A_35, %dma_wait3A] : memref<10000x8xf32, #tpu.memory_space<vmem_shared>> -> memref<80x8xf32, #tpu.memory_space<vmem_shared>>
            %dma_wait3A_55 = arith.constant 0 : i32
            %dma_wait3A_56 = tpu.memref_slice %arg25[%mul3A_35, %dma_wait3A_55] : memref<10000x8xf32, #tpu.memory_space<vmem_shared>> -> memref<80x8xf32, #tpu.memory_space<vmem_shared>>
            tpu.wait_dma2 semaphore(%run_scoped3A : memref<!tpu.dma_semaphore, #tpu.memory_space<semaphore_mem>>) src(%dma_wait3A_56 : memref<80x8xf32, #tpu.memory_space<vmem_shared>>) dst(%arg24 : memref<80x8xf32, #tpu.memory_space<vmem>>)
            tpu.yield
          }) : () -> ()
          "tpu.region"() ({
            %run_scoped3A = tpu.sem_alloc : memref<!tpu.dma_semaphore, #tpu.memory_space<semaphore_mem>>
            %dma_start3A = arith.constant 0 : i32
            %dma_start3A_51 = tpu.memref_slice %arg11[%mul3A_35, %dma_start3A] : memref<10000x8xf32, #tpu.memory_space<hbm>> -> memref<80x8xf32, #tpu.memory_space<hbm>>
            %dma_start3A_52 = arith.constant 0 : i32
            %dma_start3A_53 = tpu.memref_slice %arg11[%mul3A_35, %dma_start3A_52] : memref<10000x8xf32, #tpu.memory_space<hbm>> -> memref<80x8xf32, #tpu.memory_space<hbm>>
            tpu.enqueue_dma source(%arg24 : memref<80x8xf32, #tpu.memory_space<vmem>>) target(%dma_start3A_53 : memref<80x8xf32, #tpu.memory_space<hbm>>) target_semaphore(%run_scoped3A : memref<!tpu.dma_semaphore, #tpu.memory_space<semaphore_mem>>)
            %dma_wait3A = arith.constant 0 : i32
            %dma_wait3A_54 = tpu.memref_slice %arg11[%mul3A_35, %dma_wait3A] : memref<10000x8xf32, #tpu.memory_space<hbm>> -> memref<80x8xf32, #tpu.memory_space<hbm>>
            %dma_wait3A_55 = arith.constant 0 : i32
            %dma_wait3A_56 = tpu.memref_slice %arg11[%mul3A_35, %dma_wait3A_55] : memref<10000x8xf32, #tpu.memory_space<hbm>> -> memref<80x8xf32, #tpu.memory_space<hbm>>
            tpu.wait_dma2 semaphore(%run_scoped3A : memref<!tpu.dma_semaphore, #tpu.memory_space<semaphore_mem>>) src(%arg24 : memref<80x8xf32, #tpu.memory_space<vmem>>) dst(%dma_wait3A_56 : memref<80x8xf32, #tpu.memory_space<hbm>>)
            tpu.yield
          }) : () -> ()
        } else {
        }
      } else {
      }
      %scan3A_33 = arith.constant 0 : i32
      scf.yield %scan3A_33 : i32
    }
    %scan3A_25 = arith.constant 8 : i32
    return
  }
}

#map = affine_map<(d0, d1) -> (0, 0)>
#map1 = affine_map<(d0, d1) -> (0, 0, 0)>
module attributes {stable_mosaic.version = 14 : i64} {
  func.func @agg(%arg0: i32, %arg1: i32, %arg2: memref<10000x64xf32, #tpu.memory_space<hbm>>, %arg3: memref<10000x64xf32, #tpu.memory_space<hbm>>, %arg4: memref<16x250x80xi32, #tpu.memory_space<hbm>>, %arg5: memref<16x250x80xi32, #tpu.memory_space<hbm>>, %arg6: memref<80x64xf32, #tpu.memory_space<hbm>>, %arg7: memref<10000x64xf32, #tpu.memory_space<hbm>>, %arg8: memref<10000x64xf32, #tpu.memory_space<hbm>>, %arg9: memref<250x80xi32, #tpu.memory_space<vmem>>, %arg10: memref<250x80xi32, #tpu.memory_space<vmem>>, %arg11: memref<80x64xf32, #tpu.memory_space<vmem>>, %arg12: memref<80x64xf32, #tpu.memory_space<vmem>>, %arg13: memref<80x64xf32, #tpu.memory_space<vmem>>, %arg14: memref<80x64xf32, #tpu.memory_space<vmem>>, %arg15: memref<80x64xf32, #tpu.memory_space<vmem>>, %arg16: memref<4x!tpu.dma_semaphore, #tpu.memory_space<semaphore_mem>>, %arg17: memref<4x!tpu.dma_semaphore, #tpu.memory_space<semaphore_mem>>, %arg18: memref<!tpu.dma_semaphore, #tpu.memory_space<semaphore_mem>>, %arg19: memref<10000x64xf32, #tpu.memory_space<vmem_shared>>) attributes {dimension_semantics = [#tpu.dimension_semantics<core_parallel>, #tpu.dimension_semantics<subcore_parallel>], iteration_bounds = array<i64: 2, 16>, scalar_prefetch = 0 : i64, scratch_operands = 11 : i64, tpu.core_type = #tpu.core_type<sc_vector_subcore>, window_params = [{transform_indices = #map}, {transform_indices = #map}, {transform_indices = #map1}, {transform_indices = #map1}, {transform_indices = #map}, {transform_indices = #map}, {transform_indices = #map}]} {
    "tpu.region"() ({
      %run_scoped3A = tpu.sem_alloc : memref<!tpu.dma_semaphore, #tpu.memory_space<semaphore_mem>>
      %dma_start3A = arith.constant 0 : i32
      %dma_start3A_21 = arith.constant 0 : i32
      %dma_start3A_22 = tpu.memref_slice %arg4[%arg1, %dma_start3A, %dma_start3A_21] : memref<16x250x80xi32, #tpu.memory_space<hbm>> -> memref<1x250x80xi32, #tpu.memory_space<hbm>>
      %dma_start3A_23 = tpu.memref_squeeze %dma_start3A_22 : memref<1x250x80xi32, #tpu.memory_space<hbm>> -> memref<250x80xi32, #tpu.memory_space<hbm>>
      %dma_start3A_24 = arith.constant 0 : i32
      %dma_start3A_25 = arith.constant 0 : i32
      %dma_start3A_26 = tpu.memref_slice %arg4[%arg1, %dma_start3A_24, %dma_start3A_25] : memref<16x250x80xi32, #tpu.memory_space<hbm>> -> memref<1x250x80xi32, #tpu.memory_space<hbm>>
      %dma_start3A_27 = tpu.memref_squeeze %dma_start3A_26 : memref<1x250x80xi32, #tpu.memory_space<hbm>> -> memref<250x80xi32, #tpu.memory_space<hbm>>
      tpu.enqueue_dma source(%dma_start3A_27 : memref<250x80xi32, #tpu.memory_space<hbm>>) target(%arg9 : memref<250x80xi32, #tpu.memory_space<vmem>>) target_semaphore(%run_scoped3A : memref<!tpu.dma_semaphore, #tpu.memory_space<semaphore_mem>>)
      %dma_wait3A = arith.constant 0 : i32
      %dma_wait3A_28 = arith.constant 0 : i32
      %dma_wait3A_29 = tpu.memref_slice %arg4[%arg1, %dma_wait3A, %dma_wait3A_28] : memref<16x250x80xi32, #tpu.memory_space<hbm>> -> memref<1x250x80xi32, #tpu.memory_space<hbm>>
      %dma_wait3A_30 = tpu.memref_squeeze %dma_wait3A_29 : memref<1x250x80xi32, #tpu.memory_space<hbm>> -> memref<250x80xi32, #tpu.memory_space<hbm>>
      %dma_wait3A_31 = arith.constant 0 : i32
      %dma_wait3A_32 = arith.constant 0 : i32
      %dma_wait3A_33 = tpu.memref_slice %arg4[%arg1, %dma_wait3A_31, %dma_wait3A_32] : memref<16x250x80xi32, #tpu.memory_space<hbm>> -> memref<1x250x80xi32, #tpu.memory_space<hbm>>
      %dma_wait3A_34 = tpu.memref_squeeze %dma_wait3A_33 : memref<1x250x80xi32, #tpu.memory_space<hbm>> -> memref<250x80xi32, #tpu.memory_space<hbm>>
      tpu.wait_dma2 semaphore(%run_scoped3A : memref<!tpu.dma_semaphore, #tpu.memory_space<semaphore_mem>>) src(%dma_wait3A_34 : memref<250x80xi32, #tpu.memory_space<hbm>>) dst(%arg9 : memref<250x80xi32, #tpu.memory_space<vmem>>)
      tpu.yield
    }) : () -> ()
    "tpu.region"() ({
      %run_scoped3A = tpu.sem_alloc : memref<!tpu.dma_semaphore, #tpu.memory_space<semaphore_mem>>
      %dma_start3A = arith.constant 0 : i32
      %dma_start3A_21 = arith.constant 0 : i32
      %dma_start3A_22 = tpu.memref_slice %arg5[%arg1, %dma_start3A, %dma_start3A_21] : memref<16x250x80xi32, #tpu.memory_space<hbm>> -> memref<1x250x80xi32, #tpu.memory_space<hbm>>
      %dma_start3A_23 = tpu.memref_squeeze %dma_start3A_22 : memref<1x250x80xi32, #tpu.memory_space<hbm>> -> memref<250x80xi32, #tpu.memory_space<hbm>>
      %dma_start3A_24 = arith.constant 0 : i32
      %dma_start3A_25 = arith.constant 0 : i32
      %dma_start3A_26 = tpu.memref_slice %arg5[%arg1, %dma_start3A_24, %dma_start3A_25] : memref<16x250x80xi32, #tpu.memory_space<hbm>> -> memref<1x250x80xi32, #tpu.memory_space<hbm>>
      %dma_start3A_27 = tpu.memref_squeeze %dma_start3A_26 : memref<1x250x80xi32, #tpu.memory_space<hbm>> -> memref<250x80xi32, #tpu.memory_space<hbm>>
      tpu.enqueue_dma source(%dma_start3A_27 : memref<250x80xi32, #tpu.memory_space<hbm>>) target(%arg10 : memref<250x80xi32, #tpu.memory_space<vmem>>) target_semaphore(%run_scoped3A : memref<!tpu.dma_semaphore, #tpu.memory_space<semaphore_mem>>)
      %dma_wait3A = arith.constant 0 : i32
      %dma_wait3A_28 = arith.constant 0 : i32
      %dma_wait3A_29 = tpu.memref_slice %arg5[%arg1, %dma_wait3A, %dma_wait3A_28] : memref<16x250x80xi32, #tpu.memory_space<hbm>> -> memref<1x250x80xi32, #tpu.memory_space<hbm>>
      %dma_wait3A_30 = tpu.memref_squeeze %dma_wait3A_29 : memref<1x250x80xi32, #tpu.memory_space<hbm>> -> memref<250x80xi32, #tpu.memory_space<hbm>>
      %dma_wait3A_31 = arith.constant 0 : i32
      %dma_wait3A_32 = arith.constant 0 : i32
      %dma_wait3A_33 = tpu.memref_slice %arg5[%arg1, %dma_wait3A_31, %dma_wait3A_32] : memref<16x250x80xi32, #tpu.memory_space<hbm>> -> memref<1x250x80xi32, #tpu.memory_space<hbm>>
      %dma_wait3A_34 = tpu.memref_squeeze %dma_wait3A_33 : memref<1x250x80xi32, #tpu.memory_space<hbm>> -> memref<250x80xi32, #tpu.memory_space<hbm>>
      tpu.wait_dma2 semaphore(%run_scoped3A : memref<!tpu.dma_semaphore, #tpu.memory_space<semaphore_mem>>) src(%dma_wait3A_34 : memref<250x80xi32, #tpu.memory_space<hbm>>) dst(%arg10 : memref<250x80xi32, #tpu.memory_space<vmem>>)
      tpu.yield
    }) : () -> ()
    "tpu.region"() ({
      %run_scoped3A = tpu.sem_alloc : memref<!tpu.dma_semaphore, #tpu.memory_space<semaphore_mem>>
      tpu.enqueue_dma source(%arg6 : memref<80x64xf32, #tpu.memory_space<hbm>>) target(%arg15 : memref<80x64xf32, #tpu.memory_space<vmem>>) target_semaphore(%run_scoped3A : memref<!tpu.dma_semaphore, #tpu.memory_space<semaphore_mem>>)
      tpu.wait_dma2 semaphore(%run_scoped3A : memref<!tpu.dma_semaphore, #tpu.memory_space<semaphore_mem>>) src(%arg6 : memref<80x64xf32, #tpu.memory_space<hbm>>) dst(%arg15 : memref<80x64xf32, #tpu.memory_space<vmem>>)
      tpu.yield
    }) : () -> ()
    %scan3A = arith.constant 0 : i32
    %scan3A_0 = arith.constant 0 : i32
    %scan3A_1 = arith.constant 8 : i32
    %scan3A_2 = arith.addi %scan3A_0, %scan3A_1 : i32
    %scan3A_3 = arith.constant 1 : i32
    %scan3A_4 = scf.for %scan3A_21 = %scan3A_0 to %scan3A_2 step %scan3A_3 iter_args(%scan3A_22 = %scan3A) -> (i32)  : i32 {
      %mul3A = arith.constant 16 : i32
      %mul3A_23 = arith.muli %scan3A_21, %mul3A : i32
      %add3A = arith.addi %mul3A_23, %arg1 : i32
      %lt3A = arith.constant 125 : i32
      %lt3A_24 = arith.cmpi slt, %add3A, %lt3A : i32
      %convert_element_type3A_25 = arith.extui %lt3A_24 : i1 to i32
      %cond3A_26 = arith.constant 0 : i32
      %cond3A_27 = arith.cmpi ne, %convert_element_type3A_25, %cond3A_26 : i32
      scf.if %cond3A_27 {
        %mul3A_29 = arith.constant 80 : i32
        %mul3A_30 = arith.muli %add3A, %mul3A_29 : i32
        "tpu.region"() ({
          %run_scoped3A = tpu.sem_alloc : memref<!tpu.dma_semaphore, #tpu.memory_space<semaphore_mem>>
          %dma_start3A = arith.constant 0 : i32
          %dma_start3A_31 = tpu.memref_slice %arg19[%mul3A_30, %dma_start3A] : memref<10000x64xf32, #tpu.memory_space<vmem_shared>> -> memref<80x64xf32, #tpu.memory_space<vmem_shared>>
          %dma_start3A_32 = arith.constant 0 : i32
          %dma_start3A_33 = tpu.memref_slice %arg19[%mul3A_30, %dma_start3A_32] : memref<10000x64xf32, #tpu.memory_space<vmem_shared>> -> memref<80x64xf32, #tpu.memory_space<vmem_shared>>
          tpu.enqueue_dma source(%arg15 : memref<80x64xf32, #tpu.memory_space<vmem>>) target(%dma_start3A_33 : memref<80x64xf32, #tpu.memory_space<vmem_shared>>) target_semaphore(%run_scoped3A : memref<!tpu.dma_semaphore, #tpu.memory_space<semaphore_mem>>)
          %dma_wait3A = arith.constant 0 : i32
          %dma_wait3A_34 = tpu.memref_slice %arg19[%mul3A_30, %dma_wait3A] : memref<10000x64xf32, #tpu.memory_space<vmem_shared>> -> memref<80x64xf32, #tpu.memory_space<vmem_shared>>
          %dma_wait3A_35 = arith.constant 0 : i32
          %dma_wait3A_36 = tpu.memref_slice %arg19[%mul3A_30, %dma_wait3A_35] : memref<10000x64xf32, #tpu.memory_space<vmem_shared>> -> memref<80x64xf32, #tpu.memory_space<vmem_shared>>
          tpu.wait_dma2 semaphore(%run_scoped3A : memref<!tpu.dma_semaphore, #tpu.memory_space<semaphore_mem>>) src(%arg15 : memref<80x64xf32, #tpu.memory_space<vmem>>) dst(%dma_wait3A_36 : memref<80x64xf32, #tpu.memory_space<vmem_shared>>)
          tpu.yield
        }) : () -> ()
      } else {
      }
      %scan3A_28 = arith.constant 0 : i32
      scf.yield %scan3A_28 : i32
    }
    %scan3A_5 = arith.constant 8 : i32
    %barrier3A = arith.constant 0 : index
    tpu.barrier barrier_id(%barrier3A)
    %eq3A = arith.constant 0 : i32
    %eq3A_6 = arith.cmpi eq, %arg0, %eq3A : i32
    %convert_element_type3A = arith.extui %eq3A_6 : i1 to i32
    %cond3A = arith.constant 0 : i32
    %cond3A_7 = arith.cmpi ne, %convert_element_type3A, %cond3A : i32
    scf.if %cond3A_7 {
      %dma_start3A = arith.constant 0 : i32
      %dma_start3A_21 = arith.constant 0 : i32
      %dma_start3A_22 = arith.constant 0 : i32
      %dma_start3A_23 = tpu.memref_slice %arg9[%dma_start3A, %dma_start3A_22] : memref<250x80xi32, #tpu.memory_space<vmem>> -> memref<1x80xi32, #tpu.memory_space<vmem>>
      %dma_start3A_24 = tpu.memref_squeeze %dma_start3A_23 : memref<1x80xi32, #tpu.memory_space<vmem>> -> memref<80xi32, #tpu.memory_space<vmem>>
      %dma_start3A_25 = arith.constant 0 : i32
      %dma_start3A_26 = arith.constant 0 : i32
      %dma_start3A_27 = tpu.memref_slice %arg2[%dma_start3A_25, %dma_start3A_26] : memref<10000x64xf32, #tpu.memory_space<hbm>> -> memref<10000x64xf32, #tpu.memory_space<hbm>>
      %dma_start3A_28 = tpu.memref_slice %arg16[%dma_start3A_21] : memref<4x!tpu.dma_semaphore, #tpu.memory_space<semaphore_mem>> -> memref<1x!tpu.dma_semaphore, #tpu.memory_space<semaphore_mem>>
      %dma_start3A_29 = tpu.memref_squeeze %dma_start3A_28 : memref<1x!tpu.dma_semaphore, #tpu.memory_space<semaphore_mem>> -> memref<!tpu.dma_semaphore, #tpu.memory_space<semaphore_mem>>
      tpu.enqueue_indirect_dma source(%dma_start3A_27 : memref<10000x64xf32, #tpu.memory_space<hbm>>) target(%arg11 : memref<80x64xf32, #tpu.memory_space<vmem>>) offsets(%dma_start3A_24 : memref<80xi32, #tpu.memory_space<vmem>>) semaphore(%dma_start3A_29 : memref<!tpu.dma_semaphore, #tpu.memory_space<semaphore_mem>>)
      %dma_start3A_30 = arith.constant 1 : i32
      %dma_start3A_31 = arith.constant 1 : i32
      %dma_start3A_32 = arith.constant 0 : i32
      %dma_start3A_33 = tpu.memref_slice %arg9[%dma_start3A_30, %dma_start3A_32] : memref<250x80xi32, #tpu.memory_space<vmem>> -> memref<1x80xi32, #tpu.memory_space<vmem>>
      %dma_start3A_34 = tpu.memref_squeeze %dma_start3A_33 : memref<1x80xi32, #tpu.memory_space<vmem>> -> memref<80xi32, #tpu.memory_space<vmem>>
      %dma_start3A_35 = arith.constant 0 : i32
      %dma_start3A_36 = arith.constant 0 : i32
      %dma_start3A_37 = tpu.memref_slice %arg2[%dma_start3A_35, %dma_start3A_36] : memref<10000x64xf32, #tpu.memory_space<hbm>> -> memref<10000x64xf32, #tpu.memory_space<hbm>>
      %dma_start3A_38 = tpu.memref_slice %arg16[%dma_start3A_31] : memref<4x!tpu.dma_semaphore, #tpu.memory_space<semaphore_mem>> -> memref<1x!tpu.dma_semaphore, #tpu.memory_space<semaphore_mem>>
      %dma_start3A_39 = tpu.memref_squeeze %dma_start3A_38 : memref<1x!tpu.dma_semaphore, #tpu.memory_space<semaphore_mem>> -> memref<!tpu.dma_semaphore, #tpu.memory_space<semaphore_mem>>
      tpu.enqueue_indirect_dma source(%dma_start3A_37 : memref<10000x64xf32, #tpu.memory_space<hbm>>) target(%arg12 : memref<80x64xf32, #tpu.memory_space<vmem>>) offsets(%dma_start3A_34 : memref<80xi32, #tpu.memory_space<vmem>>) semaphore(%dma_start3A_39 : memref<!tpu.dma_semaphore, #tpu.memory_space<semaphore_mem>>)
      %scan3A_40 = arith.constant 0 : i32
      %scan3A_41 = arith.constant 0 : i32
      %scan3A_42 = arith.constant 62 : i32
      %scan3A_43 = arith.addi %scan3A_41, %scan3A_42 : i32
      %scan3A_44 = arith.constant 1 : i32
      %scan3A_45 = scf.for %scan3A_126 = %scan3A_41 to %scan3A_43 step %scan3A_44 iter_args(%scan3A_127 = %scan3A_40) -> (i32)  : i32 {
        %mul3A = arith.constant 4 : i32
        %mul3A_128 = arith.muli %mul3A, %scan3A_126 : i32
        %add3A = arith.constant 0 : i32
        %add3A_129 = arith.addi %mul3A_128, %add3A : i32
        %dma_wait3A_130 = arith.constant 0 : i32
        %dma_wait3A_131 = arith.constant 0 : i32
        %dma_wait3A_132 = tpu.memref_slice %arg9[%add3A_129, %dma_wait3A_131] : memref<250x80xi32, #tpu.memory_space<vmem>> -> memref<1x80xi32, #tpu.memory_space<vmem>>
        %dma_wait3A_133 = tpu.memref_squeeze %dma_wait3A_132 : memref<1x80xi32, #tpu.memory_space<vmem>> -> memref<80xi32, #tpu.memory_space<vmem>>
        %dma_wait3A_134 = arith.constant 0 : i32
        %dma_wait3A_135 = arith.constant 0 : i32
        %dma_wait3A_136 = tpu.memref_slice %arg2[%dma_wait3A_134, %dma_wait3A_135] : memref<10000x64xf32, #tpu.memory_space<hbm>> -> memref<10000x64xf32, #tpu.memory_space<hbm>>
        %dma_wait3A_137 = tpu.memref_slice %arg16[%dma_wait3A_130] : memref<4x!tpu.dma_semaphore, #tpu.memory_space<semaphore_mem>> -> memref<1x!tpu.dma_semaphore, #tpu.memory_space<semaphore_mem>>
        %dma_wait3A_138 = tpu.memref_squeeze %dma_wait3A_137 : memref<1x!tpu.dma_semaphore, #tpu.memory_space<semaphore_mem>> -> memref<!tpu.dma_semaphore, #tpu.memory_space<semaphore_mem>>
        tpu.wait_indirect_dma semaphore(%dma_wait3A_138 : memref<!tpu.dma_semaphore, #tpu.memory_space<semaphore_mem>>) src(%dma_wait3A_136 : memref<10000x64xf32, #tpu.memory_space<hbm>>) dst(%arg11 : memref<80x64xf32, #tpu.memory_space<vmem>>)
        %dma_start3A_139 = arith.constant 0 : i32
        %dma_start3A_140 = arith.constant 0 : i32
        %dma_start3A_141 = tpu.memref_slice %arg10[%add3A_129, %dma_start3A_140] : memref<250x80xi32, #tpu.memory_space<vmem>> -> memref<1x80xi32, #tpu.memory_space<vmem>>
        %dma_start3A_142 = tpu.memref_squeeze %dma_start3A_141 : memref<1x80xi32, #tpu.memory_space<vmem>> -> memref<80xi32, #tpu.memory_space<vmem>>
        %dma_start3A_143 = arith.constant 0 : i32
        %dma_start3A_144 = arith.constant 0 : i32
        %dma_start3A_145 = tpu.memref_slice %arg19[%dma_start3A_143, %dma_start3A_144] : memref<10000x64xf32, #tpu.memory_space<vmem_shared>> -> memref<10000x64xf32, #tpu.memory_space<vmem_shared>>
        %dma_start3A_146 = tpu.memref_slice %arg17[%dma_start3A_139] : memref<4x!tpu.dma_semaphore, #tpu.memory_space<semaphore_mem>> -> memref<1x!tpu.dma_semaphore, #tpu.memory_space<semaphore_mem>>
        %dma_start3A_147 = tpu.memref_squeeze %dma_start3A_146 : memref<1x!tpu.dma_semaphore, #tpu.memory_space<semaphore_mem>> -> memref<!tpu.dma_semaphore, #tpu.memory_space<semaphore_mem>>
        tpu.enqueue_indirect_dma source(%arg11 : memref<80x64xf32, #tpu.memory_space<vmem>>) target(%dma_start3A_145 : memref<10000x64xf32, #tpu.memory_space<vmem_shared>>) offsets(%dma_start3A_142 : memref<80xi32, #tpu.memory_space<vmem>>) semaphore(%dma_start3A_147 : memref<!tpu.dma_semaphore, #tpu.memory_space<semaphore_mem>>) {add = true}
        %ge3A = arith.constant 2 : i32
        %ge3A_148 = arith.cmpi sge, %add3A_129, %ge3A : i32
        %convert_element_type3A_149 = arith.extui %ge3A_148 : i1 to i32
        %cond3A_150 = arith.constant 0 : i32
        %cond3A_151 = arith.cmpi ne, %convert_element_type3A_149, %cond3A_150 : i32
        scf.if %cond3A_151 {
          %sub3A = arith.constant 2 : i32
          %sub3A_278 = arith.subi %add3A_129, %sub3A : i32
          %dma_wait3A_279 = arith.constant 2 : i32
          %dma_wait3A_280 = arith.constant 0 : i32
          %dma_wait3A_281 = tpu.memref_slice %arg10[%sub3A_278, %dma_wait3A_280] : memref<250x80xi32, #tpu.memory_space<vmem>> -> memref<1x80xi32, #tpu.memory_space<vmem>>
          %dma_wait3A_282 = tpu.memref_squeeze %dma_wait3A_281 : memref<1x80xi32, #tpu.memory_space<vmem>> -> memref<80xi32, #tpu.memory_space<vmem>>
          %dma_wait3A_283 = arith.constant 0 : i32
          %dma_wait3A_284 = arith.constant 0 : i32
          %dma_wait3A_285 = tpu.memref_slice %arg19[%dma_wait3A_283, %dma_wait3A_284] : memref<10000x64xf32, #tpu.memory_space<vmem_shared>> -> memref<10000x64xf32, #tpu.memory_space<vmem_shared>>
          %dma_wait3A_286 = tpu.memref_slice %arg17[%dma_wait3A_279] : memref<4x!tpu.dma_semaphore, #tpu.memory_space<semaphore_mem>> -> memref<1x!tpu.dma_semaphore, #tpu.memory_space<semaphore_mem>>
          %dma_wait3A_287 = tpu.memref_squeeze %dma_wait3A_286 : memref<1x!tpu.dma_semaphore, #tpu.memory_space<semaphore_mem>> -> memref<!tpu.dma_semaphore, #tpu.memory_space<semaphore_mem>>
          tpu.wait_indirect_dma semaphore(%dma_wait3A_287 : memref<!tpu.dma_semaphore, #tpu.memory_space<semaphore_mem>>) src(%arg13 : memref<80x64xf32, #tpu.memory_space<vmem>>) dst(%dma_wait3A_285 : memref<10000x64xf32, #tpu.memory_space<vmem_shared>>)
        } else {
        }
        %add3A_152 = arith.constant 2 : i32
        %add3A_153 = arith.addi %add3A_129, %add3A_152 : i32
        %dma_start3A_154 = arith.constant 2 : i32
        %dma_start3A_155 = arith.constant 0 : i32
        %dma_start3A_156 = tpu.memref_slice %arg9[%add3A_153, %dma_start3A_155] : memref<250x80xi32, #tpu.memory_space<vmem>> -> memref<1x80xi32, #tpu.memory_space<vmem>>
        %dma_start3A_157 = tpu.memref_squeeze %dma_start3A_156 : memref<1x80xi32, #tpu.memory_space<vmem>> -> memref<80xi32, #tpu.memory_space<vmem>>
        %dma_start3A_158 = arith.constant 0 : i32
        %dma_start3A_159 = arith.constant 0 : i32
        %dma_start3A_160 = tpu.memref_slice %arg2[%dma_start3A_158, %dma_start3A_159] : memref<10000x64xf32, #tpu.memory_space<hbm>> -> memref<10000x64xf32, #tpu.memory_space<hbm>>
        %dma_start3A_161 = tpu.memref_slice %arg16[%dma_start3A_154] : memref<4x!tpu.dma_semaphore, #tpu.memory_space<semaphore_mem>> -> memref<1x!tpu.dma_semaphore, #tpu.memory_space<semaphore_mem>>
        %dma_start3A_162 = tpu.memref_squeeze %dma_start3A_161 : memref<1x!tpu.dma_semaphore, #tpu.memory_space<semaphore_mem>> -> memref<!tpu.dma_semaphore, #tpu.memory_space<semaphore_mem>>
        tpu.enqueue_indirect_dma source(%dma_start3A_160 : memref<10000x64xf32, #tpu.memory_space<hbm>>) target(%arg13 : memref<80x64xf32, #tpu.memory_space<vmem>>) offsets(%dma_start3A_157 : memref<80xi32, #tpu.memory_space<vmem>>) semaphore(%dma_start3A_162 : memref<!tpu.dma_semaphore, #tpu.memory_space<semaphore_mem>>)
        %mul3A_163 = arith.constant 4 : i32
        %mul3A_164 = arith.muli %mul3A_163, %scan3A_126 : i32
        %add3A_165 = arith.constant 1 : i32
        %add3A_166 = arith.addi %mul3A_164, %add3A_165 : i32
        %dma_wait3A_167 = arith.constant 1 : i32
        %dma_wait3A_168 = arith.constant 0 : i32
        %dma_wait3A_169 = tpu.memref_slice %arg9[%add3A_166, %dma_wait3A_168] : memref<250x80xi32, #tpu.memory_space<vmem>> -> memref<1x80xi32, #tpu.memory_space<vmem>>
        %dma_wait3A_170 = tpu.memref_squeeze %dma_wait3A_169 : memref<1x80xi32, #tpu.memory_space<vmem>> -> memref<80xi32, #tpu.memory_space<vmem>>
        %dma_wait3A_171 = arith.constant 0 : i32
        %dma_wait3A_172 = arith.constant 0 : i32
        %dma_wait3A_173 = tpu.memref_slice %arg2[%dma_wait3A_171, %dma_wait3A_172] : memref<10000x64xf32, #tpu.memory_space<hbm>> -> memref<10000x64xf32, #tpu.memory_space<hbm>>
        %dma_wait3A_174 = tpu.memref_slice %arg16[%dma_wait3A_167] : memref<4x!tpu.dma_semaphore, #tpu.memory_space<semaphore_mem>> -> memref<1x!tpu.dma_semaphore, #tpu.memory_space<semaphore_mem>>
        %dma_wait3A_175 = tpu.memref_squeeze %dma_wait3A_174 : memref<1x!tpu.dma_semaphore, #tpu.memory_space<semaphore_mem>> -> memref<!tpu.dma_semaphore, #tpu.memory_space<semaphore_mem>>
        tpu.wait_indirect_dma semaphore(%dma_wait3A_175 : memref<!tpu.dma_semaphore, #tpu.memory_space<semaphore_mem>>) src(%dma_wait3A_173 : memref<10000x64xf32, #tpu.memory_space<hbm>>) dst(%arg12 : memref<80x64xf32, #tpu.memory_space<vmem>>)
        %dma_start3A_176 = arith.constant 1 : i32
        %dma_start3A_177 = arith.constant 0 : i32
        %dma_start3A_178 = tpu.memref_slice %arg10[%add3A_166, %dma_start3A_177] : memref<250x80xi32, #tpu.memory_space<vmem>> -> memref<1x80xi32, #tpu.memory_space<vmem>>
        %dma_start3A_179 = tpu.memref_squeeze %dma_start3A_178 : memref<1x80xi32, #tpu.memory_space<vmem>> -> memref<80xi32, #tpu.memory_space<vmem>>
        %dma_start3A_180 = arith.constant 0 : i32
        %dma_start3A_181 = arith.constant 0 : i32
        %dma_start3A_182 = tpu.memref_slice %arg19[%dma_start3A_180, %dma_start3A_181] : memref<10000x64xf32, #tpu.memory_space<vmem_shared>> -> memref<10000x64xf32, #tpu.memory_space<vmem_shared>>
        %dma_start3A_183 = tpu.memref_slice %arg17[%dma_start3A_176] : memref<4x!tpu.dma_semaphore, #tpu.memory_space<semaphore_mem>> -> memref<1x!tpu.dma_semaphore, #tpu.memory_space<semaphore_mem>>
        %dma_start3A_184 = tpu.memref_squeeze %dma_start3A_183 : memref<1x!tpu.dma_semaphore, #tpu.memory_space<semaphore_mem>> -> memref<!tpu.dma_semaphore, #tpu.memory_space<semaphore_mem>>
        tpu.enqueue_indirect_dma source(%arg12 : memref<80x64xf32, #tpu.memory_space<vmem>>) target(%dma_start3A_182 : memref<10000x64xf32, #tpu.memory_space<vmem_shared>>) offsets(%dma_start3A_179 : memref<80xi32, #tpu.memory_space<vmem>>) semaphore(%dma_start3A_184 : memref<!tpu.dma_semaphore, #tpu.memory_space<semaphore_mem>>) {add = true}
        %ge3A_185 = arith.constant 2 : i32
        %ge3A_186 = arith.cmpi sge, %add3A_166, %ge3A_185 : i32
        %convert_element_type3A_187 = arith.extui %ge3A_186 : i1 to i32
        %cond3A_188 = arith.constant 0 : i32
        %cond3A_189 = arith.cmpi ne, %convert_element_type3A_187, %cond3A_188 : i32
        scf.if %cond3A_189 {
          %sub3A = arith.constant 2 : i32
          %sub3A_278 = arith.subi %add3A_166, %sub3A : i32
          %dma_wait3A_279 = arith.constant 3 : i32
          %dma_wait3A_280 = arith.constant 0 : i32
          %dma_wait3A_281 = tpu.memref_slice %arg10[%sub3A_278, %dma_wait3A_280] : memref<250x80xi32, #tpu.memory_space<vmem>> -> memref<1x80xi32, #tpu.memory_space<vmem>>
          %dma_wait3A_282 = tpu.memref_squeeze %dma_wait3A_281 : memref<1x80xi32, #tpu.memory_space<vmem>> -> memref<80xi32, #tpu.memory_space<vmem>>
          %dma_wait3A_283 = arith.constant 0 : i32
          %dma_wait3A_284 = arith.constant 0 : i32
          %dma_wait3A_285 = tpu.memref_slice %arg19[%dma_wait3A_283, %dma_wait3A_284] : memref<10000x64xf32, #tpu.memory_space<vmem_shared>> -> memref<10000x64xf32, #tpu.memory_space<vmem_shared>>
          %dma_wait3A_286 = tpu.memref_slice %arg17[%dma_wait3A_279] : memref<4x!tpu.dma_semaphore, #tpu.memory_space<semaphore_mem>> -> memref<1x!tpu.dma_semaphore, #tpu.memory_space<semaphore_mem>>
          %dma_wait3A_287 = tpu.memref_squeeze %dma_wait3A_286 : memref<1x!tpu.dma_semaphore, #tpu.memory_space<semaphore_mem>> -> memref<!tpu.dma_semaphore, #tpu.memory_space<semaphore_mem>>
          tpu.wait_indirect_dma semaphore(%dma_wait3A_287 : memref<!tpu.dma_semaphore, #tpu.memory_space<semaphore_mem>>) src(%arg14 : memref<80x64xf32, #tpu.memory_space<vmem>>) dst(%dma_wait3A_285 : memref<10000x64xf32, #tpu.memory_space<vmem_shared>>)
        } else {
        }
        %add3A_190 = arith.constant 2 : i32
        %add3A_191 = arith.addi %add3A_166, %add3A_190 : i32
        %dma_start3A_192 = arith.constant 3 : i32
        %dma_start3A_193 = arith.constant 0 : i32
        %dma_start3A_194 = tpu.memref_slice %arg9[%add3A_191, %dma_start3A_193] : memref<250x80xi32, #tpu.memory_space<vmem>> -> memref<1x80xi32, #tpu.memory_space<vmem>>
        %dma_start3A_195 = tpu.memref_squeeze %dma_start3A_194 : memref<1x80xi32, #tpu.memory_space<vmem>> -> memref<80xi32, #tpu.memory_space<vmem>>
        %dma_start3A_196 = arith.constant 0 : i32
        %dma_start3A_197 = arith.constant 0 : i32
        %dma_start3A_198 = tpu.memref_slice %arg2[%dma_start3A_196, %dma_start3A_197] : memref<10000x64xf32, #tpu.memory_space<hbm>> -> memref<10000x64xf32, #tpu.memory_space<hbm>>
        %dma_start3A_199 = tpu.memref_slice %arg16[%dma_start3A_192] : memref<4x!tpu.dma_semaphore, #tpu.memory_space<semaphore_mem>> -> memref<1x!tpu.dma_semaphore, #tpu.memory_space<semaphore_mem>>
        %dma_start3A_200 = tpu.memref_squeeze %dma_start3A_199 : memref<1x!tpu.dma_semaphore, #tpu.memory_space<semaphore_mem>> -> memref<!tpu.dma_semaphore, #tpu.memory_space<semaphore_mem>>
        tpu.enqueue_indirect_dma source(%dma_start3A_198 : memref<10000x64xf32, #tpu.memory_space<hbm>>) target(%arg14 : memref<80x64xf32, #tpu.memory_space<vmem>>) offsets(%dma_start3A_195 : memref<80xi32, #tpu.memory_space<vmem>>) semaphore(%dma_start3A_200 : memref<!tpu.dma_semaphore, #tpu.memory_space<semaphore_mem>>)
        %mul3A_201 = arith.constant 4 : i32
        %mul3A_202 = arith.muli %mul3A_201, %scan3A_126 : i32
        %add3A_203 = arith.constant 2 : i32
        %add3A_204 = arith.addi %mul3A_202, %add3A_203 : i32
        %dma_wait3A_205 = arith.constant 2 : i32
        %dma_wait3A_206 = arith.constant 0 : i32
        %dma_wait3A_207 = tpu.memref_slice %arg9[%add3A_204, %dma_wait3A_206] : memref<250x80xi32, #tpu.memory_space<vmem>> -> memref<1x80xi32, #tpu.memory_space<vmem>>
        %dma_wait3A_208 = tpu.memref_squeeze %dma_wait3A_207 : memref<1x80xi32, #tpu.memory_space<vmem>> -> memref<80xi32, #tpu.memory_space<vmem>>
        %dma_wait3A_209 = arith.constant 0 : i32
        %dma_wait3A_210 = arith.constant 0 : i32
        %dma_wait3A_211 = tpu.memref_slice %arg2[%dma_wait3A_209, %dma_wait3A_210] : memref<10000x64xf32, #tpu.memory_space<hbm>> -> memref<10000x64xf32, #tpu.memory_space<hbm>>
        %dma_wait3A_212 = tpu.memref_slice %arg16[%dma_wait3A_205] : memref<4x!tpu.dma_semaphore, #tpu.memory_space<semaphore_mem>> -> memref<1x!tpu.dma_semaphore, #tpu.memory_space<semaphore_mem>>
        %dma_wait3A_213 = tpu.memref_squeeze %dma_wait3A_212 : memref<1x!tpu.dma_semaphore, #tpu.memory_space<semaphore_mem>> -> memref<!tpu.dma_semaphore, #tpu.memory_space<semaphore_mem>>
        tpu.wait_indirect_dma semaphore(%dma_wait3A_213 : memref<!tpu.dma_semaphore, #tpu.memory_space<semaphore_mem>>) src(%dma_wait3A_211 : memref<10000x64xf32, #tpu.memory_space<hbm>>) dst(%arg13 : memref<80x64xf32, #tpu.memory_space<vmem>>)
        %dma_start3A_214 = arith.constant 2 : i32
        %dma_start3A_215 = arith.constant 0 : i32
        %dma_start3A_216 = tpu.memref_slice %arg10[%add3A_204, %dma_start3A_215] : memref<250x80xi32, #tpu.memory_space<vmem>> -> memref<1x80xi32, #tpu.memory_space<vmem>>
        %dma_start3A_217 = tpu.memref_squeeze %dma_start3A_216 : memref<1x80xi32, #tpu.memory_space<vmem>> -> memref<80xi32, #tpu.memory_space<vmem>>
        %dma_start3A_218 = arith.constant 0 : i32
        %dma_start3A_219 = arith.constant 0 : i32
        %dma_start3A_220 = tpu.memref_slice %arg19[%dma_start3A_218, %dma_start3A_219] : memref<10000x64xf32, #tpu.memory_space<vmem_shared>> -> memref<10000x64xf32, #tpu.memory_space<vmem_shared>>
        %dma_start3A_221 = tpu.memref_slice %arg17[%dma_start3A_214] : memref<4x!tpu.dma_semaphore, #tpu.memory_space<semaphore_mem>> -> memref<1x!tpu.dma_semaphore, #tpu.memory_space<semaphore_mem>>
        %dma_start3A_222 = tpu.memref_squeeze %dma_start3A_221 : memref<1x!tpu.dma_semaphore, #tpu.memory_space<semaphore_mem>> -> memref<!tpu.dma_semaphore, #tpu.memory_space<semaphore_mem>>
        tpu.enqueue_indirect_dma source(%arg13 : memref<80x64xf32, #tpu.memory_space<vmem>>) target(%dma_start3A_220 : memref<10000x64xf32, #tpu.memory_space<vmem_shared>>) offsets(%dma_start3A_217 : memref<80xi32, #tpu.memory_space<vmem>>) semaphore(%dma_start3A_222 : memref<!tpu.dma_semaphore, #tpu.memory_space<semaphore_mem>>) {add = true}
        %ge3A_223 = arith.constant 2 : i32
        %ge3A_224 = arith.cmpi sge, %add3A_204, %ge3A_223 : i32
        %convert_element_type3A_225 = arith.extui %ge3A_224 : i1 to i32
        %cond3A_226 = arith.constant 0 : i32
        %cond3A_227 = arith.cmpi ne, %convert_element_type3A_225, %cond3A_226 : i32
        scf.if %cond3A_227 {
          %sub3A = arith.constant 2 : i32
          %sub3A_278 = arith.subi %add3A_204, %sub3A : i32
          %dma_wait3A_279 = arith.constant 0 : i32
          %dma_wait3A_280 = arith.constant 0 : i32
          %dma_wait3A_281 = tpu.memref_slice %arg10[%sub3A_278, %dma_wait3A_280] : memref<250x80xi32, #tpu.memory_space<vmem>> -> memref<1x80xi32, #tpu.memory_space<vmem>>
          %dma_wait3A_282 = tpu.memref_squeeze %dma_wait3A_281 : memref<1x80xi32, #tpu.memory_space<vmem>> -> memref<80xi32, #tpu.memory_space<vmem>>
          %dma_wait3A_283 = arith.constant 0 : i32
          %dma_wait3A_284 = arith.constant 0 : i32
          %dma_wait3A_285 = tpu.memref_slice %arg19[%dma_wait3A_283, %dma_wait3A_284] : memref<10000x64xf32, #tpu.memory_space<vmem_shared>> -> memref<10000x64xf32, #tpu.memory_space<vmem_shared>>
          %dma_wait3A_286 = tpu.memref_slice %arg17[%dma_wait3A_279] : memref<4x!tpu.dma_semaphore, #tpu.memory_space<semaphore_mem>> -> memref<1x!tpu.dma_semaphore, #tpu.memory_space<semaphore_mem>>
          %dma_wait3A_287 = tpu.memref_squeeze %dma_wait3A_286 : memref<1x!tpu.dma_semaphore, #tpu.memory_space<semaphore_mem>> -> memref<!tpu.dma_semaphore, #tpu.memory_space<semaphore_mem>>
          tpu.wait_indirect_dma semaphore(%dma_wait3A_287 : memref<!tpu.dma_semaphore, #tpu.memory_space<semaphore_mem>>) src(%arg11 : memref<80x64xf32, #tpu.memory_space<vmem>>) dst(%dma_wait3A_285 : memref<10000x64xf32, #tpu.memory_space<vmem_shared>>)
        } else {
        }
        %add3A_228 = arith.constant 2 : i32
        %add3A_229 = arith.addi %add3A_204, %add3A_228 : i32
        %dma_start3A_230 = arith.constant 0 : i32
        %dma_start3A_231 = arith.constant 0 : i32
        %dma_start3A_232 = tpu.memref_slice %arg9[%add3A_229, %dma_start3A_231] : memref<250x80xi32, #tpu.memory_space<vmem>> -> memref<1x80xi32, #tpu.memory_space<vmem>>
        %dma_start3A_233 = tpu.memref_squeeze %dma_start3A_232 : memref<1x80xi32, #tpu.memory_space<vmem>> -> memref<80xi32, #tpu.memory_space<vmem>>
        %dma_start3A_234 = arith.constant 0 : i32
        %dma_start3A_235 = arith.constant 0 : i32
        %dma_start3A_236 = tpu.memref_slice %arg2[%dma_start3A_234, %dma_start3A_235] : memref<10000x64xf32, #tpu.memory_space<hbm>> -> memref<10000x64xf32, #tpu.memory_space<hbm>>
        %dma_start3A_237 = tpu.memref_slice %arg16[%dma_start3A_230] : memref<4x!tpu.dma_semaphore, #tpu.memory_space<semaphore_mem>> -> memref<1x!tpu.dma_semaphore, #tpu.memory_space<semaphore_mem>>
        %dma_start3A_238 = tpu.memref_squeeze %dma_start3A_237 : memref<1x!tpu.dma_semaphore, #tpu.memory_space<semaphore_mem>> -> memref<!tpu.dma_semaphore, #tpu.memory_space<semaphore_mem>>
        tpu.enqueue_indirect_dma source(%dma_start3A_236 : memref<10000x64xf32, #tpu.memory_space<hbm>>) target(%arg11 : memref<80x64xf32, #tpu.memory_space<vmem>>) offsets(%dma_start3A_233 : memref<80xi32, #tpu.memory_space<vmem>>) semaphore(%dma_start3A_238 : memref<!tpu.dma_semaphore, #tpu.memory_space<semaphore_mem>>)
        %mul3A_239 = arith.constant 4 : i32
        %mul3A_240 = arith.muli %mul3A_239, %scan3A_126 : i32
        %add3A_241 = arith.constant 3 : i32
        %add3A_242 = arith.addi %mul3A_240, %add3A_241 : i32
        %dma_wait3A_243 = arith.constant 3 : i32
        %dma_wait3A_244 = arith.constant 0 : i32
        %dma_wait3A_245 = tpu.memref_slice %arg9[%add3A_242, %dma_wait3A_244] : memref<250x80xi32, #tpu.memory_space<vmem>> -> memref<1x80xi32, #tpu.memory_space<vmem>>
        %dma_wait3A_246 = tpu.memref_squeeze %dma_wait3A_245 : memref<1x80xi32, #tpu.memory_space<vmem>> -> memref<80xi32, #tpu.memory_space<vmem>>
        %dma_wait3A_247 = arith.constant 0 : i32
        %dma_wait3A_248 = arith.constant 0 : i32
        %dma_wait3A_249 = tpu.memref_slice %arg2[%dma_wait3A_247, %dma_wait3A_248] : memref<10000x64xf32, #tpu.memory_space<hbm>> -> memref<10000x64xf32, #tpu.memory_space<hbm>>
        %dma_wait3A_250 = tpu.memref_slice %arg16[%dma_wait3A_243] : memref<4x!tpu.dma_semaphore, #tpu.memory_space<semaphore_mem>> -> memref<1x!tpu.dma_semaphore, #tpu.memory_space<semaphore_mem>>
        %dma_wait3A_251 = tpu.memref_squeeze %dma_wait3A_250 : memref<1x!tpu.dma_semaphore, #tpu.memory_space<semaphore_mem>> -> memref<!tpu.dma_semaphore, #tpu.memory_space<semaphore_mem>>
        tpu.wait_indirect_dma semaphore(%dma_wait3A_251 : memref<!tpu.dma_semaphore, #tpu.memory_space<semaphore_mem>>) src(%dma_wait3A_249 : memref<10000x64xf32, #tpu.memory_space<hbm>>) dst(%arg14 : memref<80x64xf32, #tpu.memory_space<vmem>>)
        %dma_start3A_252 = arith.constant 3 : i32
        %dma_start3A_253 = arith.constant 0 : i32
        %dma_start3A_254 = tpu.memref_slice %arg10[%add3A_242, %dma_start3A_253] : memref<250x80xi32, #tpu.memory_space<vmem>> -> memref<1x80xi32, #tpu.memory_space<vmem>>
        %dma_start3A_255 = tpu.memref_squeeze %dma_start3A_254 : memref<1x80xi32, #tpu.memory_space<vmem>> -> memref<80xi32, #tpu.memory_space<vmem>>
        %dma_start3A_256 = arith.constant 0 : i32
        %dma_start3A_257 = arith.constant 0 : i32
        %dma_start3A_258 = tpu.memref_slice %arg19[%dma_start3A_256, %dma_start3A_257] : memref<10000x64xf32, #tpu.memory_space<vmem_shared>> -> memref<10000x64xf32, #tpu.memory_space<vmem_shared>>
        %dma_start3A_259 = tpu.memref_slice %arg17[%dma_start3A_252] : memref<4x!tpu.dma_semaphore, #tpu.memory_space<semaphore_mem>> -> memref<1x!tpu.dma_semaphore, #tpu.memory_space<semaphore_mem>>
        %dma_start3A_260 = tpu.memref_squeeze %dma_start3A_259 : memref<1x!tpu.dma_semaphore, #tpu.memory_space<semaphore_mem>> -> memref<!tpu.dma_semaphore, #tpu.memory_space<semaphore_mem>>
        tpu.enqueue_indirect_dma source(%arg14 : memref<80x64xf32, #tpu.memory_space<vmem>>) target(%dma_start3A_258 : memref<10000x64xf32, #tpu.memory_space<vmem_shared>>) offsets(%dma_start3A_255 : memref<80xi32, #tpu.memory_space<vmem>>) semaphore(%dma_start3A_260 : memref<!tpu.dma_semaphore, #tpu.memory_space<semaphore_mem>>) {add = true}
        %ge3A_261 = arith.constant 2 : i32
        %ge3A_262 = arith.cmpi sge, %add3A_242, %ge3A_261 : i32
        %convert_element_type3A_263 = arith.extui %ge3A_262 : i1 to i32
        %cond3A_264 = arith.constant 0 : i32
        %cond3A_265 = arith.cmpi ne, %convert_element_type3A_263, %cond3A_264 : i32
        scf.if %cond3A_265 {
          %sub3A = arith.constant 2 : i32
          %sub3A_278 = arith.subi %add3A_242, %sub3A : i32
          %dma_wait3A_279 = arith.constant 1 : i32
          %dma_wait3A_280 = arith.constant 0 : i32
          %dma_wait3A_281 = tpu.memref_slice %arg10[%sub3A_278, %dma_wait3A_280] : memref<250x80xi32, #tpu.memory_space<vmem>> -> memref<1x80xi32, #tpu.memory_space<vmem>>
          %dma_wait3A_282 = tpu.memref_squeeze %dma_wait3A_281 : memref<1x80xi32, #tpu.memory_space<vmem>> -> memref<80xi32, #tpu.memory_space<vmem>>
          %dma_wait3A_283 = arith.constant 0 : i32
          %dma_wait3A_284 = arith.constant 0 : i32
          %dma_wait3A_285 = tpu.memref_slice %arg19[%dma_wait3A_283, %dma_wait3A_284] : memref<10000x64xf32, #tpu.memory_space<vmem_shared>> -> memref<10000x64xf32, #tpu.memory_space<vmem_shared>>
          %dma_wait3A_286 = tpu.memref_slice %arg17[%dma_wait3A_279] : memref<4x!tpu.dma_semaphore, #tpu.memory_space<semaphore_mem>> -> memref<1x!tpu.dma_semaphore, #tpu.memory_space<semaphore_mem>>
          %dma_wait3A_287 = tpu.memref_squeeze %dma_wait3A_286 : memref<1x!tpu.dma_semaphore, #tpu.memory_space<semaphore_mem>> -> memref<!tpu.dma_semaphore, #tpu.memory_space<semaphore_mem>>
          tpu.wait_indirect_dma semaphore(%dma_wait3A_287 : memref<!tpu.dma_semaphore, #tpu.memory_space<semaphore_mem>>) src(%arg12 : memref<80x64xf32, #tpu.memory_space<vmem>>) dst(%dma_wait3A_285 : memref<10000x64xf32, #tpu.memory_space<vmem_shared>>)
        } else {
        }
        %add3A_266 = arith.constant 2 : i32
        %add3A_267 = arith.addi %add3A_242, %add3A_266 : i32
        %dma_start3A_268 = arith.constant 1 : i32
        %dma_start3A_269 = arith.constant 0 : i32
        %dma_start3A_270 = tpu.memref_slice %arg9[%add3A_267, %dma_start3A_269] : memref<250x80xi32, #tpu.memory_space<vmem>> -> memref<1x80xi32, #tpu.memory_space<vmem>>
        %dma_start3A_271 = tpu.memref_squeeze %dma_start3A_270 : memref<1x80xi32, #tpu.memory_space<vmem>> -> memref<80xi32, #tpu.memory_space<vmem>>
        %dma_start3A_272 = arith.constant 0 : i32
        %dma_start3A_273 = arith.constant 0 : i32
        %dma_start3A_274 = tpu.memref_slice %arg2[%dma_start3A_272, %dma_start3A_273] : memref<10000x64xf32, #tpu.memory_space<hbm>> -> memref<10000x64xf32, #tpu.memory_space<hbm>>
        %dma_start3A_275 = tpu.memref_slice %arg16[%dma_start3A_268] : memref<4x!tpu.dma_semaphore, #tpu.memory_space<semaphore_mem>> -> memref<1x!tpu.dma_semaphore, #tpu.memory_space<semaphore_mem>>
        %dma_start3A_276 = tpu.memref_squeeze %dma_start3A_275 : memref<1x!tpu.dma_semaphore, #tpu.memory_space<semaphore_mem>> -> memref<!tpu.dma_semaphore, #tpu.memory_space<semaphore_mem>>
        tpu.enqueue_indirect_dma source(%dma_start3A_274 : memref<10000x64xf32, #tpu.memory_space<hbm>>) target(%arg12 : memref<80x64xf32, #tpu.memory_space<vmem>>) offsets(%dma_start3A_271 : memref<80xi32, #tpu.memory_space<vmem>>) semaphore(%dma_start3A_276 : memref<!tpu.dma_semaphore, #tpu.memory_space<semaphore_mem>>)
        %scan3A_277 = arith.constant 0 : i32
        scf.yield %scan3A_277 : i32
      }
      %scan3A_46 = arith.constant 62 : i32
      %dma_wait3A = arith.constant 248 : i32
      %dma_wait3A_47 = arith.constant 0 : i32
      %dma_wait3A_48 = arith.constant 0 : i32
      %dma_wait3A_49 = tpu.memref_slice %arg9[%dma_wait3A, %dma_wait3A_48] : memref<250x80xi32, #tpu.memory_space<vmem>> -> memref<1x80xi32, #tpu.memory_space<vmem>>
      %dma_wait3A_50 = tpu.memref_squeeze %dma_wait3A_49 : memref<1x80xi32, #tpu.memory_space<vmem>> -> memref<80xi32, #tpu.memory_space<vmem>>
      %dma_wait3A_51 = arith.constant 0 : i32
      %dma_wait3A_52 = arith.constant 0 : i32
      %dma_wait3A_53 = tpu.memref_slice %arg2[%dma_wait3A_51, %dma_wait3A_52] : memref<10000x64xf32, #tpu.memory_space<hbm>> -> memref<10000x64xf32, #tpu.memory_space<hbm>>
      %dma_wait3A_54 = tpu.memref_slice %arg16[%dma_wait3A_47] : memref<4x!tpu.dma_semaphore, #tpu.memory_space<semaphore_mem>> -> memref<1x!tpu.dma_semaphore, #tpu.memory_space<semaphore_mem>>
      %dma_wait3A_55 = tpu.memref_squeeze %dma_wait3A_54 : memref<1x!tpu.dma_semaphore, #tpu.memory_space<semaphore_mem>> -> memref<!tpu.dma_semaphore, #tpu.memory_space<semaphore_mem>>
      tpu.wait_indirect_dma semaphore(%dma_wait3A_55 : memref<!tpu.dma_semaphore, #tpu.memory_space<semaphore_mem>>) src(%dma_wait3A_53 : memref<10000x64xf32, #tpu.memory_space<hbm>>) dst(%arg11 : memref<80x64xf32, #tpu.memory_space<vmem>>)
      %dma_start3A_56 = arith.constant 248 : i32
      %dma_start3A_57 = arith.constant 0 : i32
      %dma_start3A_58 = arith.constant 0 : i32
      %dma_start3A_59 = tpu.memref_slice %arg10[%dma_start3A_56, %dma_start3A_58] : memref<250x80xi32, #tpu.memory_space<vmem>> -> memref<1x80xi32, #tpu.memory_space<vmem>>
      %dma_start3A_60 = tpu.memref_squeeze %dma_start3A_59 : memref<1x80xi32, #tpu.memory_space<vmem>> -> memref<80xi32, #tpu.memory_space<vmem>>
      %dma_start3A_61 = arith.constant 0 : i32
      %dma_start3A_62 = arith.constant 0 : i32
      %dma_start3A_63 = tpu.memref_slice %arg19[%dma_start3A_61, %dma_start3A_62] : memref<10000x64xf32, #tpu.memory_space<vmem_shared>> -> memref<10000x64xf32, #tpu.memory_space<vmem_shared>>
      %dma_start3A_64 = tpu.memref_slice %arg17[%dma_start3A_57] : memref<4x!tpu.dma_semaphore, #tpu.memory_space<semaphore_mem>> -> memref<1x!tpu.dma_semaphore, #tpu.memory_space<semaphore_mem>>
      %dma_start3A_65 = tpu.memref_squeeze %dma_start3A_64 : memref<1x!tpu.dma_semaphore, #tpu.memory_space<semaphore_mem>> -> memref<!tpu.dma_semaphore, #tpu.memory_space<semaphore_mem>>
      tpu.enqueue_indirect_dma source(%arg11 : memref<80x64xf32, #tpu.memory_space<vmem>>) target(%dma_start3A_63 : memref<10000x64xf32, #tpu.memory_space<vmem_shared>>) offsets(%dma_start3A_60 : memref<80xi32, #tpu.memory_space<vmem>>) semaphore(%dma_start3A_65 : memref<!tpu.dma_semaphore, #tpu.memory_space<semaphore_mem>>) {add = true}
      %dma_wait3A_66 = arith.constant 249 : i32
      %dma_wait3A_67 = arith.constant 1 : i32
      %dma_wait3A_68 = arith.constant 0 : i32
      %dma_wait3A_69 = tpu.memref_slice %arg9[%dma_wait3A_66, %dma_wait3A_68] : memref<250x80xi32, #tpu.memory_space<vmem>> -> memref<1x80xi32, #tpu.memory_space<vmem>>
      %dma_wait3A_70 = tpu.memref_squeeze %dma_wait3A_69 : memref<1x80xi32, #tpu.memory_space<vmem>> -> memref<80xi32, #tpu.memory_space<vmem>>
      %dma_wait3A_71 = arith.constant 0 : i32
      %dma_wait3A_72 = arith.constant 0 : i32
      %dma_wait3A_73 = tpu.memref_slice %arg2[%dma_wait3A_71, %dma_wait3A_72] : memref<10000x64xf32, #tpu.memory_space<hbm>> -> memref<10000x64xf32, #tpu.memory_space<hbm>>
      %dma_wait3A_74 = tpu.memref_slice %arg16[%dma_wait3A_67] : memref<4x!tpu.dma_semaphore, #tpu.memory_space<semaphore_mem>> -> memref<1x!tpu.dma_semaphore, #tpu.memory_space<semaphore_mem>>
      %dma_wait3A_75 = tpu.memref_squeeze %dma_wait3A_74 : memref<1x!tpu.dma_semaphore, #tpu.memory_space<semaphore_mem>> -> memref<!tpu.dma_semaphore, #tpu.memory_space<semaphore_mem>>
      tpu.wait_indirect_dma semaphore(%dma_wait3A_75 : memref<!tpu.dma_semaphore, #tpu.memory_space<semaphore_mem>>) src(%dma_wait3A_73 : memref<10000x64xf32, #tpu.memory_space<hbm>>) dst(%arg12 : memref<80x64xf32, #tpu.memory_space<vmem>>)
      %dma_start3A_76 = arith.constant 249 : i32
      %dma_start3A_77 = arith.constant 1 : i32
      %dma_start3A_78 = arith.constant 0 : i32
      %dma_start3A_79 = tpu.memref_slice %arg10[%dma_start3A_76, %dma_start3A_78] : memref<250x80xi32, #tpu.memory_space<vmem>> -> memref<1x80xi32, #tpu.memory_space<vmem>>
      %dma_start3A_80 = tpu.memref_squeeze %dma_start3A_79 : memref<1x80xi32, #tpu.memory_space<vmem>> -> memref<80xi32, #tpu.memory_space<vmem>>
      %dma_start3A_81 = arith.constant 0 : i32
      %dma_start3A_82 = arith.constant 0 : i32
      %dma_start3A_83 = tpu.memref_slice %arg19[%dma_start3A_81, %dma_start3A_82] : memref<10000x64xf32, #tpu.memory_space<vmem_shared>> -> memref<10000x64xf32, #tpu.memory_space<vmem_shared>>
      %dma_start3A_84 = tpu.memref_slice %arg17[%dma_start3A_77] : memref<4x!tpu.dma_semaphore, #tpu.memory_space<semaphore_mem>> -> memref<1x!tpu.dma_semaphore, #tpu.memory_space<semaphore_mem>>
      %dma_start3A_85 = tpu.memref_squeeze %dma_start3A_84 : memref<1x!tpu.dma_semaphore, #tpu.memory_space<semaphore_mem>> -> memref<!tpu.dma_semaphore, #tpu.memory_space<semaphore_mem>>
      tpu.enqueue_indirect_dma source(%arg12 : memref<80x64xf32, #tpu.memory_space<vmem>>) target(%dma_start3A_83 : memref<10000x64xf32, #tpu.memory_space<vmem_shared>>) offsets(%dma_start3A_80 : memref<80xi32, #tpu.memory_space<vmem>>) semaphore(%dma_start3A_85 : memref<!tpu.dma_semaphore, #tpu.memory_space<semaphore_mem>>) {add = true}
      %dma_wait3A_86 = arith.constant 246 : i32
      %dma_wait3A_87 = arith.constant 2 : i32
      %dma_wait3A_88 = arith.constant 0 : i32
      %dma_wait3A_89 = tpu.memref_slice %arg10[%dma_wait3A_86, %dma_wait3A_88] : memref<250x80xi32, #tpu.memory_space<vmem>> -> memref<1x80xi32, #tpu.memory_space<vmem>>
      %dma_wait3A_90 = tpu.memref_squeeze %dma_wait3A_89 : memref<1x80xi32, #tpu.memory_space<vmem>> -> memref<80xi32, #tpu.memory_space<vmem>>
      %dma_wait3A_91 = arith.constant 0 : i32
      %dma_wait3A_92 = arith.constant 0 : i32
      %dma_wait3A_93 = tpu.memref_slice %arg19[%dma_wait3A_91, %dma_wait3A_92] : memref<10000x64xf32, #tpu.memory_space<vmem_shared>> -> memref<10000x64xf32, #tpu.memory_space<vmem_shared>>
      %dma_wait3A_94 = tpu.memref_slice %arg17[%dma_wait3A_87] : memref<4x!tpu.dma_semaphore, #tpu.memory_space<semaphore_mem>> -> memref<1x!tpu.dma_semaphore, #tpu.memory_space<semaphore_mem>>
      %dma_wait3A_95 = tpu.memref_squeeze %dma_wait3A_94 : memref<1x!tpu.dma_semaphore, #tpu.memory_space<semaphore_mem>> -> memref<!tpu.dma_semaphore, #tpu.memory_space<semaphore_mem>>
      tpu.wait_indirect_dma semaphore(%dma_wait3A_95 : memref<!tpu.dma_semaphore, #tpu.memory_space<semaphore_mem>>) src(%arg13 : memref<80x64xf32, #tpu.memory_space<vmem>>) dst(%dma_wait3A_93 : memref<10000x64xf32, #tpu.memory_space<vmem_shared>>)
      %dma_wait3A_96 = arith.constant 247 : i32
      %dma_wait3A_97 = arith.constant 3 : i32
      %dma_wait3A_98 = arith.constant 0 : i32
      %dma_wait3A_99 = tpu.memref_slice %arg10[%dma_wait3A_96, %dma_wait3A_98] : memref<250x80xi32, #tpu.memory_space<vmem>> -> memref<1x80xi32, #tpu.memory_space<vmem>>
      %dma_wait3A_100 = tpu.memref_squeeze %dma_wait3A_99 : memref<1x80xi32, #tpu.memory_space<vmem>> -> memref<80xi32, #tpu.memory_space<vmem>>
      %dma_wait3A_101 = arith.constant 0 : i32
      %dma_wait3A_102 = arith.constant 0 : i32
      %dma_wait3A_103 = tpu.memref_slice %arg19[%dma_wait3A_101, %dma_wait3A_102] : memref<10000x64xf32, #tpu.memory_space<vmem_shared>> -> memref<10000x64xf32, #tpu.memory_space<vmem_shared>>
      %dma_wait3A_104 = tpu.memref_slice %arg17[%dma_wait3A_97] : memref<4x!tpu.dma_semaphore, #tpu.memory_space<semaphore_mem>> -> memref<1x!tpu.dma_semaphore, #tpu.memory_space<semaphore_mem>>
      %dma_wait3A_105 = tpu.memref_squeeze %dma_wait3A_104 : memref<1x!tpu.dma_semaphore, #tpu.memory_space<semaphore_mem>> -> memref<!tpu.dma_semaphore, #tpu.memory_space<semaphore_mem>>
      tpu.wait_indirect_dma semaphore(%dma_wait3A_105 : memref<!tpu.dma_semaphore, #tpu.memory_space<semaphore_mem>>) src(%arg14 : memref<80x64xf32, #tpu.memory_space<vmem>>) dst(%dma_wait3A_103 : memref<10000x64xf32, #tpu.memory_space<vmem_shared>>)
      %dma_wait3A_106 = arith.constant 248 : i32
      %dma_wait3A_107 = arith.constant 0 : i32
      %dma_wait3A_108 = arith.constant 0 : i32
      %dma_wait3A_109 = tpu.memref_slice %arg10[%dma_wait3A_106, %dma_wait3A_108] : memref<250x80xi32, #tpu.memory_space<vmem>> -> memref<1x80xi32, #tpu.memory_space<vmem>>
      %dma_wait3A_110 = tpu.memref_squeeze %dma_wait3A_109 : memref<1x80xi32, #tpu.memory_space<vmem>> -> memref<80xi32, #tpu.memory_space<vmem>>
      %dma_wait3A_111 = arith.constant 0 : i32
      %dma_wait3A_112 = arith.constant 0 : i32
      %dma_wait3A_113 = tpu.memref_slice %arg19[%dma_wait3A_111, %dma_wait3A_112] : memref<10000x64xf32, #tpu.memory_space<vmem_shared>> -> memref<10000x64xf32, #tpu.memory_space<vmem_shared>>
      %dma_wait3A_114 = tpu.memref_slice %arg17[%dma_wait3A_107] : memref<4x!tpu.dma_semaphore, #tpu.memory_space<semaphore_mem>> -> memref<1x!tpu.dma_semaphore, #tpu.memory_space<semaphore_mem>>
      %dma_wait3A_115 = tpu.memref_squeeze %dma_wait3A_114 : memref<1x!tpu.dma_semaphore, #tpu.memory_space<semaphore_mem>> -> memref<!tpu.dma_semaphore, #tpu.memory_space<semaphore_mem>>
      tpu.wait_indirect_dma semaphore(%dma_wait3A_115 : memref<!tpu.dma_semaphore, #tpu.memory_space<semaphore_mem>>) src(%arg11 : memref<80x64xf32, #tpu.memory_space<vmem>>) dst(%dma_wait3A_113 : memref<10000x64xf32, #tpu.memory_space<vmem_shared>>)
      %dma_wait3A_116 = arith.constant 249 : i32
      %dma_wait3A_117 = arith.constant 1 : i32
      %dma_wait3A_118 = arith.constant 0 : i32
      %dma_wait3A_119 = tpu.memref_slice %arg10[%dma_wait3A_116, %dma_wait3A_118] : memref<250x80xi32, #tpu.memory_space<vmem>> -> memref<1x80xi32, #tpu.memory_space<vmem>>
      %dma_wait3A_120 = tpu.memref_squeeze %dma_wait3A_119 : memref<1x80xi32, #tpu.memory_space<vmem>> -> memref<80xi32, #tpu.memory_space<vmem>>
      %dma_wait3A_121 = arith.constant 0 : i32
      %dma_wait3A_122 = arith.constant 0 : i32
      %dma_wait3A_123 = tpu.memref_slice %arg19[%dma_wait3A_121, %dma_wait3A_122] : memref<10000x64xf32, #tpu.memory_space<vmem_shared>> -> memref<10000x64xf32, #tpu.memory_space<vmem_shared>>
      %dma_wait3A_124 = tpu.memref_slice %arg17[%dma_wait3A_117] : memref<4x!tpu.dma_semaphore, #tpu.memory_space<semaphore_mem>> -> memref<1x!tpu.dma_semaphore, #tpu.memory_space<semaphore_mem>>
      %dma_wait3A_125 = tpu.memref_squeeze %dma_wait3A_124 : memref<1x!tpu.dma_semaphore, #tpu.memory_space<semaphore_mem>> -> memref<!tpu.dma_semaphore, #tpu.memory_space<semaphore_mem>>
      tpu.wait_indirect_dma semaphore(%dma_wait3A_125 : memref<!tpu.dma_semaphore, #tpu.memory_space<semaphore_mem>>) src(%arg12 : memref<80x64xf32, #tpu.memory_space<vmem>>) dst(%dma_wait3A_123 : memref<10000x64xf32, #tpu.memory_space<vmem_shared>>)
    } else {
    }
    %eq3A_8 = arith.constant 1 : i32
    %eq3A_9 = arith.cmpi eq, %arg0, %eq3A_8 : i32
    %convert_element_type3A_10 = arith.extui %eq3A_9 : i1 to i32
    %cond3A_11 = arith.constant 0 : i32
    %cond3A_12 = arith.cmpi ne, %convert_element_type3A_10, %cond3A_11 : i32
    scf.if %cond3A_12 {
      %dma_start3A = arith.constant 0 : i32
      %dma_start3A_21 = arith.constant 0 : i32
      %dma_start3A_22 = arith.constant 0 : i32
      %dma_start3A_23 = tpu.memref_slice %arg9[%dma_start3A, %dma_start3A_22] : memref<250x80xi32, #tpu.memory_space<vmem>> -> memref<1x80xi32, #tpu.memory_space<vmem>>
      %dma_start3A_24 = tpu.memref_squeeze %dma_start3A_23 : memref<1x80xi32, #tpu.memory_space<vmem>> -> memref<80xi32, #tpu.memory_space<vmem>>
      %dma_start3A_25 = arith.constant 0 : i32
      %dma_start3A_26 = arith.constant 0 : i32
      %dma_start3A_27 = tpu.memref_slice %arg3[%dma_start3A_25, %dma_start3A_26] : memref<10000x64xf32, #tpu.memory_space<hbm>> -> memref<10000x64xf32, #tpu.memory_space<hbm>>
      %dma_start3A_28 = tpu.memref_slice %arg16[%dma_start3A_21] : memref<4x!tpu.dma_semaphore, #tpu.memory_space<semaphore_mem>> -> memref<1x!tpu.dma_semaphore, #tpu.memory_space<semaphore_mem>>
      %dma_start3A_29 = tpu.memref_squeeze %dma_start3A_28 : memref<1x!tpu.dma_semaphore, #tpu.memory_space<semaphore_mem>> -> memref<!tpu.dma_semaphore, #tpu.memory_space<semaphore_mem>>
      tpu.enqueue_indirect_dma source(%dma_start3A_27 : memref<10000x64xf32, #tpu.memory_space<hbm>>) target(%arg11 : memref<80x64xf32, #tpu.memory_space<vmem>>) offsets(%dma_start3A_24 : memref<80xi32, #tpu.memory_space<vmem>>) semaphore(%dma_start3A_29 : memref<!tpu.dma_semaphore, #tpu.memory_space<semaphore_mem>>)
      %dma_start3A_30 = arith.constant 1 : i32
      %dma_start3A_31 = arith.constant 1 : i32
      %dma_start3A_32 = arith.constant 0 : i32
      %dma_start3A_33 = tpu.memref_slice %arg9[%dma_start3A_30, %dma_start3A_32] : memref<250x80xi32, #tpu.memory_space<vmem>> -> memref<1x80xi32, #tpu.memory_space<vmem>>
      %dma_start3A_34 = tpu.memref_squeeze %dma_start3A_33 : memref<1x80xi32, #tpu.memory_space<vmem>> -> memref<80xi32, #tpu.memory_space<vmem>>
      %dma_start3A_35 = arith.constant 0 : i32
      %dma_start3A_36 = arith.constant 0 : i32
      %dma_start3A_37 = tpu.memref_slice %arg3[%dma_start3A_35, %dma_start3A_36] : memref<10000x64xf32, #tpu.memory_space<hbm>> -> memref<10000x64xf32, #tpu.memory_space<hbm>>
      %dma_start3A_38 = tpu.memref_slice %arg16[%dma_start3A_31] : memref<4x!tpu.dma_semaphore, #tpu.memory_space<semaphore_mem>> -> memref<1x!tpu.dma_semaphore, #tpu.memory_space<semaphore_mem>>
      %dma_start3A_39 = tpu.memref_squeeze %dma_start3A_38 : memref<1x!tpu.dma_semaphore, #tpu.memory_space<semaphore_mem>> -> memref<!tpu.dma_semaphore, #tpu.memory_space<semaphore_mem>>
      tpu.enqueue_indirect_dma source(%dma_start3A_37 : memref<10000x64xf32, #tpu.memory_space<hbm>>) target(%arg12 : memref<80x64xf32, #tpu.memory_space<vmem>>) offsets(%dma_start3A_34 : memref<80xi32, #tpu.memory_space<vmem>>) semaphore(%dma_start3A_39 : memref<!tpu.dma_semaphore, #tpu.memory_space<semaphore_mem>>)
      %scan3A_40 = arith.constant 0 : i32
      %scan3A_41 = arith.constant 0 : i32
      %scan3A_42 = arith.constant 62 : i32
      %scan3A_43 = arith.addi %scan3A_41, %scan3A_42 : i32
      %scan3A_44 = arith.constant 1 : i32
      %scan3A_45 = scf.for %scan3A_126 = %scan3A_41 to %scan3A_43 step %scan3A_44 iter_args(%scan3A_127 = %scan3A_40) -> (i32)  : i32 {
        %mul3A = arith.constant 4 : i32
        %mul3A_128 = arith.muli %mul3A, %scan3A_126 : i32
        %add3A = arith.constant 0 : i32
        %add3A_129 = arith.addi %mul3A_128, %add3A : i32
        %dma_wait3A_130 = arith.constant 0 : i32
        %dma_wait3A_131 = arith.constant 0 : i32
        %dma_wait3A_132 = tpu.memref_slice %arg9[%add3A_129, %dma_wait3A_131] : memref<250x80xi32, #tpu.memory_space<vmem>> -> memref<1x80xi32, #tpu.memory_space<vmem>>
        %dma_wait3A_133 = tpu.memref_squeeze %dma_wait3A_132 : memref<1x80xi32, #tpu.memory_space<vmem>> -> memref<80xi32, #tpu.memory_space<vmem>>
        %dma_wait3A_134 = arith.constant 0 : i32
        %dma_wait3A_135 = arith.constant 0 : i32
        %dma_wait3A_136 = tpu.memref_slice %arg3[%dma_wait3A_134, %dma_wait3A_135] : memref<10000x64xf32, #tpu.memory_space<hbm>> -> memref<10000x64xf32, #tpu.memory_space<hbm>>
        %dma_wait3A_137 = tpu.memref_slice %arg16[%dma_wait3A_130] : memref<4x!tpu.dma_semaphore, #tpu.memory_space<semaphore_mem>> -> memref<1x!tpu.dma_semaphore, #tpu.memory_space<semaphore_mem>>
        %dma_wait3A_138 = tpu.memref_squeeze %dma_wait3A_137 : memref<1x!tpu.dma_semaphore, #tpu.memory_space<semaphore_mem>> -> memref<!tpu.dma_semaphore, #tpu.memory_space<semaphore_mem>>
        tpu.wait_indirect_dma semaphore(%dma_wait3A_138 : memref<!tpu.dma_semaphore, #tpu.memory_space<semaphore_mem>>) src(%dma_wait3A_136 : memref<10000x64xf32, #tpu.memory_space<hbm>>) dst(%arg11 : memref<80x64xf32, #tpu.memory_space<vmem>>)
        %dma_start3A_139 = arith.constant 0 : i32
        %dma_start3A_140 = arith.constant 0 : i32
        %dma_start3A_141 = tpu.memref_slice %arg10[%add3A_129, %dma_start3A_140] : memref<250x80xi32, #tpu.memory_space<vmem>> -> memref<1x80xi32, #tpu.memory_space<vmem>>
        %dma_start3A_142 = tpu.memref_squeeze %dma_start3A_141 : memref<1x80xi32, #tpu.memory_space<vmem>> -> memref<80xi32, #tpu.memory_space<vmem>>
        %dma_start3A_143 = arith.constant 0 : i32
        %dma_start3A_144 = arith.constant 0 : i32
        %dma_start3A_145 = tpu.memref_slice %arg19[%dma_start3A_143, %dma_start3A_144] : memref<10000x64xf32, #tpu.memory_space<vmem_shared>> -> memref<10000x64xf32, #tpu.memory_space<vmem_shared>>
        %dma_start3A_146 = tpu.memref_slice %arg17[%dma_start3A_139] : memref<4x!tpu.dma_semaphore, #tpu.memory_space<semaphore_mem>> -> memref<1x!tpu.dma_semaphore, #tpu.memory_space<semaphore_mem>>
        %dma_start3A_147 = tpu.memref_squeeze %dma_start3A_146 : memref<1x!tpu.dma_semaphore, #tpu.memory_space<semaphore_mem>> -> memref<!tpu.dma_semaphore, #tpu.memory_space<semaphore_mem>>
        tpu.enqueue_indirect_dma source(%arg11 : memref<80x64xf32, #tpu.memory_space<vmem>>) target(%dma_start3A_145 : memref<10000x64xf32, #tpu.memory_space<vmem_shared>>) offsets(%dma_start3A_142 : memref<80xi32, #tpu.memory_space<vmem>>) semaphore(%dma_start3A_147 : memref<!tpu.dma_semaphore, #tpu.memory_space<semaphore_mem>>) {add = true}
        %ge3A = arith.constant 2 : i32
        %ge3A_148 = arith.cmpi sge, %add3A_129, %ge3A : i32
        %convert_element_type3A_149 = arith.extui %ge3A_148 : i1 to i32
        %cond3A_150 = arith.constant 0 : i32
        %cond3A_151 = arith.cmpi ne, %convert_element_type3A_149, %cond3A_150 : i32
        scf.if %cond3A_151 {
          %sub3A = arith.constant 2 : i32
          %sub3A_278 = arith.subi %add3A_129, %sub3A : i32
          %dma_wait3A_279 = arith.constant 2 : i32
          %dma_wait3A_280 = arith.constant 0 : i32
          %dma_wait3A_281 = tpu.memref_slice %arg10[%sub3A_278, %dma_wait3A_280] : memref<250x80xi32, #tpu.memory_space<vmem>> -> memref<1x80xi32, #tpu.memory_space<vmem>>
          %dma_wait3A_282 = tpu.memref_squeeze %dma_wait3A_281 : memref<1x80xi32, #tpu.memory_space<vmem>> -> memref<80xi32, #tpu.memory_space<vmem>>
          %dma_wait3A_283 = arith.constant 0 : i32
          %dma_wait3A_284 = arith.constant 0 : i32
          %dma_wait3A_285 = tpu.memref_slice %arg19[%dma_wait3A_283, %dma_wait3A_284] : memref<10000x64xf32, #tpu.memory_space<vmem_shared>> -> memref<10000x64xf32, #tpu.memory_space<vmem_shared>>
          %dma_wait3A_286 = tpu.memref_slice %arg17[%dma_wait3A_279] : memref<4x!tpu.dma_semaphore, #tpu.memory_space<semaphore_mem>> -> memref<1x!tpu.dma_semaphore, #tpu.memory_space<semaphore_mem>>
          %dma_wait3A_287 = tpu.memref_squeeze %dma_wait3A_286 : memref<1x!tpu.dma_semaphore, #tpu.memory_space<semaphore_mem>> -> memref<!tpu.dma_semaphore, #tpu.memory_space<semaphore_mem>>
          tpu.wait_indirect_dma semaphore(%dma_wait3A_287 : memref<!tpu.dma_semaphore, #tpu.memory_space<semaphore_mem>>) src(%arg13 : memref<80x64xf32, #tpu.memory_space<vmem>>) dst(%dma_wait3A_285 : memref<10000x64xf32, #tpu.memory_space<vmem_shared>>)
        } else {
        }
        %add3A_152 = arith.constant 2 : i32
        %add3A_153 = arith.addi %add3A_129, %add3A_152 : i32
        %dma_start3A_154 = arith.constant 2 : i32
        %dma_start3A_155 = arith.constant 0 : i32
        %dma_start3A_156 = tpu.memref_slice %arg9[%add3A_153, %dma_start3A_155] : memref<250x80xi32, #tpu.memory_space<vmem>> -> memref<1x80xi32, #tpu.memory_space<vmem>>
        %dma_start3A_157 = tpu.memref_squeeze %dma_start3A_156 : memref<1x80xi32, #tpu.memory_space<vmem>> -> memref<80xi32, #tpu.memory_space<vmem>>
        %dma_start3A_158 = arith.constant 0 : i32
        %dma_start3A_159 = arith.constant 0 : i32
        %dma_start3A_160 = tpu.memref_slice %arg3[%dma_start3A_158, %dma_start3A_159] : memref<10000x64xf32, #tpu.memory_space<hbm>> -> memref<10000x64xf32, #tpu.memory_space<hbm>>
        %dma_start3A_161 = tpu.memref_slice %arg16[%dma_start3A_154] : memref<4x!tpu.dma_semaphore, #tpu.memory_space<semaphore_mem>> -> memref<1x!tpu.dma_semaphore, #tpu.memory_space<semaphore_mem>>
        %dma_start3A_162 = tpu.memref_squeeze %dma_start3A_161 : memref<1x!tpu.dma_semaphore, #tpu.memory_space<semaphore_mem>> -> memref<!tpu.dma_semaphore, #tpu.memory_space<semaphore_mem>>
        tpu.enqueue_indirect_dma source(%dma_start3A_160 : memref<10000x64xf32, #tpu.memory_space<hbm>>) target(%arg13 : memref<80x64xf32, #tpu.memory_space<vmem>>) offsets(%dma_start3A_157 : memref<80xi32, #tpu.memory_space<vmem>>) semaphore(%dma_start3A_162 : memref<!tpu.dma_semaphore, #tpu.memory_space<semaphore_mem>>)
        %mul3A_163 = arith.constant 4 : i32
        %mul3A_164 = arith.muli %mul3A_163, %scan3A_126 : i32
        %add3A_165 = arith.constant 1 : i32
        %add3A_166 = arith.addi %mul3A_164, %add3A_165 : i32
        %dma_wait3A_167 = arith.constant 1 : i32
        %dma_wait3A_168 = arith.constant 0 : i32
        %dma_wait3A_169 = tpu.memref_slice %arg9[%add3A_166, %dma_wait3A_168] : memref<250x80xi32, #tpu.memory_space<vmem>> -> memref<1x80xi32, #tpu.memory_space<vmem>>
        %dma_wait3A_170 = tpu.memref_squeeze %dma_wait3A_169 : memref<1x80xi32, #tpu.memory_space<vmem>> -> memref<80xi32, #tpu.memory_space<vmem>>
        %dma_wait3A_171 = arith.constant 0 : i32
        %dma_wait3A_172 = arith.constant 0 : i32
        %dma_wait3A_173 = tpu.memref_slice %arg3[%dma_wait3A_171, %dma_wait3A_172] : memref<10000x64xf32, #tpu.memory_space<hbm>> -> memref<10000x64xf32, #tpu.memory_space<hbm>>
        %dma_wait3A_174 = tpu.memref_slice %arg16[%dma_wait3A_167] : memref<4x!tpu.dma_semaphore, #tpu.memory_space<semaphore_mem>> -> memref<1x!tpu.dma_semaphore, #tpu.memory_space<semaphore_mem>>
        %dma_wait3A_175 = tpu.memref_squeeze %dma_wait3A_174 : memref<1x!tpu.dma_semaphore, #tpu.memory_space<semaphore_mem>> -> memref<!tpu.dma_semaphore, #tpu.memory_space<semaphore_mem>>
        tpu.wait_indirect_dma semaphore(%dma_wait3A_175 : memref<!tpu.dma_semaphore, #tpu.memory_space<semaphore_mem>>) src(%dma_wait3A_173 : memref<10000x64xf32, #tpu.memory_space<hbm>>) dst(%arg12 : memref<80x64xf32, #tpu.memory_space<vmem>>)
        %dma_start3A_176 = arith.constant 1 : i32
        %dma_start3A_177 = arith.constant 0 : i32
        %dma_start3A_178 = tpu.memref_slice %arg10[%add3A_166, %dma_start3A_177] : memref<250x80xi32, #tpu.memory_space<vmem>> -> memref<1x80xi32, #tpu.memory_space<vmem>>
        %dma_start3A_179 = tpu.memref_squeeze %dma_start3A_178 : memref<1x80xi32, #tpu.memory_space<vmem>> -> memref<80xi32, #tpu.memory_space<vmem>>
        %dma_start3A_180 = arith.constant 0 : i32
        %dma_start3A_181 = arith.constant 0 : i32
        %dma_start3A_182 = tpu.memref_slice %arg19[%dma_start3A_180, %dma_start3A_181] : memref<10000x64xf32, #tpu.memory_space<vmem_shared>> -> memref<10000x64xf32, #tpu.memory_space<vmem_shared>>
        %dma_start3A_183 = tpu.memref_slice %arg17[%dma_start3A_176] : memref<4x!tpu.dma_semaphore, #tpu.memory_space<semaphore_mem>> -> memref<1x!tpu.dma_semaphore, #tpu.memory_space<semaphore_mem>>
        %dma_start3A_184 = tpu.memref_squeeze %dma_start3A_183 : memref<1x!tpu.dma_semaphore, #tpu.memory_space<semaphore_mem>> -> memref<!tpu.dma_semaphore, #tpu.memory_space<semaphore_mem>>
        tpu.enqueue_indirect_dma source(%arg12 : memref<80x64xf32, #tpu.memory_space<vmem>>) target(%dma_start3A_182 : memref<10000x64xf32, #tpu.memory_space<vmem_shared>>) offsets(%dma_start3A_179 : memref<80xi32, #tpu.memory_space<vmem>>) semaphore(%dma_start3A_184 : memref<!tpu.dma_semaphore, #tpu.memory_space<semaphore_mem>>) {add = true}
        %ge3A_185 = arith.constant 2 : i32
        %ge3A_186 = arith.cmpi sge, %add3A_166, %ge3A_185 : i32
        %convert_element_type3A_187 = arith.extui %ge3A_186 : i1 to i32
        %cond3A_188 = arith.constant 0 : i32
        %cond3A_189 = arith.cmpi ne, %convert_element_type3A_187, %cond3A_188 : i32
        scf.if %cond3A_189 {
          %sub3A = arith.constant 2 : i32
          %sub3A_278 = arith.subi %add3A_166, %sub3A : i32
          %dma_wait3A_279 = arith.constant 3 : i32
          %dma_wait3A_280 = arith.constant 0 : i32
          %dma_wait3A_281 = tpu.memref_slice %arg10[%sub3A_278, %dma_wait3A_280] : memref<250x80xi32, #tpu.memory_space<vmem>> -> memref<1x80xi32, #tpu.memory_space<vmem>>
          %dma_wait3A_282 = tpu.memref_squeeze %dma_wait3A_281 : memref<1x80xi32, #tpu.memory_space<vmem>> -> memref<80xi32, #tpu.memory_space<vmem>>
          %dma_wait3A_283 = arith.constant 0 : i32
          %dma_wait3A_284 = arith.constant 0 : i32
          %dma_wait3A_285 = tpu.memref_slice %arg19[%dma_wait3A_283, %dma_wait3A_284] : memref<10000x64xf32, #tpu.memory_space<vmem_shared>> -> memref<10000x64xf32, #tpu.memory_space<vmem_shared>>
          %dma_wait3A_286 = tpu.memref_slice %arg17[%dma_wait3A_279] : memref<4x!tpu.dma_semaphore, #tpu.memory_space<semaphore_mem>> -> memref<1x!tpu.dma_semaphore, #tpu.memory_space<semaphore_mem>>
          %dma_wait3A_287 = tpu.memref_squeeze %dma_wait3A_286 : memref<1x!tpu.dma_semaphore, #tpu.memory_space<semaphore_mem>> -> memref<!tpu.dma_semaphore, #tpu.memory_space<semaphore_mem>>
          tpu.wait_indirect_dma semaphore(%dma_wait3A_287 : memref<!tpu.dma_semaphore, #tpu.memory_space<semaphore_mem>>) src(%arg14 : memref<80x64xf32, #tpu.memory_space<vmem>>) dst(%dma_wait3A_285 : memref<10000x64xf32, #tpu.memory_space<vmem_shared>>)
        } else {
        }
        %add3A_190 = arith.constant 2 : i32
        %add3A_191 = arith.addi %add3A_166, %add3A_190 : i32
        %dma_start3A_192 = arith.constant 3 : i32
        %dma_start3A_193 = arith.constant 0 : i32
        %dma_start3A_194 = tpu.memref_slice %arg9[%add3A_191, %dma_start3A_193] : memref<250x80xi32, #tpu.memory_space<vmem>> -> memref<1x80xi32, #tpu.memory_space<vmem>>
        %dma_start3A_195 = tpu.memref_squeeze %dma_start3A_194 : memref<1x80xi32, #tpu.memory_space<vmem>> -> memref<80xi32, #tpu.memory_space<vmem>>
        %dma_start3A_196 = arith.constant 0 : i32
        %dma_start3A_197 = arith.constant 0 : i32
        %dma_start3A_198 = tpu.memref_slice %arg3[%dma_start3A_196, %dma_start3A_197] : memref<10000x64xf32, #tpu.memory_space<hbm>> -> memref<10000x64xf32, #tpu.memory_space<hbm>>
        %dma_start3A_199 = tpu.memref_slice %arg16[%dma_start3A_192] : memref<4x!tpu.dma_semaphore, #tpu.memory_space<semaphore_mem>> -> memref<1x!tpu.dma_semaphore, #tpu.memory_space<semaphore_mem>>
        %dma_start3A_200 = tpu.memref_squeeze %dma_start3A_199 : memref<1x!tpu.dma_semaphore, #tpu.memory_space<semaphore_mem>> -> memref<!tpu.dma_semaphore, #tpu.memory_space<semaphore_mem>>
        tpu.enqueue_indirect_dma source(%dma_start3A_198 : memref<10000x64xf32, #tpu.memory_space<hbm>>) target(%arg14 : memref<80x64xf32, #tpu.memory_space<vmem>>) offsets(%dma_start3A_195 : memref<80xi32, #tpu.memory_space<vmem>>) semaphore(%dma_start3A_200 : memref<!tpu.dma_semaphore, #tpu.memory_space<semaphore_mem>>)
        %mul3A_201 = arith.constant 4 : i32
        %mul3A_202 = arith.muli %mul3A_201, %scan3A_126 : i32
        %add3A_203 = arith.constant 2 : i32
        %add3A_204 = arith.addi %mul3A_202, %add3A_203 : i32
        %dma_wait3A_205 = arith.constant 2 : i32
        %dma_wait3A_206 = arith.constant 0 : i32
        %dma_wait3A_207 = tpu.memref_slice %arg9[%add3A_204, %dma_wait3A_206] : memref<250x80xi32, #tpu.memory_space<vmem>> -> memref<1x80xi32, #tpu.memory_space<vmem>>
        %dma_wait3A_208 = tpu.memref_squeeze %dma_wait3A_207 : memref<1x80xi32, #tpu.memory_space<vmem>> -> memref<80xi32, #tpu.memory_space<vmem>>
        %dma_wait3A_209 = arith.constant 0 : i32
        %dma_wait3A_210 = arith.constant 0 : i32
        %dma_wait3A_211 = tpu.memref_slice %arg3[%dma_wait3A_209, %dma_wait3A_210] : memref<10000x64xf32, #tpu.memory_space<hbm>> -> memref<10000x64xf32, #tpu.memory_space<hbm>>
        %dma_wait3A_212 = tpu.memref_slice %arg16[%dma_wait3A_205] : memref<4x!tpu.dma_semaphore, #tpu.memory_space<semaphore_mem>> -> memref<1x!tpu.dma_semaphore, #tpu.memory_space<semaphore_mem>>
        %dma_wait3A_213 = tpu.memref_squeeze %dma_wait3A_212 : memref<1x!tpu.dma_semaphore, #tpu.memory_space<semaphore_mem>> -> memref<!tpu.dma_semaphore, #tpu.memory_space<semaphore_mem>>
        tpu.wait_indirect_dma semaphore(%dma_wait3A_213 : memref<!tpu.dma_semaphore, #tpu.memory_space<semaphore_mem>>) src(%dma_wait3A_211 : memref<10000x64xf32, #tpu.memory_space<hbm>>) dst(%arg13 : memref<80x64xf32, #tpu.memory_space<vmem>>)
        %dma_start3A_214 = arith.constant 2 : i32
        %dma_start3A_215 = arith.constant 0 : i32
        %dma_start3A_216 = tpu.memref_slice %arg10[%add3A_204, %dma_start3A_215] : memref<250x80xi32, #tpu.memory_space<vmem>> -> memref<1x80xi32, #tpu.memory_space<vmem>>
        %dma_start3A_217 = tpu.memref_squeeze %dma_start3A_216 : memref<1x80xi32, #tpu.memory_space<vmem>> -> memref<80xi32, #tpu.memory_space<vmem>>
        %dma_start3A_218 = arith.constant 0 : i32
        %dma_start3A_219 = arith.constant 0 : i32
        %dma_start3A_220 = tpu.memref_slice %arg19[%dma_start3A_218, %dma_start3A_219] : memref<10000x64xf32, #tpu.memory_space<vmem_shared>> -> memref<10000x64xf32, #tpu.memory_space<vmem_shared>>
        %dma_start3A_221 = tpu.memref_slice %arg17[%dma_start3A_214] : memref<4x!tpu.dma_semaphore, #tpu.memory_space<semaphore_mem>> -> memref<1x!tpu.dma_semaphore, #tpu.memory_space<semaphore_mem>>
        %dma_start3A_222 = tpu.memref_squeeze %dma_start3A_221 : memref<1x!tpu.dma_semaphore, #tpu.memory_space<semaphore_mem>> -> memref<!tpu.dma_semaphore, #tpu.memory_space<semaphore_mem>>
        tpu.enqueue_indirect_dma source(%arg13 : memref<80x64xf32, #tpu.memory_space<vmem>>) target(%dma_start3A_220 : memref<10000x64xf32, #tpu.memory_space<vmem_shared>>) offsets(%dma_start3A_217 : memref<80xi32, #tpu.memory_space<vmem>>) semaphore(%dma_start3A_222 : memref<!tpu.dma_semaphore, #tpu.memory_space<semaphore_mem>>) {add = true}
        %ge3A_223 = arith.constant 2 : i32
        %ge3A_224 = arith.cmpi sge, %add3A_204, %ge3A_223 : i32
        %convert_element_type3A_225 = arith.extui %ge3A_224 : i1 to i32
        %cond3A_226 = arith.constant 0 : i32
        %cond3A_227 = arith.cmpi ne, %convert_element_type3A_225, %cond3A_226 : i32
        scf.if %cond3A_227 {
          %sub3A = arith.constant 2 : i32
          %sub3A_278 = arith.subi %add3A_204, %sub3A : i32
          %dma_wait3A_279 = arith.constant 0 : i32
          %dma_wait3A_280 = arith.constant 0 : i32
          %dma_wait3A_281 = tpu.memref_slice %arg10[%sub3A_278, %dma_wait3A_280] : memref<250x80xi32, #tpu.memory_space<vmem>> -> memref<1x80xi32, #tpu.memory_space<vmem>>
          %dma_wait3A_282 = tpu.memref_squeeze %dma_wait3A_281 : memref<1x80xi32, #tpu.memory_space<vmem>> -> memref<80xi32, #tpu.memory_space<vmem>>
          %dma_wait3A_283 = arith.constant 0 : i32
          %dma_wait3A_284 = arith.constant 0 : i32
          %dma_wait3A_285 = tpu.memref_slice %arg19[%dma_wait3A_283, %dma_wait3A_284] : memref<10000x64xf32, #tpu.memory_space<vmem_shared>> -> memref<10000x64xf32, #tpu.memory_space<vmem_shared>>
          %dma_wait3A_286 = tpu.memref_slice %arg17[%dma_wait3A_279] : memref<4x!tpu.dma_semaphore, #tpu.memory_space<semaphore_mem>> -> memref<1x!tpu.dma_semaphore, #tpu.memory_space<semaphore_mem>>
          %dma_wait3A_287 = tpu.memref_squeeze %dma_wait3A_286 : memref<1x!tpu.dma_semaphore, #tpu.memory_space<semaphore_mem>> -> memref<!tpu.dma_semaphore, #tpu.memory_space<semaphore_mem>>
          tpu.wait_indirect_dma semaphore(%dma_wait3A_287 : memref<!tpu.dma_semaphore, #tpu.memory_space<semaphore_mem>>) src(%arg11 : memref<80x64xf32, #tpu.memory_space<vmem>>) dst(%dma_wait3A_285 : memref<10000x64xf32, #tpu.memory_space<vmem_shared>>)
        } else {
        }
        %add3A_228 = arith.constant 2 : i32
        %add3A_229 = arith.addi %add3A_204, %add3A_228 : i32
        %dma_start3A_230 = arith.constant 0 : i32
        %dma_start3A_231 = arith.constant 0 : i32
        %dma_start3A_232 = tpu.memref_slice %arg9[%add3A_229, %dma_start3A_231] : memref<250x80xi32, #tpu.memory_space<vmem>> -> memref<1x80xi32, #tpu.memory_space<vmem>>
        %dma_start3A_233 = tpu.memref_squeeze %dma_start3A_232 : memref<1x80xi32, #tpu.memory_space<vmem>> -> memref<80xi32, #tpu.memory_space<vmem>>
        %dma_start3A_234 = arith.constant 0 : i32
        %dma_start3A_235 = arith.constant 0 : i32
        %dma_start3A_236 = tpu.memref_slice %arg3[%dma_start3A_234, %dma_start3A_235] : memref<10000x64xf32, #tpu.memory_space<hbm>> -> memref<10000x64xf32, #tpu.memory_space<hbm>>
        %dma_start3A_237 = tpu.memref_slice %arg16[%dma_start3A_230] : memref<4x!tpu.dma_semaphore, #tpu.memory_space<semaphore_mem>> -> memref<1x!tpu.dma_semaphore, #tpu.memory_space<semaphore_mem>>
        %dma_start3A_238 = tpu.memref_squeeze %dma_start3A_237 : memref<1x!tpu.dma_semaphore, #tpu.memory_space<semaphore_mem>> -> memref<!tpu.dma_semaphore, #tpu.memory_space<semaphore_mem>>
        tpu.enqueue_indirect_dma source(%dma_start3A_236 : memref<10000x64xf32, #tpu.memory_space<hbm>>) target(%arg11 : memref<80x64xf32, #tpu.memory_space<vmem>>) offsets(%dma_start3A_233 : memref<80xi32, #tpu.memory_space<vmem>>) semaphore(%dma_start3A_238 : memref<!tpu.dma_semaphore, #tpu.memory_space<semaphore_mem>>)
        %mul3A_239 = arith.constant 4 : i32
        %mul3A_240 = arith.muli %mul3A_239, %scan3A_126 : i32
        %add3A_241 = arith.constant 3 : i32
        %add3A_242 = arith.addi %mul3A_240, %add3A_241 : i32
        %dma_wait3A_243 = arith.constant 3 : i32
        %dma_wait3A_244 = arith.constant 0 : i32
        %dma_wait3A_245 = tpu.memref_slice %arg9[%add3A_242, %dma_wait3A_244] : memref<250x80xi32, #tpu.memory_space<vmem>> -> memref<1x80xi32, #tpu.memory_space<vmem>>
        %dma_wait3A_246 = tpu.memref_squeeze %dma_wait3A_245 : memref<1x80xi32, #tpu.memory_space<vmem>> -> memref<80xi32, #tpu.memory_space<vmem>>
        %dma_wait3A_247 = arith.constant 0 : i32
        %dma_wait3A_248 = arith.constant 0 : i32
        %dma_wait3A_249 = tpu.memref_slice %arg3[%dma_wait3A_247, %dma_wait3A_248] : memref<10000x64xf32, #tpu.memory_space<hbm>> -> memref<10000x64xf32, #tpu.memory_space<hbm>>
        %dma_wait3A_250 = tpu.memref_slice %arg16[%dma_wait3A_243] : memref<4x!tpu.dma_semaphore, #tpu.memory_space<semaphore_mem>> -> memref<1x!tpu.dma_semaphore, #tpu.memory_space<semaphore_mem>>
        %dma_wait3A_251 = tpu.memref_squeeze %dma_wait3A_250 : memref<1x!tpu.dma_semaphore, #tpu.memory_space<semaphore_mem>> -> memref<!tpu.dma_semaphore, #tpu.memory_space<semaphore_mem>>
        tpu.wait_indirect_dma semaphore(%dma_wait3A_251 : memref<!tpu.dma_semaphore, #tpu.memory_space<semaphore_mem>>) src(%dma_wait3A_249 : memref<10000x64xf32, #tpu.memory_space<hbm>>) dst(%arg14 : memref<80x64xf32, #tpu.memory_space<vmem>>)
        %dma_start3A_252 = arith.constant 3 : i32
        %dma_start3A_253 = arith.constant 0 : i32
        %dma_start3A_254 = tpu.memref_slice %arg10[%add3A_242, %dma_start3A_253] : memref<250x80xi32, #tpu.memory_space<vmem>> -> memref<1x80xi32, #tpu.memory_space<vmem>>
        %dma_start3A_255 = tpu.memref_squeeze %dma_start3A_254 : memref<1x80xi32, #tpu.memory_space<vmem>> -> memref<80xi32, #tpu.memory_space<vmem>>
        %dma_start3A_256 = arith.constant 0 : i32
        %dma_start3A_257 = arith.constant 0 : i32
        %dma_start3A_258 = tpu.memref_slice %arg19[%dma_start3A_256, %dma_start3A_257] : memref<10000x64xf32, #tpu.memory_space<vmem_shared>> -> memref<10000x64xf32, #tpu.memory_space<vmem_shared>>
        %dma_start3A_259 = tpu.memref_slice %arg17[%dma_start3A_252] : memref<4x!tpu.dma_semaphore, #tpu.memory_space<semaphore_mem>> -> memref<1x!tpu.dma_semaphore, #tpu.memory_space<semaphore_mem>>
        %dma_start3A_260 = tpu.memref_squeeze %dma_start3A_259 : memref<1x!tpu.dma_semaphore, #tpu.memory_space<semaphore_mem>> -> memref<!tpu.dma_semaphore, #tpu.memory_space<semaphore_mem>>
        tpu.enqueue_indirect_dma source(%arg14 : memref<80x64xf32, #tpu.memory_space<vmem>>) target(%dma_start3A_258 : memref<10000x64xf32, #tpu.memory_space<vmem_shared>>) offsets(%dma_start3A_255 : memref<80xi32, #tpu.memory_space<vmem>>) semaphore(%dma_start3A_260 : memref<!tpu.dma_semaphore, #tpu.memory_space<semaphore_mem>>) {add = true}
        %ge3A_261 = arith.constant 2 : i32
        %ge3A_262 = arith.cmpi sge, %add3A_242, %ge3A_261 : i32
        %convert_element_type3A_263 = arith.extui %ge3A_262 : i1 to i32
        %cond3A_264 = arith.constant 0 : i32
        %cond3A_265 = arith.cmpi ne, %convert_element_type3A_263, %cond3A_264 : i32
        scf.if %cond3A_265 {
          %sub3A = arith.constant 2 : i32
          %sub3A_278 = arith.subi %add3A_242, %sub3A : i32
          %dma_wait3A_279 = arith.constant 1 : i32
          %dma_wait3A_280 = arith.constant 0 : i32
          %dma_wait3A_281 = tpu.memref_slice %arg10[%sub3A_278, %dma_wait3A_280] : memref<250x80xi32, #tpu.memory_space<vmem>> -> memref<1x80xi32, #tpu.memory_space<vmem>>
          %dma_wait3A_282 = tpu.memref_squeeze %dma_wait3A_281 : memref<1x80xi32, #tpu.memory_space<vmem>> -> memref<80xi32, #tpu.memory_space<vmem>>
          %dma_wait3A_283 = arith.constant 0 : i32
          %dma_wait3A_284 = arith.constant 0 : i32
          %dma_wait3A_285 = tpu.memref_slice %arg19[%dma_wait3A_283, %dma_wait3A_284] : memref<10000x64xf32, #tpu.memory_space<vmem_shared>> -> memref<10000x64xf32, #tpu.memory_space<vmem_shared>>
          %dma_wait3A_286 = tpu.memref_slice %arg17[%dma_wait3A_279] : memref<4x!tpu.dma_semaphore, #tpu.memory_space<semaphore_mem>> -> memref<1x!tpu.dma_semaphore, #tpu.memory_space<semaphore_mem>>
          %dma_wait3A_287 = tpu.memref_squeeze %dma_wait3A_286 : memref<1x!tpu.dma_semaphore, #tpu.memory_space<semaphore_mem>> -> memref<!tpu.dma_semaphore, #tpu.memory_space<semaphore_mem>>
          tpu.wait_indirect_dma semaphore(%dma_wait3A_287 : memref<!tpu.dma_semaphore, #tpu.memory_space<semaphore_mem>>) src(%arg12 : memref<80x64xf32, #tpu.memory_space<vmem>>) dst(%dma_wait3A_285 : memref<10000x64xf32, #tpu.memory_space<vmem_shared>>)
        } else {
        }
        %add3A_266 = arith.constant 2 : i32
        %add3A_267 = arith.addi %add3A_242, %add3A_266 : i32
        %dma_start3A_268 = arith.constant 1 : i32
        %dma_start3A_269 = arith.constant 0 : i32
        %dma_start3A_270 = tpu.memref_slice %arg9[%add3A_267, %dma_start3A_269] : memref<250x80xi32, #tpu.memory_space<vmem>> -> memref<1x80xi32, #tpu.memory_space<vmem>>
        %dma_start3A_271 = tpu.memref_squeeze %dma_start3A_270 : memref<1x80xi32, #tpu.memory_space<vmem>> -> memref<80xi32, #tpu.memory_space<vmem>>
        %dma_start3A_272 = arith.constant 0 : i32
        %dma_start3A_273 = arith.constant 0 : i32
        %dma_start3A_274 = tpu.memref_slice %arg3[%dma_start3A_272, %dma_start3A_273] : memref<10000x64xf32, #tpu.memory_space<hbm>> -> memref<10000x64xf32, #tpu.memory_space<hbm>>
        %dma_start3A_275 = tpu.memref_slice %arg16[%dma_start3A_268] : memref<4x!tpu.dma_semaphore, #tpu.memory_space<semaphore_mem>> -> memref<1x!tpu.dma_semaphore, #tpu.memory_space<semaphore_mem>>
        %dma_start3A_276 = tpu.memref_squeeze %dma_start3A_275 : memref<1x!tpu.dma_semaphore, #tpu.memory_space<semaphore_mem>> -> memref<!tpu.dma_semaphore, #tpu.memory_space<semaphore_mem>>
        tpu.enqueue_indirect_dma source(%dma_start3A_274 : memref<10000x64xf32, #tpu.memory_space<hbm>>) target(%arg12 : memref<80x64xf32, #tpu.memory_space<vmem>>) offsets(%dma_start3A_271 : memref<80xi32, #tpu.memory_space<vmem>>) semaphore(%dma_start3A_276 : memref<!tpu.dma_semaphore, #tpu.memory_space<semaphore_mem>>)
        %scan3A_277 = arith.constant 0 : i32
        scf.yield %scan3A_277 : i32
      }
      %scan3A_46 = arith.constant 62 : i32
      %dma_wait3A = arith.constant 248 : i32
      %dma_wait3A_47 = arith.constant 0 : i32
      %dma_wait3A_48 = arith.constant 0 : i32
      %dma_wait3A_49 = tpu.memref_slice %arg9[%dma_wait3A, %dma_wait3A_48] : memref<250x80xi32, #tpu.memory_space<vmem>> -> memref<1x80xi32, #tpu.memory_space<vmem>>
      %dma_wait3A_50 = tpu.memref_squeeze %dma_wait3A_49 : memref<1x80xi32, #tpu.memory_space<vmem>> -> memref<80xi32, #tpu.memory_space<vmem>>
      %dma_wait3A_51 = arith.constant 0 : i32
      %dma_wait3A_52 = arith.constant 0 : i32
      %dma_wait3A_53 = tpu.memref_slice %arg3[%dma_wait3A_51, %dma_wait3A_52] : memref<10000x64xf32, #tpu.memory_space<hbm>> -> memref<10000x64xf32, #tpu.memory_space<hbm>>
      %dma_wait3A_54 = tpu.memref_slice %arg16[%dma_wait3A_47] : memref<4x!tpu.dma_semaphore, #tpu.memory_space<semaphore_mem>> -> memref<1x!tpu.dma_semaphore, #tpu.memory_space<semaphore_mem>>
      %dma_wait3A_55 = tpu.memref_squeeze %dma_wait3A_54 : memref<1x!tpu.dma_semaphore, #tpu.memory_space<semaphore_mem>> -> memref<!tpu.dma_semaphore, #tpu.memory_space<semaphore_mem>>
      tpu.wait_indirect_dma semaphore(%dma_wait3A_55 : memref<!tpu.dma_semaphore, #tpu.memory_space<semaphore_mem>>) src(%dma_wait3A_53 : memref<10000x64xf32, #tpu.memory_space<hbm>>) dst(%arg11 : memref<80x64xf32, #tpu.memory_space<vmem>>)
      %dma_start3A_56 = arith.constant 248 : i32
      %dma_start3A_57 = arith.constant 0 : i32
      %dma_start3A_58 = arith.constant 0 : i32
      %dma_start3A_59 = tpu.memref_slice %arg10[%dma_start3A_56, %dma_start3A_58] : memref<250x80xi32, #tpu.memory_space<vmem>> -> memref<1x80xi32, #tpu.memory_space<vmem>>
      %dma_start3A_60 = tpu.memref_squeeze %dma_start3A_59 : memref<1x80xi32, #tpu.memory_space<vmem>> -> memref<80xi32, #tpu.memory_space<vmem>>
      %dma_start3A_61 = arith.constant 0 : i32
      %dma_start3A_62 = arith.constant 0 : i32
      %dma_start3A_63 = tpu.memref_slice %arg19[%dma_start3A_61, %dma_start3A_62] : memref<10000x64xf32, #tpu.memory_space<vmem_shared>> -> memref<10000x64xf32, #tpu.memory_space<vmem_shared>>
      %dma_start3A_64 = tpu.memref_slice %arg17[%dma_start3A_57] : memref<4x!tpu.dma_semaphore, #tpu.memory_space<semaphore_mem>> -> memref<1x!tpu.dma_semaphore, #tpu.memory_space<semaphore_mem>>
      %dma_start3A_65 = tpu.memref_squeeze %dma_start3A_64 : memref<1x!tpu.dma_semaphore, #tpu.memory_space<semaphore_mem>> -> memref<!tpu.dma_semaphore, #tpu.memory_space<semaphore_mem>>
      tpu.enqueue_indirect_dma source(%arg11 : memref<80x64xf32, #tpu.memory_space<vmem>>) target(%dma_start3A_63 : memref<10000x64xf32, #tpu.memory_space<vmem_shared>>) offsets(%dma_start3A_60 : memref<80xi32, #tpu.memory_space<vmem>>) semaphore(%dma_start3A_65 : memref<!tpu.dma_semaphore, #tpu.memory_space<semaphore_mem>>) {add = true}
      %dma_wait3A_66 = arith.constant 249 : i32
      %dma_wait3A_67 = arith.constant 1 : i32
      %dma_wait3A_68 = arith.constant 0 : i32
      %dma_wait3A_69 = tpu.memref_slice %arg9[%dma_wait3A_66, %dma_wait3A_68] : memref<250x80xi32, #tpu.memory_space<vmem>> -> memref<1x80xi32, #tpu.memory_space<vmem>>
      %dma_wait3A_70 = tpu.memref_squeeze %dma_wait3A_69 : memref<1x80xi32, #tpu.memory_space<vmem>> -> memref<80xi32, #tpu.memory_space<vmem>>
      %dma_wait3A_71 = arith.constant 0 : i32
      %dma_wait3A_72 = arith.constant 0 : i32
      %dma_wait3A_73 = tpu.memref_slice %arg3[%dma_wait3A_71, %dma_wait3A_72] : memref<10000x64xf32, #tpu.memory_space<hbm>> -> memref<10000x64xf32, #tpu.memory_space<hbm>>
      %dma_wait3A_74 = tpu.memref_slice %arg16[%dma_wait3A_67] : memref<4x!tpu.dma_semaphore, #tpu.memory_space<semaphore_mem>> -> memref<1x!tpu.dma_semaphore, #tpu.memory_space<semaphore_mem>>
      %dma_wait3A_75 = tpu.memref_squeeze %dma_wait3A_74 : memref<1x!tpu.dma_semaphore, #tpu.memory_space<semaphore_mem>> -> memref<!tpu.dma_semaphore, #tpu.memory_space<semaphore_mem>>
      tpu.wait_indirect_dma semaphore(%dma_wait3A_75 : memref<!tpu.dma_semaphore, #tpu.memory_space<semaphore_mem>>) src(%dma_wait3A_73 : memref<10000x64xf32, #tpu.memory_space<hbm>>) dst(%arg12 : memref<80x64xf32, #tpu.memory_space<vmem>>)
      %dma_start3A_76 = arith.constant 249 : i32
      %dma_start3A_77 = arith.constant 1 : i32
      %dma_start3A_78 = arith.constant 0 : i32
      %dma_start3A_79 = tpu.memref_slice %arg10[%dma_start3A_76, %dma_start3A_78] : memref<250x80xi32, #tpu.memory_space<vmem>> -> memref<1x80xi32, #tpu.memory_space<vmem>>
      %dma_start3A_80 = tpu.memref_squeeze %dma_start3A_79 : memref<1x80xi32, #tpu.memory_space<vmem>> -> memref<80xi32, #tpu.memory_space<vmem>>
      %dma_start3A_81 = arith.constant 0 : i32
      %dma_start3A_82 = arith.constant 0 : i32
      %dma_start3A_83 = tpu.memref_slice %arg19[%dma_start3A_81, %dma_start3A_82] : memref<10000x64xf32, #tpu.memory_space<vmem_shared>> -> memref<10000x64xf32, #tpu.memory_space<vmem_shared>>
      %dma_start3A_84 = tpu.memref_slice %arg17[%dma_start3A_77] : memref<4x!tpu.dma_semaphore, #tpu.memory_space<semaphore_mem>> -> memref<1x!tpu.dma_semaphore, #tpu.memory_space<semaphore_mem>>
      %dma_start3A_85 = tpu.memref_squeeze %dma_start3A_84 : memref<1x!tpu.dma_semaphore, #tpu.memory_space<semaphore_mem>> -> memref<!tpu.dma_semaphore, #tpu.memory_space<semaphore_mem>>
      tpu.enqueue_indirect_dma source(%arg12 : memref<80x64xf32, #tpu.memory_space<vmem>>) target(%dma_start3A_83 : memref<10000x64xf32, #tpu.memory_space<vmem_shared>>) offsets(%dma_start3A_80 : memref<80xi32, #tpu.memory_space<vmem>>) semaphore(%dma_start3A_85 : memref<!tpu.dma_semaphore, #tpu.memory_space<semaphore_mem>>) {add = true}
      %dma_wait3A_86 = arith.constant 246 : i32
      %dma_wait3A_87 = arith.constant 2 : i32
      %dma_wait3A_88 = arith.constant 0 : i32
      %dma_wait3A_89 = tpu.memref_slice %arg10[%dma_wait3A_86, %dma_wait3A_88] : memref<250x80xi32, #tpu.memory_space<vmem>> -> memref<1x80xi32, #tpu.memory_space<vmem>>
      %dma_wait3A_90 = tpu.memref_squeeze %dma_wait3A_89 : memref<1x80xi32, #tpu.memory_space<vmem>> -> memref<80xi32, #tpu.memory_space<vmem>>
      %dma_wait3A_91 = arith.constant 0 : i32
      %dma_wait3A_92 = arith.constant 0 : i32
      %dma_wait3A_93 = tpu.memref_slice %arg19[%dma_wait3A_91, %dma_wait3A_92] : memref<10000x64xf32, #tpu.memory_space<vmem_shared>> -> memref<10000x64xf32, #tpu.memory_space<vmem_shared>>
      %dma_wait3A_94 = tpu.memref_slice %arg17[%dma_wait3A_87] : memref<4x!tpu.dma_semaphore, #tpu.memory_space<semaphore_mem>> -> memref<1x!tpu.dma_semaphore, #tpu.memory_space<semaphore_mem>>
      %dma_wait3A_95 = tpu.memref_squeeze %dma_wait3A_94 : memref<1x!tpu.dma_semaphore, #tpu.memory_space<semaphore_mem>> -> memref<!tpu.dma_semaphore, #tpu.memory_space<semaphore_mem>>
      tpu.wait_indirect_dma semaphore(%dma_wait3A_95 : memref<!tpu.dma_semaphore, #tpu.memory_space<semaphore_mem>>) src(%arg13 : memref<80x64xf32, #tpu.memory_space<vmem>>) dst(%dma_wait3A_93 : memref<10000x64xf32, #tpu.memory_space<vmem_shared>>)
      %dma_wait3A_96 = arith.constant 247 : i32
      %dma_wait3A_97 = arith.constant 3 : i32
      %dma_wait3A_98 = arith.constant 0 : i32
      %dma_wait3A_99 = tpu.memref_slice %arg10[%dma_wait3A_96, %dma_wait3A_98] : memref<250x80xi32, #tpu.memory_space<vmem>> -> memref<1x80xi32, #tpu.memory_space<vmem>>
      %dma_wait3A_100 = tpu.memref_squeeze %dma_wait3A_99 : memref<1x80xi32, #tpu.memory_space<vmem>> -> memref<80xi32, #tpu.memory_space<vmem>>
      %dma_wait3A_101 = arith.constant 0 : i32
      %dma_wait3A_102 = arith.constant 0 : i32
      %dma_wait3A_103 = tpu.memref_slice %arg19[%dma_wait3A_101, %dma_wait3A_102] : memref<10000x64xf32, #tpu.memory_space<vmem_shared>> -> memref<10000x64xf32, #tpu.memory_space<vmem_shared>>
      %dma_wait3A_104 = tpu.memref_slice %arg17[%dma_wait3A_97] : memref<4x!tpu.dma_semaphore, #tpu.memory_space<semaphore_mem>> -> memref<1x!tpu.dma_semaphore, #tpu.memory_space<semaphore_mem>>
      %dma_wait3A_105 = tpu.memref_squeeze %dma_wait3A_104 : memref<1x!tpu.dma_semaphore, #tpu.memory_space<semaphore_mem>> -> memref<!tpu.dma_semaphore, #tpu.memory_space<semaphore_mem>>
      tpu.wait_indirect_dma semaphore(%dma_wait3A_105 : memref<!tpu.dma_semaphore, #tpu.memory_space<semaphore_mem>>) src(%arg14 : memref<80x64xf32, #tpu.memory_space<vmem>>) dst(%dma_wait3A_103 : memref<10000x64xf32, #tpu.memory_space<vmem_shared>>)
      %dma_wait3A_106 = arith.constant 248 : i32
      %dma_wait3A_107 = arith.constant 0 : i32
      %dma_wait3A_108 = arith.constant 0 : i32
      %dma_wait3A_109 = tpu.memref_slice %arg10[%dma_wait3A_106, %dma_wait3A_108] : memref<250x80xi32, #tpu.memory_space<vmem>> -> memref<1x80xi32, #tpu.memory_space<vmem>>
      %dma_wait3A_110 = tpu.memref_squeeze %dma_wait3A_109 : memref<1x80xi32, #tpu.memory_space<vmem>> -> memref<80xi32, #tpu.memory_space<vmem>>
      %dma_wait3A_111 = arith.constant 0 : i32
      %dma_wait3A_112 = arith.constant 0 : i32
      %dma_wait3A_113 = tpu.memref_slice %arg19[%dma_wait3A_111, %dma_wait3A_112] : memref<10000x64xf32, #tpu.memory_space<vmem_shared>> -> memref<10000x64xf32, #tpu.memory_space<vmem_shared>>
      %dma_wait3A_114 = tpu.memref_slice %arg17[%dma_wait3A_107] : memref<4x!tpu.dma_semaphore, #tpu.memory_space<semaphore_mem>> -> memref<1x!tpu.dma_semaphore, #tpu.memory_space<semaphore_mem>>
      %dma_wait3A_115 = tpu.memref_squeeze %dma_wait3A_114 : memref<1x!tpu.dma_semaphore, #tpu.memory_space<semaphore_mem>> -> memref<!tpu.dma_semaphore, #tpu.memory_space<semaphore_mem>>
      tpu.wait_indirect_dma semaphore(%dma_wait3A_115 : memref<!tpu.dma_semaphore, #tpu.memory_space<semaphore_mem>>) src(%arg11 : memref<80x64xf32, #tpu.memory_space<vmem>>) dst(%dma_wait3A_113 : memref<10000x64xf32, #tpu.memory_space<vmem_shared>>)
      %dma_wait3A_116 = arith.constant 249 : i32
      %dma_wait3A_117 = arith.constant 1 : i32
      %dma_wait3A_118 = arith.constant 0 : i32
      %dma_wait3A_119 = tpu.memref_slice %arg10[%dma_wait3A_116, %dma_wait3A_118] : memref<250x80xi32, #tpu.memory_space<vmem>> -> memref<1x80xi32, #tpu.memory_space<vmem>>
      %dma_wait3A_120 = tpu.memref_squeeze %dma_wait3A_119 : memref<1x80xi32, #tpu.memory_space<vmem>> -> memref<80xi32, #tpu.memory_space<vmem>>
      %dma_wait3A_121 = arith.constant 0 : i32
      %dma_wait3A_122 = arith.constant 0 : i32
      %dma_wait3A_123 = tpu.memref_slice %arg19[%dma_wait3A_121, %dma_wait3A_122] : memref<10000x64xf32, #tpu.memory_space<vmem_shared>> -> memref<10000x64xf32, #tpu.memory_space<vmem_shared>>
      %dma_wait3A_124 = tpu.memref_slice %arg17[%dma_wait3A_117] : memref<4x!tpu.dma_semaphore, #tpu.memory_space<semaphore_mem>> -> memref<1x!tpu.dma_semaphore, #tpu.memory_space<semaphore_mem>>
      %dma_wait3A_125 = tpu.memref_squeeze %dma_wait3A_124 : memref<1x!tpu.dma_semaphore, #tpu.memory_space<semaphore_mem>> -> memref<!tpu.dma_semaphore, #tpu.memory_space<semaphore_mem>>
      tpu.wait_indirect_dma semaphore(%dma_wait3A_125 : memref<!tpu.dma_semaphore, #tpu.memory_space<semaphore_mem>>) src(%arg12 : memref<80x64xf32, #tpu.memory_space<vmem>>) dst(%dma_wait3A_123 : memref<10000x64xf32, #tpu.memory_space<vmem_shared>>)
    } else {
    }
    %barrier3A_13 = arith.constant 0 : index
    tpu.barrier barrier_id(%barrier3A_13)
    %scan3A_14 = arith.constant 0 : i32
    %scan3A_15 = arith.constant 0 : i32
    %scan3A_16 = arith.constant 8 : i32
    %scan3A_17 = arith.addi %scan3A_15, %scan3A_16 : i32
    %scan3A_18 = arith.constant 1 : i32
    %scan3A_19 = scf.for %scan3A_21 = %scan3A_15 to %scan3A_17 step %scan3A_18 iter_args(%scan3A_22 = %scan3A_14) -> (i32)  : i32 {
      %mul3A = arith.constant 16 : i32
      %mul3A_23 = arith.muli %scan3A_21, %mul3A : i32
      %add3A = arith.addi %mul3A_23, %arg1 : i32
      %lt3A = arith.constant 125 : i32
      %lt3A_24 = arith.cmpi slt, %add3A, %lt3A : i32
      %convert_element_type3A_25 = arith.extui %lt3A_24 : i1 to i32
      %cond3A_26 = arith.constant 0 : i32
      %cond3A_27 = arith.cmpi ne, %convert_element_type3A_25, %cond3A_26 : i32
      scf.if %cond3A_27 {
        %mul3A_29 = arith.constant 80 : i32
        %mul3A_30 = arith.muli %add3A, %mul3A_29 : i32
        "tpu.region"() ({
          %run_scoped3A = tpu.sem_alloc : memref<!tpu.dma_semaphore, #tpu.memory_space<semaphore_mem>>
          %dma_start3A = arith.constant 0 : i32
          %dma_start3A_41 = tpu.memref_slice %arg19[%mul3A_30, %dma_start3A] : memref<10000x64xf32, #tpu.memory_space<vmem_shared>> -> memref<80x64xf32, #tpu.memory_space<vmem_shared>>
          %dma_start3A_42 = arith.constant 0 : i32
          %dma_start3A_43 = tpu.memref_slice %arg19[%mul3A_30, %dma_start3A_42] : memref<10000x64xf32, #tpu.memory_space<vmem_shared>> -> memref<80x64xf32, #tpu.memory_space<vmem_shared>>
          tpu.enqueue_dma source(%dma_start3A_43 : memref<80x64xf32, #tpu.memory_space<vmem_shared>>) target(%arg15 : memref<80x64xf32, #tpu.memory_space<vmem>>) target_semaphore(%run_scoped3A : memref<!tpu.dma_semaphore, #tpu.memory_space<semaphore_mem>>)
          %dma_wait3A = arith.constant 0 : i32
          %dma_wait3A_44 = tpu.memref_slice %arg19[%mul3A_30, %dma_wait3A] : memref<10000x64xf32, #tpu.memory_space<vmem_shared>> -> memref<80x64xf32, #tpu.memory_space<vmem_shared>>
          %dma_wait3A_45 = arith.constant 0 : i32
          %dma_wait3A_46 = tpu.memref_slice %arg19[%mul3A_30, %dma_wait3A_45] : memref<10000x64xf32, #tpu.memory_space<vmem_shared>> -> memref<80x64xf32, #tpu.memory_space<vmem_shared>>
          tpu.wait_dma2 semaphore(%run_scoped3A : memref<!tpu.dma_semaphore, #tpu.memory_space<semaphore_mem>>) src(%dma_wait3A_46 : memref<80x64xf32, #tpu.memory_space<vmem_shared>>) dst(%arg15 : memref<80x64xf32, #tpu.memory_space<vmem>>)
          tpu.yield
        }) : () -> ()
        %eq3A_31 = arith.constant 0 : i32
        %eq3A_32 = arith.cmpi eq, %arg0, %eq3A_31 : i32
        %convert_element_type3A_33 = arith.extui %eq3A_32 : i1 to i32
        %cond3A_34 = arith.constant 0 : i32
        %cond3A_35 = arith.cmpi ne, %convert_element_type3A_33, %cond3A_34 : i32
        scf.if %cond3A_35 {
          "tpu.region"() ({
            %run_scoped3A = tpu.sem_alloc : memref<!tpu.dma_semaphore, #tpu.memory_space<semaphore_mem>>
            %dma_start3A = arith.constant 0 : i32
            %dma_start3A_41 = tpu.memref_slice %arg7[%mul3A_30, %dma_start3A] : memref<10000x64xf32, #tpu.memory_space<hbm>> -> memref<80x64xf32, #tpu.memory_space<hbm>>
            %dma_start3A_42 = arith.constant 0 : i32
            %dma_start3A_43 = tpu.memref_slice %arg7[%mul3A_30, %dma_start3A_42] : memref<10000x64xf32, #tpu.memory_space<hbm>> -> memref<80x64xf32, #tpu.memory_space<hbm>>
            tpu.enqueue_dma source(%arg15 : memref<80x64xf32, #tpu.memory_space<vmem>>) target(%dma_start3A_43 : memref<80x64xf32, #tpu.memory_space<hbm>>) target_semaphore(%run_scoped3A : memref<!tpu.dma_semaphore, #tpu.memory_space<semaphore_mem>>)
            %dma_wait3A = arith.constant 0 : i32
            %dma_wait3A_44 = tpu.memref_slice %arg7[%mul3A_30, %dma_wait3A] : memref<10000x64xf32, #tpu.memory_space<hbm>> -> memref<80x64xf32, #tpu.memory_space<hbm>>
            %dma_wait3A_45 = arith.constant 0 : i32
            %dma_wait3A_46 = tpu.memref_slice %arg7[%mul3A_30, %dma_wait3A_45] : memref<10000x64xf32, #tpu.memory_space<hbm>> -> memref<80x64xf32, #tpu.memory_space<hbm>>
            tpu.wait_dma2 semaphore(%run_scoped3A : memref<!tpu.dma_semaphore, #tpu.memory_space<semaphore_mem>>) src(%arg15 : memref<80x64xf32, #tpu.memory_space<vmem>>) dst(%dma_wait3A_46 : memref<80x64xf32, #tpu.memory_space<hbm>>)
            tpu.yield
          }) : () -> ()
        } else {
        }
        %eq3A_36 = arith.constant 1 : i32
        %eq3A_37 = arith.cmpi eq, %arg0, %eq3A_36 : i32
        %convert_element_type3A_38 = arith.extui %eq3A_37 : i1 to i32
        %cond3A_39 = arith.constant 0 : i32
        %cond3A_40 = arith.cmpi ne, %convert_element_type3A_38, %cond3A_39 : i32
        scf.if %cond3A_40 {
          "tpu.region"() ({
            %run_scoped3A = tpu.sem_alloc : memref<!tpu.dma_semaphore, #tpu.memory_space<semaphore_mem>>
            %dma_start3A = arith.constant 0 : i32
            %dma_start3A_41 = tpu.memref_slice %arg8[%mul3A_30, %dma_start3A] : memref<10000x64xf32, #tpu.memory_space<hbm>> -> memref<80x64xf32, #tpu.memory_space<hbm>>
            %dma_start3A_42 = arith.constant 0 : i32
            %dma_start3A_43 = tpu.memref_slice %arg8[%mul3A_30, %dma_start3A_42] : memref<10000x64xf32, #tpu.memory_space<hbm>> -> memref<80x64xf32, #tpu.memory_space<hbm>>
            tpu.enqueue_dma source(%arg15 : memref<80x64xf32, #tpu.memory_space<vmem>>) target(%dma_start3A_43 : memref<80x64xf32, #tpu.memory_space<hbm>>) target_semaphore(%run_scoped3A : memref<!tpu.dma_semaphore, #tpu.memory_space<semaphore_mem>>)
            %dma_wait3A = arith.constant 0 : i32
            %dma_wait3A_44 = tpu.memref_slice %arg8[%mul3A_30, %dma_wait3A] : memref<10000x64xf32, #tpu.memory_space<hbm>> -> memref<80x64xf32, #tpu.memory_space<hbm>>
            %dma_wait3A_45 = arith.constant 0 : i32
            %dma_wait3A_46 = tpu.memref_slice %arg8[%mul3A_30, %dma_wait3A_45] : memref<10000x64xf32, #tpu.memory_space<hbm>> -> memref<80x64xf32, #tpu.memory_space<hbm>>
            tpu.wait_dma2 semaphore(%run_scoped3A : memref<!tpu.dma_semaphore, #tpu.memory_space<semaphore_mem>>) src(%arg15 : memref<80x64xf32, #tpu.memory_space<vmem>>) dst(%dma_wait3A_46 : memref<80x64xf32, #tpu.memory_space<hbm>>)
            tpu.yield
          }) : () -> ()
        } else {
        }
      } else {
      }
      %scan3A_28 = arith.constant 0 : i32
      scf.yield %scan3A_28 : i32
    }
    %scan3A_20 = arith.constant 8 : i32
    return
  }
}

module attributes {stable_mosaic.version = 14 : i64} {
  func.func @_mm1_body(%arg0: i32, %arg1: memref<400x64xf32, #tpu.memory_space<vmem>>, %arg2: memref<400x64xf32, #tpu.memory_space<vmem>>, %arg3: memref<400x8xf32, #tpu.memory_space<vmem>>, %arg4: memref<400x128xf32, #tpu.memory_space<vmem>>, %arg5: memref<128x256xf32, #tpu.memory_space<vmem>>, %arg6: memref<1x256xf32, #tpu.memory_space<vmem>>, %arg7: memref<128x256xf32, #tpu.memory_space<vmem>>, %arg8: memref<256x128xf32, #tpu.memory_space<vmem>>, %arg9: memref<400x256xf32, #tpu.memory_space<vmem>>, %arg10: memref<400x64xf32, #tpu.memory_space<vmem>>, %arg11: memref<400x64xf32, #tpu.memory_space<vmem>>) attributes {dimension_semantics = [#tpu.dimension_semantics<arbitrary>], iteration_bounds = array<i64: 25>, scalar_prefetch = 0 : i64, scratch_operands = 0 : i64, tpu.core_type = #tpu.core_type<tc>, window_params = [{transform_indices = @transform_0, window_bounds = array<i64: 400, 64>}, {transform_indices = @transform_1, window_bounds = array<i64: 400, 64>}, {transform_indices = @transform_2, window_bounds = array<i64: 400, 8>}, {transform_indices = @transform_3, window_bounds = array<i64: 400, 128>}, {pipeline_mode = #tpu.pipeline_mode<synchronous>, transform_indices = @transform_4, window_bounds = array<i64: 128, 256>}, {pipeline_mode = #tpu.pipeline_mode<synchronous>, transform_indices = @transform_5, window_bounds = array<i64: 1, 256>}, {pipeline_mode = #tpu.pipeline_mode<synchronous>, transform_indices = @transform_6, window_bounds = array<i64: 128, 256>}, {pipeline_mode = #tpu.pipeline_mode<synchronous>, transform_indices = @transform_7, window_bounds = array<i64: 256, 128>}, {transform_indices = @transform_8, window_bounds = array<i64: 400, 256>}, {transform_indices = @transform_9, window_bounds = array<i64: 400, 64>}, {transform_indices = @transform_10, window_bounds = array<i64: 400, 64>}]} {
    %get3A = arith.constant 0 : index
    %get3A_0 = arith.constant 0 : index
    %get3A_1 = vector.load %arg3[%get3A, %get3A_0] : memref<400x8xf32, #tpu.memory_space<vmem>>, vector<400x1xf32>
    %max3A = arith.constant 1.000000e+00 : f32
    %max3A_2 = vector.broadcast %max3A : f32 to vector<400x1xf32>
    %max3A_3 = arith.maximumf %get3A_1, %max3A_2 : vector<400x1xf32>
    %get3A_4 = arith.constant 0 : index
    %get3A_5 = arith.constant 0 : index
    %get3A_6 = vector.load %arg1[%get3A_4, %get3A_5] : memref<400x64xf32, #tpu.memory_space<vmem>>, vector<400x64xf32>
    %get3A_7 = arith.constant 0 : index
    %get3A_8 = arith.constant 0 : index
    %get3A_9 = vector.load %arg2[%get3A_7, %get3A_8] : memref<400x64xf32, #tpu.memory_space<vmem>>, vector<400x64xf32>
    %concatenate3A = tpu.concatenate %get3A_6, %get3A_9 in 1 : vector<400x64xf32>, vector<400x64xf32> -> vector<400x128xf32>
    %div3A = vector.broadcast %max3A_3 : vector<400x1xf32> to vector<400x128xf32>
    %div3A_10 = arith.divf %concatenate3A, %div3A : vector<400x128xf32>
    %get3A_11 = arith.constant 0 : index
    %get3A_12 = arith.constant 0 : index
    %get3A_13 = vector.load %arg5[%get3A_11, %get3A_12] : memref<128x256xf32, #tpu.memory_space<vmem>>, vector<128x256xf32>
    %dot_general3A = arith.constant dense<0.000000e+00> : vector<400x256xf32>
    %dot_general3A_14 = tpu.matmul %div3A_10, %get3A_13, %dot_general3A {dimension_numbers = #tpu.dot_dimension_numbers<[1], [0], [0], [1], [0, 0, 1, 1], [], []>, transpose_lhs_hint = false} : vector<400x128xf32>, vector<128x256xf32>, vector<400x256xf32> -> vector<400x256xf32>
    %get3A_15 = arith.constant 0 : index
    %get3A_16 = arith.constant 0 : index
    %get3A_17 = vector.load %arg4[%get3A_15, %get3A_16] : memref<400x128xf32, #tpu.memory_space<vmem>>, vector<400x128xf32>
    %get3A_18 = arith.constant 0 : index
    %get3A_19 = arith.constant 0 : index
    %get3A_20 = vector.load %arg7[%get3A_18, %get3A_19] : memref<128x256xf32, #tpu.memory_space<vmem>>, vector<128x256xf32>
    %dot_general3A_21 = arith.constant dense<0.000000e+00> : vector<400x256xf32>
    %dot_general3A_22 = tpu.matmul %get3A_17, %get3A_20, %dot_general3A_21 {dimension_numbers = #tpu.dot_dimension_numbers<[1], [0], [0], [1], [0, 0, 1, 1], [], []>, transpose_lhs_hint = false} : vector<400x128xf32>, vector<128x256xf32>, vector<400x256xf32> -> vector<400x256xf32>
    %add3A = arith.addf %dot_general3A_14, %dot_general3A_22 : vector<400x256xf32>
    %get3A_23 = arith.constant 0 : index
    %get3A_24 = arith.constant 0 : index
    %get3A_25 = vector.load %arg6[%get3A_23, %get3A_24] : memref<1x256xf32, #tpu.memory_space<vmem>>, vector<1x256xf32>
    %add3A_26 = vector.broadcast %get3A_25 : vector<1x256xf32> to vector<400x256xf32>
    %add3A_27 = arith.addf %add3A, %add3A_26 : vector<400x256xf32>
    %max3A_28 = arith.constant 0.000000e+00 : f32
    %max3A_29 = vector.broadcast %max3A_28 : f32 to vector<400x256xf32>
    %max3A_30 = arith.maximumf %add3A_27, %max3A_29 : vector<400x256xf32>
    %swap3A = arith.constant 0 : index
    %swap3A_31 = arith.constant 0 : index
    %swap3A_32 = vector.load %arg9[%swap3A, %swap3A_31] : memref<400x256xf32, #tpu.memory_space<vmem>>, vector<400x256xf32>
    tpu.vector_store %arg9[%swap3A, %swap3A_31], %max3A_30 {strides = array<i32>} : memref<400x256xf32, #tpu.memory_space<vmem>>, vector<400x256xf32>,
    %get3A_33 = arith.constant 0 : index
    %get3A_34 = arith.constant 0 : index
    %get3A_35 = vector.load %arg8[%get3A_33, %get3A_34] : memref<256x128xf32, #tpu.memory_space<vmem>>, vector<256x128xf32>
    %dot_general3A_36 = arith.constant dense<0.000000e+00> : vector<400x128xf32>
    %dot_general3A_37 = tpu.matmul %max3A_30, %get3A_35, %dot_general3A_36 {dimension_numbers = #tpu.dot_dimension_numbers<[1], [0], [0], [1], [0, 0, 1, 1], [], []>, transpose_lhs_hint = false} : vector<400x256xf32>, vector<256x128xf32>, vector<400x128xf32> -> vector<400x128xf32>
    %slice3A = vector.extract_strided_slice %dot_general3A_37 {offsets = [0, 0], sizes = [400, 64], strides = [1, 1]} : vector<400x128xf32> to vector<400x64xf32>
    %swap3A_38 = arith.constant 0 : index
    %swap3A_39 = arith.constant 0 : index
    %swap3A_40 = vector.load %arg10[%swap3A_38, %swap3A_39] : memref<400x64xf32, #tpu.memory_space<vmem>>, vector<400x64xf32>
    tpu.vector_store %arg10[%swap3A_38, %swap3A_39], %slice3A {strides = array<i32>} : memref<400x64xf32, #tpu.memory_space<vmem>>, vector<400x64xf32>,
    %slice3A_41 = vector.extract_strided_slice %dot_general3A_37 {offsets = [0, 64], sizes = [400, 64], strides = [1, 1]} : vector<400x128xf32> to vector<400x64xf32>
    %swap3A_42 = arith.constant 0 : index
    %swap3A_43 = arith.constant 0 : index
    %swap3A_44 = vector.load %arg11[%swap3A_42, %swap3A_43] : memref<400x64xf32, #tpu.memory_space<vmem>>, vector<400x64xf32>
    tpu.vector_store %arg11[%swap3A_42, %swap3A_43], %slice3A_41 {strides = array<i32>} : memref<400x64xf32, #tpu.memory_space<vmem>>, vector<400x64xf32>,
    return
  }
  func.func @transform_0(%arg0: i32) -> (i32, i32) {
    %c0_i32 = arith.constant 0 : i32
    %c0_i32_0 = arith.constant 0 : i32
    return %arg0, %c0_i32 : i32, i32
  }
  func.func @transform_1(%arg0: i32) -> (i32, i32) {
    %c0_i32 = arith.constant 0 : i32
    %c0_i32_0 = arith.constant 0 : i32
    return %arg0, %c0_i32 : i32, i32
  }
  func.func @transform_2(%arg0: i32) -> (i32, i32) {
    %c0_i32 = arith.constant 0 : i32
    %c0_i32_0 = arith.constant 0 : i32
    return %arg0, %c0_i32 : i32, i32
  }
  func.func @transform_3(%arg0: i32) -> (i32, i32) {
    %c0_i32 = arith.constant 0 : i32
    %c0_i32_0 = arith.constant 0 : i32
    return %arg0, %c0_i32 : i32, i32
  }
  func.func @transform_4(%arg0: i32) -> (i32, i32) {
    %c0_i32 = arith.constant 0 : i32
    %c0_i32_0 = arith.constant 0 : i32
    %c0_i32_1 = arith.constant 0 : i32
    return %c0_i32, %c0_i32_0 : i32, i32
  }
  func.func @transform_5(%arg0: i32) -> (i32, i32) {
    %c0_i32 = arith.constant 0 : i32
    %c0_i32_0 = arith.constant 0 : i32
    %c0_i32_1 = arith.constant 0 : i32
    return %c0_i32, %c0_i32_0 : i32, i32
  }
  func.func @transform_6(%arg0: i32) -> (i32, i32) {
    %c0_i32 = arith.constant 0 : i32
    %c0_i32_0 = arith.constant 0 : i32
    %c0_i32_1 = arith.constant 0 : i32
    return %c0_i32, %c0_i32_0 : i32, i32
  }
  func.func @transform_7(%arg0: i32) -> (i32, i32) {
    %c0_i32 = arith.constant 0 : i32
    %c0_i32_0 = arith.constant 0 : i32
    %c0_i32_1 = arith.constant 0 : i32
    return %c0_i32, %c0_i32_0 : i32, i32
  }
  func.func @transform_8(%arg0: i32) -> (i32, i32) {
    %c0_i32 = arith.constant 0 : i32
    %c0_i32_0 = arith.constant 0 : i32
    return %arg0, %c0_i32 : i32, i32
  }
  func.func @transform_9(%arg0: i32) -> (i32, i32) {
    %c0_i32 = arith.constant 0 : i32
    %c0_i32_0 = arith.constant 0 : i32
    return %arg0, %c0_i32 : i32, i32
  }
  func.func @transform_10(%arg0: i32) -> (i32, i32) {
    %c0_i32 = arith.constant 0 : i32
    %c0_i32_0 = arith.constant 0 : i32
    return %arg0, %c0_i32 : i32, i32
  }
}

module attributes {stable_mosaic.version = 14 : i64} {
  func.func @_mm2_body(%arg0: i32, %arg1: memref<400x64xf32, #tpu.memory_space<vmem>>, %arg2: memref<400x64xf32, #tpu.memory_space<vmem>>, %arg3: memref<400x8xf32, #tpu.memory_space<vmem>>, %arg4: memref<400x256xf32, #tpu.memory_space<vmem>>, %arg5: memref<256x128xf32, #tpu.memory_space<vmem>>, %arg6: memref<1x128xf32, #tpu.memory_space<vmem>>, %arg7: memref<400x128xf32, #tpu.memory_space<vmem>>) attributes {dimension_semantics = [#tpu.dimension_semantics<arbitrary>], iteration_bounds = array<i64: 25>, scalar_prefetch = 0 : i64, scratch_operands = 0 : i64, tpu.core_type = #tpu.core_type<tc>, window_params = [{transform_indices = @transform_0, window_bounds = array<i64: 400, 64>}, {transform_indices = @transform_1, window_bounds = array<i64: 400, 64>}, {transform_indices = @transform_2, window_bounds = array<i64: 400, 8>}, {transform_indices = @transform_3, window_bounds = array<i64: 400, 256>}, {pipeline_mode = #tpu.pipeline_mode<synchronous>, transform_indices = @transform_4, window_bounds = array<i64: 256, 128>}, {pipeline_mode = #tpu.pipeline_mode<synchronous>, transform_indices = @transform_5, window_bounds = array<i64: 1, 128>}, {transform_indices = @transform_6, window_bounds = array<i64: 400, 128>}]} {
    %get3A = arith.constant 0 : index
    %get3A_0 = arith.constant 0 : index
    %get3A_1 = vector.load %arg3[%get3A, %get3A_0] : memref<400x8xf32, #tpu.memory_space<vmem>>, vector<400x1xf32>
    %max3A = arith.constant 1.000000e+00 : f32
    %max3A_2 = vector.broadcast %max3A : f32 to vector<400x1xf32>
    %max3A_3 = arith.maximumf %get3A_1, %max3A_2 : vector<400x1xf32>
    %get3A_4 = arith.constant 0 : index
    %get3A_5 = arith.constant 0 : index
    %get3A_6 = vector.load %arg1[%get3A_4, %get3A_5] : memref<400x64xf32, #tpu.memory_space<vmem>>, vector<400x64xf32>
    %get3A_7 = arith.constant 0 : index
    %get3A_8 = arith.constant 0 : index
    %get3A_9 = vector.load %arg2[%get3A_7, %get3A_8] : memref<400x64xf32, #tpu.memory_space<vmem>>, vector<400x64xf32>
    %concatenate3A = tpu.concatenate %get3A_6, %get3A_9 in 1 : vector<400x64xf32>, vector<400x64xf32> -> vector<400x128xf32>
    %div3A = vector.broadcast %max3A_3 : vector<400x1xf32> to vector<400x128xf32>
    %div3A_10 = arith.divf %concatenate3A, %div3A : vector<400x128xf32>
    %get3A_11 = arith.constant 0 : index
    %get3A_12 = arith.constant 0 : index
    %get3A_13 = vector.load %arg4[%get3A_11, %get3A_12] : memref<400x256xf32, #tpu.memory_space<vmem>>, vector<400x256xf32>
    %get3A_14 = arith.constant 0 : index
    %get3A_15 = arith.constant 0 : index
    %get3A_16 = vector.load %arg5[%get3A_14, %get3A_15] : memref<256x128xf32, #tpu.memory_space<vmem>>, vector<256x128xf32>
    %dot_general3A = arith.constant dense<0.000000e+00> : vector<400x128xf32>
    %dot_general3A_17 = tpu.matmul %get3A_13, %get3A_16, %dot_general3A {dimension_numbers = #tpu.dot_dimension_numbers<[1], [0], [0], [1], [0, 0, 1, 1], [], []>, transpose_lhs_hint = false} : vector<400x256xf32>, vector<256x128xf32>, vector<400x128xf32> -> vector<400x128xf32>
    %add3A = arith.addf %div3A_10, %dot_general3A_17 : vector<400x128xf32>
    %get3A_18 = arith.constant 0 : index
    %get3A_19 = arith.constant 0 : index
    %get3A_20 = vector.load %arg6[%get3A_18, %get3A_19] : memref<1x128xf32, #tpu.memory_space<vmem>>, vector<1x128xf32>
    %add3A_21 = vector.broadcast %get3A_20 : vector<1x128xf32> to vector<400x128xf32>
    %add3A_22 = arith.addf %add3A, %add3A_21 : vector<400x128xf32>
    %swap3A = arith.constant 0 : index
    %swap3A_23 = arith.constant 0 : index
    %swap3A_24 = vector.load %arg7[%swap3A, %swap3A_23] : memref<400x128xf32, #tpu.memory_space<vmem>>, vector<400x128xf32>
    tpu.vector_store %arg7[%swap3A, %swap3A_23], %add3A_22 {strides = array<i32>} : memref<400x128xf32, #tpu.memory_space<vmem>>, vector<400x128xf32>,
    return
  }
  func.func @transform_0(%arg0: i32) -> (i32, i32) {
    %c0_i32 = arith.constant 0 : i32
    %c0_i32_0 = arith.constant 0 : i32
    return %arg0, %c0_i32 : i32, i32
  }
  func.func @transform_1(%arg0: i32) -> (i32, i32) {
    %c0_i32 = arith.constant 0 : i32
    %c0_i32_0 = arith.constant 0 : i32
    return %arg0, %c0_i32 : i32, i32
  }
  func.func @transform_2(%arg0: i32) -> (i32, i32) {
    %c0_i32 = arith.constant 0 : i32
    %c0_i32_0 = arith.constant 0 : i32
    return %arg0, %c0_i32 : i32, i32
  }
  func.func @transform_3(%arg0: i32) -> (i32, i32) {
    %c0_i32 = arith.constant 0 : i32
    %c0_i32_0 = arith.constant 0 : i32
    return %arg0, %c0_i32 : i32, i32
  }
  func.func @transform_4(%arg0: i32) -> (i32, i32) {
    %c0_i32 = arith.constant 0 : i32
    %c0_i32_0 = arith.constant 0 : i32
    %c0_i32_1 = arith.constant 0 : i32
    return %c0_i32, %c0_i32_0 : i32, i32
  }
  func.func @transform_5(%arg0: i32) -> (i32, i32) {
    %c0_i32 = arith.constant 0 : i32
    %c0_i32_0 = arith.constant 0 : i32
    %c0_i32_1 = arith.constant 0 : i32
    return %c0_i32, %c0_i32_0 : i32, i32
  }
  func.func @transform_6(%arg0: i32) -> (i32, i32) {
    %c0_i32 = arith.constant 0 : i32
    %c0_i32_0 = arith.constant 0 : i32
    return %arg0, %c0_i32 : i32, i32
  }
}

</mosaic_0001>

<sc_bundles>
// kernel: kernel.6.cloned.1.call-start
scs
__scs_entry_jumppad:
0x0: {  	(pc) =	sbr.rel $0x88, $3  }
0x1: {  	(tag) =	ssettag $0x0;
	lr =	simm.s32 $0x1  }
0x2: {  	[smem:$0x3F99] =	sst lr;
	_ =	strace $0xD0000000  }
0x3: {  	_ = 	snop  }
0x4: {  	_ = 	snop  }
0x5: {  	_ = 	snop  }
0x6: {  	_ = 	snop  }
0x7: {  	_ = 	snop  }
__scs_overlays_trampoline_lowered:
0x8: {  	[smem:$0x3FA8] =	sst s0  }
0x9: {  	[smem:$0x3FA9] =	sst s1  }
0xa: {  	[smem:$0x3FAA] =	sst s2  }
0xb: {  	[smem:$0x3FAB] =	sst s3  }
0xc: {  	[smem:$0x3FAC] =	sst s4  }
0xd: {  	[smem:$0x3FAD] =	sst s5  }
0xe: {  	[smem:$0x3FAE] =	sst s6  }
0xf: {  	[smem:$0x3FAF] =	sst s7  }
0x10: {  	[smem:$0x3FB0] =	sst s8  }
0x11: {  	[smem:$0x3FB1] =	sst s9;
	s0 =	simm.s32 @!p0 $0x0  }
0x12: {  	s1 =	sld [smem:$0x3F97];
	s0 =	simm.s32 @p0 $0x1  }
0x13: {  	[smem:$0x3FB2] =	sst s0;
	s0 =	simm.s32 @!p1 $0x0  }
0x14: {  	s2 =	sld [smem:$0x3F96];
	s0 =	simm.s32 @p1 $0x1  }
0x15: {  	[smem:$0x3FB3] =	sst s0;
	s0 =	simm.s32 @!p2 $0x0  }
0x16: {  	s3 =	sld [smem:$0x3FDB];
	s0 =	simm.s32 @p2 $0x1  }
0x17: {  	s4 =	simm.s32 $0x1BF5;
	[smem:$0x3FB5] =	sst s0  }
0x18: {  	s0 =	sld [smem:$0x3F98];
	_ =	swait.ge [sflag:s4], $0x0  }
0x19: {  	s7 =	sld [smem:$0x3F99]  }
0x1a: {  	s8 =	sadd.s32 $0xFFFFE003, lr  }
0x1b: {  	s9 =	sadd.s32 $0xFFFFFEF7, lr;
	s5 =	simm.s32 $0xFFFFFFFF;
	p2 =	slt.u32 s8, $0xFFFFF086  }
0x1c: {  	p1 =	slt.u32 s9, $0xF7A;
	s5 =	simm.s32 @!p2 $0x0  }
0x1d: {  	s5 =	simm.s32 @p1 $0x1;
	p0 =	seq.s32 s7, s2  }
0x1e: {  	s7 =	smul.u32 @!p0 $0xF7A, s2;
	p2 =	seq.s32 @!p0 s5, $0x0  }
0x1f: {  	s9 =	smul.u32 $0xF7A, s1;
	s8 =	simm.s32 @!p0 $0x1BF5;
	p2 =	por !p2, p0  }
0x20: {  	[sflag:s8] =	ssyncset.s32 @!p0 $0xFFFFF086;
	s6 =	sadd.s32 @!p0 s3, s7;
	s7 =	simm.s32 @!p0 $0x108  }
0x21: {  	s3 =	sadd.s32 s3, s9;
	s6 =	sadd.s32 @!p0 $0x88, s6;
	s7 =	simm.s32 @p2 $0x1082  }
0x22: {  	[simem:s7], [sflag:s8] =	dma.local @!p0 [hbm:s6], $0xF7A  }
0x23: {  	s9 =	sor.u32 $0xD0000000, s2;
	s6 =	simm.s32 $0x108;
	_ =	swait.ge @!p0 [sflag:s8], $0x0  }
0x24: {  	s3 =	sadd.s32 $0x88, s3;
	s6 =	simm.s32 @!p1 $0x1082;
	[sflag:s4] =	ssyncset.s32 $0xFFFFF086  }
0x25: {  	[simem:s6], [sflag:s4] =	dma.local [hbm:s3], $0xF7A  }
0x26: {  	[smem:$0x3F99] =	sst s1;
	(tag) =	ssettag s2;
	_ =	strace s9  }
0x27: {  	s1 =	sld [smem:$0x3FA9]  }
0x28: {  	s2 =	sld [smem:$0x3FAA]  }
0x29: {  	s4 =	sld [smem:$0x3FAC]  }
0x2a: {  	p0 =	seq.s32 s5, $0x0;
	s5 =	sld [smem:$0x3FAD]  }
0x2b: {  	s6 =	sld [smem:$0x3FAE]  }
0x2c: {  	s7 =	sld [smem:$0x3FAF]  }
0x2d: {  	s3 =	simm.s32 $0x108;
	s8 =	sld [smem:$0x3FB0]  }
0x2e: {  	s3 =	simm.s32 @!p0 $0x1082;
	s9 =	sld [smem:$0x3FB1]  }
0x2f: {  	lr =	sadd.s32 s0, s3;
	s0 =	sld [smem:$0x3FA8]  }
0x30: {  	s3 =	sld [smem:$0x3FAB]  }
0x31: {  	[smem:$0x3FB4] =	sst s10  }
0x32: {  	s10 =	sld [smem:$0x3FB2];
	_ =	sdelay $0x3  }
0x33: {  	p0 =	seq.s32 s10, $0x1;
	s10 =	sld [smem:$0x3FB4];
	_ =	sdelay $0x3  }
0x34: {  	[smem:$0x3FB4] =	sst s10  }
0x35: {  	s10 =	sld [smem:$0x3FB3];
	_ =	sdelay $0x3  }
0x36: {  	p1 =	seq.s32 s10, $0x1;
	s10 =	sld [smem:$0x3FB4];
	_ =	sdelay $0x3  }
0x37: {  	[smem:$0x3FB4] =	sst s10  }
0x38: {  	s10 =	sld [smem:$0x3FB5]  }
0x39: {  	_ = 	snop;
	(pc) =	sbr.ind lr, $3  }
0x3a: {  	_ = 	snop  }
0x3b: {  	_ = 	snop  }
0x3c: {  	p2 =	seq.s32 s10, $0x1;
	s10 =	sld [smem:$0x3FB4]  }
0x3d: {  	_ =	shalt  }
0x3e: {  	_ =	shalt  }
0x3f: {  	_ =	shalt  }
0x40: {  	_ =	shalt  }
0x41: {  	_ =	shalt  }
0x42: {  	_ =	shalt  }
0x43: {  	_ =	shalt  }
0x44: {  	_ =	shalt  }
0x45: {  	_ =	shalt  }
0x46: {  	_ =	shalt  }
0x47: {  	_ =	shalt  }
0x48: {  	_ =	shalt  }
0x49: {  	_ =	shalt  }
0x4a: {  	_ =	shalt  }
0x4b: {  	_ =	shalt  }
0x4c: {  	_ =	shalt  }
0x4d: {  	_ =	shalt  }
0x4e: {  	_ =	shalt  }
0x4f: {  	_ =	shalt  }
0x50: {  	_ =	shalt  }
0x51: {  	_ =	shalt  }
0x52: {  	_ =	shalt  }
0x53: {  	_ =	shalt  }
0x54: {  	_ =	shalt  }
0x55: {  	_ =	shalt  }
0x56: {  	_ =	shalt  }
0x57: {  	_ =	shalt  }
0x58: {  	_ =	shalt  }
0x59: {  	_ =	shalt  }
0x5a: {  	_ =	shalt  }
0x5b: {  	_ =	shalt  }
0x5c: {  	_ =	shalt  }
0x5d: {  	_ =	shalt  }
0x5e: {  	_ =	shalt  }
0x5f: {  	_ =	shalt  }
0x60: {  	_ =	shalt  }
0x61: {  	_ =	shalt  }
0x62: {  	_ =	shalt  }
0x63: {  	_ =	shalt  }
0x64: {  	_ =	shalt  }
0x65: {  	_ =	shalt  }
0x66: {  	_ =	shalt  }
0x67: {  	_ =	shalt  }
0x68: {  	_ =	shalt  }
0x69: {  	_ =	shalt  }
0x6a: {  	_ =	shalt  }
0x6b: {  	_ =	shalt  }
0x6c: {  	_ =	shalt  }
0x6d: {  	_ =	shalt  }
0x6e: {  	_ =	shalt  }
0x6f: {  	_ =	shalt  }
0x70: {  	_ =	shalt  }
0x71: {  	_ =	shalt  }
0x72: {  	_ =	shalt  }
0x73: {  	_ =	shalt  }
0x74: {  	_ =	shalt  }
0x75: {  	_ =	shalt  }
0x76: {  	_ =	shalt  }
0x77: {  	_ =	shalt  }
0x78: {  	_ =	shalt  }
0x79: {  	_ =	shalt  }
0x7a: {  	_ =	shalt  }
0x7b: {  	_ =	shalt  }
0x7c: {  	_ =	shalt  }
0x7d: {  	_ =	shalt  }
0x7e: {  	_ =	shalt  }
0x7f: {  	_ =	shalt  }
0x80: {  	_ =	shalt  }
0x81: {  	_ =	shalt  }
0x82: {  	_ =	shalt  }
0x83: {  	_ =	shalt  }
0x84: {  	_ =	shalt  }
0x85: {  	_ =	shalt  }
0x86: {  	_ =	shalt  }
0x87: {  	_ =	shalt  }
.Lfunc_end0:
.L_simem_size_0:
called_computation_lowered:
.L_overlay_start_0:
0x88: {  	s2 =	sld [smem:$0x3FD9]  }
0x89: {  	s3 =	sld [smem:$0x3FFE];
	_ =	sdelay $0x1  }
0x8a: {  	s1 =	srdreg.scid  }
0x8b: {  	s0 =	sand.u32 $0x1, s1  }
0x8c: {  	s17 =	sshll.u32 s0, $0xA;
	s2 =	sadd.s32 s3, s2  }
0x8d: {  	s2 =	sadd.s32 s2, s17  }
0x8e: {  	[smem:$0x3FC0] =	sst s2  }
0x8f: {  	_ = 	snop  }
0x90: {  	s2 =	sld [smem:$0x3FD0];
	(tm) =	ssettm $0x1  }
0x91: {  	s18 =	sld [smem:$0x3FFB];
	_ =	sdelay $0x3  }
0x92: {  	_ =	strace s18  }
0x93: {  	s3 =	sld [smem:$0x3FFC];
	_ =	sdelay $0x3  }
0x94: {  	_ =	strace s3  }
0x95: {  	s3 =	sld [smem:$0x3FFD];
	_ =	sdelay $0x3  }
0x96: {  	_ =	strace s3  }
0x97: {  	_ =	strace $0x8FFFFFFF  }
0x98: {  	s19 =	sld [smem:$0x3FDB];
	_ =	sdelay $0x1  }
0x99: {  	s4 =	simm.s32 $_scs_section_size  }
0x9a: {  	s5 =	simm.s32 $_size__tile_overlayer_lowered;
	s6 =	simm.s32 $_tile_overlayer_lowered  }
0x9b: {  	s22 =	simm.s32 $0x1BFF;
	s21 =	sshll.u32 s6, $0x1;
	s3 =	sadd.s32 s4, s19  }
0x9c: {  	s7 =	simm.s32 $0x0;
	s20 =	sshll.u32 s5, $0x1;
	s5 =	sadd.s32 s21, s3  }
0x9d: {  	[timem:s7], [sflag:s22] =	dma.local [hbm:s5], s20  }
0x9e: {  	_ =	swait.ge [sflag:s22], s20  }
0x9f: {  	s4 =	ssub.s32 $0x0, s20;
	[sflag:s22] =	ssyncset.done $0x0  }
0xa0: {  	[sflag:s22] =	ssyncadd.s32 s4;
	_ =	sdelay $0x1  }
0xa1: {  	s23 =	simm.s32 $0x1B8B  }
0xa2: {  	_ =	swait.ge [sflag:s23], $0x1  }
0xa3: {  	[sflag:s23] =	ssyncset.done $0x0  }
0xa4: {  	s25 =	simm.s32 $0x1B8E;
	s24 =	sld [smem:$0x3FFE];
	[sflag:s23] =	ssyncadd.s32 $0xFFFFFFFF  }
0xa5: {  	s26 =	simm.s32 $execute0_lowered;
	[smem:$0x3FD2] =	sst s25  }
0xa6: {  	s5 =	sshll.u32 s26, $0x1;
	_ =	strace $0x80000046;
	[dreg:$0x1] =	wrdreg $0xFFFFFFFF  }
0xa7: {  	s28 =	simm.s32 $_size_execute0_lowered;
	s3 =	sadd.s32 s3, s5;
	[dreg:$0x0] =	wrdreg $0x0  }
0xa8: {  	s5 =	sshll.u32 s28, $0x1;
	[dreg:$0x2] =	wrdreg s3  }
0xa9: {  	[dreg:$0x3] =	wrdreg s5  }
0xaa: {  	[dreg:$0x4] =	wrdreg $0xC0  }
0xab: {  	_ =	task [dreg:s7], $0x5FFFF  }
0xac: {  	[dreg:$0x1] =	wrdreg $0xFFFFFFFF  }
0xad: {  	[dreg:$0x0] =	wrdreg $0x60  }
0xae: {  	[dreg:$0x2] =	wrdreg s2  }
0xaf: {  	[dreg:$0x3] =	wrdreg s24  }
0xb0: {  	[dreg:$0x4] =	wrdreg $0x100400  }
0xb1: {  	[dreg:$0x5] =	wrdreg $0x1A1800  }
0xb2: {  	[dreg:$0x6] =	wrdreg $0x9  }
0xb3: {  	_ =	task.clear_ibuf [dreg:s7], $0x7FFFF;
	_ =	strace $0x90000046  }
0xb4: {  	s29 =	simm.s32 $0x9;
	_ =	strace $0x80000048  }
0xb5: {  	_ =	swait.ge [sflag:s29], $0x1  }
0xb6: {  	[sflag:s29] =	ssyncadd.s32 $0xFFFFFFFF  }
0xb7: {  	_ =	strace $0x90000048  }
0xb8: {  	_ =	sfence  }
0xb9: {  	s30 =	sld [smem:$0x0];
	_ =	sdelay $0x2  }
0xba: {  	s31 =	sshll.u32 s1, $0xD;
	s1 =	sshrl.u32 s1, $0x2  }
0xbb: {  	s3 =	sand.u32 $0x4000, s31;
	s1 =	sadd.s32 s1, s30  }
0xbc: {  	s0 =	sor.u32 s3, s0;
	s1 =	sshll.u32 s1, $0x11  }
0xbd: {  	s0 =	sor.u32 s1, s0  }
0xbe: {  	s0 =	sadd.s32 $0x8F2B, s0  }
0xbf: {  	[sflag:s0] =	ssyncadd.remote.s32 $0x1  }
0xc0: {  	_ =	sfence.sel $0xFFFF  }
0xc1: {  	[dreg:$0x0] =	wrdreg $0xFFFFFFFF;
	(pc) =	sbr.abs _section_cstart, $3  }
0xc2: {  	[dreg:$0x1] =	wrdreg $0xFFFFFFFF  }
0xc3: {  	_ =	task.clear_ibuf [dreg:s7], $0x2FFFF;
	_ =	strace $0x9FFFFFFF  }
0xc4: {  	(tm) =	ssettm $0x7FFFFFFF  }
0xc5: {  	_ =	shalt  }
tec
execute0_lowered:
.L_overlay_start_1:
0x0: {  	(tag) =	ssettag $0x1  }
0x1: {  	s2 =	rddreg [dreg:$0x1]  }
0x2: {  	s3 =	rddreg [dreg:$0x2]  }
0x3: {  	s4 =	rddreg [dreg:$0x3]  }
0x4: {  	s8 =	simm.s32 $0x0;
	s1 =	stileid.u32;
	s7 =	srdreg.scid  }
0x5: {  	s28 =	simm.s32 $0x50;
	s29 =	simm.s32 $0x9C40;
	s0 =	smul.u32 $0x9C4, s1  }
0x6: {  	s30 =	simm.s32 $0xB040;
	[smem:$0x7FF] =	sst s8;
	s10 =	smul.u32 $0x280, s1  }
0x7: {  	s6 =	sadd.s32 $0x16400, s2;
	s9 =	sadd.s32 $0x2A200, s2;
	s11 =	smul.u32 $0x50, s1  }
0x8: {  	s12 =	sadd.s32 $0x2A000, s2;
	_ =	strace $0x80000047;
	[dreg:$0x5] =	wrdreg s9  }
0x9: {  	s18 =	sand.u32 $0x1, s7;
	s13 =	sadd.s32 $0x29E00, s2;
	[dreg:$0x6] =	wrdreg s12  }
0xa: {  	s17 =	smul.u32 $0x5000, s1;
	s20 =	sor.u32 $0x10, s1;
	[dreg:$0x7] =	wrdreg s13  }
0xb: {  	s14 =	ssub.s32 $0x2, s18;
	s22 =	smul.u32 $0x5000, s20;
	s13 =	sor.u32 $0x40, s1  }
0xc: {  	s31 =	smov.u32 s18;
	p1 =	sne.s32 s18, $0x0;
	s18 =	simm.s32 $0x4  }
0xd: {  	s5 =	sadd.s32 s0, s2;
	s0 =	sadd.s32 s10, s2;
	s2 =	sadd.s32 s11, s2  }
0xe: {  	s15 =	sshrl.u32 s14, $0x1;
	s21 =	sshrl.u32 s17, $0x2;
	s10 =	sor.u32 $0x20, s1  }
0xf: {  	s11 =	sor.u32 $0x30, s1;
	s24 =	smul.u32 $0x5000, s13;
	s7 =	ssub.s32 s14, s15  }
0x10: {  	s16 =	sadd.s32 $0xC600, s5;
	s5 =	sadd.s32 $0x2800, s5;
	s23 =	smul.u32 $0x5000, s10  }
0x11: {  	s9 =	sshrl.u32 s22, $0x2;
	s12 =	smul.u32 $0x5000, s11;
	[dreg:$0x8] =	wrdreg s16  }
0x12: {  	s15 =	sor.u32 $0x60, s1;
	[dreg:$0x9] =	wrdreg s5;
	s5 =	smul.u32 $0xA00, s20  }
0x13: {  	s19 =	smax.u32 s7, $0x1;
	s7 =	sadd.s32 s21, s3;
	s25 =	smul.u32 $0x5000, s15  }
0x14: {  	s16 =	sor.u32 $0x70, s1;
	s21 =	smul.u32 $0xA00, s11;
	[dreg:$0xa] =	wrdreg s19  }
0x15: {  	s9 =	sadd.s32 s9, s3;
	[dreg:$0xb] =	wrdreg s7;
	s17 =	smul.u32 $0x5000, s16  }
0x16: {  	[dreg:$0xc] =	wrdreg s9;
	s7 =	sshrl.u32 s23, $0x2;
	s23 =	smul.u32 $0xA00, s13  }
0x17: {  	s12 =	sshrl.u32 s12, $0x2;
	s9 =	sshrl.u32 s24, $0x2;
	s13 =	smul.u32 $0xA00, s15  }
0x18: {  	p0 =	sgt.u32 s16, $0x7C;
	s15 =	smul.u32 $0xA00, s16;
	s7 =	sadd.s32 s7, s3  }
0x19: {  	s12 =	sadd.s32 s12, s3;
	s9 =	sadd.s32 s9, s3;
	[dreg:$0xd] =	wrdreg s7  }
0x1a: {  	s5 =	sshrl.u32 s5, $0x2;
	s11 =	sshrl.u32 s21, $0x2;
	[dreg:$0xe] =	wrdreg s12  }
0x1b: {  	s7 =	sor.u32 $0x50, s1;
	[dreg:$0xf] =	wrdreg s9;
	s9 =	smul.u32 $0xA00, s10  }
0x1c: {  	s12 =	sshrl.u32 s25, $0x2;
	s25 =	sadd.s32 s5, s4;
	s21 =	sshrl.u32 s15, $0x2  }
0x1d: {  	s10 =	sadd.s32 $0x2A600, s0;
	s15 =	simm.s32 $0x3;
	s14 =	smul.u32 $0x5000, s7  }
0x1e: {  	s19 =	sadd.s32 s12, s3;
	[dreg:$0x14] =	wrdreg s25;
	s25 =	sadd.s32 $0x51A00, s2  }
0x1f: {  	s2 =	simm.s32 $0xA;
	s12 =	simm.s32 $0x2;
	[dreg:$0x11] =	wrdreg s19  }
0x20: {  	s9 =	sshrl.u32 s9, $0x2;
	[dreg:$0x1b] =	wrdreg s25;
	s14 =	sshrl.u32 s14, $0x2  }
0x21: {  	s16 =	sadd.s32 s9, s4;
	s9 =	simm.s32 $0x0;
	s26 =	sadd.s32 s14, s3  }
0x22: {  	s14 =	sshrl.u32 s17, $0x2;
	s17 =	smul.u32 $0xA00, s1;
	[dreg:$0x15] =	wrdreg s16  }
0x23: {  	s16 =	simm.s32 $0x9;
	[dreg:$0x10] =	wrdreg s26;
	s20 =	sadd.s32 s14, s3  }
0x24: {  	s26 =	smul.u32 $0xA00, s7;
	s14 =	sshrl.u32 s23, $0x2;
	s7 =	simm.s32 $0x1  }
0x25: {  	[dreg:$0x12] =	wrdreg s20;
	s22 =	sshrl.u32 s17, $0x2;
	s17 =	sadd.s32 s11, s4  }
0x26: {  	s19 =	sadd.s32 s14, s4;
	s20 =	sshrl.u32 s13, $0x2;
	s14 =	simm.s32 $0x4E20  }
0x27: {  	s11 =	simm.s32 $0xC440;
	s13 =	simm.s32 $0xD840;
	[dreg:$0x16] =	wrdreg s17  }
0x28: {  	s24 =	sadd.s32 s22, s4;
	[dreg:$0x17] =	wrdreg s19;
	s5 =	sshrl.u32 s26, $0x2  }
0x29: {  	s23 =	sadd.s32 s20, s4;
	s26 =	sadd.s32 $0x3E000, s0;
	[dreg:$0x13] =	wrdreg s24  }
0x2a: {  	s17 =	simm.s32 $0x5;
	s22 =	sadd.s32 s5, s4;
	[dreg:$0x19] =	wrdreg s23  }
0x2b: {  	s19 =	simm.s32 $0x6;
	s24 =	sadd.s32 s21, s4;
	[dreg:$0x18] =	wrdreg s22  }
0x2c: {  	s20 =	simm.s32 $0x7;
	s21 =	simm.s32 $0x8;
	[dreg:$0x1a] =	wrdreg s24  }
.LBB2_1:
0x2d: {  	s1 =	rddreg [dreg:$0x8]  }
0x2e: {  	[tilespmem:s8], [sflag:$0xA] =	stream.linear.gather [hbm4b:s1+s8], $0x4E20, $0x38;
	[tilespmem:$0x1B508] =	vst v63  }
0x2f: {  	_ =	swait.ge [sflag:s2], $0x4E20  }
0x30: {  	[sflag:s2] =	ssyncset.done $0x0  }
0x31: {  	s22 =	rddreg [dreg:$0x9];
	[sflag:s2] =	ssyncadd.s32 $0xFFFFB1E0  }
0x32: {  	[tilespmem:s14], [sflag:$0xA] =	stream.linear.gather [hbm4b:s22+s8], $0x4E20, $0x38;
	[tilespmem:$0x1B508] =	vst v63  }
0x33: {  	_ =	swait.ge [sflag:s2], $0x4E20  }
0x34: {  	[sflag:s2] =	ssyncset.done $0x0  }
0x35: {  	s5 =	simm.s32 $0xEC40;
	s23 =	rddreg [dreg:$0x5];
	[sflag:s2] =	ssyncadd.s32 $0xFFFFB1E0  }
0x36: {  	[tilespmem:s5], [sflag:$0xA] =	stream.linear.gather [hbm4b:s23+s8], $0x1400, $0x38;
	[tilespmem:$0x1B508] =	vst v63  }
0x37: {  	_ =	swait.ge [sflag:s2], $0x1400  }
0x38: {  	[sflag:s2] =	ssyncset.done $0x0  }
0x39: {  	s24 =	rddreg [dreg:$0xb];
	[sflag:s2] =	ssyncadd.s32 $0xFFFFEC00  }
0x3a: {  	[spmem:s24] =	stream.linear.scatter [tilespmem:s5], [sflag:$0xA], $0x1400, $0x38;
	[tilespmem:$0x1B508] =	vst v63  }
0x3b: {  	_ =	swait.ge [sflag:s2], $0x1400  }
0x3c: {  	[sflag:s2] =	ssyncset.done $0x0  }
0x3d: {  	s25 =	rddreg [dreg:$0xc];
	[sflag:s2] =	ssyncadd.s32 $0xFFFFEC00  }
0x3e: {  	[spmem:s25] =	stream.linear.scatter [tilespmem:s5], [sflag:$0xA], $0x1400, $0x38;
	[tilespmem:$0x1B508] =	vst v63  }
0x3f: {  	_ =	swait.ge [sflag:s2], $0x1400  }
0x40: {  	[sflag:s2] =	ssyncset.done $0x0  }
0x41: {  	s0 =	rddreg [dreg:$0xd];
	[sflag:s2] =	ssyncadd.s32 $0xFFFFEC00  }
0x42: {  	[spmem:s0] =	stream.linear.scatter [tilespmem:s5], [sflag:$0xA], $0x1400, $0x38;
	[tilespmem:$0x1B508] =	vst v63  }
0x43: {  	_ =	swait.ge [sflag:s2], $0x1400  }
0x44: {  	[sflag:s2] =	ssyncset.done $0x0  }
0x45: {  	s22 =	rddreg [dreg:$0xe];
	[sflag:s2] =	ssyncadd.s32 $0xFFFFEC00  }
0x46: {  	[spmem:s22] =	stream.linear.scatter [tilespmem:s5], [sflag:$0xA], $0x1400, $0x38;
	[tilespmem:$0x1B508] =	vst v63  }
0x47: {  	_ =	swait.ge [sflag:s2], $0x1400  }
0x48: {  	[sflag:s2] =	ssyncset.done $0x0  }
0x49: {  	s23 =	rddreg [dreg:$0xf];
	[sflag:s2] =	ssyncadd.s32 $0xFFFFEC00  }
0x4a: {  	[spmem:s23] =	stream.linear.scatter [tilespmem:s5], [sflag:$0xA], $0x1400, $0x38;
	[tilespmem:$0x1B508] =	vst v63  }
0x4b: {  	_ =	swait.ge [sflag:s2], $0x1400  }
0x4c: {  	[sflag:s2] =	ssyncset.done $0x0  }
0x4d: {  	s24 =	rddreg [dreg:$0x10];
	[sflag:s2] =	ssyncadd.s32 $0xFFFFEC00  }
0x4e: {  	[spmem:s24] =	stream.linear.scatter [tilespmem:s5], [sflag:$0xA], $0x1400, $0x38;
	[tilespmem:$0x1B508] =	vst v63  }
0x4f: {  	_ =	swait.ge [sflag:s2], $0x1400  }
0x50: {  	[sflag:s2] =	ssyncset.done $0x0  }
0x51: {  	s25 =	rddreg [dreg:$0x11];
	[sflag:s2] =	ssyncadd.s32 $0xFFFFEC00  }
0x52: {  	[spmem:s25] =	stream.linear.scatter [tilespmem:s5], [sflag:$0xA], $0x1400, $0x38;
	[tilespmem:$0x1B508] =	vst v63  }
0x53: {  	_ =	swait.ge [sflag:s2], $0x1400  }
0x54: {  	[sflag:s2] =	ssyncset.done $0x0  }
0x55: {  	s5 =	simm.s32 @!p0 $0xEC40;
	s1 =	rddreg [dreg:$0x12];
	[sflag:s2] =	ssyncadd.s32 $0xFFFFEC00  }
0x56: {  	[spmem:s1] =	stream.linear.scatter @!p0 [tilespmem:s5], [sflag:$0xA], $0x1400, $0x38;
	[tilespmem:$0x1B508] =	vst v63  }
.Ltmp0:
0x57: {  	_ = 	snop;
	(pc) =	sbr.rel @p1 .LBB2_5-.Ltmp0, $4  }
0x58: {  	s5 =	simm.s32 @!p0 $0xA  }
0x59: {  	_ =	swait.ge @!p0 [sflag:s5], $0x1400  }
0x5a: {  	[sflag:s5] =	ssyncset.done @!p0 $0x0  }
0x5b: {  	[dreg:$0x1c] =	wrdreg s9;
	[sflag:s5] =	ssyncadd.s32 @!p0 $0xFFFFEC00  }
0x5c: {  	s1 =	rddreg [dreg:$0x6];
	s9 =	simm.s32 $0x19F00  }
0x5d: {  	[tilespmem:s9], [sflag:$0xA] =	stream.linear.gather [hbm4b:s1+s8], $0x280, $0x38;
	[tilespmem:$0x1B508] =	vst v63  }
0x5e: {  	_ =	swait.ge [sflag:s2], $0x280  }
0x5f: {  	[sflag:s2] =	ssyncset.done $0x0  }
0x60: {  	s23 =	rddreg [dreg:$0x13];
	[sflag:s2] =	ssyncadd.s32 $0xFFFFFD80  }
0x61: {  	[spmem:s23] =	stream.linear.scatter [tilespmem:s9], [sflag:$0xA], $0x280, $0x38;
	[tilespmem:$0x1B508] =	vst v63  }
0x62: {  	_ =	swait.ge [sflag:s2], $0x280  }
0x63: {  	[sflag:s2] =	ssyncset.done $0x0  }
0x64: {  	s24 =	rddreg [dreg:$0x14];
	[sflag:s2] =	ssyncadd.s32 $0xFFFFFD80  }
0x65: {  	[spmem:s24] =	stream.linear.scatter [tilespmem:s9], [sflag:$0xA], $0x280, $0x38;
	[tilespmem:$0x1B508] =	vst v63  }
0x66: {  	_ =	swait.ge [sflag:s2], $0x280  }
0x67: {  	[sflag:s2] =	ssyncset.done $0x0  }
0x68: {  	s25 =	rddreg [dreg:$0x15];
	[sflag:s2] =	ssyncadd.s32 $0xFFFFFD80  }
0x69: {  	[spmem:s25] =	stream.linear.scatter [tilespmem:s9], [sflag:$0xA], $0x280, $0x38;
	[tilespmem:$0x1B508] =	vst v63  }
0x6a: {  	_ =	swait.ge [sflag:s2], $0x280  }
0x6b: {  	[sflag:s2] =	ssyncset.done $0x0  }
0x6c: {  	s0 =	rddreg [dreg:$0x16];
	[sflag:s2] =	ssyncadd.s32 $0xFFFFFD80  }
0x6d: {  	[spmem:s0] =	stream.linear.scatter [tilespmem:s9], [sflag:$0xA], $0x280, $0x38;
	[tilespmem:$0x1B508] =	vst v63  }
0x6e: {  	_ =	swait.ge [sflag:s2], $0x280  }
0x6f: {  	[sflag:s2] =	ssyncset.done $0x0  }
0x70: {  	s8 =	rddreg [dreg:$0x17];
	[sflag:s2] =	ssyncadd.s32 $0xFFFFFD80  }
0x71: {  	[spmem:s8] =	stream.linear.scatter [tilespmem:s9], [sflag:$0xA], $0x280, $0x38;
	[tilespmem:$0x1B508] =	vst v63  }
0x72: {  	_ =	swait.ge [sflag:s2], $0x280  }
0x73: {  	[sflag:s2] =	ssyncset.done $0x0  }
0x74: {  	s22 =	rddreg [dreg:$0x18];
	[sflag:s2] =	ssyncadd.s32 $0xFFFFFD80  }
0x75: {  	[spmem:s22] =	stream.linear.scatter [tilespmem:s9], [sflag:$0xA], $0x280, $0x38;
	[tilespmem:$0x1B508] =	vst v63  }
0x76: {  	_ =	swait.ge [sflag:s2], $0x280  }
0x77: {  	[sflag:s2] =	ssyncset.done $0x0  }
0x78: {  	s23 =	rddreg [dreg:$0x19];
	[sflag:s2] =	ssyncadd.s32 $0xFFFFFD80  }
0x79: {  	[spmem:s23] =	stream.linear.scatter [tilespmem:s9], [sflag:$0xA], $0x280, $0x38;
	[tilespmem:$0x1B508] =	vst v63  }
0x7a: {  	_ =	swait.ge [sflag:s2], $0x280  }
0x7b: {  	[sflag:s2] =	ssyncset.done $0x0  }
0x7c: {  	s9 =	simm.s32 @!p0 $0x19F00;
	s1 =	rddreg [dreg:$0x1a];
	[sflag:s2] =	ssyncadd.s32 $0xFFFFFD80  }
0x7d: {  	[spmem:s1] =	stream.linear.scatter @!p0 [tilespmem:s9], [sflag:$0xA], $0x280, $0x38;
	[tilespmem:$0x1B508] =	vst v63  }
0x7e: {  	_ =	swait.ge @!p0 [sflag:s5], $0x280  }
0x7f: {  	s24 =	simm.s32 $0x0;
	[sflag:s5] =	ssyncset.done @!p0 $0x0  }
0x80: {  	s0 =	simm.s32 $0x19C80;
	s25 =	rddreg [dreg:$0x7];
	[sflag:s5] =	ssyncadd.s32 @!p0 $0xFFFFFD80  }
0x81: {  	[tilespmem:s0], [sflag:$0xA] =	stream.linear.gather [hbm4b:s25+s24], $0x280, $0x38;
	[tilespmem:$0x1B508] =	vst v63  }
0x82: {  	_ =	swait.ge [sflag:s2], $0x280  }
0x83: {  	[sflag:s2] =	ssyncset.done $0x0  }
0x84: {  	[sflag:s2] =	ssyncadd.s32 $0xFFFFFD80  }
0x85: {  	[bflag:$0x0] =	sbarrier.arrive $0xFFFF  }
0x86: {  	s1 =	rddreg [dreg:$0x0]  }
0x87: {  	[tilespmem:s29], [sflag:$0x1] =	stream.indirect.gather [hbm4b:s1+s28], $0x40, s24, s28, $0xb8;
	[tilespmem:$0x1B508] =	vst v63  }
0x88: {  	_ = 	snop  }
0x89: {  	[tilespmem:s30], [sflag:$0x2] =	stream.indirect.gather [hbm4b:s1+s28], $0x40, s28, s28, $0xb8;
	[tilespmem:$0x1B508] =	vst v63  }
0x8a: {  	_ =	swait.ge [sflag:s7], $0x1400  }
0x8b: {  	[sflag:s7] =	ssyncset.done $0x0  }
0x8c: {  	[sflag:s7] =	ssyncadd.s32 $0xFFFFEC00  }
0x8d: {  	[spmem:s3] =	stream.indirect.scatter.add.f32 [tilespmem:s29], [sflag:$0x5], $0x40, s14, s28, $0xb8;
	[tilespmem:$0x1B508] =	vst v63  }
0x8e: {  	s2 =	simm.s32 $0x19C80  }
0x8f: {  	[spmem:s4] =	stream.indirect.scatter.add.f32 [tilespmem:s2], [sflag:$0x9], $0x8, s14, s28, $0xb8;
	[tilespmem:$0x1B508] =	vst v63  }
0x90: {  	s9 =	simm.s32 $0xA0  }
0x91: {  	[tilespmem:s11], [sflag:$0x3] =	stream.indirect.gather [hbm4b:s1+s28], $0x40, s9, s28, $0xb8;
	[tilespmem:$0x1B508] =	vst v63  }
0x92: {  	_ =	swait.ge [sflag:s12], $0x1400  }
0x93: {  	[sflag:s12] =	ssyncset.done $0x0  }
0x94: {  	s14 =	simm.s32 $0x4E70;
	[sflag:s12] =	ssyncadd.s32 $0xFFFFEC00  }
0x95: {  	[spmem:s3] =	stream.indirect.scatter.add.f32 [tilespmem:s30], [sflag:$0x6], $0x40, s14, s28, $0xb8;
	[tilespmem:$0x1B508] =	vst v63  }
0x96: {  	_ = 	snop  }
0x97: {  	[spmem:s4] =	stream.indirect.scatter.add.f32 [tilespmem:s2], [sflag:$0x9], $0x8, s14, s28, $0xb8;
	[tilespmem:$0x1B508] =	vst v63  }
0x98: {  	s22 =	simm.s32 $0xF0  }
0x99: {  	[tilespmem:s13], [sflag:$0x4] =	stream.indirect.gather [hbm4b:s1+s28], $0x40, s22, s28, $0xb8;
	[tilespmem:$0x1B508] =	vst v63  }
0x9a: {  	_ =	swait.ge [sflag:s15], $0x1400  }
0x9b: {  	[sflag:s15] =	ssyncset.done $0x0  }
0x9c: {  	s23 =	simm.s32 $0x4EC0;
	[sflag:s15] =	ssyncadd.s32 $0xFFFFEC00  }
0x9d: {  	[spmem:s3] =	stream.indirect.scatter.add.f32 [tilespmem:s11], [sflag:$0x7], $0x40, s23, s28, $0xb8;
	[tilespmem:$0x1B508] =	vst v63  }
0x9e: {  	_ = 	snop  }
0x9f: {  	[spmem:s4] =	stream.indirect.scatter.add.f32 [tilespmem:s2], [sflag:$0x9], $0x8, s23, s28, $0xb8;
	[tilespmem:$0x1B508] =	vst v63  }
0xa0: {  	_ =	swait.ge [sflag:s16], $0x280  }
0xa1: {  	[sflag:s16] =	ssyncset.done $0x0  }
0xa2: {  	[sflag:s16] =	ssyncadd.s32 $0xFFFFFD80  }
0xa3: {  	_ =	swait.ge [sflag:s17], $0x1400  }
0xa4: {  	[sflag:s17] =	ssyncset.done $0x0  }
0xa5: {  	s24 =	simm.s32 $0x140;
	[sflag:s17] =	ssyncadd.s32 $0xFFFFEC00  }
0xa6: {  	[tilespmem:s29], [sflag:$0x1] =	stream.indirect.gather [hbm4b:s1+s28], $0x40, s24, s28, $0xb8;
	[tilespmem:$0x1B508] =	vst v63  }
0xa7: {  	_ =	swait.ge [sflag:s18], $0x1400  }
0xa8: {  	[sflag:s18] =	ssyncset.done $0x0  }
0xa9: {  	s25 =	simm.s32 $0x4F10;
	[sflag:s18] =	ssyncadd.s32 $0xFFFFEC00  }
0xaa: {  	[spmem:s3] =	stream.indirect.scatter.add.f32 [tilespmem:s13], [sflag:$0x8], $0x40, s25, s28, $0xb8;
	[tilespmem:$0x1B508] =	vst v63  }
0xab: {  	_ = 	snop  }
0xac: {  	[spmem:s4] =	stream.indirect.scatter.add.f32 [tilespmem:s2], [sflag:$0x9], $0x8, s25, s28, $0xb8;
	[tilespmem:$0x1B508] =	vst v63  }
0xad: {  	_ =	swait.ge [sflag:s16], $0x280  }
0xae: {  	[sflag:s16] =	ssyncset.done $0x0  }
0xaf: {  	[sflag:s16] =	ssyncadd.s32 $0xFFFFFD80  }
0xb0: {  	_ =	swait.ge [sflag:s19], $0x1400  }
0xb1: {  	[sflag:s19] =	ssyncset.done $0x0  }
0xb2: {  	s0 =	simm.s32 $0x190;
	[sflag:s19] =	ssyncadd.s32 $0xFFFFEC00  }
0xb3: {  	[tilespmem:s30], [sflag:$0x2] =	stream.indirect.gather [hbm4b:s1+s28], $0x40, s0, s28, $0xb8;
	[tilespmem:$0x1B508] =	vst v63  }
0xb4: {  	_ =	swait.ge [sflag:s7], $0x1400  }
0xb5: {  	[sflag:s7] =	ssyncset.done $0x0  }
0xb6: {  	s8 =	simm.s32 $0x4F60;
	[sflag:s7] =	ssyncadd.s32 $0xFFFFEC00  }
0xb7: {  	[spmem:s3] =	stream.indirect.scatter.add.f32 [tilespmem:s29], [sflag:$0x5], $0x40, s8, s28, $0xb8;
	[tilespmem:$0x1B508] =	vst v63  }
0xb8: {  	_ = 	snop  }
0xb9: {  	[spmem:s4] =	stream.indirect.scatter.add.f32 [tilespmem:s2], [sflag:$0x9], $0x8, s8, s28, $0xb8;
	[tilespmem:$0x1B508] =	vst v63  }
0xba: {  	_ =	swait.ge [sflag:s16], $0x280  }
0xbb: {  	[sflag:s16] =	ssyncset.done $0x0  }
0xbc: {  	[sflag:s16] =	ssyncadd.s32 $0xFFFFFD80  }
0xbd: {  	_ =	swait.ge [sflag:s20], $0x1400  }
0xbe: {  	[sflag:s20] =	ssyncset.done $0x0  }
0xbf: {  	s9 =	simm.s32 $0x1E0;
	[sflag:s20] =	ssyncadd.s32 $0xFFFFEC00  }
0xc0: {  	[tilespmem:s11], [sflag:$0x3] =	stream.indirect.gather [hbm4b:s1+s28], $0x40, s9, s28, $0xb8;
	[tilespmem:$0x1B508] =	vst v63  }
0xc1: {  	_ =	swait.ge [sflag:s12], $0x1400  }
0xc2: {  	[sflag:s12] =	ssyncset.done $0x0  }
0xc3: {  	s14 =	simm.s32 $0x4FB0;
	[sflag:s12] =	ssyncadd.s32 $0xFFFFEC00  }
0xc4: {  	[spmem:s3] =	stream.indirect.scatter.add.f32 [tilespmem:s30], [sflag:$0x6], $0x40, s14, s28, $0xb8;
	[tilespmem:$0x1B508] =	vst v63  }
0xc5: {  	_ = 	snop  }
0xc6: {  	[spmem:s4] =	stream.indirect.scatter.add.f32 [tilespmem:s2], [sflag:$0x9], $0x8, s14, s28, $0xb8;
	[tilespmem:$0x1B508] =	vst v63  }
0xc7: {  	_ =	swait.ge [sflag:s16], $0x280  }
0xc8: {  	[sflag:s16] =	ssyncset.done $0x0  }
0xc9: {  	[sflag:s16] =	ssyncadd.s32 $0xFFFFFD80  }
0xca: {  	_ =	swait.ge [sflag:s21], $0x1400  }
0xcb: {  	[sflag:s21] =	ssyncset.done $0x0  }
0xcc: {  	s22 =	simm.s32 $0x230;
	[sflag:s21] =	ssyncadd.s32 $0xFFFFEC00  }
0xcd: {  	[tilespmem:s13], [sflag:$0x4] =	stream.indirect.gather [hbm4b:s1+s28], $0x40, s22, s28, $0xb8;
	[tilespmem:$0x1B508] =	vst v63  }
0xce: {  	_ =	swait.ge [sflag:s15], $0x1400  }
0xcf: {  	[sflag:s15] =	ssyncset.done $0x0  }
0xd0: {  	s23 =	simm.s32 $0x5000;
	[sflag:s15] =	ssyncadd.s32 $0xFFFFEC00  }
0xd1: {  	[spmem:s3] =	stream.indirect.scatter.add.f32 [tilespmem:s11], [sflag:$0x7], $0x40, s23, s28, $0xb8;
	[tilespmem:$0x1B508] =	vst v63  }
0xd2: {  	_ = 	snop  }
0xd3: {  	[spmem:s4] =	stream.indirect.scatter.add.f32 [tilespmem:s2], [sflag:$0x9], $0x8, s23, s28, $0xb8;
	[tilespmem:$0x1B508] =	vst v63  }
0xd4: {  	_ =	swait.ge [sflag:s16], $0x280  }
0xd5: {  	[sflag:s16] =	ssyncset.done $0x0  }
0xd6: {  	[sflag:s16] =	ssyncadd.s32 $0xFFFFFD80  }
0xd7: {  	_ =	swait.ge [sflag:s17], $0x1400  }
0xd8: {  	[sflag:s17] =	ssyncset.done $0x0  }
0xd9: {  	s24 =	simm.s32 $0x280;
	[sflag:s17] =	ssyncadd.s32 $0xFFFFEC00  }
0xda: {  	[tilespmem:s29], [sflag:$0x1] =	stream.indirect.gather [hbm4b:s1+s28], $0x40, s24, s28, $0xb8;
	[tilespmem:$0x1B508] =	vst v63  }
0xdb: {  	_ =	swait.ge [sflag:s18], $0x1400  }
0xdc: {  	[sflag:s18] =	ssyncset.done $0x0  }
0xdd: {  	s25 =	simm.s32 $0x5050;
	[sflag:s18] =	ssyncadd.s32 $0xFFFFEC00  }
0xde: {  	[spmem:s3] =	stream.indirect.scatter.add.f32 [tilespmem:s13], [sflag:$0x8], $0x40, s25, s28, $0xb8;
	[tilespmem:$0x1B508] =	vst v63  }
0xdf: {  	_ = 	snop  }
0xe0: {  	[spmem:s4] =	stream.indirect.scatter.add.f32 [tilespmem:s2], [sflag:$0x9], $0x8, s25, s28, $0xb8;
	[tilespmem:$0x1B508] =	vst v63  }
0xe1: {  	_ =	swait.ge [sflag:s16], $0x280  }
0xe2: {  	[sflag:s16] =	ssyncset.done $0x0  }
0xe3: {  	[sflag:s16] =	ssyncadd.s32 $0xFFFFFD80  }
0xe4: {  	_ =	swait.ge [sflag:s19], $0x1400  }
0xe5: {  	[sflag:s19] =	ssyncset.done $0x0  }
0xe6: {  	s5 =	simm.s32 $0x2D0;
	s23 =	simm.s32 $0x500;
	[sflag:s19] =	ssyncadd.s32 $0xFFFFEC00  }
.LBB2_3:
0xe7: {  	[tilespmem:s30], [sflag:$0x2] =	stream.indirect.gather [hbm4b:s1+s28], $0x40, s5, s28, $0xb8;
	[tilespmem:$0x1B508] =	vst v63  }
0xe8: {  	s5 =	smov.u32 s23  }
0xe9: {  	p2 =	seq.s32 s23, $0x12C00;
	s23 =	sadd.s32 $0x500, s23;
	_ =	swait.ge [sflag:s7], $0x1400  }
0xea: {  	s5 =	sshra.s32 s5, $0x2;
	[sflag:s7] =	ssyncset.done $0x0  }
0xeb: {  	s9 =	sadd.s32 $0x4F60, s5;
	[sflag:s7] =	ssyncadd.s32 $0xFFFFEC00  }
0xec: {  	[spmem:s3] =	stream.indirect.scatter.add.f32 [tilespmem:s29], [sflag:$0x5], $0x40, s9, s28, $0xb8;
	[tilespmem:$0x1B508] =	vst v63  }
0xed: {  	_ = 	snop  }
0xee: {  	[spmem:s4] =	stream.indirect.scatter.add.f32 [tilespmem:s2], [sflag:$0x9], $0x8, s9, s28, $0xb8;
	[tilespmem:$0x1B508] =	vst v63  }
0xef: {  	_ =	swait.ge [sflag:s16], $0x280  }
0xf0: {  	[sflag:s16] =	ssyncset.done $0x0  }
0xf1: {  	[sflag:s16] =	ssyncadd.s32 $0xFFFFFD80  }
0xf2: {  	_ =	swait.ge [sflag:s20], $0x1400  }
0xf3: {  	[sflag:s20] =	ssyncset.done $0x0  }
0xf4: {  	s9 =	sadd.s32 $0x1E0, s5;
	[sflag:s20] =	ssyncadd.s32 $0xFFFFEC00  }
0xf5: {  	[tilespmem:s11], [sflag:$0x3] =	stream.indirect.gather [hbm4b:s1+s28], $0x40, s9, s28, $0xb8;
	[tilespmem:$0x1B508] =	vst v63  }
0xf6: {  	_ =	swait.ge [sflag:s12], $0x1400  }
0xf7: {  	[sflag:s12] =	ssyncset.done $0x0  }
0xf8: {  	s9 =	sadd.s32 $0x4FB0, s5;
	[sflag:s12] =	ssyncadd.s32 $0xFFFFEC00  }
0xf9: {  	[spmem:s3] =	stream.indirect.scatter.add.f32 [tilespmem:s30], [sflag:$0x6], $0x40, s9, s28, $0xb8;
	[tilespmem:$0x1B508] =	vst v63  }
0xfa: {  	_ = 	snop  }
0xfb: {  	[spmem:s4] =	stream.indirect.scatter.add.f32 [tilespmem:s2], [sflag:$0x9], $0x8, s9, s28, $0xb8;
	[tilespmem:$0x1B508] =	vst v63  }
0xfc: {  	_ =	swait.ge [sflag:s16], $0x280  }
0xfd: {  	[sflag:s16] =	ssyncset.done $0x0  }
0xfe: {  	[sflag:s16] =	ssyncadd.s32 $0xFFFFFD80  }
0xff: {  	_ =	swait.ge [sflag:s21], $0x1400  }
0x100: {  	[sflag:s21] =	ssyncset.done $0x0  }
0x101: {  	s9 =	sadd.s32 $0x230, s5;
	[sflag:s21] =	ssyncadd.s32 $0xFFFFEC00  }
0x102: {  	[tilespmem:s13], [sflag:$0x4] =	stream.indirect.gather [hbm4b:s1+s28], $0x40, s9, s28, $0xb8;
	[tilespmem:$0x1B508] =	vst v63  }
0x103: {  	_ =	swait.ge [sflag:s15], $0x1400  }
0x104: {  	[sflag:s15] =	ssyncset.done $0x0  }
0x105: {  	s9 =	sadd.s32 $0x5000, s5;
	[sflag:s15] =	ssyncadd.s32 $0xFFFFEC00  }
0x106: {  	[spmem:s3] =	stream.indirect.scatter.add.f32 [tilespmem:s11], [sflag:$0x7], $0x40, s9, s28, $0xb8;
	[tilespmem:$0x1B508] =	vst v63  }
0x107: {  	_ = 	snop  }
0x108: {  	[spmem:s4] =	stream.indirect.scatter.add.f32 [tilespmem:s2], [sflag:$0x9], $0x8, s9, s28, $0xb8;
	[tilespmem:$0x1B508] =	vst v63  }
0x109: {  	_ =	swait.ge [sflag:s16], $0x280  }
0x10a: {  	[sflag:s16] =	ssyncset.done $0x0  }
0x10b: {  	[sflag:s16] =	ssyncadd.s32 $0xFFFFFD80  }
0x10c: {  	_ =	swait.ge [sflag:s17], $0x1400  }
0x10d: {  	[sflag:s17] =	ssyncset.done $0x0  }
0x10e: {  	s9 =	sadd.s32 $0x280, s5;
	[sflag:s17] =	ssyncadd.s32 $0xFFFFEC00  }
0x10f: {  	[tilespmem:s29], [sflag:$0x1] =	stream.indirect.gather [hbm4b:s1+s28], $0x40, s9, s28, $0xb8;
	[tilespmem:$0x1B508] =	vst v63  }
0x110: {  	_ =	swait.ge [sflag:s18], $0x1400  }
0x111: {  	[sflag:s18] =	ssyncset.done $0x0  }
0x112: {  	s9 =	sadd.s32 $0x5050, s5;
	[sflag:s18] =	ssyncadd.s32 $0xFFFFEC00  }
0x113: {  	[spmem:s3] =	stream.indirect.scatter.add.f32 [tilespmem:s13], [sflag:$0x8], $0x40, s9, s28, $0xb8;
	[tilespmem:$0x1B508] =	vst v63  }
0x114: {  	_ = 	snop  }
0x115: {  	[spmem:s4] =	stream.indirect.scatter.add.f32 [tilespmem:s2], [sflag:$0x9], $0x8, s9, s28, $0xb8;
	[tilespmem:$0x1B508] =	vst v63  }
0x116: {  	_ =	swait.ge [sflag:s16], $0x280  }
.Ltmp1:
0x117: {  	[sflag:s16] =	ssyncset.done $0x0;
	(pc) =	sbr.rel @!p2 .LBB2_3-.Ltmp1, $4  }
0x118: {  	[sflag:s16] =	ssyncadd.s32 $0xFFFFFD80  }
0x119: {  	_ =	swait.ge [sflag:s19], $0x1400  }
0x11a: {  	[sflag:s19] =	ssyncset.done $0x0  }
0x11b: {  	s5 =	sadd.s32 $0x2D0, s5;
	[sflag:s19] =	ssyncadd.s32 $0xFFFFEC00  }
0x11c: {  	[tilespmem:s30], [sflag:$0x2] =	stream.indirect.gather [hbm4b:s1+s28], $0x40, s5, s28, $0xb8;
	[tilespmem:$0x1B508] =	vst v63  }
0x11d: {  	_ =	swait.ge [sflag:s7], $0x1400  }
0x11e: {  	[sflag:s7] =	ssyncset.done $0x0  }
0x11f: {  	s24 =	simm.s32 $0x9BA0;
	[sflag:s7] =	ssyncadd.s32 $0xFFFFEC00  }
0x120: {  	[spmem:s3] =	stream.indirect.scatter.add.f32 [tilespmem:s29], [sflag:$0x5], $0x40, s24, s28, $0xb8;
	[tilespmem:$0x1B508] =	vst v63  }
0x121: {  	_ = 	snop  }
0x122: {  	[spmem:s4] =	stream.indirect.scatter.add.f32 [tilespmem:s2], [sflag:$0x9], $0x8, s24, s28, $0xb8;
	[tilespmem:$0x1B508] =	vst v63  }
0x123: {  	_ =	swait.ge [sflag:s16], $0x280  }
0x124: {  	[sflag:s16] =	ssyncset.done $0x0  }
0x125: {  	[sflag:s16] =	ssyncadd.s32 $0xFFFFFD80  }
0x126: {  	_ =	swait.ge [sflag:s12], $0x1400  }
0x127: {  	[sflag:s12] =	ssyncset.done $0x0  }
0x128: {  	s25 =	simm.s32 $0x9BF0;
	[sflag:s12] =	ssyncadd.s32 $0xFFFFEC00  }
0x129: {  	[spmem:s3] =	stream.indirect.scatter.add.f32 [tilespmem:s30], [sflag:$0x6], $0x40, s25, s28, $0xb8;
	[tilespmem:$0x1B508] =	vst v63  }
0x12a: {  	_ = 	snop  }
0x12b: {  	[spmem:s4] =	stream.indirect.scatter.add.f32 [tilespmem:s2], [sflag:$0x9], $0x8, s25, s28, $0xb8;
	[tilespmem:$0x1B508] =	vst v63  }
0x12c: {  	_ =	swait.ge [sflag:s16], $0x280  }
0x12d: {  	[sflag:s16] =	ssyncset.done $0x0  }
0x12e: {  	[sflag:s16] =	ssyncadd.s32 $0xFFFFFD80  }
0x12f: {  	_ =	swait.ge [sflag:s20], $0x1400  }
0x130: {  	[sflag:s20] =	ssyncset.done $0x0  }
0x131: {  	[sflag:s20] =	ssyncadd.s32 $0xFFFFEC00  }
0x132: {  	_ =	swait.ge [sflag:s21], $0x1400  }
0x133: {  	[sflag:s21] =	ssyncset.done $0x0  }
0x134: {  	[sflag:s21] =	ssyncadd.s32 $0xFFFFEC00  }
0x135: {  	_ =	swait.ge [sflag:s17], $0x1400  }
0x136: {  	[sflag:s17] =	ssyncset.done $0x0  }
0x137: {  	[sflag:s17] =	ssyncadd.s32 $0xFFFFEC00  }
0x138: {  	_ =	swait.ge [sflag:s19], $0x1400  }
0x139: {  	[sflag:s19] =	ssyncset.done $0x0  }
0x13a: {  	[sflag:s19] =	ssyncadd.s32 $0xFFFFEC00  }
0x13b: {  	_ =	swait.ge [sflag:s16], $0x280  }
.Ltmp2:
0x13c: {  	[sflag:s16] =	ssyncset.done $0x0;
	(pc) =	sbr.rel .LBB2_8-.Ltmp2, $4  }
0x13d: {  	[sflag:s16] =	ssyncadd.s32 $0xFFFFFD80  }
0x13e: {  	_ =	swait.ge [sflag:s16], $0x280  }
0x13f: {  	[sflag:s16] =	ssyncset.done $0x0  }
0x140: {  	s8 =	smov.u32 s31;
	[sflag:s16] =	ssyncadd.s32 $0xFFFFFD80  }
.LBB2_5:
0x141: {  	[bflag:$0x0] =	sbarrier.arrive $0xFFFF;
	s5 =	simm.s32 $0x0  }
0x142: {  	[tilespmem:s29], [sflag:$0x1] =	stream.indirect.gather [hbm4b:s6+s28], $0x40, s5, s28, $0xb8;
	[tilespmem:$0x1B508] =	vst v63  }
0x143: {  	_ = 	snop  }
0x144: {  	[tilespmem:s30], [sflag:$0x2] =	stream.indirect.gather [hbm4b:s6+s28], $0x40, s28, s28, $0xb8;
	[tilespmem:$0x1B508] =	vst v63  }
0x145: {  	_ =	swait.ge [sflag:s7], $0x1400  }
0x146: {  	[sflag:s7] =	ssyncset.done $0x0  }
0x147: {  	[sflag:s7] =	ssyncadd.s32 $0xFFFFEC00  }
0x148: {  	[spmem:s3] =	stream.indirect.scatter.add.f32 [tilespmem:s29], [sflag:$0x5], $0x40, s14, s28, $0xb8;
	[tilespmem:$0x1B508] =	vst v63  }
0x149: {  	s1 =	simm.s32 $0xA0  }
0x14a: {  	[tilespmem:s11], [sflag:$0x3] =	stream.indirect.gather [hbm4b:s6+s28], $0x40, s1, s28, $0xb8;
	[tilespmem:$0x1B508] =	vst v63  }
0x14b: {  	_ =	swait.ge [sflag:s12], $0x1400  }
0x14c: {  	[sflag:s12] =	ssyncset.done $0x0  }
0x14d: {  	s22 =	simm.s32 $0x4E70;
	[sflag:s12] =	ssyncadd.s32 $0xFFFFEC00  }
0x14e: {  	[spmem:s3] =	stream.indirect.scatter.add.f32 [tilespmem:s30], [sflag:$0x6], $0x40, s22, s28, $0xb8;
	[tilespmem:$0x1B508] =	vst v63  }
0x14f: {  	s23 =	simm.s32 $0xF0  }
0x150: {  	[tilespmem:s13], [sflag:$0x4] =	stream.indirect.gather [hbm4b:s6+s28], $0x40, s23, s28, $0xb8;
	[tilespmem:$0x1B508] =	vst v63  }
0x151: {  	_ =	swait.ge [sflag:s15], $0x1400  }
0x152: {  	[sflag:s15] =	ssyncset.done $0x0  }
0x153: {  	s24 =	simm.s32 $0x4EC0;
	[sflag:s15] =	ssyncadd.s32 $0xFFFFEC00  }
0x154: {  	[spmem:s3] =	stream.indirect.scatter.add.f32 [tilespmem:s11], [sflag:$0x7], $0x40, s24, s28, $0xb8;
	[tilespmem:$0x1B508] =	vst v63  }
0x155: {  	_ =	swait.ge [sflag:s17], $0x1400  }
0x156: {  	[sflag:s17] =	ssyncset.done $0x0  }
0x157: {  	s25 =	simm.s32 $0x140;
	[sflag:s17] =	ssyncadd.s32 $0xFFFFEC00  }
0x158: {  	[tilespmem:s29], [sflag:$0x1] =	stream.indirect.gather [hbm4b:s6+s28], $0x40, s25, s28, $0xb8;
	[tilespmem:$0x1B508] =	vst v63  }
0x159: {  	_ =	swait.ge [sflag:s18], $0x1400  }
0x15a: {  	[sflag:s18] =	ssyncset.done $0x0  }
0x15b: {  	s0 =	simm.s32 $0x4F10;
	[sflag:s18] =	ssyncadd.s32 $0xFFFFEC00  }
0x15c: {  	[spmem:s3] =	stream.indirect.scatter.add.f32 [tilespmem:s13], [sflag:$0x8], $0x40, s0, s28, $0xb8;
	[tilespmem:$0x1B508] =	vst v63  }
0x15d: {  	_ =	swait.ge [sflag:s19], $0x1400  }
0x15e: {  	[sflag:s19] =	ssyncset.done $0x0  }
0x15f: {  	s2 =	simm.s32 $0x190;
	[sflag:s19] =	ssyncadd.s32 $0xFFFFEC00  }
0x160: {  	[tilespmem:s30], [sflag:$0x2] =	stream.indirect.gather [hbm4b:s6+s28], $0x40, s2, s28, $0xb8;
	[tilespmem:$0x1B508] =	vst v63  }
0x161: {  	_ =	swait.ge [sflag:s7], $0x1400  }
0x162: {  	[sflag:s7] =	ssyncset.done $0x0  }
0x163: {  	s4 =	simm.s32 $0x4F60;
	[sflag:s7] =	ssyncadd.s32 $0xFFFFEC00  }
0x164: {  	[spmem:s3] =	stream.indirect.scatter.add.f32 [tilespmem:s29], [sflag:$0x5], $0x40, s4, s28, $0xb8;
	[tilespmem:$0x1B508] =	vst v63  }
0x165: {  	_ =	swait.ge [sflag:s20], $0x1400  }
0x166: {  	[sflag:s20] =	ssyncset.done $0x0  }
0x167: {  	s9 =	simm.s32 $0x1E0;
	[sflag:s20] =	ssyncadd.s32 $0xFFFFEC00  }
0x168: {  	[tilespmem:s11], [sflag:$0x3] =	stream.indirect.gather [hbm4b:s6+s28], $0x40, s9, s28, $0xb8;
	[tilespmem:$0x1B508] =	vst v63  }
0x169: {  	_ =	swait.ge [sflag:s12], $0x1400  }
0x16a: {  	[sflag:s12] =	ssyncset.done $0x0  }
0x16b: {  	s14 =	simm.s32 $0x4FB0;
	[sflag:s12] =	ssyncadd.s32 $0xFFFFEC00  }
0x16c: {  	[spmem:s3] =	stream.indirect.scatter.add.f32 [tilespmem:s30], [sflag:$0x6], $0x40, s14, s28, $0xb8;
	[tilespmem:$0x1B508] =	vst v63  }
0x16d: {  	_ =	swait.ge [sflag:s21], $0x1400  }
0x16e: {  	[sflag:s21] =	ssyncset.done $0x0  }
0x16f: {  	s22 =	simm.s32 $0x230;
	[sflag:s21] =	ssyncadd.s32 $0xFFFFEC00  }
0x170: {  	[tilespmem:s13], [sflag:$0x4] =	stream.indirect.gather [hbm4b:s6+s28], $0x40, s22, s28, $0xb8;
	[tilespmem:$0x1B508] =	vst v63  }
0x171: {  	_ =	swait.ge [sflag:s15], $0x1400  }
0x172: {  	[sflag:s15] =	ssyncset.done $0x0  }
0x173: {  	s23 =	simm.s32 $0x5000;
	[sflag:s15] =	ssyncadd.s32 $0xFFFFEC00  }
0x174: {  	[spmem:s3] =	stream.indirect.scatter.add.f32 [tilespmem:s11], [sflag:$0x7], $0x40, s23, s28, $0xb8;
	[tilespmem:$0x1B508] =	vst v63  }
0x175: {  	_ =	swait.ge [sflag:s17], $0x1400  }
0x176: {  	[sflag:s17] =	ssyncset.done $0x0  }
0x177: {  	s24 =	simm.s32 $0x280;
	[sflag:s17] =	ssyncadd.s32 $0xFFFFEC00  }
0x178: {  	[tilespmem:s29], [sflag:$0x1] =	stream.indirect.gather [hbm4b:s6+s28], $0x40, s24, s28, $0xb8;
	[tilespmem:$0x1B508] =	vst v63  }
0x179: {  	_ =	swait.ge [sflag:s18], $0x1400  }
0x17a: {  	[sflag:s18] =	ssyncset.done $0x0  }
0x17b: {  	s25 =	simm.s32 $0x5050;
	[sflag:s18] =	ssyncadd.s32 $0xFFFFEC00  }
0x17c: {  	[spmem:s3] =	stream.indirect.scatter.add.f32 [tilespmem:s13], [sflag:$0x8], $0x40, s25, s28, $0xb8;
	[tilespmem:$0x1B508] =	vst v63  }
0x17d: {  	_ =	swait.ge [sflag:s19], $0x1400  }
0x17e: {  	s8 =	smov.u32 s31;
	[sflag:s19] =	ssyncset.done $0x0  }
0x17f: {  	s5 =	simm.s32 $0x500;
	s9 =	simm.s32 $0x2D0;
	[sflag:s19] =	ssyncadd.s32 $0xFFFFEC00  }
.LBB2_6:
0x180: {  	[tilespmem:s30], [sflag:$0x2] =	stream.indirect.gather [hbm4b:s6+s28], $0x40, s9, s28, $0xb8;
	[tilespmem:$0x1B508] =	vst v63  }
0x181: {  	s9 =	smov.u32 s5  }
0x182: {  	p2 =	sne.s32 s5, $0x12C00;
	s5 =	sadd.s32 $0x500, s5;
	_ =	swait.ge [sflag:s7], $0x1400  }
0x183: {  	s9 =	sshra.s32 s9, $0x2;
	[sflag:s7] =	ssyncset.done $0x0  }
0x184: {  	s14 =	sadd.s32 $0x4F60, s9;
	[sflag:s7] =	ssyncadd.s32 $0xFFFFEC00  }
0x185: {  	[spmem:s3] =	stream.indirect.scatter.add.f32 [tilespmem:s29], [sflag:$0x5], $0x40, s14, s28, $0xb8;
	[tilespmem:$0x1B508] =	vst v63  }
0x186: {  	_ =	swait.ge [sflag:s20], $0x1400  }
0x187: {  	[sflag:s20] =	ssyncset.done $0x0  }
0x188: {  	s14 =	sadd.s32 $0x1E0, s9;
	[sflag:s20] =	ssyncadd.s32 $0xFFFFEC00  }
0x189: {  	[tilespmem:s11], [sflag:$0x3] =	stream.indirect.gather [hbm4b:s6+s28], $0x40, s14, s28, $0xb8;
	[tilespmem:$0x1B508] =	vst v63  }
0x18a: {  	_ =	swait.ge [sflag:s12], $0x1400  }
0x18b: {  	[sflag:s12] =	ssyncset.done $0x0  }
0x18c: {  	s14 =	sadd.s32 $0x4FB0, s9;
	[sflag:s12] =	ssyncadd.s32 $0xFFFFEC00  }
0x18d: {  	[spmem:s3] =	stream.indirect.scatter.add.f32 [tilespmem:s30], [sflag:$0x6], $0x40, s14, s28, $0xb8;
	[tilespmem:$0x1B508] =	vst v63  }
0x18e: {  	_ =	swait.ge [sflag:s21], $0x1400  }
0x18f: {  	[sflag:s21] =	ssyncset.done $0x0  }
0x190: {  	s14 =	sadd.s32 $0x230, s9;
	[sflag:s21] =	ssyncadd.s32 $0xFFFFEC00  }
0x191: {  	[tilespmem:s13], [sflag:$0x4] =	stream.indirect.gather [hbm4b:s6+s28], $0x40, s14, s28, $0xb8;
	[tilespmem:$0x1B508] =	vst v63  }
0x192: {  	_ =	swait.ge [sflag:s15], $0x1400  }
0x193: {  	[sflag:s15] =	ssyncset.done $0x0  }
0x194: {  	s14 =	sadd.s32 $0x5000, s9;
	[sflag:s15] =	ssyncadd.s32 $0xFFFFEC00  }
0x195: {  	[spmem:s3] =	stream.indirect.scatter.add.f32 [tilespmem:s11], [sflag:$0x7], $0x40, s14, s28, $0xb8;
	[tilespmem:$0x1B508] =	vst v63  }
0x196: {  	_ =	swait.ge [sflag:s17], $0x1400  }
0x197: {  	[sflag:s17] =	ssyncset.done $0x0  }
0x198: {  	s14 =	sadd.s32 $0x280, s9;
	[sflag:s17] =	ssyncadd.s32 $0xFFFFEC00  }
0x199: {  	[tilespmem:s29], [sflag:$0x1] =	stream.indirect.gather [hbm4b:s6+s28], $0x40, s14, s28, $0xb8;
	[tilespmem:$0x1B508] =	vst v63  }
0x19a: {  	_ =	swait.ge [sflag:s18], $0x1400  }
0x19b: {  	[sflag:s18] =	ssyncset.done $0x0  }
.Ltmp3:
0x19c: {  	s14 =	sadd.s32 $0x5050, s9;
	[sflag:s18] =	ssyncadd.s32 $0xFFFFEC00;
	(pc) =	sbr.rel @p2 .LBB2_6-.Ltmp3, $4  }
0x19d: {  	[spmem:s3] =	stream.indirect.scatter.add.f32 [tilespmem:s13], [sflag:$0x8], $0x40, s14, s28, $0xb8;
	[tilespmem:$0x1B508] =	vst v63  }
0x19e: {  	_ =	swait.ge [sflag:s19], $0x1400  }
0x19f: {  	[sflag:s19] =	ssyncset.done $0x0  }
0x1a0: {  	s9 =	sadd.s32 $0x2D0, s9;
	[sflag:s19] =	ssyncadd.s32 $0xFFFFEC00  }
0x1a1: {  	[tilespmem:s30], [sflag:$0x2] =	stream.indirect.gather [hbm4b:s6+s28], $0x40, s9, s28, $0xb8;
	[tilespmem:$0x1B508] =	vst v63  }
0x1a2: {  	_ =	swait.ge [sflag:s7], $0x1400  }
0x1a3: {  	[sflag:s7] =	ssyncset.done $0x0  }
0x1a4: {  	s1 =	simm.s32 $0x9BA0;
	[sflag:s7] =	ssyncadd.s32 $0xFFFFEC00  }
0x1a5: {  	[spmem:s3] =	stream.indirect.scatter.add.f32 [tilespmem:s29], [sflag:$0x5], $0x40, s1, s28, $0xb8;
	[tilespmem:$0x1B508] =	vst v63  }
0x1a6: {  	_ =	swait.ge [sflag:s12], $0x1400  }
0x1a7: {  	[sflag:s12] =	ssyncset.done $0x0  }
0x1a8: {  	s25 =	simm.s32 $0x9BF0;
	[sflag:s12] =	ssyncadd.s32 $0xFFFFEC00  }
0x1a9: {  	[spmem:s3] =	stream.indirect.scatter.add.f32 [tilespmem:s30], [sflag:$0x6], $0x40, s25, s28, $0xb8;
	[tilespmem:$0x1B508] =	vst v63  }
0x1aa: {  	_ =	swait.ge [sflag:s20], $0x1400  }
0x1ab: {  	[sflag:s20] =	ssyncset.done $0x0  }
0x1ac: {  	[sflag:s20] =	ssyncadd.s32 $0xFFFFEC00  }
0x1ad: {  	_ =	swait.ge [sflag:s21], $0x1400  }
0x1ae: {  	[sflag:s21] =	ssyncset.done $0x0  }
0x1af: {  	[sflag:s21] =	ssyncadd.s32 $0xFFFFEC00  }
0x1b0: {  	_ =	swait.ge [sflag:s17], $0x1400  }
0x1b1: {  	[sflag:s17] =	ssyncset.done $0x0  }
0x1b2: {  	[sflag:s17] =	ssyncadd.s32 $0xFFFFEC00  }
0x1b3: {  	_ =	swait.ge [sflag:s19], $0x1400  }
0x1b4: {  	[sflag:s19] =	ssyncset.done $0x0  }
0x1b5: {  	[sflag:s19] =	ssyncadd.s32 $0xFFFFEC00  }
.LBB2_8:
0x1b6: {  	[bflag:$0x0] =	sbarrier.arrive $0xFFFF;
	s1 =	stileid.u32  }
0x1b7: {  	p2 =	sgt.u32 s1, $0x7C;
	s2 =	rddreg [dreg:$0xb]  }
0x1b8: {  	s5 =	simm.s32 @!p2 $0xEC40;
	s9 =	simm.s32 @!p2 $0xB;
	p4 =	seq.s32 @!p2 s8, $0x0  }
0x1b9: {  	[tilespmem:s5], [sflag:$0xB] =	stream.linear.gather @!p2 [spmem:s2], $0x1400, $0x38;
	[tilespmem:$0x1B508] =	vst v63  }
0x1ba: {  	p3 =	por !p4, p2;
	_ =	swait.ge @!p2 [sflag:s9], $0x1400  }
0x1bb: {  	s5 =	sadd.s32 @!p3 $0x0, s26;
	s14 =	simm.s32 @!p3 $0x0;
	[sflag:s9] =	ssyncset.done @!p2 $0x0  }
0x1bc: {  	s22 =	simm.s32 @!p3 $0xB;
	[sflag:s9] =	ssyncadd.s32 @!p2 $0xFFFFEC00;
	s9 =	simm.s32 @!p3 $0xEC40  }
0x1bd: {  	[hbm4b:s5+s14] =	stream.linear.scatter @!p3 [tilespmem:s9], [sflag:$0xB], $0x1400, $0x38;
	[tilespmem:$0x1B508] =	vst v63  }
0x1be: {  	_ =	swait.ge @!p3 [sflag:s22], $0x1400  }
0x1bf: {  	[sflag:s22] =	ssyncset.done @!p3 $0x0  }
0x1c0: {  	s5 =	simm.s32 @!p3 $0x19F00;
	s4 =	rddreg [dreg:$0x13];
	[sflag:s22] =	ssyncadd.s32 @!p3 $0xFFFFEC00  }
0x1c1: {  	[tilespmem:s5], [sflag:$0xB] =	stream.linear.gather @!p3 [spmem:s4], $0x280, $0x38;
	[tilespmem:$0x1B508] =	vst v63  }
0x1c2: {  	_ =	swait.ge @!p3 [sflag:s22], $0x280  }
0x1c3: {  	s23 =	simm.s32 $0x2800;
	[sflag:s22] =	ssyncset.done @!p3 $0x0  }
0x1c4: {  	s24 =	rddreg [dreg:$0x1b];
	[sflag:s22] =	ssyncadd.s32 @!p3 $0xFFFFFD80;
	s22 =	simm.s32 @!p3 $0xA  }
0x1c5: {  	[hbm4b:s24+s14] =	stream.linear.scatter @!p3 [tilespmem:s5], [sflag:$0xA], $0x280, $0x38;
	[tilespmem:$0x1B508] =	vst v63  }
0x1c6: {  	p4 =	por p4, p2;
	s9 =	simm.s32 $0x5000;
	_ =	swait.ge @!p3 [sflag:s22], $0x280  }
0x1c7: {  	s5 =	sadd.s32 $0x500, s24;
	s14 =	sadd.s32 @!p4 $0x0, s10;
	[sflag:s22] =	ssyncset.done @!p3 $0x0  }
0x1c8: {  	s24 =	simm.s32 @!p4 $0xEC40;
	[sflag:s22] =	ssyncadd.s32 @!p3 $0xFFFFFD80;
	s22 =	simm.s32 @!p4 $0x0  }
0x1c9: {  	[hbm4b:s14+s22] =	stream.linear.scatter @!p4 [tilespmem:s24], [sflag:$0xB], $0x1400, $0x38;
	[tilespmem:$0x1B508] =	vst v63  }
0x1ca: {  	s25 =	sadd.s32 $0x2800, s4;
	s14 =	sadd.s32 $0x10, s1;
	s24 =	simm.s32 @!p4 $0xB  }
0x1cb: {  	s22 =	sadd.s32 $0x14000, s2;
	p2 =	sgt.u32 s14, $0x7C;
	_ =	swait.ge @!p4 [sflag:s24], $0x1400  }
.LBB2_9:
0x1cc: {  	s2 =	simm.s32 @!p2 $0xEC40  }
0x1cd: {  	s0 =	smov.u32 s10;
	s10 =	simm.s32 @!p2 $0xB;
	[sflag:s24] =	ssyncset.done @!p4 $0x0  }
0x1ce: {  	s1 =	smov.u32 s23;
	s23 =	smov.u32 s9;
	s4 =	smov.u32 s5  }
0x1cf: {  	s9 =	sadd.s32 $0x2800, s9;
	p5 =	seq.s32 @!p2 s8, $0x0;
	[sflag:s24] =	ssyncadd.s32 @!p4 $0xFFFFEC00  }
0x1d0: {  	[tilespmem:s2], [sflag:$0xB] =	stream.linear.gather @!p2 [spmem:s22], $0x1400, $0x38;
	[tilespmem:$0x1B508] =	vst v63  }
0x1d1: {  	p3 =	sne.s32 s9, $0x14000;
	p6 =	por !p5, p2;
	_ =	swait.ge @!p2 [sflag:s10], $0x1400  }
0x1d2: {  	s2 =	sadd.s32 @!p6 s1, s26;
	s24 =	simm.s32 @!p6 $0x0;
	[sflag:s10] =	ssyncset.done @!p2 $0x0  }
0x1d3: {  	s8 =	simm.s32 @!p6 $0xB;
	[sflag:s10] =	ssyncadd.s32 @!p2 $0xFFFFEC00;
	s10 =	simm.s32 @!p6 $0xEC40  }
0x1d4: {  	[hbm4b:s2+s24] =	stream.linear.scatter @!p6 [tilespmem:s10], [sflag:$0xB], $0x1400, $0x38;
	[tilespmem:$0x1B508] =	vst v63  }
0x1d5: {  	s10 =	smov.u32 s0  }
0x1d6: {  	_ =	swait.ge @!p6 [sflag:s8], $0x1400  }
0x1d7: {  	s2 =	simm.s32 @!p6 $0x19F00;
	[sflag:s8] =	ssyncset.done @!p6 $0x0  }
0x1d8: {  	[sflag:s8] =	ssyncadd.s32 @!p6 $0xFFFFEC00  }
0x1d9: {  	[tilespmem:s2], [sflag:$0xB] =	stream.linear.gather @!p6 [spmem:s25], $0x280, $0x38;
	[tilespmem:$0x1B508] =	vst v63  }
0x1da: {  	s5 =	sadd.s32 $0x500, s5;
	_ =	swait.ge @!p6 [sflag:s8], $0x280  }
0x1db: {  	s14 =	sadd.s32 $0x10, s14;
	s25 =	sadd.s32 $0x2800, s25;
	[sflag:s8] =	ssyncset.done @!p6 $0x0  }
0x1dc: {  	p4 =	por p5, p2;
	[sflag:s8] =	ssyncadd.s32 @!p6 $0xFFFFFD80;
	s8 =	simm.s32 @!p6 $0xA  }
0x1dd: {  	[hbm4b:s4+s24] =	stream.linear.scatter @!p6 [tilespmem:s2], [sflag:$0xA], $0x280, $0x38;
	[tilespmem:$0x1B508] =	vst v63  }
.Ltmp4:
0x1de: {  	s1 =	sadd.s32 @!p4 s1, s0;
	_ =	swait.ge @!p6 [sflag:s8], $0x280;
	(pc) =	sbr.rel @p3 .LBB2_9-.Ltmp4, $4  }
0x1df: {  	s2 =	simm.s32 @!p4 $0xEC40;
	s4 =	simm.s32 @!p4 $0x0;
	[sflag:s8] =	ssyncset.done @!p6 $0x0  }
0x1e0: {  	s24 =	simm.s32 @!p4 $0xB;
	[sflag:s8] =	ssyncadd.s32 @!p6 $0xFFFFFD80;
	s8 =	smov.u32 s31  }
0x1e1: {  	[hbm4b:s1+s4] =	stream.linear.scatter @!p4 [tilespmem:s2], [sflag:$0xB], $0x1400, $0x38;
	[tilespmem:$0x1B508] =	vst v63  }
0x1e2: {  	s22 =	sadd.s32 $0x14000, s22;
	p2 =	sgt.u32 s14, $0x7C;
	_ =	swait.ge @!p4 [sflag:s24], $0x1400  }
0x1e3: {  	s1 =	simm.s32 @!p2 $0xEC40;
	[sflag:s24] =	ssyncset.done @!p4 $0x0  }
0x1e4: {  	s2 =	simm.s32 @!p2 $0xB;
	p3 =	seq.s32 @!p2 s8, $0x0;
	[sflag:s24] =	ssyncadd.s32 @!p4 $0xFFFFEC00  }
0x1e5: {  	[tilespmem:s1], [sflag:$0xB] =	stream.linear.gather @!p2 [spmem:s22], $0x1400, $0x38;
	[tilespmem:$0x1B508] =	vst v63  }
0x1e6: {  	p4 =	por !p3, p2;
	_ =	swait.ge @!p2 [sflag:s2], $0x1400  }
0x1e7: {  	s1 =	sadd.s32 @!p4 s23, s26;
	s4 =	simm.s32 @!p4 $0x0;
	[sflag:s2] =	ssyncset.done @!p2 $0x0  }
0x1e8: {  	s8 =	simm.s32 @!p4 $0xB;
	[sflag:s2] =	ssyncadd.s32 @!p2 $0xFFFFEC00;
	s2 =	simm.s32 @!p4 $0xEC40  }
0x1e9: {  	[hbm4b:s1+s4] =	stream.linear.scatter @!p4 [tilespmem:s2], [sflag:$0xB], $0x1400, $0x38;
	[tilespmem:$0x1B508] =	vst v63  }
0x1ea: {  	_ =	swait.ge @!p4 [sflag:s8], $0x1400  }
0x1eb: {  	[sflag:s8] =	ssyncset.done @!p4 $0x0  }
0x1ec: {  	s1 =	simm.s32 @!p4 $0x19F00;
	[sflag:s8] =	ssyncadd.s32 @!p4 $0xFFFFEC00  }
0x1ed: {  	[tilespmem:s1], [sflag:$0xB] =	stream.linear.gather @!p4 [spmem:s25], $0x280, $0x38;
	[tilespmem:$0x1B508] =	vst v63  }
0x1ee: {  	_ =	swait.ge @!p4 [sflag:s8], $0x280  }
0x1ef: {  	[sflag:s8] =	ssyncset.done @!p4 $0x0  }
0x1f0: {  	s2 =	simm.s32 @!p4 $0xA;
	[sflag:s8] =	ssyncadd.s32 @!p4 $0xFFFFFD80  }
0x1f1: {  	[hbm4b:s5+s4] =	stream.linear.scatter @!p4 [tilespmem:s1], [sflag:$0xA], $0x280, $0x38;
	[tilespmem:$0x1B508] =	vst v63  }
0x1f2: {  	p2 =	por p3, p2;
	_ =	swait.ge @!p4 [sflag:s2], $0x280  }
0x1f3: {  	s1 =	sadd.s32 @!p2 s23, s10;
	s4 =	simm.s32 @!p2 $0xEC40;
	[sflag:s2] =	ssyncset.done @!p4 $0x0  }
0x1f4: {  	s5 =	simm.s32 @!p2 $0xB;
	[sflag:s2] =	ssyncadd.s32 @!p4 $0xFFFFFD80;
	s2 =	simm.s32 @!p2 $0x0  }
0x1f5: {  	[hbm4b:s1+s2] =	stream.linear.scatter @!p2 [tilespmem:s4], [sflag:$0xB], $0x1400, $0x38;
	[tilespmem:$0x1B508] =	vst v63  }
0x1f6: {  	_ =	swait.ge @!p2 [sflag:s5], $0x1400  }
0x1f7: {  	s9 =	rddreg [dreg:$0x1c]  }
0x1f8: {  	s25 =	rddreg [dreg:$0xa];
	s9 =	sadd.s32 $0x1, s9  }
0x1f9: {  	p3 =	sne.s32 s9, s25  }
.Ltmp5:
0x1fa: {  	_ = 	snop;
	(pc) =	sbr.rel @p3 .LBB2_1-.Ltmp5, $4  }
0x1fb: {  	_ = 	snop  }
0x1fc: {  	[sflag:s5] =	ssyncset.done @!p2 $0x0  }
0x1fd: {  	s14 =	simm.s32 $0x4E20;
	[sflag:s5] =	ssyncadd.s32 @!p2 $0xFFFFEC00  }
0x1fe: {  	s8 =	simm.s32 $0x0;
	s2 =	simm.s32 $0xA;
	s4 =	rddreg [dreg:$0x3]  }
0x1ff: {  	_ =	sfence.sel $0x180000  }
0x200: {  	[bflag:$0x0] =	sbarrier.arrive $0xFFFF  }
0x201: {  	_ =	strace $0x90000047  }
0x202: {  	s0 =	stileid.u32;
	[bflag:$0x2] =	sbarrier.arrive $0xFFFF  }
0x203: {  	p0 =	sne.s32 s0, $0x0;
	s0 =	rddreg [dreg:$0x4]  }
0x204: {  	s0 =	sadd.s32 @!p0 $0x100000, s0  }
0x205: {  	[sflag:s0] =	ssyncadd.tile.s32 @!p0 $0x1;
	_ =	shalt  }
.Lfunc_end2:
_tile_overlayer_lowered:
.L_overlay_start_2:
0x206: {  	(tag) =	ssettag $0x2  }
0x207: {  	s0 =	rddreg [dreg:$0x0];
	s2 =	stileid.u32  }
0x208: {  	s1 =	rddreg [dreg:$0x1];
	p0 =	sne.s32 s2, $0x0  }
0x209: {  	s3 =	rddreg [dreg:$0x2];
	[bflag:$0x3] =	sbarrier.arrive $0xFFFF;
	s2 =	simm.s32 @!p0 $0x1C0A  }
0x20a: {  	[timem:s3], [sflag:s2] =	dma.local @!p0 [hbm:s0], s1  }
0x20b: {  	s0 =	simm.s32 @!p0 $0xA  }
0x20c: {  	_ =	swait.ge @!p0 [sflag:s0], s1  }
0x20d: {  	s1 =	ssub.s32 @!p0 $0x0, s1;
	[sflag:s0] =	ssyncset.done @!p0 $0x0  }
0x20e: {  	[sflag:s0] =	ssyncadd.s32 @!p0 s1  }
0x20f: {  	[bflag:$0x3] =	sbarrier.arrive $0xFFFF  }
0x210: {  	_ =	shalt  }

// kernel: kernel.9.cloned.1.call-start
scs
__scs_entry_jumppad:
0x0: {  	(pc) =	sbr.rel $0x88, $3  }
0x1: {  	(tag) =	ssettag $0x0;
	lr =	simm.s32 $0x1  }
0x2: {  	[smem:$0x3F99] =	sst lr;
	_ =	strace $0xD0000000  }
0x3: {  	_ = 	snop  }
0x4: {  	_ = 	snop  }
0x5: {  	_ = 	snop  }
0x6: {  	_ = 	snop  }
0x7: {  	_ = 	snop  }
__scs_overlays_trampoline_lowered:
0x8: {  	[smem:$0x3FA8] =	sst s0  }
0x9: {  	[smem:$0x3FA9] =	sst s1  }
0xa: {  	[smem:$0x3FAA] =	sst s2  }
0xb: {  	[smem:$0x3FAB] =	sst s3  }
0xc: {  	[smem:$0x3FAC] =	sst s4  }
0xd: {  	[smem:$0x3FAD] =	sst s5  }
0xe: {  	[smem:$0x3FAE] =	sst s6  }
0xf: {  	[smem:$0x3FAF] =	sst s7  }
0x10: {  	[smem:$0x3FB0] =	sst s8  }
0x11: {  	[smem:$0x3FB1] =	sst s9;
	s0 =	simm.s32 @!p0 $0x0  }
0x12: {  	s1 =	sld [smem:$0x3F97];
	s0 =	simm.s32 @p0 $0x1  }
0x13: {  	[smem:$0x3FB2] =	sst s0;
	s0 =	simm.s32 @!p1 $0x0  }
0x14: {  	s2 =	sld [smem:$0x3F96];
	s0 =	simm.s32 @p1 $0x1  }
0x15: {  	[smem:$0x3FB3] =	sst s0;
	s0 =	simm.s32 @!p2 $0x0  }
0x16: {  	s3 =	sld [smem:$0x3FDB];
	s0 =	simm.s32 @p2 $0x1  }
0x17: {  	s4 =	simm.s32 $0x1BF5;
	[smem:$0x3FB5] =	sst s0  }
0x18: {  	s0 =	sld [smem:$0x3F98];
	_ =	swait.ge [sflag:s4], $0x0  }
0x19: {  	s7 =	sld [smem:$0x3F99]  }
0x1a: {  	s8 =	sadd.s32 $0xFFFFE003, lr  }
0x1b: {  	s9 =	sadd.s32 $0xFFFFFEF7, lr;
	s5 =	simm.s32 $0xFFFFFFFF;
	p2 =	slt.u32 s8, $0xFFFFF086  }
0x1c: {  	p1 =	slt.u32 s9, $0xF7A;
	s5 =	simm.s32 @!p2 $0x0  }
0x1d: {  	s5 =	simm.s32 @p1 $0x1;
	p0 =	seq.s32 s7, s2  }
0x1e: {  	s7 =	smul.u32 @!p0 $0xF7A, s2;
	p2 =	seq.s32 @!p0 s5, $0x0  }
0x1f: {  	s9 =	smul.u32 $0xF7A, s1;
	s8 =	simm.s32 @!p0 $0x1BF5;
	p2 =	por !p2, p0  }
0x20: {  	[sflag:s8] =	ssyncset.s32 @!p0 $0xFFFFF086;
	s6 =	sadd.s32 @!p0 s3, s7;
	s7 =	simm.s32 @!p0 $0x108  }
0x21: {  	s3 =	sadd.s32 s3, s9;
	s6 =	sadd.s32 @!p0 $0x88, s6;
	s7 =	simm.s32 @p2 $0x1082  }
0x22: {  	[simem:s7], [sflag:s8] =	dma.local @!p0 [hbm:s6], $0xF7A  }
0x23: {  	s9 =	sor.u32 $0xD0000000, s2;
	s6 =	simm.s32 $0x108;
	_ =	swait.ge @!p0 [sflag:s8], $0x0  }
0x24: {  	s3 =	sadd.s32 $0x88, s3;
	s6 =	simm.s32 @!p1 $0x1082;
	[sflag:s4] =	ssyncset.s32 $0xFFFFF086  }
0x25: {  	[simem:s6], [sflag:s4] =	dma.local [hbm:s3], $0xF7A  }
0x26: {  	[smem:$0x3F99] =	sst s1;
	(tag) =	ssettag s2;
	_ =	strace s9  }
0x27: {  	s1 =	sld [smem:$0x3FA9]  }
0x28: {  	s2 =	sld [smem:$0x3FAA]  }
0x29: {  	s4 =	sld [smem:$0x3FAC]  }
0x2a: {  	p0 =	seq.s32 s5, $0x0;
	s5 =	sld [smem:$0x3FAD]  }
0x2b: {  	s6 =	sld [smem:$0x3FAE]  }
0x2c: {  	s7 =	sld [smem:$0x3FAF]  }
0x2d: {  	s3 =	simm.s32 $0x108;
	s8 =	sld [smem:$0x3FB0]  }
0x2e: {  	s3 =	simm.s32 @!p0 $0x1082;
	s9 =	sld [smem:$0x3FB1]  }
0x2f: {  	lr =	sadd.s32 s0, s3;
	s0 =	sld [smem:$0x3FA8]  }
0x30: {  	s3 =	sld [smem:$0x3FAB]  }
0x31: {  	[smem:$0x3FB4] =	sst s10  }
0x32: {  	s10 =	sld [smem:$0x3FB2];
	_ =	sdelay $0x3  }
0x33: {  	p0 =	seq.s32 s10, $0x1;
	s10 =	sld [smem:$0x3FB4];
	_ =	sdelay $0x3  }
0x34: {  	[smem:$0x3FB4] =	sst s10  }
0x35: {  	s10 =	sld [smem:$0x3FB3];
	_ =	sdelay $0x3  }
0x36: {  	p1 =	seq.s32 s10, $0x1;
	s10 =	sld [smem:$0x3FB4];
	_ =	sdelay $0x3  }
0x37: {  	[smem:$0x3FB4] =	sst s10  }
0x38: {  	s10 =	sld [smem:$0x3FB5]  }
0x39: {  	_ = 	snop;
	(pc) =	sbr.ind lr, $3  }
0x3a: {  	_ = 	snop  }
0x3b: {  	_ = 	snop  }
0x3c: {  	p2 =	seq.s32 s10, $0x1;
	s10 =	sld [smem:$0x3FB4]  }
0x3d: {  	_ =	shalt  }
0x3e: {  	_ =	shalt  }
0x3f: {  	_ =	shalt  }
0x40: {  	_ =	shalt  }
0x41: {  	_ =	shalt  }
0x42: {  	_ =	shalt  }
0x43: {  	_ =	shalt  }
0x44: {  	_ =	shalt  }
0x45: {  	_ =	shalt  }
0x46: {  	_ =	shalt  }
0x47: {  	_ =	shalt  }
0x48: {  	_ =	shalt  }
0x49: {  	_ =	shalt  }
0x4a: {  	_ =	shalt  }
0x4b: {  	_ =	shalt  }
0x4c: {  	_ =	shalt  }
0x4d: {  	_ =	shalt  }
0x4e: {  	_ =	shalt  }
0x4f: {  	_ =	shalt  }
0x50: {  	_ =	shalt  }
0x51: {  	_ =	shalt  }
0x52: {  	_ =	shalt  }
0x53: {  	_ =	shalt  }
0x54: {  	_ =	shalt  }
0x55: {  	_ =	shalt  }
0x56: {  	_ =	shalt  }
0x57: {  	_ =	shalt  }
0x58: {  	_ =	shalt  }
0x59: {  	_ =	shalt  }
0x5a: {  	_ =	shalt  }
0x5b: {  	_ =	shalt  }
0x5c: {  	_ =	shalt  }
0x5d: {  	_ =	shalt  }
0x5e: {  	_ =	shalt  }
0x5f: {  	_ =	shalt  }
0x60: {  	_ =	shalt  }
0x61: {  	_ =	shalt  }
0x62: {  	_ =	shalt  }
0x63: {  	_ =	shalt  }
0x64: {  	_ =	shalt  }
0x65: {  	_ =	shalt  }
0x66: {  	_ =	shalt  }
0x67: {  	_ =	shalt  }
0x68: {  	_ =	shalt  }
0x69: {  	_ =	shalt  }
0x6a: {  	_ =	shalt  }
0x6b: {  	_ =	shalt  }
0x6c: {  	_ =	shalt  }
0x6d: {  	_ =	shalt  }
0x6e: {  	_ =	shalt  }
0x6f: {  	_ =	shalt  }
0x70: {  	_ =	shalt  }
0x71: {  	_ =	shalt  }
0x72: {  	_ =	shalt  }
0x73: {  	_ =	shalt  }
0x74: {  	_ =	shalt  }
0x75: {  	_ =	shalt  }
0x76: {  	_ =	shalt  }
0x77: {  	_ =	shalt  }
0x78: {  	_ =	shalt  }
0x79: {  	_ =	shalt  }
0x7a: {  	_ =	shalt  }
0x7b: {  	_ =	shalt  }
0x7c: {  	_ =	shalt  }
0x7d: {  	_ =	shalt  }
0x7e: {  	_ =	shalt  }
0x7f: {  	_ =	shalt  }
0x80: {  	_ =	shalt  }
0x81: {  	_ =	shalt  }
0x82: {  	_ =	shalt  }
0x83: {  	_ =	shalt  }
0x84: {  	_ =	shalt  }
0x85: {  	_ =	shalt  }
0x86: {  	_ =	shalt  }
0x87: {  	_ =	shalt  }
.Lfunc_end0:
.L_simem_size_0:
called_computation.1_lowered:
.L_overlay_start_0:
0x88: {  	s2 =	sld [smem:$0x3FD9]  }
0x89: {  	s3 =	sld [smem:$0x3FFE];
	_ =	sdelay $0x1  }
0x8a: {  	s1 =	srdreg.scid  }
0x8b: {  	s0 =	sand.u32 $0x1, s1  }
0x8c: {  	s16 =	sshll.u32 s0, $0xA;
	s2 =	sadd.s32 s3, s2  }
0x8d: {  	s2 =	sadd.s32 s2, s16  }
0x8e: {  	[smem:$0x3FC0] =	sst s2  }
0x8f: {  	_ = 	snop  }
0x90: {  	(tm) =	ssettm $0x1  }
0x91: {  	s17 =	sld [smem:$0x3FFB];
	_ =	sdelay $0x3  }
0x92: {  	_ =	strace s17  }
0x93: {  	s2 =	sld [smem:$0x3FFC];
	_ =	sdelay $0x3  }
0x94: {  	_ =	strace s2  }
0x95: {  	s2 =	sld [smem:$0x3FFD];
	_ =	sdelay $0x3  }
0x96: {  	_ =	strace s2  }
0x97: {  	_ =	strace $0x8FFFFFFF  }
0x98: {  	s18 =	sld [smem:$0x3FDB];
	_ =	sdelay $0x1  }
0x99: {  	s19 =	simm.s32 $_scs_section_size  }
0x9a: {  	s4 =	simm.s32 $_size__tile_overlayer_lowered;
	s5 =	simm.s32 $_tile_overlayer_lowered  }
0x9b: {  	s22 =	simm.s32 $0x1BFF;
	s21 =	sshll.u32 s5, $0x1;
	s2 =	sadd.s32 s19, s18  }
0x9c: {  	s6 =	simm.s32 $0x0;
	s20 =	sshll.u32 s4, $0x1;
	s4 =	sadd.s32 s21, s2  }
0x9d: {  	[timem:s6], [sflag:s22] =	dma.local [hbm:s4], s20  }
0x9e: {  	_ =	swait.ge [sflag:s22], s20  }
0x9f: {  	s3 =	ssub.s32 $0x0, s20;
	[sflag:s22] =	ssyncset.done $0x0  }
0xa0: {  	[sflag:s22] =	ssyncadd.s32 s3;
	_ =	sdelay $0x1  }
0xa1: {  	s23 =	simm.s32 $0x1B8B  }
0xa2: {  	_ =	swait.ge [sflag:s23], $0x1  }
0xa3: {  	[sflag:s23] =	ssyncset.done $0x0  }
0xa4: {  	s25 =	simm.s32 $0x1B8E;
	s24 =	sld [smem:$0x3FFE];
	[sflag:s23] =	ssyncadd.s32 $0xFFFFFFFF  }
0xa5: {  	s26 =	simm.s32 $execute0_lowered;
	[smem:$0x3FD2] =	sst s25  }
0xa6: {  	s4 =	sshll.u32 s26, $0x1;
	_ =	strace $0x80000049;
	[dreg:$0x1] =	wrdreg $0xFFFFFFFF  }
0xa7: {  	s28 =	simm.s32 $_size_execute0_lowered;
	s2 =	sadd.s32 s2, s4;
	[dreg:$0x0] =	wrdreg $0x0  }
0xa8: {  	s4 =	sshll.u32 s28, $0x1;
	[dreg:$0x2] =	wrdreg s2  }
0xa9: {  	[dreg:$0x3] =	wrdreg s4  }
0xaa: {  	[dreg:$0x4] =	wrdreg $0xC0  }
0xab: {  	_ =	task [dreg:s6], $0x5FFFF  }
0xac: {  	[dreg:$0x1] =	wrdreg $0xFFFFFFFF  }
0xad: {  	[dreg:$0x0] =	wrdreg $0x60  }
0xae: {  	[dreg:$0x2] =	wrdreg s24  }
0xaf: {  	[dreg:$0x3] =	wrdreg $0x100400  }
0xb0: {  	[dreg:$0x4] =	wrdreg $0x9  }
0xb1: {  	_ =	task.clear_ibuf [dreg:s6], $0x5FFFF;
	_ =	strace $0x90000049  }
0xb2: {  	s29 =	simm.s32 $0x9;
	_ =	strace $0x8000004B  }
0xb3: {  	_ =	swait.ge [sflag:s29], $0x1  }
0xb4: {  	[sflag:s29] =	ssyncadd.s32 $0xFFFFFFFF  }
0xb5: {  	_ =	strace $0x9000004B  }
0xb6: {  	_ =	sfence  }
0xb7: {  	s30 =	sld [smem:$0x0];
	_ =	sdelay $0x2  }
0xb8: {  	s31 =	sshll.u32 s1, $0xD;
	s1 =	sshrl.u32 s1, $0x2  }
0xb9: {  	s3 =	sand.u32 $0x4000, s31;
	s1 =	sadd.s32 s1, s30  }
0xba: {  	s0 =	sor.u32 s3, s0;
	s1 =	sshll.u32 s1, $0x11  }
0xbb: {  	s0 =	sor.u32 s1, s0  }
0xbc: {  	s0 =	sadd.s32 $0x8F2B, s0  }
0xbd: {  	[sflag:s0] =	ssyncadd.remote.s32 $0x1  }
0xbe: {  	_ =	sfence.sel $0xFFFF  }
0xbf: {  	[dreg:$0x0] =	wrdreg $0xFFFFFFFF;
	(pc) =	sbr.abs _section_cstart, $3  }
0xc0: {  	[dreg:$0x1] =	wrdreg $0xFFFFFFFF  }
0xc1: {  	_ =	task.clear_ibuf [dreg:s6], $0x2FFFF;
	_ =	strace $0x9FFFFFFF  }
0xc2: {  	(tm) =	ssettm $0x7FFFFFFF  }
0xc3: {  	_ =	shalt  }
tec
execute0_lowered:
.L_overlay_start_1:
0x0: {  	(tag) =	ssettag $0x1  }
0x1: {  	s0 =	rddreg [dreg:$0x0]  }
0x2: {  	s1 =	rddreg [dreg:$0x1];
	s3 =	srdreg.scid  }
0x3: {  	s2 =	simm.s32 $0x0;
	s18 =	stileid.u32;
	s7 =	simm.s32 $0x9FC00  }
0x4: {  	s28 =	simm.s32 $0x4E20;
	s3 =	sand.u32 $0x1, s3;
	s6 =	smul.u32 $0x1400, s18  }
0x5: {  	[smem:$0x7FF] =	sst s2;
	s8 =	smul.u32 $0x9C4, s18;
	s10 =	sor.u32 $0x70, s18  }
0x6: {  	s29 =	smul.u32 $0x5000, s18;
	s4 =	ssub.s32 $0x2, s3;
	_ =	strace $0x8000004A  }
0x7: {  	p0 =	seq.s32 s3, $0x0;
	p1 =	sne.s32 s3, $0x0;
	p2 =	sgt.u32 s10, $0x7C  }
0x8: {  	s5 =	sshrl.u32 s4, $0x1;
	s7 =	simm.s32 @!p0 $0x8C200;
	s17 =	sshrl.u32 s6, $0x3  }
0x9: {  	s9 =	sadd.s32 $0x14000, s6;
	s11 =	sadd.s32 $0x3C000, s6;
	s14 =	sadd.s32 $0x50000, s6  }
0xa: {  	s15 =	sadd.s32 $0x64000, s6;
	s16 =	sadd.s32 $0x78000, s6;
	s26 =	sadd.s32 s8, s0  }
0xb: {  	s18 =	sshrl.u32 s29, $0x2;
	s4 =	ssub.s32 s4, s5;
	s7 =	sadd.s32 s7, s0  }
0xc: {  	s19 =	sshrl.u32 s9, $0x3;
	s13 =	sshrl.u32 s11, $0x3;
	s21 =	sshrl.u32 s14, $0x3  }
0xd: {  	s22 =	sshrl.u32 s15, $0x3;
	s23 =	sshrl.u32 s16, $0x3;
	s8 =	sadd.s32 $0xC600, s26  }
0xe: {  	s3 =	sadd.s32 $0x2800, s26;
	s18 =	sadd.s32 s18, s1;
	s5 =	sadd.s32 s7, s17  }
0xf: {  	s20 =	sadd.s32 s7, s13;
	s17 =	smul.u32 $0x1400, s10;
	[dreg:$0xc] =	wrdreg s8  }
0x10: {  	s24 =	sadd.s32 s7, s23;
	s13 =	sadd.s32 $0x78800, s0;
	[dreg:$0xd] =	wrdreg s3  }
0x11: {  	s10 =	smul.u32 $0x5000, s10;
	s4 =	smax.u32 s4, $0x1;
	[dreg:$0x3] =	wrdreg s5  }
0x12: {  	s23 =	sadd.s32 s14, s1;
	s29 =	sadd.s32 $0x14000, s18;
	[dreg:$0x6] =	wrdreg s20  }
0x13: {  	s30 =	sadd.s32 $0x28000, s18;
	s31 =	sadd.s32 $0x3C000, s18;
	[dreg:$0x9] =	wrdreg s24  }
0x14: {  	s3 =	sadd.s32 $0x64000, s18;
	s8 =	simm.s32 $0x50;
	[dreg:$0xe] =	wrdreg s4  }
0x15: {  	s14 =	simm.s32 $0xC440;
	s5 =	sadd.s32 s7, s19;
	[dreg:$0x14] =	wrdreg s23  }
0x16: {  	s19 =	sadd.s32 s6, s1;
	s20 =	sadd.s32 s9, s1;
	[dreg:$0x18] =	wrdreg s29  }
0x17: {  	s24 =	sadd.s32 s15, s1;
	s4 =	sadd.s32 $0x78000, s18;
	[dreg:$0x4] =	wrdreg s5  }
0x18: {  	s9 =	simm.s32 $0x9C40;
	s15 =	simm.s32 $0x2;
	[dreg:$0x10] =	wrdreg s19  }
0x19: {  	s23 =	simm.s32 $0x8;
	s5 =	sadd.s32 $0x28000, s6;
	[dreg:$0x11] =	wrdreg s20  }
0x1a: {  	s25 =	sshrl.u32 s17, $0x3;
	[dreg:$0x15] =	wrdreg s24;
	s26 =	sadd.s32 s17, s1  }
0x1b: {  	s17 =	simm.s32 $0x3;
	s19 =	simm.s32 $0x5;
	s12 =	sshrl.u32 s5, $0x3  }
0x1c: {  	s20 =	simm.s32 $0x4;
	[dreg:$0x17] =	wrdreg s26;
	s12 =	sadd.s32 s7, s12  }
0x1d: {  	s24 =	simm.s32 $0xA;
	[dreg:$0x5] =	wrdreg s12;
	s12 =	sadd.s32 s7, s21  }
0x1e: {  	s21 =	sadd.s32 s5, s1;
	s5 =	simm.s32 $0x9;
	[dreg:$0x7] =	wrdreg s12  }
0x1f: {  	s12 =	sadd.s32 s7, s22;
	s7 =	sadd.s32 s7, s25;
	[dreg:$0x12] =	wrdreg s21  }
0x20: {  	s22 =	sadd.s32 s11, s1;
	s25 =	sadd.s32 s16, s1;
	[dreg:$0x8] =	wrdreg s12  }
0x21: {  	s11 =	simm.s32 $0x1;
	s16 =	simm.s32 $0xD840;
	[dreg:$0xa] =	wrdreg s7  }
.Ltmp0:
0x22: {  	s21 =	simm.s32 $0x6;
	[dreg:$0x13] =	wrdreg s22;
	(pc) =	sbr.rel .LBB2_1-.Ltmp0, $4  }
0x23: {  	s12 =	sadd.s32 $0x16400, s0;
	s0 =	sadd.s32 $0x2A200, s0;
	[dreg:$0x16] =	wrdreg s25  }
0x24: {  	s7 =	simm.s32 $0xEC40;
	[dreg:$0xb] =	wrdreg s0;
	s0 =	sshrl.u32 s10, $0x2  }
0x25: {  	s22 =	simm.s32 $0x7;
	s25 =	simm.s32 $0x0;
	s0 =	sadd.s32 s0, s1  }
0x26: {  	s10 =	simm.s32 $0xB040;
	[dreg:$0xf] =	wrdreg s0;
	s0 =	sadd.s32 $0x50000, s18  }
.LBB2_7:
0x27: {  	[tilespmem:s10], [sflag:$0x2] =	stream.indirect.gather [hbm4b:s13+s8], $0x40, s28, s8, $0xb8;
	[tilespmem:$0x19C80] =	vst v63  }
.LBB2_8:
0x28: {  	_ =	swait.ge [sflag:s11], $0x1400  }
0x29: {  	[sflag:s11] =	ssyncset.done $0x0  }
0x2a: {  	s6 =	simm.s32 $0x9BA0;
	[sflag:s11] =	ssyncadd.s32 $0xFFFFEC00  }
0x2b: {  	[spmem:s1] =	stream.indirect.scatter.add.f32 [tilespmem:s9], [sflag:$0x5], $0x40, s6, s8, $0xb8;
	[tilespmem:$0x19C80] =	vst v63  }
0x2c: {  	_ =	swait.ge [sflag:s15], $0x1400  }
0x2d: {  	[sflag:s15] =	ssyncset.done $0x0  }
0x2e: {  	s29 =	simm.s32 $0x9BF0;
	[sflag:s15] =	ssyncadd.s32 $0xFFFFEC00  }
0x2f: {  	[spmem:s1] =	stream.indirect.scatter.add.f32 [tilespmem:s10], [sflag:$0x6], $0x40, s29, s8, $0xb8;
	[tilespmem:$0x19C80] =	vst v63  }
0x30: {  	_ =	swait.ge [sflag:s22], $0x1400  }
0x31: {  	[sflag:s22] =	ssyncset.done $0x0  }
0x32: {  	[sflag:s22] =	ssyncadd.s32 $0xFFFFEC00  }
0x33: {  	_ =	swait.ge [sflag:s23], $0x1400  }
0x34: {  	[sflag:s23] =	ssyncset.done $0x0  }
0x35: {  	[sflag:s23] =	ssyncadd.s32 $0xFFFFEC00  }
0x36: {  	_ =	swait.ge [sflag:s19], $0x1400  }
0x37: {  	[sflag:s19] =	ssyncset.done $0x0  }
0x38: {  	[sflag:s19] =	ssyncadd.s32 $0xFFFFEC00  }
0x39: {  	_ =	swait.ge [sflag:s21], $0x1400  }
0x3a: {  	[sflag:s21] =	ssyncset.done $0x0  }
0x3b: {  	[sflag:s21] =	ssyncadd.s32 $0xFFFFEC00  }
0x3c: {  	[bflag:$0x0] =	sbarrier.arrive $0xFFFF  }
0x3d: {  	s26 =	rddreg [dreg:$0x10]  }
0x3e: {  	[tilespmem:s7], [sflag:$0xA] =	stream.linear.gather [spmem:s26], $0x1400, $0x38;
	[tilespmem:$0x19C80] =	vst v63  }
0x3f: {  	_ =	swait.ge [sflag:s24], $0x1400  }
0x40: {  	s26 =	simm.s32 $0xA;
	[sflag:s24] =	ssyncset.done $0x0  }
0x41: {  	s26 =	simm.s32 @!p0 $0x9;
	s29 =	rddreg [dreg:$0x3];
	[sflag:s24] =	ssyncadd.s32 $0xFFFFEC00  }
0x42: {  	[hbm4b:s29+s2] =	stream.linear.scatter [tilespmem:s7], [sflag:s26], $0x1400, $0x38;
	[tilespmem:$0x19C80] =	vst v63  }
0x43: {  	_ =	swait.ge [sflag:s26], $0x1400  }
0x44: {  	[sflag:s26] =	ssyncset.done $0x0  }
0x45: {  	s29 =	rddreg [dreg:$0x11];
	[sflag:s26] =	ssyncadd.s32 $0xFFFFEC00  }
0x46: {  	[tilespmem:s7], [sflag:$0xA] =	stream.linear.gather [spmem:s29], $0x1400, $0x38;
	[tilespmem:$0x19C80] =	vst v63  }
0x47: {  	_ =	swait.ge [sflag:s24], $0x1400  }
0x48: {  	[sflag:s24] =	ssyncset.done $0x0  }
0x49: {  	s29 =	rddreg [dreg:$0x4];
	[sflag:s24] =	ssyncadd.s32 $0xFFFFEC00  }
0x4a: {  	[hbm4b:s29+s2] =	stream.linear.scatter [tilespmem:s7], [sflag:s26], $0x1400, $0x38;
	[tilespmem:$0x19C80] =	vst v63  }
0x4b: {  	_ =	swait.ge [sflag:s26], $0x1400  }
0x4c: {  	[sflag:s26] =	ssyncset.done $0x0  }
0x4d: {  	s29 =	rddreg [dreg:$0x12];
	[sflag:s26] =	ssyncadd.s32 $0xFFFFEC00  }
0x4e: {  	[tilespmem:s7], [sflag:$0xA] =	stream.linear.gather [spmem:s29], $0x1400, $0x38;
	[tilespmem:$0x19C80] =	vst v63  }
0x4f: {  	_ =	swait.ge [sflag:s24], $0x1400  }
0x50: {  	[sflag:s24] =	ssyncset.done $0x0  }
0x51: {  	s29 =	rddreg [dreg:$0x5];
	[sflag:s24] =	ssyncadd.s32 $0xFFFFEC00  }
0x52: {  	[hbm4b:s29+s2] =	stream.linear.scatter [tilespmem:s7], [sflag:s26], $0x1400, $0x38;
	[tilespmem:$0x19C80] =	vst v63  }
0x53: {  	_ =	swait.ge [sflag:s26], $0x1400  }
0x54: {  	[sflag:s26] =	ssyncset.done $0x0  }
0x55: {  	s29 =	rddreg [dreg:$0x13];
	[sflag:s26] =	ssyncadd.s32 $0xFFFFEC00  }
0x56: {  	[tilespmem:s7], [sflag:$0xA] =	stream.linear.gather [spmem:s29], $0x1400, $0x38;
	[tilespmem:$0x19C80] =	vst v63  }
0x57: {  	_ =	swait.ge [sflag:s24], $0x1400  }
0x58: {  	[sflag:s24] =	ssyncset.done $0x0  }
0x59: {  	s29 =	rddreg [dreg:$0x6];
	[sflag:s24] =	ssyncadd.s32 $0xFFFFEC00  }
0x5a: {  	[hbm4b:s29+s2] =	stream.linear.scatter [tilespmem:s7], [sflag:s26], $0x1400, $0x38;
	[tilespmem:$0x19C80] =	vst v63  }
0x5b: {  	_ =	swait.ge [sflag:s26], $0x1400  }
0x5c: {  	[sflag:s26] =	ssyncset.done $0x0  }
0x5d: {  	s29 =	rddreg [dreg:$0x14];
	[sflag:s26] =	ssyncadd.s32 $0xFFFFEC00  }
0x5e: {  	[tilespmem:s7], [sflag:$0xA] =	stream.linear.gather [spmem:s29], $0x1400, $0x38;
	[tilespmem:$0x19C80] =	vst v63  }
0x5f: {  	_ =	swait.ge [sflag:s24], $0x1400  }
0x60: {  	[sflag:s24] =	ssyncset.done $0x0  }
0x61: {  	s29 =	rddreg [dreg:$0x7];
	[sflag:s24] =	ssyncadd.s32 $0xFFFFEC00  }
0x62: {  	[hbm4b:s29+s2] =	stream.linear.scatter [tilespmem:s7], [sflag:s26], $0x1400, $0x38;
	[tilespmem:$0x19C80] =	vst v63  }
0x63: {  	_ =	swait.ge [sflag:s26], $0x1400  }
0x64: {  	[sflag:s26] =	ssyncset.done $0x0  }
0x65: {  	s29 =	rddreg [dreg:$0x15];
	[sflag:s26] =	ssyncadd.s32 $0xFFFFEC00  }
0x66: {  	[tilespmem:s7], [sflag:$0xA] =	stream.linear.gather [spmem:s29], $0x1400, $0x38;
	[tilespmem:$0x19C80] =	vst v63  }
0x67: {  	_ =	swait.ge [sflag:s24], $0x1400  }
0x68: {  	[sflag:s24] =	ssyncset.done $0x0  }
0x69: {  	s29 =	rddreg [dreg:$0x8];
	[sflag:s24] =	ssyncadd.s32 $0xFFFFEC00  }
0x6a: {  	[hbm4b:s29+s2] =	stream.linear.scatter [tilespmem:s7], [sflag:s26], $0x1400, $0x38;
	[tilespmem:$0x19C80] =	vst v63  }
0x6b: {  	_ =	swait.ge [sflag:s26], $0x1400  }
0x6c: {  	[sflag:s26] =	ssyncset.done $0x0  }
0x6d: {  	s29 =	rddreg [dreg:$0x16];
	[sflag:s26] =	ssyncadd.s32 $0xFFFFEC00  }
0x6e: {  	[tilespmem:s7], [sflag:$0xA] =	stream.linear.gather [spmem:s29], $0x1400, $0x38;
	[tilespmem:$0x19C80] =	vst v63  }
0x6f: {  	_ =	swait.ge [sflag:s24], $0x1400  }
0x70: {  	[sflag:s24] =	ssyncset.done $0x0  }
0x71: {  	s29 =	rddreg [dreg:$0x9];
	[sflag:s24] =	ssyncadd.s32 $0xFFFFEC00  }
0x72: {  	[hbm4b:s29+s2] =	stream.linear.scatter [tilespmem:s7], [sflag:s26], $0x1400, $0x38;
	[tilespmem:$0x19C80] =	vst v63  }
0x73: {  	_ =	swait.ge [sflag:s26], $0x1400  }
0x74: {  	[sflag:s26] =	ssyncset.done $0x0  }
0x75: {  	s6 =	simm.s32 @!p2 $0xEC40;
	s28 =	rddreg [dreg:$0x17];
	[sflag:s26] =	ssyncadd.s32 $0xFFFFEC00  }
0x76: {  	[tilespmem:s6], [sflag:$0xA] =	stream.linear.gather @!p2 [spmem:s28], $0x1400, $0x38;
	[tilespmem:$0x19C80] =	vst v63  }
0x77: {  	s28 =	simm.s32 @!p2 $0xA  }
0x78: {  	_ =	swait.ge @!p2 [sflag:s28], $0x1400  }
0x79: {  	[sflag:s28] =	ssyncset.done @!p2 $0x0  }
0x7a: {  	s29 =	rddreg [dreg:$0xa];
	[sflag:s28] =	ssyncadd.s32 @!p2 $0xFFFFEC00;
	s28 =	simm.s32 @!p2 $0x0  }
0x7b: {  	[hbm4b:s29+s28] =	stream.linear.scatter @!p2 [tilespmem:s6], [sflag:s26], $0x1400, $0x38;
	[tilespmem:$0x19C80] =	vst v63  }
0x7c: {  	_ =	swait.ge @!p2 [sflag:s26], $0x1400  }
0x7d: {  	s25 =	sadd.s32 $0x1, s25;
	s29 =	rddreg [dreg:$0xe]  }
0x7e: {  	p3 =	sne.s32 s25, s29  }
.Ltmp1:
0x7f: {  	_ = 	snop;
	(pc) =	sbr.rel @!p3 .LBB2_9-.Ltmp1, $3  }
0x80: {  	_ =	sdelay $0x1  }
0x81: {  	[sflag:s26] =	ssyncset.done @!p2 $0x0  }
0x82: {  	s28 =	simm.s32 $0x4E20;
	[sflag:s26] =	ssyncadd.s32 @!p2 $0xFFFFEC00  }
.LBB2_1:
0x83: {  	s6 =	rddreg [dreg:$0xc]  }
0x84: {  	[tilespmem:s2], [sflag:$0x9] =	stream.linear.gather [hbm4b:s6+s2], $0x4E20, $0x38;
	[tilespmem:$0x19C80] =	vst v63  }
0x85: {  	_ =	swait.ge [sflag:s5], $0x4E20  }
0x86: {  	[sflag:s5] =	ssyncset.done $0x0  }
0x87: {  	s29 =	rddreg [dreg:$0xd];
	[sflag:s5] =	ssyncadd.s32 $0xFFFFB1E0  }
0x88: {  	[tilespmem:s28], [sflag:$0x9] =	stream.linear.gather [hbm4b:s29+s2], $0x4E20, $0x38;
	[tilespmem:$0x19C80] =	vst v63  }
0x89: {  	_ =	swait.ge [sflag:s5], $0x4E20  }
0x8a: {  	[sflag:s5] =	ssyncset.done $0x0  }
0x8b: {  	s26 =	rddreg [dreg:$0xb];
	[sflag:s5] =	ssyncadd.s32 $0xFFFFB1E0  }
0x8c: {  	[tilespmem:s7], [sflag:$0x9] =	stream.linear.gather [hbm4b:s26+s2], $0x1400, $0x38;
	[tilespmem:$0x19C80] =	vst v63  }
0x8d: {  	_ =	swait.ge [sflag:s5], $0x1400  }
0x8e: {  	[sflag:s5] =	ssyncset.done $0x0  }
0x8f: {  	[sflag:s5] =	ssyncadd.s32 $0xFFFFEC00  }
0x90: {  	[spmem:s18] =	stream.linear.scatter [tilespmem:s7], [sflag:$0x9], $0x1400, $0x38;
	[tilespmem:$0x19C80] =	vst v63  }
0x91: {  	_ =	swait.ge [sflag:s5], $0x1400  }
0x92: {  	[sflag:s5] =	ssyncset.done $0x0  }
0x93: {  	s29 =	rddreg [dreg:$0x18];
	[sflag:s5] =	ssyncadd.s32 $0xFFFFEC00  }
0x94: {  	[spmem:s29] =	stream.linear.scatter [tilespmem:s7], [sflag:$0x9], $0x1400, $0x38;
	[tilespmem:$0x19C80] =	vst v63  }
0x95: {  	_ =	swait.ge [sflag:s5], $0x1400  }
0x96: {  	[sflag:s5] =	ssyncset.done $0x0  }
0x97: {  	[sflag:s5] =	ssyncadd.s32 $0xFFFFEC00  }
0x98: {  	[spmem:s30] =	stream.linear.scatter [tilespmem:s7], [sflag:$0x9], $0x1400, $0x38;
	[tilespmem:$0x19C80] =	vst v63  }
0x99: {  	_ =	swait.ge [sflag:s5], $0x1400  }
0x9a: {  	[sflag:s5] =	ssyncset.done $0x0  }
0x9b: {  	[sflag:s5] =	ssyncadd.s32 $0xFFFFEC00  }
0x9c: {  	[spmem:s31] =	stream.linear.scatter [tilespmem:s7], [sflag:$0x9], $0x1400, $0x38;
	[tilespmem:$0x19C80] =	vst v63  }
0x9d: {  	_ =	swait.ge [sflag:s5], $0x1400  }
0x9e: {  	[sflag:s5] =	ssyncset.done $0x0  }
0x9f: {  	[sflag:s5] =	ssyncadd.s32 $0xFFFFEC00  }
0xa0: {  	[spmem:s0] =	stream.linear.scatter [tilespmem:s7], [sflag:$0x9], $0x1400, $0x38;
	[tilespmem:$0x19C80] =	vst v63  }
0xa1: {  	_ =	swait.ge [sflag:s5], $0x1400  }
0xa2: {  	[sflag:s5] =	ssyncset.done $0x0  }
0xa3: {  	[sflag:s5] =	ssyncadd.s32 $0xFFFFEC00  }
0xa4: {  	[spmem:s3] =	stream.linear.scatter [tilespmem:s7], [sflag:$0x9], $0x1400, $0x38;
	[tilespmem:$0x19C80] =	vst v63  }
0xa5: {  	_ =	swait.ge [sflag:s5], $0x1400  }
0xa6: {  	[sflag:s5] =	ssyncset.done $0x0  }
0xa7: {  	[sflag:s5] =	ssyncadd.s32 $0xFFFFEC00  }
0xa8: {  	[spmem:s4] =	stream.linear.scatter [tilespmem:s7], [sflag:$0x9], $0x1400, $0x38;
	[tilespmem:$0x19C80] =	vst v63  }
0xa9: {  	_ =	swait.ge [sflag:s5], $0x1400  }
0xaa: {  	[sflag:s5] =	ssyncset.done $0x0  }
0xab: {  	s26 =	simm.s32 @!p2 $0xEC40;
	s6 =	rddreg [dreg:$0xf];
	[sflag:s5] =	ssyncadd.s32 $0xFFFFEC00  }
0xac: {  	[spmem:s6] =	stream.linear.scatter @!p2 [tilespmem:s26], [sflag:$0x9], $0x1400, $0x38;
	[tilespmem:$0x19C80] =	vst v63  }
0xad: {  	s26 =	simm.s32 @!p2 $0x9  }
.Ltmp2:
0xae: {  	_ =	swait.ge @!p2 [sflag:s26], $0x1400;
	(pc) =	sbr.rel @p1 .LBB2_5-.Ltmp2, $3  }
0xaf: {  	[sflag:s26] =	ssyncset.done @!p2 $0x0  }
0xb0: {  	[sflag:s26] =	ssyncadd.s32 @!p2 $0xFFFFEC00  }
0xb1: {  	[bflag:$0x0] =	sbarrier.arrive $0xFFFF;
	_ =	sdelay $0x1  }
0xb2: {  	s26 =	simm.s32 $0x0  }
0xb3: {  	[tilespmem:s9], [sflag:$0x1] =	stream.indirect.gather [hbm4b:s12+s8], $0x40, s26, s8, $0xb8;
	[tilespmem:$0x19C80] =	vst v63  }
0xb4: {  	_ = 	snop  }
0xb5: {  	[tilespmem:s10], [sflag:$0x2] =	stream.indirect.gather [hbm4b:s12+s8], $0x40, s8, s8, $0xb8;
	[tilespmem:$0x19C80] =	vst v63  }
0xb6: {  	_ =	swait.ge [sflag:s11], $0x1400  }
0xb7: {  	[sflag:s11] =	ssyncset.done $0x0  }
0xb8: {  	[sflag:s11] =	ssyncadd.s32 $0xFFFFEC00  }
0xb9: {  	[spmem:s1] =	stream.indirect.scatter.add.f32 [tilespmem:s9], [sflag:$0x5], $0x40, s28, s8, $0xb8;
	[tilespmem:$0x19C80] =	vst v63  }
0xba: {  	s6 =	simm.s32 $0xA0  }
0xbb: {  	[tilespmem:s14], [sflag:$0x3] =	stream.indirect.gather [hbm4b:s12+s8], $0x40, s6, s8, $0xb8;
	[tilespmem:$0x19C80] =	vst v63  }
0xbc: {  	_ =	swait.ge [sflag:s15], $0x1400  }
0xbd: {  	[sflag:s15] =	ssyncset.done $0x0  }
0xbe: {  	s29 =	simm.s32 $0x4E70;
	[sflag:s15] =	ssyncadd.s32 $0xFFFFEC00  }
0xbf: {  	[spmem:s1] =	stream.indirect.scatter.add.f32 [tilespmem:s10], [sflag:$0x6], $0x40, s29, s8, $0xb8;
	[tilespmem:$0x19C80] =	vst v63  }
0xc0: {  	s26 =	simm.s32 $0xF0  }
0xc1: {  	[tilespmem:s16], [sflag:$0x4] =	stream.indirect.gather [hbm4b:s12+s8], $0x40, s26, s8, $0xb8;
	[tilespmem:$0x19C80] =	vst v63  }
0xc2: {  	_ =	swait.ge [sflag:s17], $0x1400  }
0xc3: {  	[sflag:s17] =	ssyncset.done $0x0  }
0xc4: {  	s29 =	simm.s32 $0x4EC0;
	[sflag:s17] =	ssyncadd.s32 $0xFFFFEC00  }
0xc5: {  	[spmem:s1] =	stream.indirect.scatter.add.f32 [tilespmem:s14], [sflag:$0x7], $0x40, s29, s8, $0xb8;
	[tilespmem:$0x19C80] =	vst v63  }
0xc6: {  	_ =	swait.ge [sflag:s19], $0x1400  }
0xc7: {  	[sflag:s19] =	ssyncset.done $0x0  }
0xc8: {  	s26 =	simm.s32 $0x140;
	[sflag:s19] =	ssyncadd.s32 $0xFFFFEC00  }
0xc9: {  	[tilespmem:s9], [sflag:$0x1] =	stream.indirect.gather [hbm4b:s12+s8], $0x40, s26, s8, $0xb8;
	[tilespmem:$0x19C80] =	vst v63  }
0xca: {  	_ =	swait.ge [sflag:s20], $0x1400  }
0xcb: {  	[sflag:s20] =	ssyncset.done $0x0  }
0xcc: {  	s29 =	simm.s32 $0x4F10;
	[sflag:s20] =	ssyncadd.s32 $0xFFFFEC00  }
0xcd: {  	[spmem:s1] =	stream.indirect.scatter.add.f32 [tilespmem:s16], [sflag:$0x8], $0x40, s29, s8, $0xb8;
	[tilespmem:$0x19C80] =	vst v63  }
0xce: {  	_ =	swait.ge [sflag:s21], $0x1400  }
0xcf: {  	[sflag:s21] =	ssyncset.done $0x0  }
0xd0: {  	s26 =	simm.s32 $0x190;
	[sflag:s21] =	ssyncadd.s32 $0xFFFFEC00  }
0xd1: {  	[tilespmem:s10], [sflag:$0x2] =	stream.indirect.gather [hbm4b:s12+s8], $0x40, s26, s8, $0xb8;
	[tilespmem:$0x19C80] =	vst v63  }
0xd2: {  	_ =	swait.ge [sflag:s11], $0x1400  }
0xd3: {  	[sflag:s11] =	ssyncset.done $0x0  }
0xd4: {  	s29 =	simm.s32 $0x4F60;
	[sflag:s11] =	ssyncadd.s32 $0xFFFFEC00  }
0xd5: {  	[spmem:s1] =	stream.indirect.scatter.add.f32 [tilespmem:s9], [sflag:$0x5], $0x40, s29, s8, $0xb8;
	[tilespmem:$0x19C80] =	vst v63  }
0xd6: {  	_ =	swait.ge [sflag:s22], $0x1400  }
0xd7: {  	[sflag:s22] =	ssyncset.done $0x0  }
0xd8: {  	s6 =	simm.s32 $0x1E0;
	[sflag:s22] =	ssyncadd.s32 $0xFFFFEC00  }
0xd9: {  	[tilespmem:s14], [sflag:$0x3] =	stream.indirect.gather [hbm4b:s12+s8], $0x40, s6, s8, $0xb8;
	[tilespmem:$0x19C80] =	vst v63  }
0xda: {  	_ =	swait.ge [sflag:s15], $0x1400  }
0xdb: {  	[sflag:s15] =	ssyncset.done $0x0  }
0xdc: {  	s29 =	simm.s32 $0x4FB0;
	[sflag:s15] =	ssyncadd.s32 $0xFFFFEC00  }
0xdd: {  	[spmem:s1] =	stream.indirect.scatter.add.f32 [tilespmem:s10], [sflag:$0x6], $0x40, s29, s8, $0xb8;
	[tilespmem:$0x19C80] =	vst v63  }
0xde: {  	_ =	swait.ge [sflag:s23], $0x1400  }
0xdf: {  	[sflag:s23] =	ssyncset.done $0x0  }
0xe0: {  	s6 =	simm.s32 $0x230;
	[sflag:s23] =	ssyncadd.s32 $0xFFFFEC00  }
0xe1: {  	[tilespmem:s16], [sflag:$0x4] =	stream.indirect.gather [hbm4b:s12+s8], $0x40, s6, s8, $0xb8;
	[tilespmem:$0x19C80] =	vst v63  }
0xe2: {  	_ =	swait.ge [sflag:s17], $0x1400  }
0xe3: {  	[sflag:s17] =	ssyncset.done $0x0  }
0xe4: {  	s29 =	simm.s32 $0x5000;
	[sflag:s17] =	ssyncadd.s32 $0xFFFFEC00  }
0xe5: {  	[spmem:s1] =	stream.indirect.scatter.add.f32 [tilespmem:s14], [sflag:$0x7], $0x40, s29, s8, $0xb8;
	[tilespmem:$0x19C80] =	vst v63  }
0xe6: {  	_ =	swait.ge [sflag:s19], $0x1400  }
0xe7: {  	[sflag:s19] =	ssyncset.done $0x0  }
0xe8: {  	s6 =	simm.s32 $0x280;
	[sflag:s19] =	ssyncadd.s32 $0xFFFFEC00  }
0xe9: {  	[tilespmem:s9], [sflag:$0x1] =	stream.indirect.gather [hbm4b:s12+s8], $0x40, s6, s8, $0xb8;
	[tilespmem:$0x19C80] =	vst v63  }
0xea: {  	_ =	swait.ge [sflag:s20], $0x1400  }
0xeb: {  	[sflag:s20] =	ssyncset.done $0x0  }
0xec: {  	s29 =	simm.s32 $0x5050;
	[sflag:s20] =	ssyncadd.s32 $0xFFFFEC00  }
0xed: {  	[spmem:s1] =	stream.indirect.scatter.add.f32 [tilespmem:s16], [sflag:$0x8], $0x40, s29, s8, $0xb8;
	[tilespmem:$0x19C80] =	vst v63  }
0xee: {  	_ =	swait.ge [sflag:s21], $0x1400  }
0xef: {  	[sflag:s21] =	ssyncset.done $0x0  }
0xf0: {  	s28 =	simm.s32 $0x2D0;
	s26 =	simm.s32 $0x500;
	[sflag:s21] =	ssyncadd.s32 $0xFFFFEC00  }
.LBB2_3:
0xf1: {  	[tilespmem:s10], [sflag:$0x2] =	stream.indirect.gather [hbm4b:s12+s8], $0x40, s28, s8, $0xb8;
	[tilespmem:$0x19C80] =	vst v63  }
0xf2: {  	s28 =	smov.u32 s26  }
0xf3: {  	p3 =	seq.s32 s26, $0x12C00;
	s26 =	sadd.s32 $0x500, s26;
	_ =	swait.ge [sflag:s11], $0x1400  }
0xf4: {  	s28 =	sshra.s32 s28, $0x2;
	[sflag:s11] =	ssyncset.done $0x0  }
0xf5: {  	s6 =	sadd.s32 $0x4F60, s28;
	[sflag:s11] =	ssyncadd.s32 $0xFFFFEC00  }
0xf6: {  	[spmem:s1] =	stream.indirect.scatter.add.f32 [tilespmem:s9], [sflag:$0x5], $0x40, s6, s8, $0xb8;
	[tilespmem:$0x19C80] =	vst v63  }
0xf7: {  	_ =	swait.ge [sflag:s22], $0x1400  }
0xf8: {  	[sflag:s22] =	ssyncset.done $0x0  }
0xf9: {  	s6 =	sadd.s32 $0x1E0, s28;
	[sflag:s22] =	ssyncadd.s32 $0xFFFFEC00  }
0xfa: {  	[tilespmem:s14], [sflag:$0x3] =	stream.indirect.gather [hbm4b:s12+s8], $0x40, s6, s8, $0xb8;
	[tilespmem:$0x19C80] =	vst v63  }
0xfb: {  	_ =	swait.ge [sflag:s15], $0x1400  }
0xfc: {  	[sflag:s15] =	ssyncset.done $0x0  }
0xfd: {  	s6 =	sadd.s32 $0x4FB0, s28;
	[sflag:s15] =	ssyncadd.s32 $0xFFFFEC00  }
0xfe: {  	[spmem:s1] =	stream.indirect.scatter.add.f32 [tilespmem:s10], [sflag:$0x6], $0x40, s6, s8, $0xb8;
	[tilespmem:$0x19C80] =	vst v63  }
0xff: {  	_ =	swait.ge [sflag:s23], $0x1400  }
0x100: {  	[sflag:s23] =	ssyncset.done $0x0  }
0x101: {  	s6 =	sadd.s32 $0x230, s28;
	[sflag:s23] =	ssyncadd.s32 $0xFFFFEC00  }
0x102: {  	[tilespmem:s16], [sflag:$0x4] =	stream.indirect.gather [hbm4b:s12+s8], $0x40, s6, s8, $0xb8;
	[tilespmem:$0x19C80] =	vst v63  }
0x103: {  	_ =	swait.ge [sflag:s17], $0x1400  }
0x104: {  	[sflag:s17] =	ssyncset.done $0x0  }
0x105: {  	s6 =	sadd.s32 $0x5000, s28;
	[sflag:s17] =	ssyncadd.s32 $0xFFFFEC00  }
0x106: {  	[spmem:s1] =	stream.indirect.scatter.add.f32 [tilespmem:s14], [sflag:$0x7], $0x40, s6, s8, $0xb8;
	[tilespmem:$0x19C80] =	vst v63  }
0x107: {  	_ =	swait.ge [sflag:s19], $0x1400  }
0x108: {  	[sflag:s19] =	ssyncset.done $0x0  }
0x109: {  	s6 =	sadd.s32 $0x280, s28;
	[sflag:s19] =	ssyncadd.s32 $0xFFFFEC00  }
0x10a: {  	[tilespmem:s9], [sflag:$0x1] =	stream.indirect.gather [hbm4b:s12+s8], $0x40, s6, s8, $0xb8;
	[tilespmem:$0x19C80] =	vst v63  }
0x10b: {  	_ =	swait.ge [sflag:s20], $0x1400  }
0x10c: {  	[sflag:s20] =	ssyncset.done $0x0  }
.Ltmp3:
0x10d: {  	s6 =	sadd.s32 $0x5050, s28;
	[sflag:s20] =	ssyncadd.s32 $0xFFFFEC00;
	(pc) =	sbr.rel @!p3 .LBB2_3-.Ltmp3, $4  }
0x10e: {  	[spmem:s1] =	stream.indirect.scatter.add.f32 [tilespmem:s16], [sflag:$0x8], $0x40, s6, s8, $0xb8;
	[tilespmem:$0x19C80] =	vst v63  }
0x10f: {  	_ =	swait.ge [sflag:s21], $0x1400  }
0x110: {  	[sflag:s21] =	ssyncset.done $0x0  }
0x111: {  	s28 =	sadd.s32 $0x2D0, s28;
	[sflag:s21] =	ssyncadd.s32 $0xFFFFEC00  }
.Ltmp4:
0x112: {  	(pc) =	sbr.rel .LBB2_8-.Ltmp4, $2  }
0x113: {  	_ =	sdelay $0x2  }
0x114: {  	[tilespmem:s10], [sflag:$0x2] =	stream.indirect.gather [hbm4b:s12+s8], $0x40, s28, s8, $0xb8;
	[tilespmem:$0x19C80] =	vst v63  }
.LBB2_5:
0x115: {  	s6 =	simm.s32 $0x0  }
0x116: {  	[tilespmem:s9], [sflag:$0x1] =	stream.indirect.gather [hbm4b:s13+s8], $0x40, s6, s8, $0xb8;
	[tilespmem:$0x19C80] =	vst v63  }
0x117: {  	_ = 	snop  }
0x118: {  	[tilespmem:s10], [sflag:$0x2] =	stream.indirect.gather [hbm4b:s13+s8], $0x40, s8, s8, $0xb8;
	[tilespmem:$0x19C80] =	vst v63  }
0x119: {  	_ =	swait.ge [sflag:s11], $0x1400  }
0x11a: {  	[sflag:s11] =	ssyncset.done $0x0  }
0x11b: {  	[sflag:s11] =	ssyncadd.s32 $0xFFFFEC00  }
0x11c: {  	[spmem:s1] =	stream.indirect.scatter.add.f32 [tilespmem:s9], [sflag:$0x5], $0x40, s28, s8, $0xb8;
	[tilespmem:$0x19C80] =	vst v63  }
0x11d: {  	s26 =	simm.s32 $0xA0  }
0x11e: {  	[tilespmem:s14], [sflag:$0x3] =	stream.indirect.gather [hbm4b:s13+s8], $0x40, s26, s8, $0xb8;
	[tilespmem:$0x19C80] =	vst v63  }
0x11f: {  	_ =	swait.ge [sflag:s15], $0x1400  }
0x120: {  	[sflag:s15] =	ssyncset.done $0x0  }
0x121: {  	s29 =	simm.s32 $0x4E70;
	[sflag:s15] =	ssyncadd.s32 $0xFFFFEC00  }
0x122: {  	[spmem:s1] =	stream.indirect.scatter.add.f32 [tilespmem:s10], [sflag:$0x6], $0x40, s29, s8, $0xb8;
	[tilespmem:$0x19C80] =	vst v63  }
0x123: {  	s26 =	simm.s32 $0xF0  }
0x124: {  	[tilespmem:s16], [sflag:$0x4] =	stream.indirect.gather [hbm4b:s13+s8], $0x40, s26, s8, $0xb8;
	[tilespmem:$0x19C80] =	vst v63  }
0x125: {  	_ =	swait.ge [sflag:s17], $0x1400  }
0x126: {  	[sflag:s17] =	ssyncset.done $0x0  }
0x127: {  	s29 =	simm.s32 $0x4EC0;
	[sflag:s17] =	ssyncadd.s32 $0xFFFFEC00  }
0x128: {  	[spmem:s1] =	stream.indirect.scatter.add.f32 [tilespmem:s14], [sflag:$0x7], $0x40, s29, s8, $0xb8;
	[tilespmem:$0x19C80] =	vst v63  }
0x129: {  	_ =	swait.ge [sflag:s19], $0x1400  }
0x12a: {  	[sflag:s19] =	ssyncset.done $0x0  }
0x12b: {  	s26 =	simm.s32 $0x140;
	[sflag:s19] =	ssyncadd.s32 $0xFFFFEC00  }
0x12c: {  	[tilespmem:s9], [sflag:$0x1] =	stream.indirect.gather [hbm4b:s13+s8], $0x40, s26, s8, $0xb8;
	[tilespmem:$0x19C80] =	vst v63  }
0x12d: {  	_ =	swait.ge [sflag:s20], $0x1400  }
0x12e: {  	[sflag:s20] =	ssyncset.done $0x0  }
0x12f: {  	s29 =	simm.s32 $0x4F10;
	[sflag:s20] =	ssyncadd.s32 $0xFFFFEC00  }
0x130: {  	[spmem:s1] =	stream.indirect.scatter.add.f32 [tilespmem:s16], [sflag:$0x8], $0x40, s29, s8, $0xb8;
	[tilespmem:$0x19C80] =	vst v63  }
0x131: {  	_ =	swait.ge [sflag:s21], $0x1400  }
0x132: {  	[sflag:s21] =	ssyncset.done $0x0  }
0x133: {  	s26 =	simm.s32 $0x190;
	[sflag:s21] =	ssyncadd.s32 $0xFFFFEC00  }
0x134: {  	[tilespmem:s10], [sflag:$0x2] =	stream.indirect.gather [hbm4b:s13+s8], $0x40, s26, s8, $0xb8;
	[tilespmem:$0x19C80] =	vst v63  }
0x135: {  	_ =	swait.ge [sflag:s11], $0x1400  }
0x136: {  	[sflag:s11] =	ssyncset.done $0x0  }
0x137: {  	s29 =	simm.s32 $0x4F60;
	[sflag:s11] =	ssyncadd.s32 $0xFFFFEC00  }
0x138: {  	[spmem:s1] =	stream.indirect.scatter.add.f32 [tilespmem:s9], [sflag:$0x5], $0x40, s29, s8, $0xb8;
	[tilespmem:$0x19C80] =	vst v63  }
0x139: {  	_ =	swait.ge [sflag:s22], $0x1400  }
0x13a: {  	[sflag:s22] =	ssyncset.done $0x0  }
0x13b: {  	s26 =	simm.s32 $0x1E0;
	[sflag:s22] =	ssyncadd.s32 $0xFFFFEC00  }
0x13c: {  	[tilespmem:s14], [sflag:$0x3] =	stream.indirect.gather [hbm4b:s13+s8], $0x40, s26, s8, $0xb8;
	[tilespmem:$0x19C80] =	vst v63  }
0x13d: {  	_ =	swait.ge [sflag:s15], $0x1400  }
0x13e: {  	[sflag:s15] =	ssyncset.done $0x0  }
0x13f: {  	s29 =	simm.s32 $0x4FB0;
	[sflag:s15] =	ssyncadd.s32 $0xFFFFEC00  }
0x140: {  	[spmem:s1] =	stream.indirect.scatter.add.f32 [tilespmem:s10], [sflag:$0x6], $0x40, s29, s8, $0xb8;
	[tilespmem:$0x19C80] =	vst v63  }
0x141: {  	_ =	swait.ge [sflag:s23], $0x1400  }
0x142: {  	[sflag:s23] =	ssyncset.done $0x0  }
0x143: {  	s26 =	simm.s32 $0x230;
	[sflag:s23] =	ssyncadd.s32 $0xFFFFEC00  }
0x144: {  	[tilespmem:s16], [sflag:$0x4] =	stream.indirect.gather [hbm4b:s13+s8], $0x40, s26, s8, $0xb8;
	[tilespmem:$0x19C80] =	vst v63  }
0x145: {  	_ =	swait.ge [sflag:s17], $0x1400  }
0x146: {  	[sflag:s17] =	ssyncset.done $0x0  }
0x147: {  	s29 =	simm.s32 $0x5000;
	[sflag:s17] =	ssyncadd.s32 $0xFFFFEC00  }
0x148: {  	[spmem:s1] =	stream.indirect.scatter.add.f32 [tilespmem:s14], [sflag:$0x7], $0x40, s29, s8, $0xb8;
	[tilespmem:$0x19C80] =	vst v63  }
0x149: {  	_ =	swait.ge [sflag:s19], $0x1400  }
0x14a: {  	[sflag:s19] =	ssyncset.done $0x0  }
0x14b: {  	s26 =	simm.s32 $0x280;
	[sflag:s19] =	ssyncadd.s32 $0xFFFFEC00  }
0x14c: {  	[tilespmem:s9], [sflag:$0x1] =	stream.indirect.gather [hbm4b:s13+s8], $0x40, s26, s8, $0xb8;
	[tilespmem:$0x19C80] =	vst v63  }
0x14d: {  	_ =	swait.ge [sflag:s20], $0x1400  }
0x14e: {  	[sflag:s20] =	ssyncset.done $0x0  }
0x14f: {  	s29 =	simm.s32 $0x5050;
	[sflag:s20] =	ssyncadd.s32 $0xFFFFEC00  }
0x150: {  	[spmem:s1] =	stream.indirect.scatter.add.f32 [tilespmem:s16], [sflag:$0x8], $0x40, s29, s8, $0xb8;
	[tilespmem:$0x19C80] =	vst v63  }
0x151: {  	_ =	swait.ge [sflag:s21], $0x1400  }
0x152: {  	[sflag:s21] =	ssyncset.done $0x0  }
0x153: {  	s28 =	simm.s32 $0x2D0;
	s26 =	simm.s32 $0x500;
	[sflag:s21] =	ssyncadd.s32 $0xFFFFEC00  }
.LBB2_6:
0x154: {  	[tilespmem:s10], [sflag:$0x2] =	stream.indirect.gather [hbm4b:s13+s8], $0x40, s28, s8, $0xb8;
	[tilespmem:$0x19C80] =	vst v63  }
0x155: {  	s6 =	smov.u32 s26  }
0x156: {  	p3 =	sne.s32 s26, $0x12C00;
	s26 =	sadd.s32 $0x500, s26;
	_ =	swait.ge [sflag:s11], $0x1400  }
0x157: {  	s28 =	sshra.s32 s6, $0x2;
	[sflag:s11] =	ssyncset.done $0x0  }
0x158: {  	s6 =	sadd.s32 $0x4F60, s28;
	[sflag:s11] =	ssyncadd.s32 $0xFFFFEC00  }
0x159: {  	[spmem:s1] =	stream.indirect.scatter.add.f32 [tilespmem:s9], [sflag:$0x5], $0x40, s6, s8, $0xb8;
	[tilespmem:$0x19C80] =	vst v63  }
0x15a: {  	_ =	swait.ge [sflag:s22], $0x1400  }
0x15b: {  	[sflag:s22] =	ssyncset.done $0x0  }
0x15c: {  	s6 =	sadd.s32 $0x1E0, s28;
	[sflag:s22] =	ssyncadd.s32 $0xFFFFEC00  }
0x15d: {  	[tilespmem:s14], [sflag:$0x3] =	stream.indirect.gather [hbm4b:s13+s8], $0x40, s6, s8, $0xb8;
	[tilespmem:$0x19C80] =	vst v63  }
0x15e: {  	_ =	swait.ge [sflag:s15], $0x1400  }
0x15f: {  	[sflag:s15] =	ssyncset.done $0x0  }
0x160: {  	s6 =	sadd.s32 $0x4FB0, s28;
	[sflag:s15] =	ssyncadd.s32 $0xFFFFEC00  }
0x161: {  	[spmem:s1] =	stream.indirect.scatter.add.f32 [tilespmem:s10], [sflag:$0x6], $0x40, s6, s8, $0xb8;
	[tilespmem:$0x19C80] =	vst v63  }
0x162: {  	_ =	swait.ge [sflag:s23], $0x1400  }
0x163: {  	[sflag:s23] =	ssyncset.done $0x0  }
0x164: {  	s6 =	sadd.s32 $0x230, s28;
	[sflag:s23] =	ssyncadd.s32 $0xFFFFEC00  }
0x165: {  	[tilespmem:s16], [sflag:$0x4] =	stream.indirect.gather [hbm4b:s13+s8], $0x40, s6, s8, $0xb8;
	[tilespmem:$0x19C80] =	vst v63  }
0x166: {  	_ =	swait.ge [sflag:s17], $0x1400  }
0x167: {  	[sflag:s17] =	ssyncset.done $0x0  }
0x168: {  	s6 =	sadd.s32 $0x5000, s28;
	[sflag:s17] =	ssyncadd.s32 $0xFFFFEC00  }
0x169: {  	[spmem:s1] =	stream.indirect.scatter.add.f32 [tilespmem:s14], [sflag:$0x7], $0x40, s6, s8, $0xb8;
	[tilespmem:$0x19C80] =	vst v63  }
0x16a: {  	_ =	swait.ge [sflag:s19], $0x1400  }
0x16b: {  	[sflag:s19] =	ssyncset.done $0x0  }
0x16c: {  	s6 =	sadd.s32 $0x280, s28;
	[sflag:s19] =	ssyncadd.s32 $0xFFFFEC00  }
0x16d: {  	[tilespmem:s9], [sflag:$0x1] =	stream.indirect.gather [hbm4b:s13+s8], $0x40, s6, s8, $0xb8;
	[tilespmem:$0x19C80] =	vst v63  }
0x16e: {  	_ =	swait.ge [sflag:s20], $0x1400  }
0x16f: {  	[sflag:s20] =	ssyncset.done $0x0  }
.Ltmp5:
0x170: {  	s6 =	sadd.s32 $0x5050, s28;
	[sflag:s20] =	ssyncadd.s32 $0xFFFFEC00;
	(pc) =	sbr.rel @p3 .LBB2_6-.Ltmp5, $4  }
0x171: {  	[spmem:s1] =	stream.indirect.scatter.add.f32 [tilespmem:s16], [sflag:$0x8], $0x40, s6, s8, $0xb8;
	[tilespmem:$0x19C80] =	vst v63  }
0x172: {  	_ =	swait.ge [sflag:s21], $0x1400  }
0x173: {  	[sflag:s21] =	ssyncset.done $0x0  }
0x174: {  	s28 =	sadd.s32 $0x2D0, s28;
	[sflag:s21] =	ssyncadd.s32 $0xFFFFEC00  }
.Ltmp6:
0x175: {  	_ = 	snop;
	(pc) =	sbr.rel .LBB2_7-.Ltmp6, $1  }
0x176: {  	_ =	sdelay $0x3  }
.LBB2_9:
0x177: {  	_ =	sfence.sel $0x180000  }
0x178: {  	[bflag:$0x0] =	sbarrier.arrive $0xFFFF  }
0x179: {  	_ =	strace $0x9000004A  }
0x17a: {  	s0 =	stileid.u32;
	[bflag:$0x2] =	sbarrier.arrive $0xFFFF  }
0x17b: {  	p0 =	sne.s32 s0, $0x0;
	s0 =	rddreg [dreg:$0x2]  }
0x17c: {  	s0 =	sadd.s32 @!p0 $0x100000, s0  }
0x17d: {  	[sflag:s0] =	ssyncadd.tile.s32 @!p0 $0x1;
	_ =	shalt  }
.Lfunc_end2:
_tile_overlayer_lowered:
.L_overlay_start_2:
0x17e: {  	(tag) =	ssettag $0x2  }
0x17f: {  	s0 =	rddreg [dreg:$0x0];
	s2 =	stileid.u32  }
0x180: {  	s1 =	rddreg [dreg:$0x1];
	p0 =	sne.s32 s2, $0x0  }
0x181: {  	s3 =	rddreg [dreg:$0x2];
	[bflag:$0x3] =	sbarrier.arrive $0xFFFF;
	s2 =	simm.s32 @!p0 $0x1C09  }
0x182: {  	[timem:s3], [sflag:s2] =	dma.local @!p0 [hbm:s0], s1  }
0x183: {  	s0 =	simm.s32 @!p0 $0x9  }
0x184: {  	_ =	swait.ge @!p0 [sflag:s0], s1  }
0x185: {  	s1 =	ssub.s32 @!p0 $0x0, s1;
	[sflag:s0] =	ssyncset.done @!p0 $0x0  }
0x186: {  	[sflag:s0] =	ssyncadd.s32 @!p0 s1  }
0x187: {  	[bflag:$0x3] =	sbarrier.arrive $0xFFFF  }
0x188: {  	_ =	shalt  }

</sc_bundles>
